<compile_context>
chip_gen: v7x
topology: tpu7x:2x2x1
jax: 0.10.2.dev20260603
libtpu: 0.0.44.dev20260713+nightly
codegen_flags: <defaults>
</compile_context>

<pallas_src>
import functools
import jax
import jax.numpy as jnp
from jax import lax
from jax.experimental import pallas as pl
from jax.experimental.pallas import tpu as pltpu
from jax.experimental.pallas import tpu_sc as plsc

S, D, F, E = 2048, 1024, 4096, 8
A = S * 2
BLK = 256
NB = A // BLK + E - 1
NBP = 32
NSLOT = NB * BLK
FB = 256
NF = F // FB
LANES = 128
NEG = -1e30


def _routing_kernel(x_ref, rw_ref, logits_ref, misc_ref, be_ref,
                    oh1_s, oh2_s, r1_s, r2_s):
    x = x_ref[...]
    logits = jnp.dot(x, rw_ref[...], preferred_element_type=jnp.float32)
    logits_ref[...] = logits
    col = lax.broadcasted_iota(jnp.int32, (S, LANES), 1)
    neg = jnp.where(col < E, logits, NEG)
    m1 = jnp.max(neg, axis=1, keepdims=True)
    i1 = jnp.min(jnp.where(neg == m1, col, LANES), axis=1, keepdims=True)
    masked = jnp.where(col == i1, NEG, neg)
    m2 = jnp.max(masked, axis=1, keepdims=True)
    i2 = jnp.min(jnp.where(masked == m2, col, LANES), axis=1, keepdims=True)
    w1 = 1.0 / (1.0 + jnp.exp(m2 - m1))
    w2 = 1.0 - w1
    oh1 = (col == i1).astype(jnp.float32)
    oh2 = (col == i2).astype(jnp.float32)
    oh1_s[...] = oh1
    oh2_s[...] = oh2
    row128 = lax.broadcasted_iota(jnp.int32, (128, 128), 0)
    col128 = lax.broadcasted_iota(jnp.int32, (128, 128), 1)
    tlow = (row128 > col128).astype(jnp.float32)

    def mk_body(oh_s, r_s):
        def body(c, carry):
            ch = oh_s[pl.ds(c * 128, 128), :]
            rk = carry + jnp.dot(tlow, ch, preferred_element_type=jnp.float32)
            r_s[pl.ds(c * 128, 128), :] = jnp.sum(rk * ch, axis=1, keepdims=True)
            return carry + jnp.sum(ch, axis=0, keepdims=True)
        return body

    carry = lax.fori_loop(0, S // 128, mk_body(oh1_s, r1_s),
                          jnp.zeros((1, LANES), jnp.float32))
    counts = lax.fori_loop(0, S // 128, mk_body(oh2_s, r2_s), carry)
    blocks = jnp.floor((counts + (BLK - 1.0)) / BLK)
    ustrict = (row128 < col128).astype(jnp.float32)
    excl = jnp.dot(blocks, ustrict, preferred_element_type=jnp.float32)
    incl = excl + blocks
    pad_off = excl * BLK
    used = jnp.sum(blocks)
    slot1 = r1_s[...] + jnp.sum(oh1 * pad_off, axis=1, keepdims=True)
    slot2 = r2_s[...] + jnp.sum(oh2 * pad_off, axis=1, keepdims=True)
    misc = (jnp.where(col == 0, slot1, 0.0) + jnp.where(col == 1, slot2, 0.0)
            + jnp.where(col == 2, w1, 0.0) + jnp.where(col == 3, w2, 0.0))
    misc_ref[...] = misc
    has = (counts > 0.0).astype(jnp.float32)
    idxu = jnp.dot(has, ustrict, preferred_element_type=jnp.float32)
    nuniq = jnp.sum(has)
    jb = lax.broadcasted_iota(jnp.int32, (NBP, LANES), 0).astype(jnp.float32)
    jj = jnp.minimum(jb, nuniq - 1.0)
    sel_c = has * (idxu == jj).astype(jnp.float32)
    sel_r = has * (idxu == jb).astype(jnp.float32)
    colf = lax.broadcasted_iota(jnp.int32, (NBP, LANES), 1).astype(jnp.float32)
    e_j = jnp.sum(sel_c * colf, axis=1, keepdims=True)
    n_j = jnp.sum(sel_r * blocks, axis=1, keepdims=True)
    b_j = jnp.sum(sel_c * excl, axis=1, keepdims=True)
    colb = lax.broadcasted_iota(jnp.int32, (NBP, LANES), 1)
    be_ref[...] = (jnp.where(colb == 0, e_j, 0.0)
                   + jnp.where(colb == 1, n_j, 0.0)
                   + jnp.where(colb == 2, b_j, 0.0))


def _routing(x, rw_pad):
    return pl.pallas_call(
        _routing_kernel,
        out_shape=(
            jax.ShapeDtypeStruct((S, LANES), jnp.float32),
            jax.ShapeDtypeStruct((S, LANES), jnp.float32),
            jax.ShapeDtypeStruct((NBP, LANES), jnp.float32),
        ),
        scratch_shapes=[
            pltpu.VMEM((S, LANES), jnp.float32),
            pltpu.VMEM((S, LANES), jnp.float32),
            pltpu.VMEM((S, 1), jnp.float32),
            pltpu.VMEM((S, 1), jnp.float32),
        ],
    )(x, rw_pad)


def _moe_kernel(e_sref, n_sref, b_sref, x_ref, w_ref, gate_ref, up_ref,
                down_ref, out_ref):
    f = pl.program_id(0)
    j = pl.program_id(1)
    gate_b = gate_ref[0].astype(jnp.bfloat16)
    up_b = up_ref[0].astype(jnp.bfloat16)
    down_b = down_ref[0].astype(jnp.bfloat16)

    def body(t, carry):
        rows = pl.ds((b_sref[j] + t) * BLK, BLK)
        x = x_ref[rows, :].astype(jnp.bfloat16)
        g = jnp.dot(x, gate_b, preferred_element_type=jnp.float32)
        u = jnp.dot(x, up_b, preferred_element_type=jnp.float32)
        h = jax.nn.gelu(g, approximate=True) * u * w_ref[rows, 0:1]
        contrib = jnp.dot(h.astype(jnp.bfloat16), down_b,
                          preferred_element_type=jnp.float32)

        @pl.when(f == 0)
        def _():
            out_ref[rows, :] = contrib

        @pl.when(f > 0)
        def _():
            out_ref[rows, :] = out_ref[rows, :] + contrib

        return carry

    lax.fori_loop(0, n_sref[j], body, 0)


def _moe(e_arr, n_arr, b_arr, xs, ws, gate_w, up_w, down_w):
    grid_spec = pltpu.PrefetchScalarGridSpec(
        num_scalar_prefetch=3,
        grid=(NF, E),
        in_specs=[
            pl.BlockSpec((NSLOT, D), lambda f, j, e, n, b: (0, 0)),
            pl.BlockSpec((NSLOT, WV), lambda f, j, e, n, b: (0, 0)),
            pl.BlockSpec((1, D, FB), lambda f, j, e, n, b: (e[j], 0, f)),
            pl.BlockSpec((1, D, FB), lambda f, j, e, n, b: (e[j], 0, f)),
            pl.BlockSpec((1, FB, D), lambda f, j, e, n, b: (e[j], f, 0)),
        ],
        out_specs=pl.BlockSpec((NSLOT, D), lambda f, j, e, n, b: (0, 0)),
    )
    return pl.pallas_call(
        _moe_kernel,
        grid_spec=grid_spec,
        out_shape=jax.ShapeDtypeStruct((NSLOT, D), jnp.float32),
        compiler_params=pltpu.CompilerParams(
            dimension_semantics=("arbitrary", "arbitrary"),
            vmem_limit_bytes=63 * 1024 * 1024,
        ),
    )(e_arr, n_arr, b_arr, xs, ws, gate_w, up_w, down_w)


NW = 32
TPW = S // NW
CH = 32

_SC_MESH = plsc.VectorSubcoreMesh(core_axis_name="c", subcore_axis_name="s")


def _sc_wid():
    return lax.axis_index("s") * 2 + lax.axis_index("c")


WV = 128


@functools.partial(
    pl.kernel,
    mesh=_SC_MESH,
    out_type=(
        jax.ShapeDtypeStruct((NSLOT, D), jnp.float32),
        jax.ShapeDtypeStruct((NSLOT, WV), jnp.float32),
    ),
    scratch_types=[
        pltpu.VMEM((TPW,), jnp.int32),
        pltpu.VMEM((TPW,), jnp.int32),
        pltpu.VMEM((TPW, D), jnp.float32),
        pltpu.VMEM((TPW, WV), jnp.float32),
        pltpu.VMEM((TPW, WV), jnp.float32),
        pltpu.SemaphoreType.DMA,
    ],
)
def _sc_scatter(x_hbm, s1_hbm, s2_hbm, w1_hbm, w2_hbm,
                out_hbm, wout_hbm, i1_v, i2_v, rows_v, w1_v, w2_v, sem):
    base = _sc_wid() * TPW
    pltpu.sync_copy(s1_hbm.at[pl.ds(base, TPW)], i1_v)
    pltpu.sync_copy(s2_hbm.at[pl.ds(base, TPW)], i2_v)
    pltpu.sync_copy(x_hbm.at[pl.ds(base, TPW)], rows_v)
    pltpu.sync_copy(w1_hbm.at[pl.ds(base, TPW)], w1_v)
    pltpu.sync_copy(w2_hbm.at[pl.ds(base, TPW)], w2_v)
    pltpu.async_copy(rows_v, out_hbm.at[i1_v], sem).wait()
    pltpu.async_copy(rows_v, out_hbm.at[i2_v], sem).wait()
    pltpu.async_copy(w1_v, wout_hbm.at[i1_v], sem).wait()
    pltpu.async_copy(w2_v, wout_hbm.at[i2_v], sem).wait()


@functools.partial(
    pl.kernel,
    mesh=_SC_MESH,
    out_type=jax.ShapeDtypeStruct((S, D), jnp.float32),
    scratch_types=[
        pltpu.VMEM((CH,), jnp.int32),
        pltpu.VMEM((CH,), jnp.int32),
        pltpu.VMEM((CH, D), jnp.float32),
        pltpu.VMEM((CH, D), jnp.float32),
        pltpu.SemaphoreType.DMA,
    ],
)
def _sc_combine(y_hbm, s1_hbm, s2_hbm, out_hbm, i1_v, i2_v, b1, b2, sem):
    base = _sc_wid() * TPW
    for c in range(TPW // CH):
        cb = base + c * CH
        pltpu.sync_copy(s1_hbm.at[pl.ds(cb, CH)], i1_v)
        pltpu.sync_copy(s2_hbm.at[pl.ds(cb, CH)], i2_v)
        pltpu.async_copy(y_hbm.at[i1_v], b1, sem).wait()
        pltpu.async_copy(y_hbm.at[i2_v], b2, sem).wait()

        def body(j, carry):
            for k in range(D // 16):
                sl = pl.ds(k * 16, 16)
                b1[j, sl] = b1[j, sl] + b2[j, sl]
            return carry

        lax.fori_loop(0, CH, body, 0)
        pltpu.sync_copy(b1, out_hbm.at[pl.ds(cb, CH)])


def kernel(hidden_states, router_w, gate_w, up_w, down_w):
    x = hidden_states.reshape(S, D)
    rw_pad = jnp.pad(router_w, ((0, 0), (0, LANES - E)))
    logits_pad, misc, be_pack = _routing(x, rw_pad)
    slot1 = misc[:, 0].astype(jnp.int32)
    slot2 = misc[:, 1].astype(jnp.int32)
    w1 = misc[:, 2]
    w2 = misc[:, 3]
    e_arr = be_pack[:E, 0].astype(jnp.int32)
    n_arr = be_pack[:E, 1].astype(jnp.int32)
    b_arr = be_pack[:E, 2].astype(jnp.int32)

    w1r = jnp.broadcast_to(w1[:, None], (S, WV))
    w2r = jnp.broadcast_to(w2[:, None], (S, WV))
    xs, ws = _sc_scatter(x, slot1, slot2, w1r, w2r)
    ys = _moe(e_arr, n_arr, b_arr, xs, ws, gate_w, up_w, down_w)
    out = _sc_combine(ys, slot1, slot2)

    return (out.reshape(1, S, D), logits_pad[:, :E].reshape(1, S, E))

# --- scband reference (transcript-rebuilt; emitter-appended) ---
"""Pipeline reference for scband-xerxes-sparse-moe-block-48653389529594 (READ-ONLY COPY).

The authoritative reference and input builder live on the scoring server;
editing this copy changes nothing except your own understanding.
"""

import jax, jax.numpy as jnp
import numpy as np

B, S, D = 1, 2048, 1024
F = 4096
E = 8
K = 2


def setup_inputs(seed: int = 0) -> dict:
    key = jax.random.key(seed)
    ks = jax.random.split(key, 5)
    hidden_states = jax.random.normal(ks[0], (B, S, D), dtype=jnp.float32)
    router_w = jax.random.normal(ks[1], (D, E), dtype=jnp.float32) * 0.02
    gate_w = jax.random.normal(ks[2], (E, D, F), dtype=jnp.float32) * 0.02
    up_w = jax.random.normal(ks[3], (E, D, F), dtype=jnp.float32) * 0.02
    down_w = jax.random.normal(ks[4], (E, F, D), dtype=jnp.float32) * 0.02
    return {
        "hidden_states": hidden_states,
        "router_w": router_w,
        "gate_w": gate_w,
        "up_w": up_w,
        "down_w": down_w,
    }


def reference(hidden_states, router_w, gate_w, up_w, down_w):
    # Router: [B, S, D] @ [D, E] -> [B, S, E]
    router_logits = jnp.einsum("bsd,de->bse", hidden_states, router_w).astype(jnp.float32)
    # Top-k routing
    routing_weights, selected_experts = jax.lax.top_k(router_logits, k=K)
    routing_weights = jax.nn.softmax(routing_weights.astype(jnp.float32), axis=-1)
    final_hidden_state = jnp.zeros_like(hidden_states)
    for index in range(E):
        # XerxesMLP with GELU (approximate=True), since swish_run is False for MoE
        gate = jax.nn.gelu(jnp.einsum("bsd,df->bsf", hidden_states, gate_w[index]), approximate=True)
        up = jnp.einsum("bsd,df->bsf", hidden_states, up_w[index])
        expert_layer_output = jnp.einsum("bsf,fd->bsd", gate * up, down_w[index])
        coef = jnp.sum(jnp.multiply(selected_experts == index, routing_weights), axis=-1)[:, :, None]
        final_hidden_state = final_hidden_state + coef * expert_layer_output
    return (final_hidden_state, router_logits)

if __name__ == "__main__":
    import jax
    _d = setup_inputs()
    print(jax.jit(kernel)(*tuple(_d.values())))

</pallas_src>

<mosaic_0001>
#map = affine_map<(d0, d1) -> (0, 0)>
#map1 = affine_map<(d0, d1) -> (0)>
module attributes {stable_mosaic.version = 14 : i64} {
  func.func @_sc_scatter(%arg0: i32, %arg1: i32, %arg2: memref<2048x1024xf32, #tpu.memory_space<hbm>>, %arg3: memref<2048xi32, #tpu.memory_space<hbm>>, %arg4: memref<2048xi32, #tpu.memory_space<hbm>>, %arg5: memref<2048x128xf32, #tpu.memory_space<hbm>>, %arg6: memref<2048x128xf32, #tpu.memory_space<hbm>>, %arg7: memref<5888x1024xf32, #tpu.memory_space<hbm>>, %arg8: memref<5888x128xf32, #tpu.memory_space<hbm>>, %arg9: memref<64xi32, #tpu.memory_space<vmem>>, %arg10: memref<64xi32, #tpu.memory_space<vmem>>, %arg11: memref<64x1024xf32, #tpu.memory_space<vmem>>, %arg12: memref<64x128xf32, #tpu.memory_space<vmem>>, %arg13: memref<64x128xf32, #tpu.memory_space<vmem>>, %arg14: memref<!tpu.dma_semaphore, #tpu.memory_space<semaphore_mem>>) attributes {dimension_semantics = [#tpu.dimension_semantics<core_parallel>, #tpu.dimension_semantics<subcore_parallel>], iteration_bounds = array<i64: 2, 16>, scalar_prefetch = 0 : i64, scratch_operands = 6 : i64, tpu.core_type = #tpu.core_type<sc_vector_subcore>, window_params = [{transform_indices = #map}, {transform_indices = #map1}, {transform_indices = #map1}, {transform_indices = #map}, {transform_indices = #map}, {transform_indices = #map}, {transform_indices = #map}]} {
    %mul3A = arith.constant 2 : i32
    %mul3A_0 = arith.muli %arg1, %mul3A : i32
    %add3A = arith.addi %mul3A_0, %arg0 : i32
    %mul3A_1 = arith.constant 64 : i32
    %mul3A_2 = arith.muli %add3A, %mul3A_1 : i32
    "tpu.region"() ({
      %run_scoped3A = tpu.sem_alloc : memref<!tpu.dma_semaphore, #tpu.memory_space<semaphore_mem>>
      %dma_start3A_25 = tpu.memref_slice %arg3[%mul3A_2] : memref<2048xi32, #tpu.memory_space<hbm>> -> memref<64xi32, #tpu.memory_space<hbm>>
      %dma_start3A_26 = tpu.memref_slice %arg3[%mul3A_2] : memref<2048xi32, #tpu.memory_space<hbm>> -> memref<64xi32, #tpu.memory_space<hbm>>
      tpu.enqueue_dma source(%dma_start3A_26 : memref<64xi32, #tpu.memory_space<hbm>>) target(%arg9 : memref<64xi32, #tpu.memory_space<vmem>>) target_semaphore(%run_scoped3A : memref<!tpu.dma_semaphore, #tpu.memory_space<semaphore_mem>>)
      %dma_wait3A_27 = tpu.memref_slice %arg3[%mul3A_2] : memref<2048xi32, #tpu.memory_space<hbm>> -> memref<64xi32, #tpu.memory_space<hbm>>
      %dma_wait3A_28 = tpu.memref_slice %arg3[%mul3A_2] : memref<2048xi32, #tpu.memory_space<hbm>> -> memref<64xi32, #tpu.memory_space<hbm>>
      tpu.wait_dma2 semaphore(%run_scoped3A : memref<!tpu.dma_semaphore, #tpu.memory_space<semaphore_mem>>) src(%dma_wait3A_28 : memref<64xi32, #tpu.memory_space<hbm>>) dst(%arg9 : memref<64xi32, #tpu.memory_space<vmem>>)
      tpu.yield
    }) : () -> ()
    "tpu.region"() ({
      %run_scoped3A = tpu.sem_alloc : memref<!tpu.dma_semaphore, #tpu.memory_space<semaphore_mem>>
      %dma_start3A_25 = tpu.memref_slice %arg4[%mul3A_2] : memref<2048xi32, #tpu.memory_space<hbm>> -> memref<64xi32, #tpu.memory_space<hbm>>
      %dma_start3A_26 = tpu.memref_slice %arg4[%mul3A_2] : memref<2048xi32, #tpu.memory_space<hbm>> -> memref<64xi32, #tpu.memory_space<hbm>>
      tpu.enqueue_dma source(%dma_start3A_26 : memref<64xi32, #tpu.memory_space<hbm>>) target(%arg10 : memref<64xi32, #tpu.memory_space<vmem>>) target_semaphore(%run_scoped3A : memref<!tpu.dma_semaphore, #tpu.memory_space<semaphore_mem>>)
      %dma_wait3A_27 = tpu.memref_slice %arg4[%mul3A_2] : memref<2048xi32, #tpu.memory_space<hbm>> -> memref<64xi32, #tpu.memory_space<hbm>>
      %dma_wait3A_28 = tpu.memref_slice %arg4[%mul3A_2] : memref<2048xi32, #tpu.memory_space<hbm>> -> memref<64xi32, #tpu.memory_space<hbm>>
      tpu.wait_dma2 semaphore(%run_scoped3A : memref<!tpu.dma_semaphore, #tpu.memory_space<semaphore_mem>>) src(%dma_wait3A_28 : memref<64xi32, #tpu.memory_space<hbm>>) dst(%arg10 : memref<64xi32, #tpu.memory_space<vmem>>)
      tpu.yield
    }) : () -> ()
    "tpu.region"() ({
      %run_scoped3A = tpu.sem_alloc : memref<!tpu.dma_semaphore, #tpu.memory_space<semaphore_mem>>
      %dma_start3A_25 = arith.constant 0 : i32
      %dma_start3A_26 = tpu.memref_slice %arg2[%mul3A_2, %dma_start3A_25] : memref<2048x1024xf32, #tpu.memory_space<hbm>> -> memref<64x1024xf32, #tpu.memory_space<hbm>>
      %dma_start3A_27 = arith.constant 0 : i32
      %dma_start3A_28 = tpu.memref_slice %arg2[%mul3A_2, %dma_start3A_27] : memref<2048x1024xf32, #tpu.memory_space<hbm>> -> memref<64x1024xf32, #tpu.memory_space<hbm>>
      tpu.enqueue_dma source(%dma_start3A_28 : memref<64x1024xf32, #tpu.memory_space<hbm>>) target(%arg11 : memref<64x1024xf32, #tpu.memory_space<vmem>>) target_semaphore(%run_scoped3A : memref<!tpu.dma_semaphore, #tpu.memory_space<semaphore_mem>>)
      %dma_wait3A_29 = arith.constant 0 : i32
      %dma_wait3A_30 = tpu.memref_slice %arg2[%mul3A_2, %dma_wait3A_29] : memref<2048x1024xf32, #tpu.memory_space<hbm>> -> memref<64x1024xf32, #tpu.memory_space<hbm>>
      %dma_wait3A_31 = arith.constant 0 : i32
      %dma_wait3A_32 = tpu.memref_slice %arg2[%mul3A_2, %dma_wait3A_31] : memref<2048x1024xf32, #tpu.memory_space<hbm>> -> memref<64x1024xf32, #tpu.memory_space<hbm>>
      tpu.wait_dma2 semaphore(%run_scoped3A : memref<!tpu.dma_semaphore, #tpu.memory_space<semaphore_mem>>) src(%dma_wait3A_32 : memref<64x1024xf32, #tpu.memory_space<hbm>>) dst(%arg11 : memref<64x1024xf32, #tpu.memory_space<vmem>>)
      tpu.yield
    }) : () -> ()
    "tpu.region"() ({
      %run_scoped3A = tpu.sem_alloc : memref<!tpu.dma_semaphore, #tpu.memory_space<semaphore_mem>>
      %dma_start3A_25 = arith.constant 0 : i32
      %dma_start3A_26 = tpu.memref_slice %arg5[%mul3A_2, %dma_start3A_25] : memref<2048x128xf32, #tpu.memory_space<hbm>> -> memref<64x128xf32, #tpu.memory_space<hbm>>
      %dma_start3A_27 = arith.constant 0 : i32
      %dma_start3A_28 = tpu.memref_slice %arg5[%mul3A_2, %dma_start3A_27] : memref<2048x128xf32, #tpu.memory_space<hbm>> -> memref<64x128xf32, #tpu.memory_space<hbm>>
      tpu.enqueue_dma source(%dma_start3A_28 : memref<64x128xf32, #tpu.memory_space<hbm>>) target(%arg12 : memref<64x128xf32, #tpu.memory_space<vmem>>) target_semaphore(%run_scoped3A : memref<!tpu.dma_semaphore, #tpu.memory_space<semaphore_mem>>)
      %dma_wait3A_29 = arith.constant 0 : i32
      %dma_wait3A_30 = tpu.memref_slice %arg5[%mul3A_2, %dma_wait3A_29] : memref<2048x128xf32, #tpu.memory_space<hbm>> -> memref<64x128xf32, #tpu.memory_space<hbm>>
      %dma_wait3A_31 = arith.constant 0 : i32
      %dma_wait3A_32 = tpu.memref_slice %arg5[%mul3A_2, %dma_wait3A_31] : memref<2048x128xf32, #tpu.memory_space<hbm>> -> memref<64x128xf32, #tpu.memory_space<hbm>>
      tpu.wait_dma2 semaphore(%run_scoped3A : memref<!tpu.dma_semaphore, #tpu.memory_space<semaphore_mem>>) src(%dma_wait3A_32 : memref<64x128xf32, #tpu.memory_space<hbm>>) dst(%arg12 : memref<64x128xf32, #tpu.memory_space<vmem>>)
      tpu.yield
    }) : () -> ()
    "tpu.region"() ({
      %run_scoped3A = tpu.sem_alloc : memref<!tpu.dma_semaphore, #tpu.memory_space<semaphore_mem>>
      %dma_start3A_25 = arith.constant 0 : i32
      %dma_start3A_26 = tpu.memref_slice %arg6[%mul3A_2, %dma_start3A_25] : memref<2048x128xf32, #tpu.memory_space<hbm>> -> memref<64x128xf32, #tpu.memory_space<hbm>>
      %dma_start3A_27 = arith.constant 0 : i32
      %dma_start3A_28 = tpu.memref_slice %arg6[%mul3A_2, %dma_start3A_27] : memref<2048x128xf32, #tpu.memory_space<hbm>> -> memref<64x128xf32, #tpu.memory_space<hbm>>
      tpu.enqueue_dma source(%dma_start3A_28 : memref<64x128xf32, #tpu.memory_space<hbm>>) target(%arg13 : memref<64x128xf32, #tpu.memory_space<vmem>>) target_semaphore(%run_scoped3A : memref<!tpu.dma_semaphore, #tpu.memory_space<semaphore_mem>>)
      %dma_wait3A_29 = arith.constant 0 : i32
      %dma_wait3A_30 = tpu.memref_slice %arg6[%mul3A_2, %dma_wait3A_29] : memref<2048x128xf32, #tpu.memory_space<hbm>> -> memref<64x128xf32, #tpu.memory_space<hbm>>
      %dma_wait3A_31 = arith.constant 0 : i32
      %dma_wait3A_32 = tpu.memref_slice %arg6[%mul3A_2, %dma_wait3A_31] : memref<2048x128xf32, #tpu.memory_space<hbm>> -> memref<64x128xf32, #tpu.memory_space<hbm>>
      tpu.wait_dma2 semaphore(%run_scoped3A : memref<!tpu.dma_semaphore, #tpu.memory_space<semaphore_mem>>) src(%dma_wait3A_32 : memref<64x128xf32, #tpu.memory_space<hbm>>) dst(%arg13 : memref<64x128xf32, #tpu.memory_space<vmem>>)
      tpu.yield
    }) : () -> ()
    %dma_start3A = arith.constant 0 : i32
    %dma_start3A_3 = arith.constant 0 : i32
    %dma_start3A_4 = tpu.memref_slice %arg7[%dma_start3A, %dma_start3A_3] : memref<5888x1024xf32, #tpu.memory_space<hbm>> -> memref<5888x1024xf32, #tpu.memory_space<hbm>>
    tpu.enqueue_indirect_dma source(%arg11 : memref<64x1024xf32, #tpu.memory_space<vmem>>) target(%dma_start3A_4 : memref<5888x1024xf32, #tpu.memory_space<hbm>>) offsets(%arg9 : memref<64xi32, #tpu.memory_space<vmem>>) semaphore(%arg14 : memref<!tpu.dma_semaphore, #tpu.memory_space<semaphore_mem>>)
    %dma_wait3A = arith.constant 0 : i32
    %dma_wait3A_5 = arith.constant 0 : i32
    %dma_wait3A_6 = tpu.memref_slice %arg7[%dma_wait3A, %dma_wait3A_5] : memref<5888x1024xf32, #tpu.memory_space<hbm>> -> memref<5888x1024xf32, #tpu.memory_space<hbm>>
    tpu.wait_indirect_dma semaphore(%arg14 : memref<!tpu.dma_semaphore, #tpu.memory_space<semaphore_mem>>) src(%arg11 : memref<64x1024xf32, #tpu.memory_space<vmem>>) dst(%dma_wait3A_6 : memref<5888x1024xf32, #tpu.memory_space<hbm>>)
    %dma_start3A_7 = arith.constant 0 : i32
    %dma_start3A_8 = arith.constant 0 : i32
    %dma_start3A_9 = tpu.memref_slice %arg7[%dma_start3A_7, %dma_start3A_8] : memref<5888x1024xf32, #tpu.memory_space<hbm>> -> memref<5888x1024xf32, #tpu.memory_space<hbm>>
    tpu.enqueue_indirect_dma source(%arg11 : memref<64x1024xf32, #tpu.memory_space<vmem>>) target(%dma_start3A_9 : memref<5888x1024xf32, #tpu.memory_space<hbm>>) offsets(%arg10 : memref<64xi32, #tpu.memory_space<vmem>>) semaphore(%arg14 : memref<!tpu.dma_semaphore, #tpu.memory_space<semaphore_mem>>)
    %dma_wait3A_10 = arith.constant 0 : i32
    %dma_wait3A_11 = arith.constant 0 : i32
    %dma_wait3A_12 = tpu.memref_slice %arg7[%dma_wait3A_10, %dma_wait3A_11] : memref<5888x1024xf32, #tpu.memory_space<hbm>> -> memref<5888x1024xf32, #tpu.memory_space<hbm>>
    tpu.wait_indirect_dma semaphore(%arg14 : memref<!tpu.dma_semaphore, #tpu.memory_space<semaphore_mem>>) src(%arg11 : memref<64x1024xf32, #tpu.memory_space<vmem>>) dst(%dma_wait3A_12 : memref<5888x1024xf32, #tpu.memory_space<hbm>>)
    %dma_start3A_13 = arith.constant 0 : i32
    %dma_start3A_14 = arith.constant 0 : i32
    %dma_start3A_15 = tpu.memref_slice %arg8[%dma_start3A_13, %dma_start3A_14] : memref<5888x128xf32, #tpu.memory_space<hbm>> -> memref<5888x128xf32, #tpu.memory_space<hbm>>
    tpu.enqueue_indirect_dma source(%arg12 : memref<64x128xf32, #tpu.memory_space<vmem>>) target(%dma_start3A_15 : memref<5888x128xf32, #tpu.memory_space<hbm>>) offsets(%arg9 : memref<64xi32, #tpu.memory_space<vmem>>) semaphore(%arg14 : memref<!tpu.dma_semaphore, #tpu.memory_space<semaphore_mem>>)
    %dma_wait3A_16 = arith.constant 0 : i32
    %dma_wait3A_17 = arith.constant 0 : i32
    %dma_wait3A_18 = tpu.memref_slice %arg8[%dma_wait3A_16, %dma_wait3A_17] : memref<5888x128xf32, #tpu.memory_space<hbm>> -> memref<5888x128xf32, #tpu.memory_space<hbm>>
    tpu.wait_indirect_dma semaphore(%arg14 : memref<!tpu.dma_semaphore, #tpu.memory_space<semaphore_mem>>) src(%arg12 : memref<64x128xf32, #tpu.memory_space<vmem>>) dst(%dma_wait3A_18 : memref<5888x128xf32, #tpu.memory_space<hbm>>)
    %dma_start3A_19 = arith.constant 0 : i32
    %dma_start3A_20 = arith.constant 0 : i32
    %dma_start3A_21 = tpu.memref_slice %arg8[%dma_start3A_19, %dma_start3A_20] : memref<5888x128xf32, #tpu.memory_space<hbm>> -> memref<5888x128xf32, #tpu.memory_space<hbm>>
    tpu.enqueue_indirect_dma source(%arg13 : memref<64x128xf32, #tpu.memory_space<vmem>>) target(%dma_start3A_21 : memref<5888x128xf32, #tpu.memory_space<hbm>>) offsets(%arg10 : memref<64xi32, #tpu.memory_space<vmem>>) semaphore(%arg14 : memref<!tpu.dma_semaphore, #tpu.memory_space<semaphore_mem>>)
    %dma_wait3A_22 = arith.constant 0 : i32
    %dma_wait3A_23 = arith.constant 0 : i32
    %dma_wait3A_24 = tpu.memref_slice %arg8[%dma_wait3A_22, %dma_wait3A_23] : memref<5888x128xf32, #tpu.memory_space<hbm>> -> memref<5888x128xf32, #tpu.memory_space<hbm>>
    tpu.wait_indirect_dma semaphore(%arg14 : memref<!tpu.dma_semaphore, #tpu.memory_space<semaphore_mem>>) src(%arg13 : memref<64x128xf32, #tpu.memory_space<vmem>>) dst(%dma_wait3A_24 : memref<5888x128xf32, #tpu.memory_space<hbm>>)
    return
  }
}

#map = affine_map<(d0, d1) -> (0, 0)>
#map1 = affine_map<(d0, d1) -> (0)>
module attributes {stable_mosaic.version = 14 : i64} {
  func.func @_sc_combine(%arg0: i32, %arg1: i32, %arg2: memref<5888x1024xf32, #tpu.memory_space<hbm>>, %arg3: memref<2048xi32, #tpu.memory_space<hbm>>, %arg4: memref<2048xi32, #tpu.memory_space<hbm>>, %arg5: memref<2048x1024xf32, #tpu.memory_space<hbm>>, %arg6: memref<32xi32, #tpu.memory_space<vmem>>, %arg7: memref<32xi32, #tpu.memory_space<vmem>>, %arg8: memref<32x1024xf32, #tpu.memory_space<vmem>>, %arg9: memref<32x1024xf32, #tpu.memory_space<vmem>>, %arg10: memref<!tpu.dma_semaphore, #tpu.memory_space<semaphore_mem>>) attributes {dimension_semantics = [#tpu.dimension_semantics<core_parallel>, #tpu.dimension_semantics<subcore_parallel>], iteration_bounds = array<i64: 2, 16>, scalar_prefetch = 0 : i64, scratch_operands = 5 : i64, tpu.core_type = #tpu.core_type<sc_vector_subcore>, window_params = [{transform_indices = #map}, {transform_indices = #map1}, {transform_indices = #map1}, {transform_indices = #map}]} {
    %mul3A = arith.constant 2 : i32
    %mul3A_0 = arith.muli %arg1, %mul3A : i32
    %add3A = arith.addi %mul3A_0, %arg0 : i32
    %mul3A_1 = arith.constant 64 : i32
    %mul3A_2 = arith.muli %add3A, %mul3A_1 : i32
    %add3A_3 = arith.constant 0 : i32
    %add3A_4 = arith.addi %mul3A_2, %add3A_3 : i32
    "tpu.region"() ({
      %run_scoped3A = tpu.sem_alloc : memref<!tpu.dma_semaphore, #tpu.memory_space<semaphore_mem>>
      %dma_start3A_40 = tpu.memref_slice %arg3[%add3A_4] : memref<2048xi32, #tpu.memory_space<hbm>> -> memref<32xi32, #tpu.memory_space<hbm>>
      %dma_start3A_41 = tpu.memref_slice %arg3[%add3A_4] : memref<2048xi32, #tpu.memory_space<hbm>> -> memref<32xi32, #tpu.memory_space<hbm>>
      tpu.enqueue_dma source(%dma_start3A_41 : memref<32xi32, #tpu.memory_space<hbm>>) target(%arg6 : memref<32xi32, #tpu.memory_space<vmem>>) target_semaphore(%run_scoped3A : memref<!tpu.dma_semaphore, #tpu.memory_space<semaphore_mem>>)
      %dma_wait3A_42 = tpu.memref_slice %arg3[%add3A_4] : memref<2048xi32, #tpu.memory_space<hbm>> -> memref<32xi32, #tpu.memory_space<hbm>>
      %dma_wait3A_43 = tpu.memref_slice %arg3[%add3A_4] : memref<2048xi32, #tpu.memory_space<hbm>> -> memref<32xi32, #tpu.memory_space<hbm>>
      tpu.wait_dma2 semaphore(%run_scoped3A : memref<!tpu.dma_semaphore, #tpu.memory_space<semaphore_mem>>) src(%dma_wait3A_43 : memref<32xi32, #tpu.memory_space<hbm>>) dst(%arg6 : memref<32xi32, #tpu.memory_space<vmem>>)
      tpu.yield
    }) : () -> ()
    "tpu.region"() ({
      %run_scoped3A = tpu.sem_alloc : memref<!tpu.dma_semaphore, #tpu.memory_space<semaphore_mem>>
      %dma_start3A_40 = tpu.memref_slice %arg4[%add3A_4] : memref<2048xi32, #tpu.memory_space<hbm>> -> memref<32xi32, #tpu.memory_space<hbm>>
      %dma_start3A_41 = tpu.memref_slice %arg4[%add3A_4] : memref<2048xi32, #tpu.memory_space<hbm>> -> memref<32xi32, #tpu.memory_space<hbm>>
      tpu.enqueue_dma source(%dma_start3A_41 : memref<32xi32, #tpu.memory_space<hbm>>) target(%arg7 : memref<32xi32, #tpu.memory_space<vmem>>) target_semaphore(%run_scoped3A : memref<!tpu.dma_semaphore, #tpu.memory_space<semaphore_mem>>)
      %dma_wait3A_42 = tpu.memref_slice %arg4[%add3A_4] : memref<2048xi32, #tpu.memory_space<hbm>> -> memref<32xi32, #tpu.memory_space<hbm>>
      %dma_wait3A_43 = tpu.memref_slice %arg4[%add3A_4] : memref<2048xi32, #tpu.memory_space<hbm>> -> memref<32xi32, #tpu.memory_space<hbm>>
      tpu.wait_dma2 semaphore(%run_scoped3A : memref<!tpu.dma_semaphore, #tpu.memory_space<semaphore_mem>>) src(%dma_wait3A_43 : memref<32xi32, #tpu.memory_space<hbm>>) dst(%arg7 : memref<32xi32, #tpu.memory_space<vmem>>)
      tpu.yield
    }) : () -> ()
    %dma_start3A = arith.constant 0 : i32
    %dma_start3A_5 = arith.constant 0 : i32
    %dma_start3A_6 = tpu.memref_slice %arg2[%dma_start3A, %dma_start3A_5] : memref<5888x1024xf32, #tpu.memory_space<hbm>> -> memref<5888x1024xf32, #tpu.memory_space<hbm>>
    tpu.enqueue_indirect_dma source(%dma_start3A_6 : memref<5888x1024xf32, #tpu.memory_space<hbm>>) target(%arg8 : memref<32x1024xf32, #tpu.memory_space<vmem>>) offsets(%arg6 : memref<32xi32, #tpu.memory_space<vmem>>) semaphore(%arg10 : memref<!tpu.dma_semaphore, #tpu.memory_space<semaphore_mem>>)
    %dma_wait3A = arith.constant 0 : i32
    %dma_wait3A_7 = arith.constant 0 : i32
    %dma_wait3A_8 = tpu.memref_slice %arg2[%dma_wait3A, %dma_wait3A_7] : memref<5888x1024xf32, #tpu.memory_space<hbm>> -> memref<5888x1024xf32, #tpu.memory_space<hbm>>
    tpu.wait_indirect_dma semaphore(%arg10 : memref<!tpu.dma_semaphore, #tpu.memory_space<semaphore_mem>>) src(%dma_wait3A_8 : memref<5888x1024xf32, #tpu.memory_space<hbm>>) dst(%arg8 : memref<32x1024xf32, #tpu.memory_space<vmem>>)
    %dma_start3A_9 = arith.constant 0 : i32
    %dma_start3A_10 = arith.constant 0 : i32
    %dma_start3A_11 = tpu.memref_slice %arg2[%dma_start3A_9, %dma_start3A_10] : memref<5888x1024xf32, #tpu.memory_space<hbm>> -> memref<5888x1024xf32, #tpu.memory_space<hbm>>
    tpu.enqueue_indirect_dma source(%dma_start3A_11 : memref<5888x1024xf32, #tpu.memory_space<hbm>>) target(%arg9 : memref<32x1024xf32, #tpu.memory_space<vmem>>) offsets(%arg7 : memref<32xi32, #tpu.memory_space<vmem>>) semaphore(%arg10 : memref<!tpu.dma_semaphore, #tpu.memory_space<semaphore_mem>>)
    %dma_wait3A_12 = arith.constant 0 : i32
    %dma_wait3A_13 = arith.constant 0 : i32
    %dma_wait3A_14 = tpu.memref_slice %arg2[%dma_wait3A_12, %dma_wait3A_13] : memref<5888x1024xf32, #tpu.memory_space<hbm>> -> memref<5888x1024xf32, #tpu.memory_space<hbm>>
    tpu.wait_indirect_dma semaphore(%arg10 : memref<!tpu.dma_semaphore, #tpu.memory_space<semaphore_mem>>) src(%dma_wait3A_14 : memref<5888x1024xf32, #tpu.memory_space<hbm>>) dst(%arg9 : memref<32x1024xf32, #tpu.memory_space<vmem>>)
    %scan3A = arith.constant 0 : i32
    %scan3A_15 = arith.constant 0 : i32
    %scan3A_16 = arith.constant 32 : i32
    %scan3A_17 = arith.addi %scan3A_15, %scan3A_16 : i32
    %scan3A_18 = arith.constant 1 : i32
    scf.for %scan3A_40 = %scan3A_15 to %scan3A_17 step %scan3A_18  : i32 {
      %get3A = arith.index_cast %scan3A_40 : i32 to index
      %get3A_41 = arith.constant 0 : index
      %get3A_42 = tpu.vector_load %arg8[%get3A, %get3A_41] {strides = array<i32>} : memref<32x1024xf32, #tpu.memory_space<vmem>>, vector<1x16xf32>,
      %get3A_43 = vector.shape_cast %get3A_42 : vector<1x16xf32> to vector<16xf32>
      %get3A_44 = arith.index_cast %scan3A_40 : i32 to index
      %get3A_45 = arith.constant 0 : index
      %get3A_46 = tpu.vector_load %arg9[%get3A_44, %get3A_45] {strides = array<i32>} : memref<32x1024xf32, #tpu.memory_space<vmem>>, vector<1x16xf32>,
      %get3A_47 = vector.shape_cast %get3A_46 : vector<1x16xf32> to vector<16xf32>
      %add3A_48 = arith.addf %get3A_43, %get3A_47 : vector<16xf32>
      %swap3A = arith.index_cast %scan3A_40 : i32 to index
      %swap3A_49 = arith.constant 0 : index
      %swap3A_50 = tpu.vector_load %arg8[%swap3A, %swap3A_49] {strides = array<i32>} : memref<32x1024xf32, #tpu.memory_space<vmem>>, vector<1x16xf32>,
      %swap3A_51 = vector.shape_cast %swap3A_50 : vector<1x16xf32> to vector<16xf32>
      %swap3A_52 = vector.shape_cast %add3A_48 : vector<16xf32> to vector<1x16xf32>
      tpu.vector_store %arg8[%swap3A, %swap3A_49], %swap3A_52 {strides = array<i32>} : memref<32x1024xf32, #tpu.memory_space<vmem>>, vector<1x16xf32>,
      %get3A_53 = arith.index_cast %scan3A_40 : i32 to index
      %get3A_54 = arith.constant 16 : index
      %get3A_55 = tpu.vector_load %arg8[%get3A_53, %get3A_54] {strides = array<i32>} : memref<32x1024xf32, #tpu.memory_space<vmem>>, vector<1x16xf32>,
      %get3A_56 = vector.shape_cast %get3A_55 : vector<1x16xf32> to vector<16xf32>
      %get3A_57 = arith.index_cast %scan3A_40 : i32 to index
      %get3A_58 = arith.constant 16 : index
      %get3A_59 = tpu.vector_load %arg9[%get3A_57, %get3A_58] {strides = array<i32>} : memref<32x1024xf32, #tpu.memory_space<vmem>>, vector<1x16xf32>,
      %get3A_60 = vector.shape_cast %get3A_59 : vector<1x16xf32> to vector<16xf32>
      %add3A_61 = arith.addf %get3A_56, %get3A_60 : vector<16xf32>
      %swap3A_62 = arith.index_cast %scan3A_40 : i32 to index
      %swap3A_63 = arith.constant 16 : index
      %swap3A_64 = tpu.vector_load %arg8[%swap3A_62, %swap3A_63] {strides = array<i32>} : memref<32x1024xf32, #tpu.memory_space<vmem>>, vector<1x16xf32>,
      %swap3A_65 = vector.shape_cast %swap3A_64 : vector<1x16xf32> to vector<16xf32>
      %swap3A_66 = vector.shape_cast %add3A_61 : vector<16xf32> to vector<1x16xf32>
      tpu.vector_store %arg8[%swap3A_62, %swap3A_63], %swap3A_66 {strides = array<i32>} : memref<32x1024xf32, #tpu.memory_space<vmem>>, vector<1x16xf32>,
      %get3A_67 = arith.index_cast %scan3A_40 : i32 to index
      %get3A_68 = arith.constant 32 : index
      %get3A_69 = tpu.vector_load %arg8[%get3A_67, %get3A_68] {strides = array<i32>} : memref<32x1024xf32, #tpu.memory_space<vmem>>, vector<1x16xf32>,
      %get3A_70 = vector.shape_cast %get3A_69 : vector<1x16xf32> to vector<16xf32>
      %get3A_71 = arith.index_cast %scan3A_40 : i32 to index
      %get3A_72 = arith.constant 32 : index
      %get3A_73 = tpu.vector_load %arg9[%get3A_71, %get3A_72] {strides = array<i32>} : memref<32x1024xf32, #tpu.memory_space<vmem>>, vector<1x16xf32>,
      %get3A_74 = vector.shape_cast %get3A_73 : vector<1x16xf32> to vector<16xf32>
      %add3A_75 = arith.addf %get3A_70, %get3A_74 : vector<16xf32>
      %swap3A_76 = arith.index_cast %scan3A_40 : i32 to index
      %swap3A_77 = arith.constant 32 : index
      %swap3A_78 = tpu.vector_load %arg8[%swap3A_76, %swap3A_77] {strides = array<i32>} : memref<32x1024xf32, #tpu.memory_space<vmem>>, vector<1x16xf32>,
      %swap3A_79 = vector.shape_cast %swap3A_78 : vector<1x16xf32> to vector<16xf32>
      %swap3A_80 = vector.shape_cast %add3A_75 : vector<16xf32> to vector<1x16xf32>
      tpu.vector_store %arg8[%swap3A_76, %swap3A_77], %swap3A_80 {strides = array<i32>} : memref<32x1024xf32, #tpu.memory_space<vmem>>, vector<1x16xf32>,
      %get3A_81 = arith.index_cast %scan3A_40 : i32 to index
      %get3A_82 = arith.constant 48 : index
      %get3A_83 = tpu.vector_load %arg8[%get3A_81, %get3A_82] {strides = array<i32>} : memref<32x1024xf32, #tpu.memory_space<vmem>>, vector<1x16xf32>,
      %get3A_84 = vector.shape_cast %get3A_83 : vector<1x16xf32> to vector<16xf32>
      %get3A_85 = arith.index_cast %scan3A_40 : i32 to index
      %get3A_86 = arith.constant 48 : index
      %get3A_87 = tpu.vector_load %arg9[%get3A_85, %get3A_86] {strides = array<i32>} : memref<32x1024xf32, #tpu.memory_space<vmem>>, vector<1x16xf32>,
      %get3A_88 = vector.shape_cast %get3A_87 : vector<1x16xf32> to vector<16xf32>
      %add3A_89 = arith.addf %get3A_84, %get3A_88 : vector<16xf32>
      %swap3A_90 = arith.index_cast %scan3A_40 : i32 to index
      %swap3A_91 = arith.constant 48 : index
      %swap3A_92 = tpu.vector_load %arg8[%swap3A_90, %swap3A_91] {strides = array<i32>} : memref<32x1024xf32, #tpu.memory_space<vmem>>, vector<1x16xf32>,
      %swap3A_93 = vector.shape_cast %swap3A_92 : vector<1x16xf32> to vector<16xf32>
      %swap3A_94 = vector.shape_cast %add3A_89 : vector<16xf32> to vector<1x16xf32>
      tpu.vector_store %arg8[%swap3A_90, %swap3A_91], %swap3A_94 {strides = array<i32>} : memref<32x1024xf32, #tpu.memory_space<vmem>>, vector<1x16xf32>,
      %get3A_95 = arith.index_cast %scan3A_40 : i32 to index
      %get3A_96 = arith.constant 64 : index
      %get3A_97 = tpu.vector_load %arg8[%get3A_95, %get3A_96] {strides = array<i32>} : memref<32x1024xf32, #tpu.memory_space<vmem>>, vector<1x16xf32>,
      %get3A_98 = vector.shape_cast %get3A_97 : vector<1x16xf32> to vector<16xf32>
      %get3A_99 = arith.index_cast %scan3A_40 : i32 to index
      %get3A_100 = arith.constant 64 : index
      %get3A_101 = tpu.vector_load %arg9[%get3A_99, %get3A_100] {strides = array<i32>} : memref<32x1024xf32, #tpu.memory_space<vmem>>, vector<1x16xf32>,
      %get3A_102 = vector.shape_cast %get3A_101 : vector<1x16xf32> to vector<16xf32>
      %add3A_103 = arith.addf %get3A_98, %get3A_102 : vector<16xf32>
      %swap3A_104 = arith.index_cast %scan3A_40 : i32 to index
      %swap3A_105 = arith.constant 64 : index
      %swap3A_106 = tpu.vector_load %arg8[%swap3A_104, %swap3A_105] {strides = array<i32>} : memref<32x1024xf32, #tpu.memory_space<vmem>>, vector<1x16xf32>,
      %swap3A_107 = vector.shape_cast %swap3A_106 : vector<1x16xf32> to vector<16xf32>
      %swap3A_108 = vector.shape_cast %add3A_103 : vector<16xf32> to vector<1x16xf32>
      tpu.vector_store %arg8[%swap3A_104, %swap3A_105], %swap3A_108 {strides = array<i32>} : memref<32x1024xf32, #tpu.memory_space<vmem>>, vector<1x16xf32>,
      %get3A_109 = arith.index_cast %scan3A_40 : i32 to index
      %get3A_110 = arith.constant 80 : index
      %get3A_111 = tpu.vector_load %arg8[%get3A_109, %get3A_110] {strides = array<i32>} : memref<32x1024xf32, #tpu.memory_space<vmem>>, vector<1x16xf32>,
      %get3A_112 = vector.shape_cast %get3A_111 : vector<1x16xf32> to vector<16xf32>
      %get3A_113 = arith.index_cast %scan3A_40 : i32 to index
      %get3A_114 = arith.constant 80 : index
      %get3A_115 = tpu.vector_load %arg9[%get3A_113, %get3A_114] {strides = array<i32>} : memref<32x1024xf32, #tpu.memory_space<vmem>>, vector<1x16xf32>,
      %get3A_116 = vector.shape_cast %get3A_115 : vector<1x16xf32> to vector<16xf32>
      %add3A_117 = arith.addf %get3A_112, %get3A_116 : vector<16xf32>
      %swap3A_118 = arith.index_cast %scan3A_40 : i32 to index
      %swap3A_119 = arith.constant 80 : index
      %swap3A_120 = tpu.vector_load %arg8[%swap3A_118, %swap3A_119] {strides = array<i32>} : memref<32x1024xf32, #tpu.memory_space<vmem>>, vector<1x16xf32>,
      %swap3A_121 = vector.shape_cast %swap3A_120 : vector<1x16xf32> to vector<16xf32>
      %swap3A_122 = vector.shape_cast %add3A_117 : vector<16xf32> to vector<1x16xf32>
      tpu.vector_store %arg8[%swap3A_118, %swap3A_119], %swap3A_122 {strides = array<i32>} : memref<32x1024xf32, #tpu.memory_space<vmem>>, vector<1x16xf32>,
      %get3A_123 = arith.index_cast %scan3A_40 : i32 to index
      %get3A_124 = arith.constant 96 : index
      %get3A_125 = tpu.vector_load %arg8[%get3A_123, %get3A_124] {strides = array<i32>} : memref<32x1024xf32, #tpu.memory_space<vmem>>, vector<1x16xf32>,
      %get3A_126 = vector.shape_cast %get3A_125 : vector<1x16xf32> to vector<16xf32>
      %get3A_127 = arith.index_cast %scan3A_40 : i32 to index
      %get3A_128 = arith.constant 96 : index
      %get3A_129 = tpu.vector_load %arg9[%get3A_127, %get3A_128] {strides = array<i32>} : memref<32x1024xf32, #tpu.memory_space<vmem>>, vector<1x16xf32>,
      %get3A_130 = vector.shape_cast %get3A_129 : vector<1x16xf32> to vector<16xf32>
      %add3A_131 = arith.addf %get3A_126, %get3A_130 : vector<16xf32>
      %swap3A_132 = arith.index_cast %scan3A_40 : i32 to index
      %swap3A_133 = arith.constant 96 : index
      %swap3A_134 = tpu.vector_load %arg8[%swap3A_132, %swap3A_133] {strides = array<i32>} : memref<32x1024xf32, #tpu.memory_space<vmem>>, vector<1x16xf32>,
      %swap3A_135 = vector.shape_cast %swap3A_134 : vector<1x16xf32> to vector<16xf32>
      %swap3A_136 = vector.shape_cast %add3A_131 : vector<16xf32> to vector<1x16xf32>
      tpu.vector_store %arg8[%swap3A_132, %swap3A_133], %swap3A_136 {strides = array<i32>} : memref<32x1024xf32, #tpu.memory_space<vmem>>, vector<1x16xf32>,
      %get3A_137 = arith.index_cast %scan3A_40 : i32 to index
      %get3A_138 = arith.constant 112 : index
      %get3A_139 = tpu.vector_load %arg8[%get3A_137, %get3A_138] {strides = array<i32>} : memref<32x1024xf32, #tpu.memory_space<vmem>>, vector<1x16xf32>,
      %get3A_140 = vector.shape_cast %get3A_139 : vector<1x16xf32> to vector<16xf32>
      %get3A_141 = arith.index_cast %scan3A_40 : i32 to index
      %get3A_142 = arith.constant 112 : index
      %get3A_143 = tpu.vector_load %arg9[%get3A_141, %get3A_142] {strides = array<i32>} : memref<32x1024xf32, #tpu.memory_space<vmem>>, vector<1x16xf32>,
      %get3A_144 = vector.shape_cast %get3A_143 : vector<1x16xf32> to vector<16xf32>
      %add3A_145 = arith.addf %get3A_140, %get3A_144 : vector<16xf32>
      %swap3A_146 = arith.index_cast %scan3A_40 : i32 to index
      %swap3A_147 = arith.constant 112 : index
      %swap3A_148 = tpu.vector_load %arg8[%swap3A_146, %swap3A_147] {strides = array<i32>} : memref<32x1024xf32, #tpu.memory_space<vmem>>, vector<1x16xf32>,
      %swap3A_149 = vector.shape_cast %swap3A_148 : vector<1x16xf32> to vector<16xf32>
      %swap3A_150 = vector.shape_cast %add3A_145 : vector<16xf32> to vector<1x16xf32>
      tpu.vector_store %arg8[%swap3A_146, %swap3A_147], %swap3A_150 {strides = array<i32>} : memref<32x1024xf32, #tpu.memory_space<vmem>>, vector<1x16xf32>,
      %get3A_151 = arith.index_cast %scan3A_40 : i32 to index
      %get3A_152 = arith.constant 128 : index
      %get3A_153 = tpu.vector_load %arg8[%get3A_151, %get3A_152] {strides = array<i32>} : memref<32x1024xf32, #tpu.memory_space<vmem>>, vector<1x16xf32>,
      %get3A_154 = vector.shape_cast %get3A_153 : vector<1x16xf32> to vector<16xf32>
      %get3A_155 = arith.index_cast %scan3A_40 : i32 to index
      %get3A_156 = arith.constant 128 : index
      %get3A_157 = tpu.vector_load %arg9[%get3A_155, %get3A_156] {strides = array<i32>} : memref<32x1024xf32, #tpu.memory_space<vmem>>, vector<1x16xf32>,
      %get3A_158 = vector.shape_cast %get3A_157 : vector<1x16xf32> to vector<16xf32>
      %add3A_159 = arith.addf %get3A_154, %get3A_158 : vector<16xf32>
      %swap3A_160 = arith.index_cast %scan3A_40 : i32 to index
      %swap3A_161 = arith.constant 128 : index
      %swap3A_162 = tpu.vector_load %arg8[%swap3A_160, %swap3A_161] {strides = array<i32>} : memref<32x1024xf32, #tpu.memory_space<vmem>>, vector<1x16xf32>,
      %swap3A_163 = vector.shape_cast %swap3A_162 : vector<1x16xf32> to vector<16xf32>
      %swap3A_164 = vector.shape_cast %add3A_159 : vector<16xf32> to vector<1x16xf32>
      tpu.vector_store %arg8[%swap3A_160, %swap3A_161], %swap3A_164 {strides = array<i32>} : memref<32x1024xf32, #tpu.memory_space<vmem>>, vector<1x16xf32>,
      %get3A_165 = arith.index_cast %scan3A_40 : i32 to index
      %get3A_166 = arith.constant 144 : index
      %get3A_167 = tpu.vector_load %arg8[%get3A_165, %get3A_166] {strides = array<i32>} : memref<32x1024xf32, #tpu.memory_space<vmem>>, vector<1x16xf32>,
      %get3A_168 = vector.shape_cast %get3A_167 : vector<1x16xf32> to vector<16xf32>
      %get3A_169 = arith.index_cast %scan3A_40 : i32 to index
      %get3A_170 = arith.constant 144 : index
      %get3A_171 = tpu.vector_load %arg9[%get3A_169, %get3A_170] {strides = array<i32>} : memref<32x1024xf32, #tpu.memory_space<vmem>>, vector<1x16xf32>,
      %get3A_172 = vector.shape_cast %get3A_171 : vector<1x16xf32> to vector<16xf32>
      %add3A_173 = arith.addf %get3A_168, %get3A_172 : vector<16xf32>
      %swap3A_174 = arith.index_cast %scan3A_40 : i32 to index
      %swap3A_175 = arith.constant 144 : index
      %swap3A_176 = tpu.vector_load %arg8[%swap3A_174, %swap3A_175] {strides = array<i32>} : memref<32x1024xf32, #tpu.memory_space<vmem>>, vector<1x16xf32>,
      %swap3A_177 = vector.shape_cast %swap3A_176 : vector<1x16xf32> to vector<16xf32>
      %swap3A_178 = vector.shape_cast %add3A_173 : vector<16xf32> to vector<1x16xf32>
      tpu.vector_store %arg8[%swap3A_174, %swap3A_175], %swap3A_178 {strides = array<i32>} : memref<32x1024xf32, #tpu.memory_space<vmem>>, vector<1x16xf32>,
      %get3A_179 = arith.index_cast %scan3A_40 : i32 to index
      %get3A_180 = arith.constant 160 : index
      %get3A_181 = tpu.vector_load %arg8[%get3A_179, %get3A_180] {strides = array<i32>} : memref<32x1024xf32, #tpu.memory_space<vmem>>, vector<1x16xf32>,
      %get3A_182 = vector.shape_cast %get3A_181 : vector<1x16xf32> to vector<16xf32>
      %get3A_183 = arith.index_cast %scan3A_40 : i32 to index
      %get3A_184 = arith.constant 160 : index
      %get3A_185 = tpu.vector_load %arg9[%get3A_183, %get3A_184] {strides = array<i32>} : memref<32x1024xf32, #tpu.memory_space<vmem>>, vector<1x16xf32>,
      %get3A_186 = vector.shape_cast %get3A_185 : vector<1x16xf32> to vector<16xf32>
      %add3A_187 = arith.addf %get3A_182, %get3A_186 : vector<16xf32>
      %swap3A_188 = arith.index_cast %scan3A_40 : i32 to index
      %swap3A_189 = arith.constant 160 : index
      %swap3A_190 = tpu.vector_load %arg8[%swap3A_188, %swap3A_189] {strides = array<i32>} : memref<32x1024xf32, #tpu.memory_space<vmem>>, vector<1x16xf32>,
      %swap3A_191 = vector.shape_cast %swap3A_190 : vector<1x16xf32> to vector<16xf32>
      %swap3A_192 = vector.shape_cast %add3A_187 : vector<16xf32> to vector<1x16xf32>
      tpu.vector_store %arg8[%swap3A_188, %swap3A_189], %swap3A_192 {strides = array<i32>} : memref<32x1024xf32, #tpu.memory_space<vmem>>, vector<1x16xf32>,
      %get3A_193 = arith.index_cast %scan3A_40 : i32 to index
      %get3A_194 = arith.constant 176 : index
      %get3A_195 = tpu.vector_load %arg8[%get3A_193, %get3A_194] {strides = array<i32>} : memref<32x1024xf32, #tpu.memory_space<vmem>>, vector<1x16xf32>,
      %get3A_196 = vector.shape_cast %get3A_195 : vector<1x16xf32> to vector<16xf32>
      %get3A_197 = arith.index_cast %scan3A_40 : i32 to index
      %get3A_198 = arith.constant 176 : index
      %get3A_199 = tpu.vector_load %arg9[%get3A_197, %get3A_198] {strides = array<i32>} : memref<32x1024xf32, #tpu.memory_space<vmem>>, vector<1x16xf32>,
      %get3A_200 = vector.shape_cast %get3A_199 : vector<1x16xf32> to vector<16xf32>
      %add3A_201 = arith.addf %get3A_196, %get3A_200 : vector<16xf32>
      %swap3A_202 = arith.index_cast %scan3A_40 : i32 to index
      %swap3A_203 = arith.constant 176 : index
      %swap3A_204 = tpu.vector_load %arg8[%swap3A_202, %swap3A_203] {strides = array<i32>} : memref<32x1024xf32, #tpu.memory_space<vmem>>, vector<1x16xf32>,
      %swap3A_205 = vector.shape_cast %swap3A_204 : vector<1x16xf32> to vector<16xf32>
      %swap3A_206 = vector.shape_cast %add3A_201 : vector<16xf32> to vector<1x16xf32>
      tpu.vector_store %arg8[%swap3A_202, %swap3A_203], %swap3A_206 {strides = array<i32>} : memref<32x1024xf32, #tpu.memory_space<vmem>>, vector<1x16xf32>,
      %get3A_207 = arith.index_cast %scan3A_40 : i32 to index
      %get3A_208 = arith.constant 192 : index
      %get3A_209 = tpu.vector_load %arg8[%get3A_207, %get3A_208] {strides = array<i32>} : memref<32x1024xf32, #tpu.memory_space<vmem>>, vector<1x16xf32>,
      %get3A_210 = vector.shape_cast %get3A_209 : vector<1x16xf32> to vector<16xf32>
      %get3A_211 = arith.index_cast %scan3A_40 : i32 to index
      %get3A_212 = arith.constant 192 : index
      %get3A_213 = tpu.vector_load %arg9[%get3A_211, %get3A_212] {strides = array<i32>} : memref<32x1024xf32, #tpu.memory_space<vmem>>, vector<1x16xf32>,
      %get3A_214 = vector.shape_cast %get3A_213 : vector<1x16xf32> to vector<16xf32>
      %add3A_215 = arith.addf %get3A_210, %get3A_214 : vector<16xf32>
      %swap3A_216 = arith.index_cast %scan3A_40 : i32 to index
      %swap3A_217 = arith.constant 192 : index
      %swap3A_218 = tpu.vector_load %arg8[%swap3A_216, %swap3A_217] {strides = array<i32>} : memref<32x1024xf32, #tpu.memory_space<vmem>>, vector<1x16xf32>,
      %swap3A_219 = vector.shape_cast %swap3A_218 : vector<1x16xf32> to vector<16xf32>
      %swap3A_220 = vector.shape_cast %add3A_215 : vector<16xf32> to vector<1x16xf32>
      tpu.vector_store %arg8[%swap3A_216, %swap3A_217], %swap3A_220 {strides = array<i32>} : memref<32x1024xf32, #tpu.memory_space<vmem>>, vector<1x16xf32>,
      %get3A_221 = arith.index_cast %scan3A_40 : i32 to index
      %get3A_222 = arith.constant 208 : index
      %get3A_223 = tpu.vector_load %arg8[%get3A_221, %get3A_222] {strides = array<i32>} : memref<32x1024xf32, #tpu.memory_space<vmem>>, vector<1x16xf32>,
      %get3A_224 = vector.shape_cast %get3A_223 : vector<1x16xf32> to vector<16xf32>
      %get3A_225 = arith.index_cast %scan3A_40 : i32 to index
      %get3A_226 = arith.constant 208 : index
      %get3A_227 = tpu.vector_load %arg9[%get3A_225, %get3A_226] {strides = array<i32>} : memref<32x1024xf32, #tpu.memory_space<vmem>>, vector<1x16xf32>,
      %get3A_228 = vector.shape_cast %get3A_227 : vector<1x16xf32> to vector<16xf32>
      %add3A_229 = arith.addf %get3A_224, %get3A_228 : vector<16xf32>
      %swap3A_230 = arith.index_cast %scan3A_40 : i32 to index
      %swap3A_231 = arith.constant 208 : index
      %swap3A_232 = tpu.vector_load %arg8[%swap3A_230, %swap3A_231] {strides = array<i32>} : memref<32x1024xf32, #tpu.memory_space<vmem>>, vector<1x16xf32>,
      %swap3A_233 = vector.shape_cast %swap3A_232 : vector<1x16xf32> to vector<16xf32>
      %swap3A_234 = vector.shape_cast %add3A_229 : vector<16xf32> to vector<1x16xf32>
      tpu.vector_store %arg8[%swap3A_230, %swap3A_231], %swap3A_234 {strides = array<i32>} : memref<32x1024xf32, #tpu.memory_space<vmem>>, vector<1x16xf32>,
      %get3A_235 = arith.index_cast %scan3A_40 : i32 to index
      %get3A_236 = arith.constant 224 : index
      %get3A_237 = tpu.vector_load %arg8[%get3A_235, %get3A_236] {strides = array<i32>} : memref<32x1024xf32, #tpu.memory_space<vmem>>, vector<1x16xf32>,
      %get3A_238 = vector.shape_cast %get3A_237 : vector<1x16xf32> to vector<16xf32>
      %get3A_239 = arith.index_cast %scan3A_40 : i32 to index
      %get3A_240 = arith.constant 224 : index
      %get3A_241 = tpu.vector_load %arg9[%get3A_239, %get3A_240] {strides = array<i32>} : memref<32x1024xf32, #tpu.memory_space<vmem>>, vector<1x16xf32>,
      %get3A_242 = vector.shape_cast %get3A_241 : vector<1x16xf32> to vector<16xf32>
      %add3A_243 = arith.addf %get3A_238, %get3A_242 : vector<16xf32>
      %swap3A_244 = arith.index_cast %scan3A_40 : i32 to index
      %swap3A_245 = arith.constant 224 : index
      %swap3A_246 = tpu.vector_load %arg8[%swap3A_244, %swap3A_245] {strides = array<i32>} : memref<32x1024xf32, #tpu.memory_space<vmem>>, vector<1x16xf32>,
      %swap3A_247 = vector.shape_cast %swap3A_246 : vector<1x16xf32> to vector<16xf32>
      %swap3A_248 = vector.shape_cast %add3A_243 : vector<16xf32> to vector<1x16xf32>
      tpu.vector_store %arg8[%swap3A_244, %swap3A_245], %swap3A_248 {strides = array<i32>} : memref<32x1024xf32, #tpu.memory_space<vmem>>, vector<1x16xf32>,
      %get3A_249 = arith.index_cast %scan3A_40 : i32 to index
      %get3A_250 = arith.constant 240 : index
      %get3A_251 = tpu.vector_load %arg8[%get3A_249, %get3A_250] {strides = array<i32>} : memref<32x1024xf32, #tpu.memory_space<vmem>>, vector<1x16xf32>,
      %get3A_252 = vector.shape_cast %get3A_251 : vector<1x16xf32> to vector<16xf32>
      %get3A_253 = arith.index_cast %scan3A_40 : i32 to index
      %get3A_254 = arith.constant 240 : index
      %get3A_255 = tpu.vector_load %arg9[%get3A_253, %get3A_254] {strides = array<i32>} : memref<32x1024xf32, #tpu.memory_space<vmem>>, vector<1x16xf32>,
      %get3A_256 = vector.shape_cast %get3A_255 : vector<1x16xf32> to vector<16xf32>
      %add3A_257 = arith.addf %get3A_252, %get3A_256 : vector<16xf32>
      %swap3A_258 = arith.index_cast %scan3A_40 : i32 to index
      %swap3A_259 = arith.constant 240 : index
      %swap3A_260 = tpu.vector_load %arg8[%swap3A_258, %swap3A_259] {strides = array<i32>} : memref<32x1024xf32, #tpu.memory_space<vmem>>, vector<1x16xf32>,
      %swap3A_261 = vector.shape_cast %swap3A_260 : vector<1x16xf32> to vector<16xf32>
      %swap3A_262 = vector.shape_cast %add3A_257 : vector<16xf32> to vector<1x16xf32>
      tpu.vector_store %arg8[%swap3A_258, %swap3A_259], %swap3A_262 {strides = array<i32>} : memref<32x1024xf32, #tpu.memory_space<vmem>>, vector<1x16xf32>,
      %get3A_263 = arith.index_cast %scan3A_40 : i32 to index
      %get3A_264 = arith.constant 256 : index
      %get3A_265 = tpu.vector_load %arg8[%get3A_263, %get3A_264] {strides = array<i32>} : memref<32x1024xf32, #tpu.memory_space<vmem>>, vector<1x16xf32>,
      %get3A_266 = vector.shape_cast %get3A_265 : vector<1x16xf32> to vector<16xf32>
      %get3A_267 = arith.index_cast %scan3A_40 : i32 to index
      %get3A_268 = arith.constant 256 : index
      %get3A_269 = tpu.vector_load %arg9[%get3A_267, %get3A_268] {strides = array<i32>} : memref<32x1024xf32, #tpu.memory_space<vmem>>, vector<1x16xf32>,
      %get3A_270 = vector.shape_cast %get3A_269 : vector<1x16xf32> to vector<16xf32>
      %add3A_271 = arith.addf %get3A_266, %get3A_270 : vector<16xf32>
      %swap3A_272 = arith.index_cast %scan3A_40 : i32 to index
      %swap3A_273 = arith.constant 256 : index
      %swap3A_274 = tpu.vector_load %arg8[%swap3A_272, %swap3A_273] {strides = array<i32>} : memref<32x1024xf32, #tpu.memory_space<vmem>>, vector<1x16xf32>,
      %swap3A_275 = vector.shape_cast %swap3A_274 : vector<1x16xf32> to vector<16xf32>
      %swap3A_276 = vector.shape_cast %add3A_271 : vector<16xf32> to vector<1x16xf32>
      tpu.vector_store %arg8[%swap3A_272, %swap3A_273], %swap3A_276 {strides = array<i32>} : memref<32x1024xf32, #tpu.memory_space<vmem>>, vector<1x16xf32>,
      %get3A_277 = arith.index_cast %scan3A_40 : i32 to index
      %get3A_278 = arith.constant 272 : index
      %get3A_279 = tpu.vector_load %arg8[%get3A_277, %get3A_278] {strides = array<i32>} : memref<32x1024xf32, #tpu.memory_space<vmem>>, vector<1x16xf32>,
      %get3A_280 = vector.shape_cast %get3A_279 : vector<1x16xf32> to vector<16xf32>
      %get3A_281 = arith.index_cast %scan3A_40 : i32 to index
      %get3A_282 = arith.constant 272 : index
      %get3A_283 = tpu.vector_load %arg9[%get3A_281, %get3A_282] {strides = array<i32>} : memref<32x1024xf32, #tpu.memory_space<vmem>>, vector<1x16xf32>,
      %get3A_284 = vector.shape_cast %get3A_283 : vector<1x16xf32> to vector<16xf32>
      %add3A_285 = arith.addf %get3A_280, %get3A_284 : vector<16xf32>
      %swap3A_286 = arith.index_cast %scan3A_40 : i32 to index
      %swap3A_287 = arith.constant 272 : index
      %swap3A_288 = tpu.vector_load %arg8[%swap3A_286, %swap3A_287] {strides = array<i32>} : memref<32x1024xf32, #tpu.memory_space<vmem>>, vector<1x16xf32>,
      %swap3A_289 = vector.shape_cast %swap3A_288 : vector<1x16xf32> to vector<16xf32>
      %swap3A_290 = vector.shape_cast %add3A_285 : vector<16xf32> to vector<1x16xf32>
      tpu.vector_store %arg8[%swap3A_286, %swap3A_287], %swap3A_290 {strides = array<i32>} : memref<32x1024xf32, #tpu.memory_space<vmem>>, vector<1x16xf32>,
      %get3A_291 = arith.index_cast %scan3A_40 : i32 to index
      %get3A_292 = arith.constant 288 : index
      %get3A_293 = tpu.vector_load %arg8[%get3A_291, %get3A_292] {strides = array<i32>} : memref<32x1024xf32, #tpu.memory_space<vmem>>, vector<1x16xf32>,
      %get3A_294 = vector.shape_cast %get3A_293 : vector<1x16xf32> to vector<16xf32>
      %get3A_295 = arith.index_cast %scan3A_40 : i32 to index
      %get3A_296 = arith.constant 288 : index
      %get3A_297 = tpu.vector_load %arg9[%get3A_295, %get3A_296] {strides = array<i32>} : memref<32x1024xf32, #tpu.memory_space<vmem>>, vector<1x16xf32>,
      %get3A_298 = vector.shape_cast %get3A_297 : vector<1x16xf32> to vector<16xf32>
      %add3A_299 = arith.addf %get3A_294, %get3A_298 : vector<16xf32>
      %swap3A_300 = arith.index_cast %scan3A_40 : i32 to index
      %swap3A_301 = arith.constant 288 : index
      %swap3A_302 = tpu.vector_load %arg8[%swap3A_300, %swap3A_301] {strides = array<i32>} : memref<32x1024xf32, #tpu.memory_space<vmem>>, vector<1x16xf32>,
      %swap3A_303 = vector.shape_cast %swap3A_302 : vector<1x16xf32> to vector<16xf32>
      %swap3A_304 = vector.shape_cast %add3A_299 : vector<16xf32> to vector<1x16xf32>
      tpu.vector_store %arg8[%swap3A_300, %swap3A_301], %swap3A_304 {strides = array<i32>} : memref<32x1024xf32, #tpu.memory_space<vmem>>, vector<1x16xf32>,
      %get3A_305 = arith.index_cast %scan3A_40 : i32 to index
      %get3A_306 = arith.constant 304 : index
      %get3A_307 = tpu.vector_load %arg8[%get3A_305, %get3A_306] {strides = array<i32>} : memref<32x1024xf32, #tpu.memory_space<vmem>>, vector<1x16xf32>,
      %get3A_308 = vector.shape_cast %get3A_307 : vector<1x16xf32> to vector<16xf32>
      %get3A_309 = arith.index_cast %scan3A_40 : i32 to index
      %get3A_310 = arith.constant 304 : index
      %get3A_311 = tpu.vector_load %arg9[%get3A_309, %get3A_310] {strides = array<i32>} : memref<32x1024xf32, #tpu.memory_space<vmem>>, vector<1x16xf32>,
      %get3A_312 = vector.shape_cast %get3A_311 : vector<1x16xf32> to vector<16xf32>
      %add3A_313 = arith.addf %get3A_308, %get3A_312 : vector<16xf32>
      %swap3A_314 = arith.index_cast %scan3A_40 : i32 to index
      %swap3A_315 = arith.constant 304 : index
      %swap3A_316 = tpu.vector_load %arg8[%swap3A_314, %swap3A_315] {strides = array<i32>} : memref<32x1024xf32, #tpu.memory_space<vmem>>, vector<1x16xf32>,
      %swap3A_317 = vector.shape_cast %swap3A_316 : vector<1x16xf32> to vector<16xf32>
      %swap3A_318 = vector.shape_cast %add3A_313 : vector<16xf32> to vector<1x16xf32>
      tpu.vector_store %arg8[%swap3A_314, %swap3A_315], %swap3A_318 {strides = array<i32>} : memref<32x1024xf32, #tpu.memory_space<vmem>>, vector<1x16xf32>,
      %get3A_319 = arith.index_cast %scan3A_40 : i32 to index
      %get3A_320 = arith.constant 320 : index
      %get3A_321 = tpu.vector_load %arg8[%get3A_319, %get3A_320] {strides = array<i32>} : memref<32x1024xf32, #tpu.memory_space<vmem>>, vector<1x16xf32>,
      %get3A_322 = vector.shape_cast %get3A_321 : vector<1x16xf32> to vector<16xf32>
      %get3A_323 = arith.index_cast %scan3A_40 : i32 to index
      %get3A_324 = arith.constant 320 : index
      %get3A_325 = tpu.vector_load %arg9[%get3A_323, %get3A_324] {strides = array<i32>} : memref<32x1024xf32, #tpu.memory_space<vmem>>, vector<1x16xf32>,
      %get3A_326 = vector.shape_cast %get3A_325 : vector<1x16xf32> to vector<16xf32>
      %add3A_327 = arith.addf %get3A_322, %get3A_326 : vector<16xf32>
      %swap3A_328 = arith.index_cast %scan3A_40 : i32 to index
      %swap3A_329 = arith.constant 320 : index
      %swap3A_330 = tpu.vector_load %arg8[%swap3A_328, %swap3A_329] {strides = array<i32>} : memref<32x1024xf32, #tpu.memory_space<vmem>>, vector<1x16xf32>,
      %swap3A_331 = vector.shape_cast %swap3A_330 : vector<1x16xf32> to vector<16xf32>
      %swap3A_332 = vector.shape_cast %add3A_327 : vector<16xf32> to vector<1x16xf32>
      tpu.vector_store %arg8[%swap3A_328, %swap3A_329], %swap3A_332 {strides = array<i32>} : memref<32x1024xf32, #tpu.memory_space<vmem>>, vector<1x16xf32>,
      %get3A_333 = arith.index_cast %scan3A_40 : i32 to index
      %get3A_334 = arith.constant 336 : index
      %get3A_335 = tpu.vector_load %arg8[%get3A_333, %get3A_334] {strides = array<i32>} : memref<32x1024xf32, #tpu.memory_space<vmem>>, vector<1x16xf32>,
      %get3A_336 = vector.shape_cast %get3A_335 : vector<1x16xf32> to vector<16xf32>
      %get3A_337 = arith.index_cast %scan3A_40 : i32 to index
      %get3A_338 = arith.constant 336 : index
      %get3A_339 = tpu.vector_load %arg9[%get3A_337, %get3A_338] {strides = array<i32>} : memref<32x1024xf32, #tpu.memory_space<vmem>>, vector<1x16xf32>,
      %get3A_340 = vector.shape_cast %get3A_339 : vector<1x16xf32> to vector<16xf32>
      %add3A_341 = arith.addf %get3A_336, %get3A_340 : vector<16xf32>
      %swap3A_342 = arith.index_cast %scan3A_40 : i32 to index
      %swap3A_343 = arith.constant 336 : index
      %swap3A_344 = tpu.vector_load %arg8[%swap3A_342, %swap3A_343] {strides = array<i32>} : memref<32x1024xf32, #tpu.memory_space<vmem>>, vector<1x16xf32>,
      %swap3A_345 = vector.shape_cast %swap3A_344 : vector<1x16xf32> to vector<16xf32>
      %swap3A_346 = vector.shape_cast %add3A_341 : vector<16xf32> to vector<1x16xf32>
      tpu.vector_store %arg8[%swap3A_342, %swap3A_343], %swap3A_346 {strides = array<i32>} : memref<32x1024xf32, #tpu.memory_space<vmem>>, vector<1x16xf32>,
      %get3A_347 = arith.index_cast %scan3A_40 : i32 to index
      %get3A_348 = arith.constant 352 : index
      %get3A_349 = tpu.vector_load %arg8[%get3A_347, %get3A_348] {strides = array<i32>} : memref<32x1024xf32, #tpu.memory_space<vmem>>, vector<1x16xf32>,
      %get3A_350 = vector.shape_cast %get3A_349 : vector<1x16xf32> to vector<16xf32>
      %get3A_351 = arith.index_cast %scan3A_40 : i32 to index
      %get3A_352 = arith.constant 352 : index
      %get3A_353 = tpu.vector_load %arg9[%get3A_351, %get3A_352] {strides = array<i32>} : memref<32x1024xf32, #tpu.memory_space<vmem>>, vector<1x16xf32>,
      %get3A_354 = vector.shape_cast %get3A_353 : vector<1x16xf32> to vector<16xf32>
      %add3A_355 = arith.addf %get3A_350, %get3A_354 : vector<16xf32>
      %swap3A_356 = arith.index_cast %scan3A_40 : i32 to index
      %swap3A_357 = arith.constant 352 : index
      %swap3A_358 = tpu.vector_load %arg8[%swap3A_356, %swap3A_357] {strides = array<i32>} : memref<32x1024xf32, #tpu.memory_space<vmem>>, vector<1x16xf32>,
      %swap3A_359 = vector.shape_cast %swap3A_358 : vector<1x16xf32> to vector<16xf32>
      %swap3A_360 = vector.shape_cast %add3A_355 : vector<16xf32> to vector<1x16xf32>
      tpu.vector_store %arg8[%swap3A_356, %swap3A_357], %swap3A_360 {strides = array<i32>} : memref<32x1024xf32, #tpu.memory_space<vmem>>, vector<1x16xf32>,
      %get3A_361 = arith.index_cast %scan3A_40 : i32 to index
      %get3A_362 = arith.constant 368 : index
      %get3A_363 = tpu.vector_load %arg8[%get3A_361, %get3A_362] {strides = array<i32>} : memref<32x1024xf32, #tpu.memory_space<vmem>>, vector<1x16xf32>,
      %get3A_364 = vector.shape_cast %get3A_363 : vector<1x16xf32> to vector<16xf32>
      %get3A_365 = arith.index_cast %scan3A_40 : i32 to index
      %get3A_366 = arith.constant 368 : index
      %get3A_367 = tpu.vector_load %arg9[%get3A_365, %get3A_366] {strides = array<i32>} : memref<32x1024xf32, #tpu.memory_space<vmem>>, vector<1x16xf32>,
      %get3A_368 = vector.shape_cast %get3A_367 : vector<1x16xf32> to vector<16xf32>
      %add3A_369 = arith.addf %get3A_364, %get3A_368 : vector<16xf32>
      %swap3A_370 = arith.index_cast %scan3A_40 : i32 to index
      %swap3A_371 = arith.constant 368 : index
      %swap3A_372 = tpu.vector_load %arg8[%swap3A_370, %swap3A_371] {strides = array<i32>} : memref<32x1024xf32, #tpu.memory_space<vmem>>, vector<1x16xf32>,
      %swap3A_373 = vector.shape_cast %swap3A_372 : vector<1x16xf32> to vector<16xf32>
      %swap3A_374 = vector.shape_cast %add3A_369 : vector<16xf32> to vector<1x16xf32>
      tpu.vector_store %arg8[%swap3A_370, %swap3A_371], %swap3A_374 {strides = array<i32>} : memref<32x1024xf32, #tpu.memory_space<vmem>>, vector<1x16xf32>,
      %get3A_375 = arith.index_cast %scan3A_40 : i32 to index
      %get3A_376 = arith.constant 384 : index
      %get3A_377 = tpu.vector_load %arg8[%get3A_375, %get3A_376] {strides = array<i32>} : memref<32x1024xf32, #tpu.memory_space<vmem>>, vector<1x16xf32>,
      %get3A_378 = vector.shape_cast %get3A_377 : vector<1x16xf32> to vector<16xf32>
      %get3A_379 = arith.index_cast %scan3A_40 : i32 to index
      %get3A_380 = arith.constant 384 : index
      %get3A_381 = tpu.vector_load %arg9[%get3A_379, %get3A_380] {strides = array<i32>} : memref<32x1024xf32, #tpu.memory_space<vmem>>, vector<1x16xf32>,
      %get3A_382 = vector.shape_cast %get3A_381 : vector<1x16xf32> to vector<16xf32>
      %add3A_383 = arith.addf %get3A_378, %get3A_382 : vector<16xf32>
      %swap3A_384 = arith.index_cast %scan3A_40 : i32 to index
      %swap3A_385 = arith.constant 384 : index
      %swap3A_386 = tpu.vector_load %arg8[%swap3A_384, %swap3A_385] {strides = array<i32>} : memref<32x1024xf32, #tpu.memory_space<vmem>>, vector<1x16xf32>,
      %swap3A_387 = vector.shape_cast %swap3A_386 : vector<1x16xf32> to vector<16xf32>
      %swap3A_388 = vector.shape_cast %add3A_383 : vector<16xf32> to vector<1x16xf32>
      tpu.vector_store %arg8[%swap3A_384, %swap3A_385], %swap3A_388 {strides = array<i32>} : memref<32x1024xf32, #tpu.memory_space<vmem>>, vector<1x16xf32>,
      %get3A_389 = arith.index_cast %scan3A_40 : i32 to index
      %get3A_390 = arith.constant 400 : index
      %get3A_391 = tpu.vector_load %arg8[%get3A_389, %get3A_390] {strides = array<i32>} : memref<32x1024xf32, #tpu.memory_space<vmem>>, vector<1x16xf32>,
      %get3A_392 = vector.shape_cast %get3A_391 : vector<1x16xf32> to vector<16xf32>
      %get3A_393 = arith.index_cast %scan3A_40 : i32 to index
      %get3A_394 = arith.constant 400 : index
      %get3A_395 = tpu.vector_load %arg9[%get3A_393, %get3A_394] {strides = array<i32>} : memref<32x1024xf32, #tpu.memory_space<vmem>>, vector<1x16xf32>,
      %get3A_396 = vector.shape_cast %get3A_395 : vector<1x16xf32> to vector<16xf32>
      %add3A_397 = arith.addf %get3A_392, %get3A_396 : vector<16xf32>
      %swap3A_398 = arith.index_cast %scan3A_40 : i32 to index
      %swap3A_399 = arith.constant 400 : index
      %swap3A_400 = tpu.vector_load %arg8[%swap3A_398, %swap3A_399] {strides = array<i32>} : memref<32x1024xf32, #tpu.memory_space<vmem>>, vector<1x16xf32>,
      %swap3A_401 = vector.shape_cast %swap3A_400 : vector<1x16xf32> to vector<16xf32>
      %swap3A_402 = vector.shape_cast %add3A_397 : vector<16xf32> to vector<1x16xf32>
      tpu.vector_store %arg8[%swap3A_398, %swap3A_399], %swap3A_402 {strides = array<i32>} : memref<32x1024xf32, #tpu.memory_space<vmem>>, vector<1x16xf32>,
      %get3A_403 = arith.index_cast %scan3A_40 : i32 to index
      %get3A_404 = arith.constant 416 : index
      %get3A_405 = tpu.vector_load %arg8[%get3A_403, %get3A_404] {strides = array<i32>} : memref<32x1024xf32, #tpu.memory_space<vmem>>, vector<1x16xf32>,
      %get3A_406 = vector.shape_cast %get3A_405 : vector<1x16xf32> to vector<16xf32>
      %get3A_407 = arith.index_cast %scan3A_40 : i32 to index
      %get3A_408 = arith.constant 416 : index
      %get3A_409 = tpu.vector_load %arg9[%get3A_407, %get3A_408] {strides = array<i32>} : memref<32x1024xf32, #tpu.memory_space<vmem>>, vector<1x16xf32>,
      %get3A_410 = vector.shape_cast %get3A_409 : vector<1x16xf32> to vector<16xf32>
      %add3A_411 = arith.addf %get3A_406, %get3A_410 : vector<16xf32>
      %swap3A_412 = arith.index_cast %scan3A_40 : i32 to index
      %swap3A_413 = arith.constant 416 : index
      %swap3A_414 = tpu.vector_load %arg8[%swap3A_412, %swap3A_413] {strides = array<i32>} : memref<32x1024xf32, #tpu.memory_space<vmem>>, vector<1x16xf32>,
      %swap3A_415 = vector.shape_cast %swap3A_414 : vector<1x16xf32> to vector<16xf32>
      %swap3A_416 = vector.shape_cast %add3A_411 : vector<16xf32> to vector<1x16xf32>
      tpu.vector_store %arg8[%swap3A_412, %swap3A_413], %swap3A_416 {strides = array<i32>} : memref<32x1024xf32, #tpu.memory_space<vmem>>, vector<1x16xf32>,
      %get3A_417 = arith.index_cast %scan3A_40 : i32 to index
      %get3A_418 = arith.constant 432 : index
      %get3A_419 = tpu.vector_load %arg8[%get3A_417, %get3A_418] {strides = array<i32>} : memref<32x1024xf32, #tpu.memory_space<vmem>>, vector<1x16xf32>,
      %get3A_420 = vector.shape_cast %get3A_419 : vector<1x16xf32> to vector<16xf32>
      %get3A_421 = arith.index_cast %scan3A_40 : i32 to index
      %get3A_422 = arith.constant 432 : index
      %get3A_423 = tpu.vector_load %arg9[%get3A_421, %get3A_422] {strides = array<i32>} : memref<32x1024xf32, #tpu.memory_space<vmem>>, vector<1x16xf32>,
      %get3A_424 = vector.shape_cast %get3A_423 : vector<1x16xf32> to vector<16xf32>
      %add3A_425 = arith.addf %get3A_420, %get3A_424 : vector<16xf32>
      %swap3A_426 = arith.index_cast %scan3A_40 : i32 to index
      %swap3A_427 = arith.constant 432 : index
      %swap3A_428 = tpu.vector_load %arg8[%swap3A_426, %swap3A_427] {strides = array<i32>} : memref<32x1024xf32, #tpu.memory_space<vmem>>, vector<1x16xf32>,
      %swap3A_429 = vector.shape_cast %swap3A_428 : vector<1x16xf32> to vector<16xf32>
      %swap3A_430 = vector.shape_cast %add3A_425 : vector<16xf32> to vector<1x16xf32>
      tpu.vector_store %arg8[%swap3A_426, %swap3A_427], %swap3A_430 {strides = array<i32>} : memref<32x1024xf32, #tpu.memory_space<vmem>>, vector<1x16xf32>,
      %get3A_431 = arith.index_cast %scan3A_40 : i32 to index
      %get3A_432 = arith.constant 448 : index
      %get3A_433 = tpu.vector_load %arg8[%get3A_431, %get3A_432] {strides = array<i32>} : memref<32x1024xf32, #tpu.memory_space<vmem>>, vector<1x16xf32>,
      %get3A_434 = vector.shape_cast %get3A_433 : vector<1x16xf32> to vector<16xf32>
      %get3A_435 = arith.index_cast %scan3A_40 : i32 to index
      %get3A_436 = arith.constant 448 : index
      %get3A_437 = tpu.vector_load %arg9[%get3A_435, %get3A_436] {strides = array<i32>} : memref<32x1024xf32, #tpu.memory_space<vmem>>, vector<1x16xf32>,
      %get3A_438 = vector.shape_cast %get3A_437 : vector<1x16xf32> to vector<16xf32>
      %add3A_439 = arith.addf %get3A_434, %get3A_438 : vector<16xf32>
      %swap3A_440 = arith.index_cast %scan3A_40 : i32 to index
      %swap3A_441 = arith.constant 448 : index
      %swap3A_442 = tpu.vector_load %arg8[%swap3A_440, %swap3A_441] {strides = array<i32>} : memref<32x1024xf32, #tpu.memory_space<vmem>>, vector<1x16xf32>,
      %swap3A_443 = vector.shape_cast %swap3A_442 : vector<1x16xf32> to vector<16xf32>
      %swap3A_444 = vector.shape_cast %add3A_439 : vector<16xf32> to vector<1x16xf32>
      tpu.vector_store %arg8[%swap3A_440, %swap3A_441], %swap3A_444 {strides = array<i32>} : memref<32x1024xf32, #tpu.memory_space<vmem>>, vector<1x16xf32>,
      %get3A_445 = arith.index_cast %scan3A_40 : i32 to index
      %get3A_446 = arith.constant 464 : index
      %get3A_447 = tpu.vector_load %arg8[%get3A_445, %get3A_446] {strides = array<i32>} : memref<32x1024xf32, #tpu.memory_space<vmem>>, vector<1x16xf32>,
      %get3A_448 = vector.shape_cast %get3A_447 : vector<1x16xf32> to vector<16xf32>
      %get3A_449 = arith.index_cast %scan3A_40 : i32 to index
      %get3A_450 = arith.constant 464 : index
      %get3A_451 = tpu.vector_load %arg9[%get3A_449, %get3A_450] {strides = array<i32>} : memref<32x1024xf32, #tpu.memory_space<vmem>>, vector<1x16xf32>,
      %get3A_452 = vector.shape_cast %get3A_451 : vector<1x16xf32> to vector<16xf32>
      %add3A_453 = arith.addf %get3A_448, %get3A_452 : vector<16xf32>
      %swap3A_454 = arith.index_cast %scan3A_40 : i32 to index
      %swap3A_455 = arith.constant 464 : index
      %swap3A_456 = tpu.vector_load %arg8[%swap3A_454, %swap3A_455] {strides = array<i32>} : memref<32x1024xf32, #tpu.memory_space<vmem>>, vector<1x16xf32>,
      %swap3A_457 = vector.shape_cast %swap3A_456 : vector<1x16xf32> to vector<16xf32>
      %swap3A_458 = vector.shape_cast %add3A_453 : vector<16xf32> to vector<1x16xf32>
      tpu.vector_store %arg8[%swap3A_454, %swap3A_455], %swap3A_458 {strides = array<i32>} : memref<32x1024xf32, #tpu.memory_space<vmem>>, vector<1x16xf32>,
      %get3A_459 = arith.index_cast %scan3A_40 : i32 to index
      %get3A_460 = arith.constant 480 : index
      %get3A_461 = tpu.vector_load %arg8[%get3A_459, %get3A_460] {strides = array<i32>} : memref<32x1024xf32, #tpu.memory_space<vmem>>, vector<1x16xf32>,
      %get3A_462 = vector.shape_cast %get3A_461 : vector<1x16xf32> to vector<16xf32>
      %get3A_463 = arith.index_cast %scan3A_40 : i32 to index
      %get3A_464 = arith.constant 480 : index
      %get3A_465 = tpu.vector_load %arg9[%get3A_463, %get3A_464] {strides = array<i32>} : memref<32x1024xf32, #tpu.memory_space<vmem>>, vector<1x16xf32>,
      %get3A_466 = vector.shape_cast %get3A_465 : vector<1x16xf32> to vector<16xf32>
      %add3A_467 = arith.addf %get3A_462, %get3A_466 : vector<16xf32>
      %swap3A_468 = arith.index_cast %scan3A_40 : i32 to index
      %swap3A_469 = arith.constant 480 : index
      %swap3A_470 = tpu.vector_load %arg8[%swap3A_468, %swap3A_469] {strides = array<i32>} : memref<32x1024xf32, #tpu.memory_space<vmem>>, vector<1x16xf32>,
      %swap3A_471 = vector.shape_cast %swap3A_470 : vector<1x16xf32> to vector<16xf32>
      %swap3A_472 = vector.shape_cast %add3A_467 : vector<16xf32> to vector<1x16xf32>
      tpu.vector_store %arg8[%swap3A_468, %swap3A_469], %swap3A_472 {strides = array<i32>} : memref<32x1024xf32, #tpu.memory_space<vmem>>, vector<1x16xf32>,
      %get3A_473 = arith.index_cast %scan3A_40 : i32 to index
      %get3A_474 = arith.constant 496 : index
      %get3A_475 = tpu.vector_load %arg8[%get3A_473, %get3A_474] {strides = array<i32>} : memref<32x1024xf32, #tpu.memory_space<vmem>>, vector<1x16xf32>,
      %get3A_476 = vector.shape_cast %get3A_475 : vector<1x16xf32> to vector<16xf32>
      %get3A_477 = arith.index_cast %scan3A_40 : i32 to index
      %get3A_478 = arith.constant 496 : index
      %get3A_479 = tpu.vector_load %arg9[%get3A_477, %get3A_478] {strides = array<i32>} : memref<32x1024xf32, #tpu.memory_space<vmem>>, vector<1x16xf32>,
      %get3A_480 = vector.shape_cast %get3A_479 : vector<1x16xf32> to vector<16xf32>
      %add3A_481 = arith.addf %get3A_476, %get3A_480 : vector<16xf32>
      %swap3A_482 = arith.index_cast %scan3A_40 : i32 to index
      %swap3A_483 = arith.constant 496 : index
      %swap3A_484 = tpu.vector_load %arg8[%swap3A_482, %swap3A_483] {strides = array<i32>} : memref<32x1024xf32, #tpu.memory_space<vmem>>, vector<1x16xf32>,
      %swap3A_485 = vector.shape_cast %swap3A_484 : vector<1x16xf32> to vector<16xf32>
      %swap3A_486 = vector.shape_cast %add3A_481 : vector<16xf32> to vector<1x16xf32>
      tpu.vector_store %arg8[%swap3A_482, %swap3A_483], %swap3A_486 {strides = array<i32>} : memref<32x1024xf32, #tpu.memory_space<vmem>>, vector<1x16xf32>,
      %get3A_487 = arith.index_cast %scan3A_40 : i32 to index
      %get3A_488 = arith.constant 512 : index
      %get3A_489 = tpu.vector_load %arg8[%get3A_487, %get3A_488] {strides = array<i32>} : memref<32x1024xf32, #tpu.memory_space<vmem>>, vector<1x16xf32>,
      %get3A_490 = vector.shape_cast %get3A_489 : vector<1x16xf32> to vector<16xf32>
      %get3A_491 = arith.index_cast %scan3A_40 : i32 to index
      %get3A_492 = arith.constant 512 : index
      %get3A_493 = tpu.vector_load %arg9[%get3A_491, %get3A_492] {strides = array<i32>} : memref<32x1024xf32, #tpu.memory_space<vmem>>, vector<1x16xf32>,
      %get3A_494 = vector.shape_cast %get3A_493 : vector<1x16xf32> to vector<16xf32>
      %add3A_495 = arith.addf %get3A_490, %get3A_494 : vector<16xf32>
      %swap3A_496 = arith.index_cast %scan3A_40 : i32 to index
      %swap3A_497 = arith.constant 512 : index
      %swap3A_498 = tpu.vector_load %arg8[%swap3A_496, %swap3A_497] {strides = array<i32>} : memref<32x1024xf32, #tpu.memory_space<vmem>>, vector<1x16xf32>,
      %swap3A_499 = vector.shape_cast %swap3A_498 : vector<1x16xf32> to vector<16xf32>
      %swap3A_500 = vector.shape_cast %add3A_495 : vector<16xf32> to vector<1x16xf32>
      tpu.vector_store %arg8[%swap3A_496, %swap3A_497], %swap3A_500 {strides = array<i32>} : memref<32x1024xf32, #tpu.memory_space<vmem>>, vector<1x16xf32>,
      %get3A_501 = arith.index_cast %scan3A_40 : i32 to index
      %get3A_502 = arith.constant 528 : index
      %get3A_503 = tpu.vector_load %arg8[%get3A_501, %get3A_502] {strides = array<i32>} : memref<32x1024xf32, #tpu.memory_space<vmem>>, vector<1x16xf32>,
      %get3A_504 = vector.shape_cast %get3A_503 : vector<1x16xf32> to vector<16xf32>
      %get3A_505 = arith.index_cast %scan3A_40 : i32 to index
      %get3A_506 = arith.constant 528 : index
      %get3A_507 = tpu.vector_load %arg9[%get3A_505, %get3A_506] {strides = array<i32>} : memref<32x1024xf32, #tpu.memory_space<vmem>>, vector<1x16xf32>,
      %get3A_508 = vector.shape_cast %get3A_507 : vector<1x16xf32> to vector<16xf32>
      %add3A_509 = arith.addf %get3A_504, %get3A_508 : vector<16xf32>
      %swap3A_510 = arith.index_cast %scan3A_40 : i32 to index
      %swap3A_511 = arith.constant 528 : index
      %swap3A_512 = tpu.vector_load %arg8[%swap3A_510, %swap3A_511] {strides = array<i32>} : memref<32x1024xf32, #tpu.memory_space<vmem>>, vector<1x16xf32>,
      %swap3A_513 = vector.shape_cast %swap3A_512 : vector<1x16xf32> to vector<16xf32>
      %swap3A_514 = vector.shape_cast %add3A_509 : vector<16xf32> to vector<1x16xf32>
      tpu.vector_store %arg8[%swap3A_510, %swap3A_511], %swap3A_514 {strides = array<i32>} : memref<32x1024xf32, #tpu.memory_space<vmem>>, vector<1x16xf32>,
      %get3A_515 = arith.index_cast %scan3A_40 : i32 to index
      %get3A_516 = arith.constant 544 : index
      %get3A_517 = tpu.vector_load %arg8[%get3A_515, %get3A_516] {strides = array<i32>} : memref<32x1024xf32, #tpu.memory_space<vmem>>, vector<1x16xf32>,
      %get3A_518 = vector.shape_cast %get3A_517 : vector<1x16xf32> to vector<16xf32>
      %get3A_519 = arith.index_cast %scan3A_40 : i32 to index
      %get3A_520 = arith.constant 544 : index
      %get3A_521 = tpu.vector_load %arg9[%get3A_519, %get3A_520] {strides = array<i32>} : memref<32x1024xf32, #tpu.memory_space<vmem>>, vector<1x16xf32>,
      %get3A_522 = vector.shape_cast %get3A_521 : vector<1x16xf32> to vector<16xf32>
      %add3A_523 = arith.addf %get3A_518, %get3A_522 : vector<16xf32>
      %swap3A_524 = arith.index_cast %scan3A_40 : i32 to index
      %swap3A_525 = arith.constant 544 : index
      %swap3A_526 = tpu.vector_load %arg8[%swap3A_524, %swap3A_525] {strides = array<i32>} : memref<32x1024xf32, #tpu.memory_space<vmem>>, vector<1x16xf32>,
      %swap3A_527 = vector.shape_cast %swap3A_526 : vector<1x16xf32> to vector<16xf32>
      %swap3A_528 = vector.shape_cast %add3A_523 : vector<16xf32> to vector<1x16xf32>
      tpu.vector_store %arg8[%swap3A_524, %swap3A_525], %swap3A_528 {strides = array<i32>} : memref<32x1024xf32, #tpu.memory_space<vmem>>, vector<1x16xf32>,
      %get3A_529 = arith.index_cast %scan3A_40 : i32 to index
      %get3A_530 = arith.constant 560 : index
      %get3A_531 = tpu.vector_load %arg8[%get3A_529, %get3A_530] {strides = array<i32>} : memref<32x1024xf32, #tpu.memory_space<vmem>>, vector<1x16xf32>,
      %get3A_532 = vector.shape_cast %get3A_531 : vector<1x16xf32> to vector<16xf32>
      %get3A_533 = arith.index_cast %scan3A_40 : i32 to index
      %get3A_534 = arith.constant 560 : index
      %get3A_535 = tpu.vector_load %arg9[%get3A_533, %get3A_534] {strides = array<i32>} : memref<32x1024xf32, #tpu.memory_space<vmem>>, vector<1x16xf32>,
      %get3A_536 = vector.shape_cast %get3A_535 : vector<1x16xf32> to vector<16xf32>
      %add3A_537 = arith.addf %get3A_532, %get3A_536 : vector<16xf32>
      %swap3A_538 = arith.index_cast %scan3A_40 : i32 to index
      %swap3A_539 = arith.constant 560 : index
      %swap3A_540 = tpu.vector_load %arg8[%swap3A_538, %swap3A_539] {strides = array<i32>} : memref<32x1024xf32, #tpu.memory_space<vmem>>, vector<1x16xf32>,
      %swap3A_541 = vector.shape_cast %swap3A_540 : vector<1x16xf32> to vector<16xf32>
      %swap3A_542 = vector.shape_cast %add3A_537 : vector<16xf32> to vector<1x16xf32>
      tpu.vector_store %arg8[%swap3A_538, %swap3A_539], %swap3A_542 {strides = array<i32>} : memref<32x1024xf32, #tpu.memory_space<vmem>>, vector<1x16xf32>,
      %get3A_543 = arith.index_cast %scan3A_40 : i32 to index
      %get3A_544 = arith.constant 576 : index
      %get3A_545 = tpu.vector_load %arg8[%get3A_543, %get3A_544] {strides = array<i32>} : memref<32x1024xf32, #tpu.memory_space<vmem>>, vector<1x16xf32>,
      %get3A_546 = vector.shape_cast %get3A_545 : vector<1x16xf32> to vector<16xf32>
      %get3A_547 = arith.index_cast %scan3A_40 : i32 to index
      %get3A_548 = arith.constant 576 : index
      %get3A_549 = tpu.vector_load %arg9[%get3A_547, %get3A_548] {strides = array<i32>} : memref<32x1024xf32, #tpu.memory_space<vmem>>, vector<1x16xf32>,
      %get3A_550 = vector.shape_cast %get3A_549 : vector<1x16xf32> to vector<16xf32>
      %add3A_551 = arith.addf %get3A_546, %get3A_550 : vector<16xf32>
      %swap3A_552 = arith.index_cast %scan3A_40 : i32 to index
      %swap3A_553 = arith.constant 576 : index
      %swap3A_554 = tpu.vector_load %arg8[%swap3A_552, %swap3A_553] {strides = array<i32>} : memref<32x1024xf32, #tpu.memory_space<vmem>>, vector<1x16xf32>,
      %swap3A_555 = vector.shape_cast %swap3A_554 : vector<1x16xf32> to vector<16xf32>
      %swap3A_556 = vector.shape_cast %add3A_551 : vector<16xf32> to vector<1x16xf32>
      tpu.vector_store %arg8[%swap3A_552, %swap3A_553], %swap3A_556 {strides = array<i32>} : memref<32x1024xf32, #tpu.memory_space<vmem>>, vector<1x16xf32>,
      %get3A_557 = arith.index_cast %scan3A_40 : i32 to index
      %get3A_558 = arith.constant 592 : index
      %get3A_559 = tpu.vector_load %arg8[%get3A_557, %get3A_558] {strides = array<i32>} : memref<32x1024xf32, #tpu.memory_space<vmem>>, vector<1x16xf32>,
      %get3A_560 = vector.shape_cast %get3A_559 : vector<1x16xf32> to vector<16xf32>
      %get3A_561 = arith.index_cast %scan3A_40 : i32 to index
      %get3A_562 = arith.constant 592 : index
      %get3A_563 = tpu.vector_load %arg9[%get3A_561, %get3A_562] {strides = array<i32>} : memref<32x1024xf32, #tpu.memory_space<vmem>>, vector<1x16xf32>,
      %get3A_564 = vector.shape_cast %get3A_563 : vector<1x16xf32> to vector<16xf32>
      %add3A_565 = arith.addf %get3A_560, %get3A_564 : vector<16xf32>
      %swap3A_566 = arith.index_cast %scan3A_40 : i32 to index
      %swap3A_567 = arith.constant 592 : index
      %swap3A_568 = tpu.vector_load %arg8[%swap3A_566, %swap3A_567] {strides = array<i32>} : memref<32x1024xf32, #tpu.memory_space<vmem>>, vector<1x16xf32>,
      %swap3A_569 = vector.shape_cast %swap3A_568 : vector<1x16xf32> to vector<16xf32>
      %swap3A_570 = vector.shape_cast %add3A_565 : vector<16xf32> to vector<1x16xf32>
      tpu.vector_store %arg8[%swap3A_566, %swap3A_567], %swap3A_570 {strides = array<i32>} : memref<32x1024xf32, #tpu.memory_space<vmem>>, vector<1x16xf32>,
      %get3A_571 = arith.index_cast %scan3A_40 : i32 to index
      %get3A_572 = arith.constant 608 : index
      %get3A_573 = tpu.vector_load %arg8[%get3A_571, %get3A_572] {strides = array<i32>} : memref<32x1024xf32, #tpu.memory_space<vmem>>, vector<1x16xf32>,
      %get3A_574 = vector.shape_cast %get3A_573 : vector<1x16xf32> to vector<16xf32>
      %get3A_575 = arith.index_cast %scan3A_40 : i32 to index
      %get3A_576 = arith.constant 608 : index
      %get3A_577 = tpu.vector_load %arg9[%get3A_575, %get3A_576] {strides = array<i32>} : memref<32x1024xf32, #tpu.memory_space<vmem>>, vector<1x16xf32>,
      %get3A_578 = vector.shape_cast %get3A_577 : vector<1x16xf32> to vector<16xf32>
      %add3A_579 = arith.addf %get3A_574, %get3A_578 : vector<16xf32>
      %swap3A_580 = arith.index_cast %scan3A_40 : i32 to index
      %swap3A_581 = arith.constant 608 : index
      %swap3A_582 = tpu.vector_load %arg8[%swap3A_580, %swap3A_581] {strides = array<i32>} : memref<32x1024xf32, #tpu.memory_space<vmem>>, vector<1x16xf32>,
      %swap3A_583 = vector.shape_cast %swap3A_582 : vector<1x16xf32> to vector<16xf32>
      %swap3A_584 = vector.shape_cast %add3A_579 : vector<16xf32> to vector<1x16xf32>
      tpu.vector_store %arg8[%swap3A_580, %swap3A_581], %swap3A_584 {strides = array<i32>} : memref<32x1024xf32, #tpu.memory_space<vmem>>, vector<1x16xf32>,
      %get3A_585 = arith.index_cast %scan3A_40 : i32 to index
      %get3A_586 = arith.constant 624 : index
      %get3A_587 = tpu.vector_load %arg8[%get3A_585, %get3A_586] {strides = array<i32>} : memref<32x1024xf32, #tpu.memory_space<vmem>>, vector<1x16xf32>,
      %get3A_588 = vector.shape_cast %get3A_587 : vector<1x16xf32> to vector<16xf32>
      %get3A_589 = arith.index_cast %scan3A_40 : i32 to index
      %get3A_590 = arith.constant 624 : index
      %get3A_591 = tpu.vector_load %arg9[%get3A_589, %get3A_590] {strides = array<i32>} : memref<32x1024xf32, #tpu.memory_space<vmem>>, vector<1x16xf32>,
      %get3A_592 = vector.shape_cast %get3A_591 : vector<1x16xf32> to vector<16xf32>
      %add3A_593 = arith.addf %get3A_588, %get3A_592 : vector<16xf32>
      %swap3A_594 = arith.index_cast %scan3A_40 : i32 to index
      %swap3A_595 = arith.constant 624 : index
      %swap3A_596 = tpu.vector_load %arg8[%swap3A_594, %swap3A_595] {strides = array<i32>} : memref<32x1024xf32, #tpu.memory_space<vmem>>, vector<1x16xf32>,
      %swap3A_597 = vector.shape_cast %swap3A_596 : vector<1x16xf32> to vector<16xf32>
      %swap3A_598 = vector.shape_cast %add3A_593 : vector<16xf32> to vector<1x16xf32>
      tpu.vector_store %arg8[%swap3A_594, %swap3A_595], %swap3A_598 {strides = array<i32>} : memref<32x1024xf32, #tpu.memory_space<vmem>>, vector<1x16xf32>,
      %get3A_599 = arith.index_cast %scan3A_40 : i32 to index
      %get3A_600 = arith.constant 640 : index
      %get3A_601 = tpu.vector_load %arg8[%get3A_599, %get3A_600] {strides = array<i32>} : memref<32x1024xf32, #tpu.memory_space<vmem>>, vector<1x16xf32>,
      %get3A_602 = vector.shape_cast %get3A_601 : vector<1x16xf32> to vector<16xf32>
      %get3A_603 = arith.index_cast %scan3A_40 : i32 to index
      %get3A_604 = arith.constant 640 : index
      %get3A_605 = tpu.vector_load %arg9[%get3A_603, %get3A_604] {strides = array<i32>} : memref<32x1024xf32, #tpu.memory_space<vmem>>, vector<1x16xf32>,
      %get3A_606 = vector.shape_cast %get3A_605 : vector<1x16xf32> to vector<16xf32>
      %add3A_607 = arith.addf %get3A_602, %get3A_606 : vector<16xf32>
      %swap3A_608 = arith.index_cast %scan3A_40 : i32 to index
      %swap3A_609 = arith.constant 640 : index
      %swap3A_610 = tpu.vector_load %arg8[%swap3A_608, %swap3A_609] {strides = array<i32>} : memref<32x1024xf32, #tpu.memory_space<vmem>>, vector<1x16xf32>,
      %swap3A_611 = vector.shape_cast %swap3A_610 : vector<1x16xf32> to vector<16xf32>
      %swap3A_612 = vector.shape_cast %add3A_607 : vector<16xf32> to vector<1x16xf32>
      tpu.vector_store %arg8[%swap3A_608, %swap3A_609], %swap3A_612 {strides = array<i32>} : memref<32x1024xf32, #tpu.memory_space<vmem>>, vector<1x16xf32>,
      %get3A_613 = arith.index_cast %scan3A_40 : i32 to index
      %get3A_614 = arith.constant 656 : index
      %get3A_615 = tpu.vector_load %arg8[%get3A_613, %get3A_614] {strides = array<i32>} : memref<32x1024xf32, #tpu.memory_space<vmem>>, vector<1x16xf32>,
      %get3A_616 = vector.shape_cast %get3A_615 : vector<1x16xf32> to vector<16xf32>
      %get3A_617 = arith.index_cast %scan3A_40 : i32 to index
      %get3A_618 = arith.constant 656 : index
      %get3A_619 = tpu.vector_load %arg9[%get3A_617, %get3A_618] {strides = array<i32>} : memref<32x1024xf32, #tpu.memory_space<vmem>>, vector<1x16xf32>,
      %get3A_620 = vector.shape_cast %get3A_619 : vector<1x16xf32> to vector<16xf32>
      %add3A_621 = arith.addf %get3A_616, %get3A_620 : vector<16xf32>
      %swap3A_622 = arith.index_cast %scan3A_40 : i32 to index
      %swap3A_623 = arith.constant 656 : index
      %swap3A_624 = tpu.vector_load %arg8[%swap3A_622, %swap3A_623] {strides = array<i32>} : memref<32x1024xf32, #tpu.memory_space<vmem>>, vector<1x16xf32>,
      %swap3A_625 = vector.shape_cast %swap3A_624 : vector<1x16xf32> to vector<16xf32>
      %swap3A_626 = vector.shape_cast %add3A_621 : vector<16xf32> to vector<1x16xf32>
      tpu.vector_store %arg8[%swap3A_622, %swap3A_623], %swap3A_626 {strides = array<i32>} : memref<32x1024xf32, #tpu.memory_space<vmem>>, vector<1x16xf32>,
      %get3A_627 = arith.index_cast %scan3A_40 : i32 to index
      %get3A_628 = arith.constant 672 : index
      %get3A_629 = tpu.vector_load %arg8[%get3A_627, %get3A_628] {strides = array<i32>} : memref<32x1024xf32, #tpu.memory_space<vmem>>, vector<1x16xf32>,
      %get3A_630 = vector.shape_cast %get3A_629 : vector<1x16xf32> to vector<16xf32>
      %get3A_631 = arith.index_cast %scan3A_40 : i32 to index
      %get3A_632 = arith.constant 672 : index
      %get3A_633 = tpu.vector_load %arg9[%get3A_631, %get3A_632] {strides = array<i32>} : memref<32x1024xf32, #tpu.memory_space<vmem>>, vector<1x16xf32>,
      %get3A_634 = vector.shape_cast %get3A_633 : vector<1x16xf32> to vector<16xf32>
      %add3A_635 = arith.addf %get3A_630, %get3A_634 : vector<16xf32>
      %swap3A_636 = arith.index_cast %scan3A_40 : i32 to index
      %swap3A_637 = arith.constant 672 : index
      %swap3A_638 = tpu.vector_load %arg8[%swap3A_636, %swap3A_637] {strides = array<i32>} : memref<32x1024xf32, #tpu.memory_space<vmem>>, vector<1x16xf32>,
      %swap3A_639 = vector.shape_cast %swap3A_638 : vector<1x16xf32> to vector<16xf32>
      %swap3A_640 = vector.shape_cast %add3A_635 : vector<16xf32> to vector<1x16xf32>
      tpu.vector_store %arg8[%swap3A_636, %swap3A_637], %swap3A_640 {strides = array<i32>} : memref<32x1024xf32, #tpu.memory_space<vmem>>, vector<1x16xf32>,
      %get3A_641 = arith.index_cast %scan3A_40 : i32 to index
      %get3A_642 = arith.constant 688 : index
      %get3A_643 = tpu.vector_load %arg8[%get3A_641, %get3A_642] {strides = array<i32>} : memref<32x1024xf32, #tpu.memory_space<vmem>>, vector<1x16xf32>,
      %get3A_644 = vector.shape_cast %get3A_643 : vector<1x16xf32> to vector<16xf32>
      %get3A_645 = arith.index_cast %scan3A_40 : i32 to index
      %get3A_646 = arith.constant 688 : index
      %get3A_647 = tpu.vector_load %arg9[%get3A_645, %get3A_646] {strides = array<i32>} : memref<32x1024xf32, #tpu.memory_space<vmem>>, vector<1x16xf32>,
      %get3A_648 = vector.shape_cast %get3A_647 : vector<1x16xf32> to vector<16xf32>
      %add3A_649 = arith.addf %get3A_644, %get3A_648 : vector<16xf32>
      %swap3A_650 = arith.index_cast %scan3A_40 : i32 to index
      %swap3A_651 = arith.constant 688 : index
      %swap3A_652 = tpu.vector_load %arg8[%swap3A_650, %swap3A_651] {strides = array<i32>} : memref<32x1024xf32, #tpu.memory_space<vmem>>, vector<1x16xf32>,
      %swap3A_653 = vector.shape_cast %swap3A_652 : vector<1x16xf32> to vector<16xf32>
      %swap3A_654 = vector.shape_cast %add3A_649 : vector<16xf32> to vector<1x16xf32>
      tpu.vector_store %arg8[%swap3A_650, %swap3A_651], %swap3A_654 {strides = array<i32>} : memref<32x1024xf32, #tpu.memory_space<vmem>>, vector<1x16xf32>,
      %get3A_655 = arith.index_cast %scan3A_40 : i32 to index
      %get3A_656 = arith.constant 704 : index
      %get3A_657 = tpu.vector_load %arg8[%get3A_655, %get3A_656] {strides = array<i32>} : memref<32x1024xf32, #tpu.memory_space<vmem>>, vector<1x16xf32>,
      %get3A_658 = vector.shape_cast %get3A_657 : vector<1x16xf32> to vector<16xf32>
      %get3A_659 = arith.index_cast %scan3A_40 : i32 to index
      %get3A_660 = arith.constant 704 : index
      %get3A_661 = tpu.vector_load %arg9[%get3A_659, %get3A_660] {strides = array<i32>} : memref<32x1024xf32, #tpu.memory_space<vmem>>, vector<1x16xf32>,
      %get3A_662 = vector.shape_cast %get3A_661 : vector<1x16xf32> to vector<16xf32>
      %add3A_663 = arith.addf %get3A_658, %get3A_662 : vector<16xf32>
      %swap3A_664 = arith.index_cast %scan3A_40 : i32 to index
      %swap3A_665 = arith.constant 704 : index
      %swap3A_666 = tpu.vector_load %arg8[%swap3A_664, %swap3A_665] {strides = array<i32>} : memref<32x1024xf32, #tpu.memory_space<vmem>>, vector<1x16xf32>,
      %swap3A_667 = vector.shape_cast %swap3A_666 : vector<1x16xf32> to vector<16xf32>
      %swap3A_668 = vector.shape_cast %add3A_663 : vector<16xf32> to vector<1x16xf32>
      tpu.vector_store %arg8[%swap3A_664, %swap3A_665], %swap3A_668 {strides = array<i32>} : memref<32x1024xf32, #tpu.memory_space<vmem>>, vector<1x16xf32>,
      %get3A_669 = arith.index_cast %scan3A_40 : i32 to index
      %get3A_670 = arith.constant 720 : index
      %get3A_671 = tpu.vector_load %arg8[%get3A_669, %get3A_670] {strides = array<i32>} : memref<32x1024xf32, #tpu.memory_space<vmem>>, vector<1x16xf32>,
      %get3A_672 = vector.shape_cast %get3A_671 : vector<1x16xf32> to vector<16xf32>
      %get3A_673 = arith.index_cast %scan3A_40 : i32 to index
      %get3A_674 = arith.constant 720 : index
      %get3A_675 = tpu.vector_load %arg9[%get3A_673, %get3A_674] {strides = array<i32>} : memref<32x1024xf32, #tpu.memory_space<vmem>>, vector<1x16xf32>,
      %get3A_676 = vector.shape_cast %get3A_675 : vector<1x16xf32> to vector<16xf32>
      %add3A_677 = arith.addf %get3A_672, %get3A_676 : vector<16xf32>
      %swap3A_678 = arith.index_cast %scan3A_40 : i32 to index
      %swap3A_679 = arith.constant 720 : index
      %swap3A_680 = tpu.vector_load %arg8[%swap3A_678, %swap3A_679] {strides = array<i32>} : memref<32x1024xf32, #tpu.memory_space<vmem>>, vector<1x16xf32>,
      %swap3A_681 = vector.shape_cast %swap3A_680 : vector<1x16xf32> to vector<16xf32>
      %swap3A_682 = vector.shape_cast %add3A_677 : vector<16xf32> to vector<1x16xf32>
      tpu.vector_store %arg8[%swap3A_678, %swap3A_679], %swap3A_682 {strides = array<i32>} : memref<32x1024xf32, #tpu.memory_space<vmem>>, vector<1x16xf32>,
      %get3A_683 = arith.index_cast %scan3A_40 : i32 to index
      %get3A_684 = arith.constant 736 : index
      %get3A_685 = tpu.vector_load %arg8[%get3A_683, %get3A_684] {strides = array<i32>} : memref<32x1024xf32, #tpu.memory_space<vmem>>, vector<1x16xf32>,
      %get3A_686 = vector.shape_cast %get3A_685 : vector<1x16xf32> to vector<16xf32>
      %get3A_687 = arith.index_cast %scan3A_40 : i32 to index
      %get3A_688 = arith.constant 736 : index
      %get3A_689 = tpu.vector_load %arg9[%get3A_687, %get3A_688] {strides = array<i32>} : memref<32x1024xf32, #tpu.memory_space<vmem>>, vector<1x16xf32>,
      %get3A_690 = vector.shape_cast %get3A_689 : vector<1x16xf32> to vector<16xf32>
      %add3A_691 = arith.addf %get3A_686, %get3A_690 : vector<16xf32>
      %swap3A_692 = arith.index_cast %scan3A_40 : i32 to index
      %swap3A_693 = arith.constant 736 : index
      %swap3A_694 = tpu.vector_load %arg8[%swap3A_692, %swap3A_693] {strides = array<i32>} : memref<32x1024xf32, #tpu.memory_space<vmem>>, vector<1x16xf32>,
      %swap3A_695 = vector.shape_cast %swap3A_694 : vector<1x16xf32> to vector<16xf32>
      %swap3A_696 = vector.shape_cast %add3A_691 : vector<16xf32> to vector<1x16xf32>
      tpu.vector_store %arg8[%swap3A_692, %swap3A_693], %swap3A_696 {strides = array<i32>} : memref<32x1024xf32, #tpu.memory_space<vmem>>, vector<1x16xf32>,
      %get3A_697 = arith.index_cast %scan3A_40 : i32 to index
      %get3A_698 = arith.constant 752 : index
      %get3A_699 = tpu.vector_load %arg8[%get3A_697, %get3A_698] {strides = array<i32>} : memref<32x1024xf32, #tpu.memory_space<vmem>>, vector<1x16xf32>,
      %get3A_700 = vector.shape_cast %get3A_699 : vector<1x16xf32> to vector<16xf32>
      %get3A_701 = arith.index_cast %scan3A_40 : i32 to index
      %get3A_702 = arith.constant 752 : index
      %get3A_703 = tpu.vector_load %arg9[%get3A_701, %get3A_702] {strides = array<i32>} : memref<32x1024xf32, #tpu.memory_space<vmem>>, vector<1x16xf32>,
      %get3A_704 = vector.shape_cast %get3A_703 : vector<1x16xf32> to vector<16xf32>
      %add3A_705 = arith.addf %get3A_700, %get3A_704 : vector<16xf32>
      %swap3A_706 = arith.index_cast %scan3A_40 : i32 to index
      %swap3A_707 = arith.constant 752 : index
      %swap3A_708 = tpu.vector_load %arg8[%swap3A_706, %swap3A_707] {strides = array<i32>} : memref<32x1024xf32, #tpu.memory_space<vmem>>, vector<1x16xf32>,
      %swap3A_709 = vector.shape_cast %swap3A_708 : vector<1x16xf32> to vector<16xf32>
      %swap3A_710 = vector.shape_cast %add3A_705 : vector<16xf32> to vector<1x16xf32>
      tpu.vector_store %arg8[%swap3A_706, %swap3A_707], %swap3A_710 {strides = array<i32>} : memref<32x1024xf32, #tpu.memory_space<vmem>>, vector<1x16xf32>,
      %get3A_711 = arith.index_cast %scan3A_40 : i32 to index
      %get3A_712 = arith.constant 768 : index
      %get3A_713 = tpu.vector_load %arg8[%get3A_711, %get3A_712] {strides = array<i32>} : memref<32x1024xf32, #tpu.memory_space<vmem>>, vector<1x16xf32>,
      %get3A_714 = vector.shape_cast %get3A_713 : vector<1x16xf32> to vector<16xf32>
      %get3A_715 = arith.index_cast %scan3A_40 : i32 to index
      %get3A_716 = arith.constant 768 : index
      %get3A_717 = tpu.vector_load %arg9[%get3A_715, %get3A_716] {strides = array<i32>} : memref<32x1024xf32, #tpu.memory_space<vmem>>, vector<1x16xf32>,
      %get3A_718 = vector.shape_cast %get3A_717 : vector<1x16xf32> to vector<16xf32>
      %add3A_719 = arith.addf %get3A_714, %get3A_718 : vector<16xf32>
      %swap3A_720 = arith.index_cast %scan3A_40 : i32 to index
      %swap3A_721 = arith.constant 768 : index
      %swap3A_722 = tpu.vector_load %arg8[%swap3A_720, %swap3A_721] {strides = array<i32>} : memref<32x1024xf32, #tpu.memory_space<vmem>>, vector<1x16xf32>,
      %swap3A_723 = vector.shape_cast %swap3A_722 : vector<1x16xf32> to vector<16xf32>
      %swap3A_724 = vector.shape_cast %add3A_719 : vector<16xf32> to vector<1x16xf32>
      tpu.vector_store %arg8[%swap3A_720, %swap3A_721], %swap3A_724 {strides = array<i32>} : memref<32x1024xf32, #tpu.memory_space<vmem>>, vector<1x16xf32>,
      %get3A_725 = arith.index_cast %scan3A_40 : i32 to index
      %get3A_726 = arith.constant 784 : index
      %get3A_727 = tpu.vector_load %arg8[%get3A_725, %get3A_726] {strides = array<i32>} : memref<32x1024xf32, #tpu.memory_space<vmem>>, vector<1x16xf32>,
      %get3A_728 = vector.shape_cast %get3A_727 : vector<1x16xf32> to vector<16xf32>
      %get3A_729 = arith.index_cast %scan3A_40 : i32 to index
      %get3A_730 = arith.constant 784 : index
      %get3A_731 = tpu.vector_load %arg9[%get3A_729, %get3A_730] {strides = array<i32>} : memref<32x1024xf32, #tpu.memory_space<vmem>>, vector<1x16xf32>,
      %get3A_732 = vector.shape_cast %get3A_731 : vector<1x16xf32> to vector<16xf32>
      %add3A_733 = arith.addf %get3A_728, %get3A_732 : vector<16xf32>
      %swap3A_734 = arith.index_cast %scan3A_40 : i32 to index
      %swap3A_735 = arith.constant 784 : index
      %swap3A_736 = tpu.vector_load %arg8[%swap3A_734, %swap3A_735] {strides = array<i32>} : memref<32x1024xf32, #tpu.memory_space<vmem>>, vector<1x16xf32>,
      %swap3A_737 = vector.shape_cast %swap3A_736 : vector<1x16xf32> to vector<16xf32>
      %swap3A_738 = vector.shape_cast %add3A_733 : vector<16xf32> to vector<1x16xf32>
      tpu.vector_store %arg8[%swap3A_734, %swap3A_735], %swap3A_738 {strides = array<i32>} : memref<32x1024xf32, #tpu.memory_space<vmem>>, vector<1x16xf32>,
      %get3A_739 = arith.index_cast %scan3A_40 : i32 to index
      %get3A_740 = arith.constant 800 : index
      %get3A_741 = tpu.vector_load %arg8[%get3A_739, %get3A_740] {strides = array<i32>} : memref<32x1024xf32, #tpu.memory_space<vmem>>, vector<1x16xf32>,
      %get3A_742 = vector.shape_cast %get3A_741 : vector<1x16xf32> to vector<16xf32>
      %get3A_743 = arith.index_cast %scan3A_40 : i32 to index
      %get3A_744 = arith.constant 800 : index
      %get3A_745 = tpu.vector_load %arg9[%get3A_743, %get3A_744] {strides = array<i32>} : memref<32x1024xf32, #tpu.memory_space<vmem>>, vector<1x16xf32>,
      %get3A_746 = vector.shape_cast %get3A_745 : vector<1x16xf32> to vector<16xf32>
      %add3A_747 = arith.addf %get3A_742, %get3A_746 : vector<16xf32>
      %swap3A_748 = arith.index_cast %scan3A_40 : i32 to index
      %swap3A_749 = arith.constant 800 : index
      %swap3A_750 = tpu.vector_load %arg8[%swap3A_748, %swap3A_749] {strides = array<i32>} : memref<32x1024xf32, #tpu.memory_space<vmem>>, vector<1x16xf32>,
      %swap3A_751 = vector.shape_cast %swap3A_750 : vector<1x16xf32> to vector<16xf32>
      %swap3A_752 = vector.shape_cast %add3A_747 : vector<16xf32> to vector<1x16xf32>
      tpu.vector_store %arg8[%swap3A_748, %swap3A_749], %swap3A_752 {strides = array<i32>} : memref<32x1024xf32, #tpu.memory_space<vmem>>, vector<1x16xf32>,
      %get3A_753 = arith.index_cast %scan3A_40 : i32 to index
      %get3A_754 = arith.constant 816 : index
      %get3A_755 = tpu.vector_load %arg8[%get3A_753, %get3A_754] {strides = array<i32>} : memref<32x1024xf32, #tpu.memory_space<vmem>>, vector<1x16xf32>,
      %get3A_756 = vector.shape_cast %get3A_755 : vector<1x16xf32> to vector<16xf32>
      %get3A_757 = arith.index_cast %scan3A_40 : i32 to index
      %get3A_758 = arith.constant 816 : index
      %get3A_759 = tpu.vector_load %arg9[%get3A_757, %get3A_758] {strides = array<i32>} : memref<32x1024xf32, #tpu.memory_space<vmem>>, vector<1x16xf32>,
      %get3A_760 = vector.shape_cast %get3A_759 : vector<1x16xf32> to vector<16xf32>
      %add3A_761 = arith.addf %get3A_756, %get3A_760 : vector<16xf32>
      %swap3A_762 = arith.index_cast %scan3A_40 : i32 to index
      %swap3A_763 = arith.constant 816 : index
      %swap3A_764 = tpu.vector_load %arg8[%swap3A_762, %swap3A_763] {strides = array<i32>} : memref<32x1024xf32, #tpu.memory_space<vmem>>, vector<1x16xf32>,
      %swap3A_765 = vector.shape_cast %swap3A_764 : vector<1x16xf32> to vector<16xf32>
      %swap3A_766 = vector.shape_cast %add3A_761 : vector<16xf32> to vector<1x16xf32>
      tpu.vector_store %arg8[%swap3A_762, %swap3A_763], %swap3A_766 {strides = array<i32>} : memref<32x1024xf32, #tpu.memory_space<vmem>>, vector<1x16xf32>,
      %get3A_767 = arith.index_cast %scan3A_40 : i32 to index
      %get3A_768 = arith.constant 832 : index
      %get3A_769 = tpu.vector_load %arg8[%get3A_767, %get3A_768] {strides = array<i32>} : memref<32x1024xf32, #tpu.memory_space<vmem>>, vector<1x16xf32>,
      %get3A_770 = vector.shape_cast %get3A_769 : vector<1x16xf32> to vector<16xf32>
      %get3A_771 = arith.index_cast %scan3A_40 : i32 to index
      %get3A_772 = arith.constant 832 : index
      %get3A_773 = tpu.vector_load %arg9[%get3A_771, %get3A_772] {strides = array<i32>} : memref<32x1024xf32, #tpu.memory_space<vmem>>, vector<1x16xf32>,
      %get3A_774 = vector.shape_cast %get3A_773 : vector<1x16xf32> to vector<16xf32>
      %add3A_775 = arith.addf %get3A_770, %get3A_774 : vector<16xf32>
      %swap3A_776 = arith.index_cast %scan3A_40 : i32 to index
      %swap3A_777 = arith.constant 832 : index
      %swap3A_778 = tpu.vector_load %arg8[%swap3A_776, %swap3A_777] {strides = array<i32>} : memref<32x1024xf32, #tpu.memory_space<vmem>>, vector<1x16xf32>,
      %swap3A_779 = vector.shape_cast %swap3A_778 : vector<1x16xf32> to vector<16xf32>
      %swap3A_780 = vector.shape_cast %add3A_775 : vector<16xf32> to vector<1x16xf32>
      tpu.vector_store %arg8[%swap3A_776, %swap3A_777], %swap3A_780 {strides = array<i32>} : memref<32x1024xf32, #tpu.memory_space<vmem>>, vector<1x16xf32>,
      %get3A_781 = arith.index_cast %scan3A_40 : i32 to index
      %get3A_782 = arith.constant 848 : index
      %get3A_783 = tpu.vector_load %arg8[%get3A_781, %get3A_782] {strides = array<i32>} : memref<32x1024xf32, #tpu.memory_space<vmem>>, vector<1x16xf32>,
      %get3A_784 = vector.shape_cast %get3A_783 : vector<1x16xf32> to vector<16xf32>
      %get3A_785 = arith.index_cast %scan3A_40 : i32 to index
      %get3A_786 = arith.constant 848 : index
      %get3A_787 = tpu.vector_load %arg9[%get3A_785, %get3A_786] {strides = array<i32>} : memref<32x1024xf32, #tpu.memory_space<vmem>>, vector<1x16xf32>,
      %get3A_788 = vector.shape_cast %get3A_787 : vector<1x16xf32> to vector<16xf32>
      %add3A_789 = arith.addf %get3A_784, %get3A_788 : vector<16xf32>
      %swap3A_790 = arith.index_cast %scan3A_40 : i32 to index
      %swap3A_791 = arith.constant 848 : index
      %swap3A_792 = tpu.vector_load %arg8[%swap3A_790, %swap3A_791] {strides = array<i32>} : memref<32x1024xf32, #tpu.memory_space<vmem>>, vector<1x16xf32>,
      %swap3A_793 = vector.shape_cast %swap3A_792 : vector<1x16xf32> to vector<16xf32>
      %swap3A_794 = vector.shape_cast %add3A_789 : vector<16xf32> to vector<1x16xf32>
      tpu.vector_store %arg8[%swap3A_790, %swap3A_791], %swap3A_794 {strides = array<i32>} : memref<32x1024xf32, #tpu.memory_space<vmem>>, vector<1x16xf32>,
      %get3A_795 = arith.index_cast %scan3A_40 : i32 to index
      %get3A_796 = arith.constant 864 : index
      %get3A_797 = tpu.vector_load %arg8[%get3A_795, %get3A_796] {strides = array<i32>} : memref<32x1024xf32, #tpu.memory_space<vmem>>, vector<1x16xf32>,
      %get3A_798 = vector.shape_cast %get3A_797 : vector<1x16xf32> to vector<16xf32>
      %get3A_799 = arith.index_cast %scan3A_40 : i32 to index
      %get3A_800 = arith.constant 864 : index
      %get3A_801 = tpu.vector_load %arg9[%get3A_799, %get3A_800] {strides = array<i32>} : memref<32x1024xf32, #tpu.memory_space<vmem>>, vector<1x16xf32>,
      %get3A_802 = vector.shape_cast %get3A_801 : vector<1x16xf32> to vector<16xf32>
      %add3A_803 = arith.addf %get3A_798, %get3A_802 : vector<16xf32>
      %swap3A_804 = arith.index_cast %scan3A_40 : i32 to index
      %swap3A_805 = arith.constant 864 : index
      %swap3A_806 = tpu.vector_load %arg8[%swap3A_804, %swap3A_805] {strides = array<i32>} : memref<32x1024xf32, #tpu.memory_space<vmem>>, vector<1x16xf32>,
      %swap3A_807 = vector.shape_cast %swap3A_806 : vector<1x16xf32> to vector<16xf32>
      %swap3A_808 = vector.shape_cast %add3A_803 : vector<16xf32> to vector<1x16xf32>
      tpu.vector_store %arg8[%swap3A_804, %swap3A_805], %swap3A_808 {strides = array<i32>} : memref<32x1024xf32, #tpu.memory_space<vmem>>, vector<1x16xf32>,
      %get3A_809 = arith.index_cast %scan3A_40 : i32 to index
      %get3A_810 = arith.constant 880 : index
      %get3A_811 = tpu.vector_load %arg8[%get3A_809, %get3A_810] {strides = array<i32>} : memref<32x1024xf32, #tpu.memory_space<vmem>>, vector<1x16xf32>,
      %get3A_812 = vector.shape_cast %get3A_811 : vector<1x16xf32> to vector<16xf32>
      %get3A_813 = arith.index_cast %scan3A_40 : i32 to index
      %get3A_814 = arith.constant 880 : index
      %get3A_815 = tpu.vector_load %arg9[%get3A_813, %get3A_814] {strides = array<i32>} : memref<32x1024xf32, #tpu.memory_space<vmem>>, vector<1x16xf32>,
      %get3A_816 = vector.shape_cast %get3A_815 : vector<1x16xf32> to vector<16xf32>
      %add3A_817 = arith.addf %get3A_812, %get3A_816 : vector<16xf32>
      %swap3A_818 = arith.index_cast %scan3A_40 : i32 to index
      %swap3A_819 = arith.constant 880 : index
      %swap3A_820 = tpu.vector_load %arg8[%swap3A_818, %swap3A_819] {strides = array<i32>} : memref<32x1024xf32, #tpu.memory_space<vmem>>, vector<1x16xf32>,
      %swap3A_821 = vector.shape_cast %swap3A_820 : vector<1x16xf32> to vector<16xf32>
      %swap3A_822 = vector.shape_cast %add3A_817 : vector<16xf32> to vector<1x16xf32>
      tpu.vector_store %arg8[%swap3A_818, %swap3A_819], %swap3A_822 {strides = array<i32>} : memref<32x1024xf32, #tpu.memory_space<vmem>>, vector<1x16xf32>,
      %get3A_823 = arith.index_cast %scan3A_40 : i32 to index
      %get3A_824 = arith.constant 896 : index
      %get3A_825 = tpu.vector_load %arg8[%get3A_823, %get3A_824] {strides = array<i32>} : memref<32x1024xf32, #tpu.memory_space<vmem>>, vector<1x16xf32>,
      %get3A_826 = vector.shape_cast %get3A_825 : vector<1x16xf32> to vector<16xf32>
      %get3A_827 = arith.index_cast %scan3A_40 : i32 to index
      %get3A_828 = arith.constant 896 : index
      %get3A_829 = tpu.vector_load %arg9[%get3A_827, %get3A_828] {strides = array<i32>} : memref<32x1024xf32, #tpu.memory_space<vmem>>, vector<1x16xf32>,
      %get3A_830 = vector.shape_cast %get3A_829 : vector<1x16xf32> to vector<16xf32>
      %add3A_831 = arith.addf %get3A_826, %get3A_830 : vector<16xf32>
      %swap3A_832 = arith.index_cast %scan3A_40 : i32 to index
      %swap3A_833 = arith.constant 896 : index
      %swap3A_834 = tpu.vector_load %arg8[%swap3A_832, %swap3A_833] {strides = array<i32>} : memref<32x1024xf32, #tpu.memory_space<vmem>>, vector<1x16xf32>,
      %swap3A_835 = vector.shape_cast %swap3A_834 : vector<1x16xf32> to vector<16xf32>
      %swap3A_836 = vector.shape_cast %add3A_831 : vector<16xf32> to vector<1x16xf32>
      tpu.vector_store %arg8[%swap3A_832, %swap3A_833], %swap3A_836 {strides = array<i32>} : memref<32x1024xf32, #tpu.memory_space<vmem>>, vector<1x16xf32>,
      %get3A_837 = arith.index_cast %scan3A_40 : i32 to index
      %get3A_838 = arith.constant 912 : index
      %get3A_839 = tpu.vector_load %arg8[%get3A_837, %get3A_838] {strides = array<i32>} : memref<32x1024xf32, #tpu.memory_space<vmem>>, vector<1x16xf32>,
      %get3A_840 = vector.shape_cast %get3A_839 : vector<1x16xf32> to vector<16xf32>
      %get3A_841 = arith.index_cast %scan3A_40 : i32 to index
      %get3A_842 = arith.constant 912 : index
      %get3A_843 = tpu.vector_load %arg9[%get3A_841, %get3A_842] {strides = array<i32>} : memref<32x1024xf32, #tpu.memory_space<vmem>>, vector<1x16xf32>,
      %get3A_844 = vector.shape_cast %get3A_843 : vector<1x16xf32> to vector<16xf32>
      %add3A_845 = arith.addf %get3A_840, %get3A_844 : vector<16xf32>
      %swap3A_846 = arith.index_cast %scan3A_40 : i32 to index
      %swap3A_847 = arith.constant 912 : index
      %swap3A_848 = tpu.vector_load %arg8[%swap3A_846, %swap3A_847] {strides = array<i32>} : memref<32x1024xf32, #tpu.memory_space<vmem>>, vector<1x16xf32>,
      %swap3A_849 = vector.shape_cast %swap3A_848 : vector<1x16xf32> to vector<16xf32>
      %swap3A_850 = vector.shape_cast %add3A_845 : vector<16xf32> to vector<1x16xf32>
      tpu.vector_store %arg8[%swap3A_846, %swap3A_847], %swap3A_850 {strides = array<i32>} : memref<32x1024xf32, #tpu.memory_space<vmem>>, vector<1x16xf32>,
      %get3A_851 = arith.index_cast %scan3A_40 : i32 to index
      %get3A_852 = arith.constant 928 : index
      %get3A_853 = tpu.vector_load %arg8[%get3A_851, %get3A_852] {strides = array<i32>} : memref<32x1024xf32, #tpu.memory_space<vmem>>, vector<1x16xf32>,
      %get3A_854 = vector.shape_cast %get3A_853 : vector<1x16xf32> to vector<16xf32>
      %get3A_855 = arith.index_cast %scan3A_40 : i32 to index
      %get3A_856 = arith.constant 928 : index
      %get3A_857 = tpu.vector_load %arg9[%get3A_855, %get3A_856] {strides = array<i32>} : memref<32x1024xf32, #tpu.memory_space<vmem>>, vector<1x16xf32>,
      %get3A_858 = vector.shape_cast %get3A_857 : vector<1x16xf32> to vector<16xf32>
      %add3A_859 = arith.addf %get3A_854, %get3A_858 : vector<16xf32>
      %swap3A_860 = arith.index_cast %scan3A_40 : i32 to index
      %swap3A_861 = arith.constant 928 : index
      %swap3A_862 = tpu.vector_load %arg8[%swap3A_860, %swap3A_861] {strides = array<i32>} : memref<32x1024xf32, #tpu.memory_space<vmem>>, vector<1x16xf32>,
      %swap3A_863 = vector.shape_cast %swap3A_862 : vector<1x16xf32> to vector<16xf32>
      %swap3A_864 = vector.shape_cast %add3A_859 : vector<16xf32> to vector<1x16xf32>
      tpu.vector_store %arg8[%swap3A_860, %swap3A_861], %swap3A_864 {strides = array<i32>} : memref<32x1024xf32, #tpu.memory_space<vmem>>, vector<1x16xf32>,
      %get3A_865 = arith.index_cast %scan3A_40 : i32 to index
      %get3A_866 = arith.constant 944 : index
      %get3A_867 = tpu.vector_load %arg8[%get3A_865, %get3A_866] {strides = array<i32>} : memref<32x1024xf32, #tpu.memory_space<vmem>>, vector<1x16xf32>,
      %get3A_868 = vector.shape_cast %get3A_867 : vector<1x16xf32> to vector<16xf32>
      %get3A_869 = arith.index_cast %scan3A_40 : i32 to index
      %get3A_870 = arith.constant 944 : index
      %get3A_871 = tpu.vector_load %arg9[%get3A_869, %get3A_870] {strides = array<i32>} : memref<32x1024xf32, #tpu.memory_space<vmem>>, vector<1x16xf32>,
      %get3A_872 = vector.shape_cast %get3A_871 : vector<1x16xf32> to vector<16xf32>
      %add3A_873 = arith.addf %get3A_868, %get3A_872 : vector<16xf32>
      %swap3A_874 = arith.index_cast %scan3A_40 : i32 to index
      %swap3A_875 = arith.constant 944 : index
      %swap3A_876 = tpu.vector_load %arg8[%swap3A_874, %swap3A_875] {strides = array<i32>} : memref<32x1024xf32, #tpu.memory_space<vmem>>, vector<1x16xf32>,
      %swap3A_877 = vector.shape_cast %swap3A_876 : vector<1x16xf32> to vector<16xf32>
      %swap3A_878 = vector.shape_cast %add3A_873 : vector<16xf32> to vector<1x16xf32>
      tpu.vector_store %arg8[%swap3A_874, %swap3A_875], %swap3A_878 {strides = array<i32>} : memref<32x1024xf32, #tpu.memory_space<vmem>>, vector<1x16xf32>,
      %get3A_879 = arith.index_cast %scan3A_40 : i32 to index
      %get3A_880 = arith.constant 960 : index
      %get3A_881 = tpu.vector_load %arg8[%get3A_879, %get3A_880] {strides = array<i32>} : memref<32x1024xf32, #tpu.memory_space<vmem>>, vector<1x16xf32>,
      %get3A_882 = vector.shape_cast %get3A_881 : vector<1x16xf32> to vector<16xf32>
      %get3A_883 = arith.index_cast %scan3A_40 : i32 to index
      %get3A_884 = arith.constant 960 : index
      %get3A_885 = tpu.vector_load %arg9[%get3A_883, %get3A_884] {strides = array<i32>} : memref<32x1024xf32, #tpu.memory_space<vmem>>, vector<1x16xf32>,
      %get3A_886 = vector.shape_cast %get3A_885 : vector<1x16xf32> to vector<16xf32>
      %add3A_887 = arith.addf %get3A_882, %get3A_886 : vector<16xf32>
      %swap3A_888 = arith.index_cast %scan3A_40 : i32 to index
      %swap3A_889 = arith.constant 960 : index
      %swap3A_890 = tpu.vector_load %arg8[%swap3A_888, %swap3A_889] {strides = array<i32>} : memref<32x1024xf32, #tpu.memory_space<vmem>>, vector<1x16xf32>,
      %swap3A_891 = vector.shape_cast %swap3A_890 : vector<1x16xf32> to vector<16xf32>
      %swap3A_892 = vector.shape_cast %add3A_887 : vector<16xf32> to vector<1x16xf32>
      tpu.vector_store %arg8[%swap3A_888, %swap3A_889], %swap3A_892 {strides = array<i32>} : memref<32x1024xf32, #tpu.memory_space<vmem>>, vector<1x16xf32>,
      %get3A_893 = arith.index_cast %scan3A_40 : i32 to index
      %get3A_894 = arith.constant 976 : index
      %get3A_895 = tpu.vector_load %arg8[%get3A_893, %get3A_894] {strides = array<i32>} : memref<32x1024xf32, #tpu.memory_space<vmem>>, vector<1x16xf32>,
      %get3A_896 = vector.shape_cast %get3A_895 : vector<1x16xf32> to vector<16xf32>
      %get3A_897 = arith.index_cast %scan3A_40 : i32 to index
      %get3A_898 = arith.constant 976 : index
      %get3A_899 = tpu.vector_load %arg9[%get3A_897, %get3A_898] {strides = array<i32>} : memref<32x1024xf32, #tpu.memory_space<vmem>>, vector<1x16xf32>,
      %get3A_900 = vector.shape_cast %get3A_899 : vector<1x16xf32> to vector<16xf32>
      %add3A_901 = arith.addf %get3A_896, %get3A_900 : vector<16xf32>
      %swap3A_902 = arith.index_cast %scan3A_40 : i32 to index
      %swap3A_903 = arith.constant 976 : index
      %swap3A_904 = tpu.vector_load %arg8[%swap3A_902, %swap3A_903] {strides = array<i32>} : memref<32x1024xf32, #tpu.memory_space<vmem>>, vector<1x16xf32>,
      %swap3A_905 = vector.shape_cast %swap3A_904 : vector<1x16xf32> to vector<16xf32>
      %swap3A_906 = vector.shape_cast %add3A_901 : vector<16xf32> to vector<1x16xf32>
      tpu.vector_store %arg8[%swap3A_902, %swap3A_903], %swap3A_906 {strides = array<i32>} : memref<32x1024xf32, #tpu.memory_space<vmem>>, vector<1x16xf32>,
      %get3A_907 = arith.index_cast %scan3A_40 : i32 to index
      %get3A_908 = arith.constant 992 : index
      %get3A_909 = tpu.vector_load %arg8[%get3A_907, %get3A_908] {strides = array<i32>} : memref<32x1024xf32, #tpu.memory_space<vmem>>, vector<1x16xf32>,
      %get3A_910 = vector.shape_cast %get3A_909 : vector<1x16xf32> to vector<16xf32>
      %get3A_911 = arith.index_cast %scan3A_40 : i32 to index
      %get3A_912 = arith.constant 992 : index
      %get3A_913 = tpu.vector_load %arg9[%get3A_911, %get3A_912] {strides = array<i32>} : memref<32x1024xf32, #tpu.memory_space<vmem>>, vector<1x16xf32>,
      %get3A_914 = vector.shape_cast %get3A_913 : vector<1x16xf32> to vector<16xf32>
      %add3A_915 = arith.addf %get3A_910, %get3A_914 : vector<16xf32>
      %swap3A_916 = arith.index_cast %scan3A_40 : i32 to index
      %swap3A_917 = arith.constant 992 : index
      %swap3A_918 = tpu.vector_load %arg8[%swap3A_916, %swap3A_917] {strides = array<i32>} : memref<32x1024xf32, #tpu.memory_space<vmem>>, vector<1x16xf32>,
      %swap3A_919 = vector.shape_cast %swap3A_918 : vector<1x16xf32> to vector<16xf32>
      %swap3A_920 = vector.shape_cast %add3A_915 : vector<16xf32> to vector<1x16xf32>
      tpu.vector_store %arg8[%swap3A_916, %swap3A_917], %swap3A_920 {strides = array<i32>} : memref<32x1024xf32, #tpu.memory_space<vmem>>, vector<1x16xf32>,
      %get3A_921 = arith.index_cast %scan3A_40 : i32 to index
      %get3A_922 = arith.constant 1008 : index
      %get3A_923 = tpu.vector_load %arg8[%get3A_921, %get3A_922] {strides = array<i32>} : memref<32x1024xf32, #tpu.memory_space<vmem>>, vector<1x16xf32>,
      %get3A_924 = vector.shape_cast %get3A_923 : vector<1x16xf32> to vector<16xf32>
      %get3A_925 = arith.index_cast %scan3A_40 : i32 to index
      %get3A_926 = arith.constant 1008 : index
      %get3A_927 = tpu.vector_load %arg9[%get3A_925, %get3A_926] {strides = array<i32>} : memref<32x1024xf32, #tpu.memory_space<vmem>>, vector<1x16xf32>,
      %get3A_928 = vector.shape_cast %get3A_927 : vector<1x16xf32> to vector<16xf32>
      %add3A_929 = arith.addf %get3A_924, %get3A_928 : vector<16xf32>
      %swap3A_930 = arith.index_cast %scan3A_40 : i32 to index
      %swap3A_931 = arith.constant 1008 : index
      %swap3A_932 = tpu.vector_load %arg8[%swap3A_930, %swap3A_931] {strides = array<i32>} : memref<32x1024xf32, #tpu.memory_space<vmem>>, vector<1x16xf32>,
      %swap3A_933 = vector.shape_cast %swap3A_932 : vector<1x16xf32> to vector<16xf32>
      %swap3A_934 = vector.shape_cast %add3A_929 : vector<16xf32> to vector<1x16xf32>
      tpu.vector_store %arg8[%swap3A_930, %swap3A_931], %swap3A_934 {strides = array<i32>} : memref<32x1024xf32, #tpu.memory_space<vmem>>, vector<1x16xf32>,
    }
    %scan3A_19 = arith.constant 32 : i32
    "tpu.region"() ({
      %run_scoped3A = tpu.sem_alloc : memref<!tpu.dma_semaphore, #tpu.memory_space<semaphore_mem>>
      %dma_start3A_40 = arith.constant 0 : i32
      %dma_start3A_41 = tpu.memref_slice %arg5[%add3A_4, %dma_start3A_40] : memref<2048x1024xf32, #tpu.memory_space<hbm>> -> memref<32x1024xf32, #tpu.memory_space<hbm>>
      %dma_start3A_42 = arith.constant 0 : i32
      %dma_start3A_43 = tpu.memref_slice %arg5[%add3A_4, %dma_start3A_42] : memref<2048x1024xf32, #tpu.memory_space<hbm>> -> memref<32x1024xf32, #tpu.memory_space<hbm>>
      tpu.enqueue_dma source(%arg8 : memref<32x1024xf32, #tpu.memory_space<vmem>>) target(%dma_start3A_43 : memref<32x1024xf32, #tpu.memory_space<hbm>>) target_semaphore(%run_scoped3A : memref<!tpu.dma_semaphore, #tpu.memory_space<semaphore_mem>>)
      %dma_wait3A_44 = arith.constant 0 : i32
      %dma_wait3A_45 = tpu.memref_slice %arg5[%add3A_4, %dma_wait3A_44] : memref<2048x1024xf32, #tpu.memory_space<hbm>> -> memref<32x1024xf32, #tpu.memory_space<hbm>>
      %dma_wait3A_46 = arith.constant 0 : i32
      %dma_wait3A_47 = tpu.memref_slice %arg5[%add3A_4, %dma_wait3A_46] : memref<2048x1024xf32, #tpu.memory_space<hbm>> -> memref<32x1024xf32, #tpu.memory_space<hbm>>
      tpu.wait_dma2 semaphore(%run_scoped3A : memref<!tpu.dma_semaphore, #tpu.memory_space<semaphore_mem>>) src(%arg8 : memref<32x1024xf32, #tpu.memory_space<vmem>>) dst(%dma_wait3A_47 : memref<32x1024xf32, #tpu.memory_space<hbm>>)
      tpu.yield
    }) : () -> ()
    %add3A_20 = arith.constant 32 : i32
    %add3A_21 = arith.addi %mul3A_2, %add3A_20 : i32
    "tpu.region"() ({
      %run_scoped3A = tpu.sem_alloc : memref<!tpu.dma_semaphore, #tpu.memory_space<semaphore_mem>>
      %dma_start3A_40 = tpu.memref_slice %arg3[%add3A_21] : memref<2048xi32, #tpu.memory_space<hbm>> -> memref<32xi32, #tpu.memory_space<hbm>>
      %dma_start3A_41 = tpu.memref_slice %arg3[%add3A_21] : memref<2048xi32, #tpu.memory_space<hbm>> -> memref<32xi32, #tpu.memory_space<hbm>>
      tpu.enqueue_dma source(%dma_start3A_41 : memref<32xi32, #tpu.memory_space<hbm>>) target(%arg6 : memref<32xi32, #tpu.memory_space<vmem>>) target_semaphore(%run_scoped3A : memref<!tpu.dma_semaphore, #tpu.memory_space<semaphore_mem>>)
      %dma_wait3A_42 = tpu.memref_slice %arg3[%add3A_21] : memref<2048xi32, #tpu.memory_space<hbm>> -> memref<32xi32, #tpu.memory_space<hbm>>
      %dma_wait3A_43 = tpu.memref_slice %arg3[%add3A_21] : memref<2048xi32, #tpu.memory_space<hbm>> -> memref<32xi32, #tpu.memory_space<hbm>>
      tpu.wait_dma2 semaphore(%run_scoped3A : memref<!tpu.dma_semaphore, #tpu.memory_space<semaphore_mem>>) src(%dma_wait3A_43 : memref<32xi32, #tpu.memory_space<hbm>>) dst(%arg6 : memref<32xi32, #tpu.memory_space<vmem>>)
      tpu.yield
    }) : () -> ()
    "tpu.region"() ({
      %run_scoped3A = tpu.sem_alloc : memref<!tpu.dma_semaphore, #tpu.memory_space<semaphore_mem>>
      %dma_start3A_40 = tpu.memref_slice %arg4[%add3A_21] : memref<2048xi32, #tpu.memory_space<hbm>> -> memref<32xi32, #tpu.memory_space<hbm>>
      %dma_start3A_41 = tpu.memref_slice %arg4[%add3A_21] : memref<2048xi32, #tpu.memory_space<hbm>> -> memref<32xi32, #tpu.memory_space<hbm>>
      tpu.enqueue_dma source(%dma_start3A_41 : memref<32xi32, #tpu.memory_space<hbm>>) target(%arg7 : memref<32xi32, #tpu.memory_space<vmem>>) target_semaphore(%run_scoped3A : memref<!tpu.dma_semaphore, #tpu.memory_space<semaphore_mem>>)
      %dma_wait3A_42 = tpu.memref_slice %arg4[%add3A_21] : memref<2048xi32, #tpu.memory_space<hbm>> -> memref<32xi32, #tpu.memory_space<hbm>>
      %dma_wait3A_43 = tpu.memref_slice %arg4[%add3A_21] : memref<2048xi32, #tpu.memory_space<hbm>> -> memref<32xi32, #tpu.memory_space<hbm>>
      tpu.wait_dma2 semaphore(%run_scoped3A : memref<!tpu.dma_semaphore, #tpu.memory_space<semaphore_mem>>) src(%dma_wait3A_43 : memref<32xi32, #tpu.memory_space<hbm>>) dst(%arg7 : memref<32xi32, #tpu.memory_space<vmem>>)
      tpu.yield
    }) : () -> ()
    %dma_start3A_22 = arith.constant 0 : i32
    %dma_start3A_23 = arith.constant 0 : i32
    %dma_start3A_24 = tpu.memref_slice %arg2[%dma_start3A_22, %dma_start3A_23] : memref<5888x1024xf32, #tpu.memory_space<hbm>> -> memref<5888x1024xf32, #tpu.memory_space<hbm>>
    tpu.enqueue_indirect_dma source(%dma_start3A_24 : memref<5888x1024xf32, #tpu.memory_space<hbm>>) target(%arg8 : memref<32x1024xf32, #tpu.memory_space<vmem>>) offsets(%arg6 : memref<32xi32, #tpu.memory_space<vmem>>) semaphore(%arg10 : memref<!tpu.dma_semaphore, #tpu.memory_space<semaphore_mem>>)
    %dma_wait3A_25 = arith.constant 0 : i32
    %dma_wait3A_26 = arith.constant 0 : i32
    %dma_wait3A_27 = tpu.memref_slice %arg2[%dma_wait3A_25, %dma_wait3A_26] : memref<5888x1024xf32, #tpu.memory_space<hbm>> -> memref<5888x1024xf32, #tpu.memory_space<hbm>>
    tpu.wait_indirect_dma semaphore(%arg10 : memref<!tpu.dma_semaphore, #tpu.memory_space<semaphore_mem>>) src(%dma_wait3A_27 : memref<5888x1024xf32, #tpu.memory_space<hbm>>) dst(%arg8 : memref<32x1024xf32, #tpu.memory_space<vmem>>)
    %dma_start3A_28 = arith.constant 0 : i32
    %dma_start3A_29 = arith.constant 0 : i32
    %dma_start3A_30 = tpu.memref_slice %arg2[%dma_start3A_28, %dma_start3A_29] : memref<5888x1024xf32, #tpu.memory_space<hbm>> -> memref<5888x1024xf32, #tpu.memory_space<hbm>>
    tpu.enqueue_indirect_dma source(%dma_start3A_30 : memref<5888x1024xf32, #tpu.memory_space<hbm>>) target(%arg9 : memref<32x1024xf32, #tpu.memory_space<vmem>>) offsets(%arg7 : memref<32xi32, #tpu.memory_space<vmem>>) semaphore(%arg10 : memref<!tpu.dma_semaphore, #tpu.memory_space<semaphore_mem>>)
    %dma_wait3A_31 = arith.constant 0 : i32
    %dma_wait3A_32 = arith.constant 0 : i32
    %dma_wait3A_33 = tpu.memref_slice %arg2[%dma_wait3A_31, %dma_wait3A_32] : memref<5888x1024xf32, #tpu.memory_space<hbm>> -> memref<5888x1024xf32, #tpu.memory_space<hbm>>
    tpu.wait_indirect_dma semaphore(%arg10 : memref<!tpu.dma_semaphore, #tpu.memory_space<semaphore_mem>>) src(%dma_wait3A_33 : memref<5888x1024xf32, #tpu.memory_space<hbm>>) dst(%arg9 : memref<32x1024xf32, #tpu.memory_space<vmem>>)
    %scan3A_34 = arith.constant 0 : i32
    %scan3A_35 = arith.constant 0 : i32
    %scan3A_36 = arith.constant 32 : i32
    %scan3A_37 = arith.addi %scan3A_35, %scan3A_36 : i32
    %scan3A_38 = arith.constant 1 : i32
    scf.for %scan3A_40 = %scan3A_35 to %scan3A_37 step %scan3A_38  : i32 {
      %get3A = arith.index_cast %scan3A_40 : i32 to index
      %get3A_41 = arith.constant 0 : index
      %get3A_42 = tpu.vector_load %arg8[%get3A, %get3A_41] {strides = array<i32>} : memref<32x1024xf32, #tpu.memory_space<vmem>>, vector<1x16xf32>,
      %get3A_43 = vector.shape_cast %get3A_42 : vector<1x16xf32> to vector<16xf32>
      %get3A_44 = arith.index_cast %scan3A_40 : i32 to index
      %get3A_45 = arith.constant 0 : index
      %get3A_46 = tpu.vector_load %arg9[%get3A_44, %get3A_45] {strides = array<i32>} : memref<32x1024xf32, #tpu.memory_space<vmem>>, vector<1x16xf32>,
      %get3A_47 = vector.shape_cast %get3A_46 : vector<1x16xf32> to vector<16xf32>
      %add3A_48 = arith.addf %get3A_43, %get3A_47 : vector<16xf32>
      %swap3A = arith.index_cast %scan3A_40 : i32 to index
      %swap3A_49 = arith.constant 0 : index
      %swap3A_50 = tpu.vector_load %arg8[%swap3A, %swap3A_49] {strides = array<i32>} : memref<32x1024xf32, #tpu.memory_space<vmem>>, vector<1x16xf32>,
      %swap3A_51 = vector.shape_cast %swap3A_50 : vector<1x16xf32> to vector<16xf32>
      %swap3A_52 = vector.shape_cast %add3A_48 : vector<16xf32> to vector<1x16xf32>
      tpu.vector_store %arg8[%swap3A, %swap3A_49], %swap3A_52 {strides = array<i32>} : memref<32x1024xf32, #tpu.memory_space<vmem>>, vector<1x16xf32>,
      %get3A_53 = arith.index_cast %scan3A_40 : i32 to index
      %get3A_54 = arith.constant 16 : index
      %get3A_55 = tpu.vector_load %arg8[%get3A_53, %get3A_54] {strides = array<i32>} : memref<32x1024xf32, #tpu.memory_space<vmem>>, vector<1x16xf32>,
      %get3A_56 = vector.shape_cast %get3A_55 : vector<1x16xf32> to vector<16xf32>
      %get3A_57 = arith.index_cast %scan3A_40 : i32 to index
      %get3A_58 = arith.constant 16 : index
      %get3A_59 = tpu.vector_load %arg9[%get3A_57, %get3A_58] {strides = array<i32>} : memref<32x1024xf32, #tpu.memory_space<vmem>>, vector<1x16xf32>,
      %get3A_60 = vector.shape_cast %get3A_59 : vector<1x16xf32> to vector<16xf32>
      %add3A_61 = arith.addf %get3A_56, %get3A_60 : vector<16xf32>
      %swap3A_62 = arith.index_cast %scan3A_40 : i32 to index
      %swap3A_63 = arith.constant 16 : index
      %swap3A_64 = tpu.vector_load %arg8[%swap3A_62, %swap3A_63] {strides = array<i32>} : memref<32x1024xf32, #tpu.memory_space<vmem>>, vector<1x16xf32>,
      %swap3A_65 = vector.shape_cast %swap3A_64 : vector<1x16xf32> to vector<16xf32>
      %swap3A_66 = vector.shape_cast %add3A_61 : vector<16xf32> to vector<1x16xf32>
      tpu.vector_store %arg8[%swap3A_62, %swap3A_63], %swap3A_66 {strides = array<i32>} : memref<32x1024xf32, #tpu.memory_space<vmem>>, vector<1x16xf32>,
      %get3A_67 = arith.index_cast %scan3A_40 : i32 to index
      %get3A_68 = arith.constant 32 : index
      %get3A_69 = tpu.vector_load %arg8[%get3A_67, %get3A_68] {strides = array<i32>} : memref<32x1024xf32, #tpu.memory_space<vmem>>, vector<1x16xf32>,
      %get3A_70 = vector.shape_cast %get3A_69 : vector<1x16xf32> to vector<16xf32>
      %get3A_71 = arith.index_cast %scan3A_40 : i32 to index
      %get3A_72 = arith.constant 32 : index
      %get3A_73 = tpu.vector_load %arg9[%get3A_71, %get3A_72] {strides = array<i32>} : memref<32x1024xf32, #tpu.memory_space<vmem>>, vector<1x16xf32>,
      %get3A_74 = vector.shape_cast %get3A_73 : vector<1x16xf32> to vector<16xf32>
      %add3A_75 = arith.addf %get3A_70, %get3A_74 : vector<16xf32>
      %swap3A_76 = arith.index_cast %scan3A_40 : i32 to index
      %swap3A_77 = arith.constant 32 : index
      %swap3A_78 = tpu.vector_load %arg8[%swap3A_76, %swap3A_77] {strides = array<i32>} : memref<32x1024xf32, #tpu.memory_space<vmem>>, vector<1x16xf32>,
      %swap3A_79 = vector.shape_cast %swap3A_78 : vector<1x16xf32> to vector<16xf32>
      %swap3A_80 = vector.shape_cast %add3A_75 : vector<16xf32> to vector<1x16xf32>
      tpu.vector_store %arg8[%swap3A_76, %swap3A_77], %swap3A_80 {strides = array<i32>} : memref<32x1024xf32, #tpu.memory_space<vmem>>, vector<1x16xf32>,
      %get3A_81 = arith.index_cast %scan3A_40 : i32 to index
      %get3A_82 = arith.constant 48 : index
      %get3A_83 = tpu.vector_load %arg8[%get3A_81, %get3A_82] {strides = array<i32>} : memref<32x1024xf32, #tpu.memory_space<vmem>>, vector<1x16xf32>,
      %get3A_84 = vector.shape_cast %get3A_83 : vector<1x16xf32> to vector<16xf32>
      %get3A_85 = arith.index_cast %scan3A_40 : i32 to index
      %get3A_86 = arith.constant 48 : index
      %get3A_87 = tpu.vector_load %arg9[%get3A_85, %get3A_86] {strides = array<i32>} : memref<32x1024xf32, #tpu.memory_space<vmem>>, vector<1x16xf32>,
      %get3A_88 = vector.shape_cast %get3A_87 : vector<1x16xf32> to vector<16xf32>
      %add3A_89 = arith.addf %get3A_84, %get3A_88 : vector<16xf32>
      %swap3A_90 = arith.index_cast %scan3A_40 : i32 to index
      %swap3A_91 = arith.constant 48 : index
      %swap3A_92 = tpu.vector_load %arg8[%swap3A_90, %swap3A_91] {strides = array<i32>} : memref<32x1024xf32, #tpu.memory_space<vmem>>, vector<1x16xf32>,
      %swap3A_93 = vector.shape_cast %swap3A_92 : vector<1x16xf32> to vector<16xf32>
      %swap3A_94 = vector.shape_cast %add3A_89 : vector<16xf32> to vector<1x16xf32>
      tpu.vector_store %arg8[%swap3A_90, %swap3A_91], %swap3A_94 {strides = array<i32>} : memref<32x1024xf32, #tpu.memory_space<vmem>>, vector<1x16xf32>,
      %get3A_95 = arith.index_cast %scan3A_40 : i32 to index
      %get3A_96 = arith.constant 64 : index
      %get3A_97 = tpu.vector_load %arg8[%get3A_95, %get3A_96] {strides = array<i32>} : memref<32x1024xf32, #tpu.memory_space<vmem>>, vector<1x16xf32>,
      %get3A_98 = vector.shape_cast %get3A_97 : vector<1x16xf32> to vector<16xf32>
      %get3A_99 = arith.index_cast %scan3A_40 : i32 to index
      %get3A_100 = arith.constant 64 : index
      %get3A_101 = tpu.vector_load %arg9[%get3A_99, %get3A_100] {strides = array<i32>} : memref<32x1024xf32, #tpu.memory_space<vmem>>, vector<1x16xf32>,
      %get3A_102 = vector.shape_cast %get3A_101 : vector<1x16xf32> to vector<16xf32>
      %add3A_103 = arith.addf %get3A_98, %get3A_102 : vector<16xf32>
      %swap3A_104 = arith.index_cast %scan3A_40 : i32 to index
      %swap3A_105 = arith.constant 64 : index
      %swap3A_106 = tpu.vector_load %arg8[%swap3A_104, %swap3A_105] {strides = array<i32>} : memref<32x1024xf32, #tpu.memory_space<vmem>>, vector<1x16xf32>,
      %swap3A_107 = vector.shape_cast %swap3A_106 : vector<1x16xf32> to vector<16xf32>
      %swap3A_108 = vector.shape_cast %add3A_103 : vector<16xf32> to vector<1x16xf32>
      tpu.vector_store %arg8[%swap3A_104, %swap3A_105], %swap3A_108 {strides = array<i32>} : memref<32x1024xf32, #tpu.memory_space<vmem>>, vector<1x16xf32>,
      %get3A_109 = arith.index_cast %scan3A_40 : i32 to index
      %get3A_110 = arith.constant 80 : index
      %get3A_111 = tpu.vector_load %arg8[%get3A_109, %get3A_110] {strides = array<i32>} : memref<32x1024xf32, #tpu.memory_space<vmem>>, vector<1x16xf32>,
      %get3A_112 = vector.shape_cast %get3A_111 : vector<1x16xf32> to vector<16xf32>
      %get3A_113 = arith.index_cast %scan3A_40 : i32 to index
      %get3A_114 = arith.constant 80 : index
      %get3A_115 = tpu.vector_load %arg9[%get3A_113, %get3A_114] {strides = array<i32>} : memref<32x1024xf32, #tpu.memory_space<vmem>>, vector<1x16xf32>,
      %get3A_116 = vector.shape_cast %get3A_115 : vector<1x16xf32> to vector<16xf32>
      %add3A_117 = arith.addf %get3A_112, %get3A_116 : vector<16xf32>
      %swap3A_118 = arith.index_cast %scan3A_40 : i32 to index
      %swap3A_119 = arith.constant 80 : index
      %swap3A_120 = tpu.vector_load %arg8[%swap3A_118, %swap3A_119] {strides = array<i32>} : memref<32x1024xf32, #tpu.memory_space<vmem>>, vector<1x16xf32>,
      %swap3A_121 = vector.shape_cast %swap3A_120 : vector<1x16xf32> to vector<16xf32>
      %swap3A_122 = vector.shape_cast %add3A_117 : vector<16xf32> to vector<1x16xf32>
      tpu.vector_store %arg8[%swap3A_118, %swap3A_119], %swap3A_122 {strides = array<i32>} : memref<32x1024xf32, #tpu.memory_space<vmem>>, vector<1x16xf32>,
      %get3A_123 = arith.index_cast %scan3A_40 : i32 to index
      %get3A_124 = arith.constant 96 : index
      %get3A_125 = tpu.vector_load %arg8[%get3A_123, %get3A_124] {strides = array<i32>} : memref<32x1024xf32, #tpu.memory_space<vmem>>, vector<1x16xf32>,
      %get3A_126 = vector.shape_cast %get3A_125 : vector<1x16xf32> to vector<16xf32>
      %get3A_127 = arith.index_cast %scan3A_40 : i32 to index
      %get3A_128 = arith.constant 96 : index
      %get3A_129 = tpu.vector_load %arg9[%get3A_127, %get3A_128] {strides = array<i32>} : memref<32x1024xf32, #tpu.memory_space<vmem>>, vector<1x16xf32>,
      %get3A_130 = vector.shape_cast %get3A_129 : vector<1x16xf32> to vector<16xf32>
      %add3A_131 = arith.addf %get3A_126, %get3A_130 : vector<16xf32>
      %swap3A_132 = arith.index_cast %scan3A_40 : i32 to index
      %swap3A_133 = arith.constant 96 : index
      %swap3A_134 = tpu.vector_load %arg8[%swap3A_132, %swap3A_133] {strides = array<i32>} : memref<32x1024xf32, #tpu.memory_space<vmem>>, vector<1x16xf32>,
      %swap3A_135 = vector.shape_cast %swap3A_134 : vector<1x16xf32> to vector<16xf32>
      %swap3A_136 = vector.shape_cast %add3A_131 : vector<16xf32> to vector<1x16xf32>
      tpu.vector_store %arg8[%swap3A_132, %swap3A_133], %swap3A_136 {strides = array<i32>} : memref<32x1024xf32, #tpu.memory_space<vmem>>, vector<1x16xf32>,
      %get3A_137 = arith.index_cast %scan3A_40 : i32 to index
      %get3A_138 = arith.constant 112 : index
      %get3A_139 = tpu.vector_load %arg8[%get3A_137, %get3A_138] {strides = array<i32>} : memref<32x1024xf32, #tpu.memory_space<vmem>>, vector<1x16xf32>,
      %get3A_140 = vector.shape_cast %get3A_139 : vector<1x16xf32> to vector<16xf32>
      %get3A_141 = arith.index_cast %scan3A_40 : i32 to index
      %get3A_142 = arith.constant 112 : index
      %get3A_143 = tpu.vector_load %arg9[%get3A_141, %get3A_142] {strides = array<i32>} : memref<32x1024xf32, #tpu.memory_space<vmem>>, vector<1x16xf32>,
      %get3A_144 = vector.shape_cast %get3A_143 : vector<1x16xf32> to vector<16xf32>
      %add3A_145 = arith.addf %get3A_140, %get3A_144 : vector<16xf32>
      %swap3A_146 = arith.index_cast %scan3A_40 : i32 to index
      %swap3A_147 = arith.constant 112 : index
      %swap3A_148 = tpu.vector_load %arg8[%swap3A_146, %swap3A_147] {strides = array<i32>} : memref<32x1024xf32, #tpu.memory_space<vmem>>, vector<1x16xf32>,
      %swap3A_149 = vector.shape_cast %swap3A_148 : vector<1x16xf32> to vector<16xf32>
      %swap3A_150 = vector.shape_cast %add3A_145 : vector<16xf32> to vector<1x16xf32>
      tpu.vector_store %arg8[%swap3A_146, %swap3A_147], %swap3A_150 {strides = array<i32>} : memref<32x1024xf32, #tpu.memory_space<vmem>>, vector<1x16xf32>,
      %get3A_151 = arith.index_cast %scan3A_40 : i32 to index
      %get3A_152 = arith.constant 128 : index
      %get3A_153 = tpu.vector_load %arg8[%get3A_151, %get3A_152] {strides = array<i32>} : memref<32x1024xf32, #tpu.memory_space<vmem>>, vector<1x16xf32>,
      %get3A_154 = vector.shape_cast %get3A_153 : vector<1x16xf32> to vector<16xf32>
      %get3A_155 = arith.index_cast %scan3A_40 : i32 to index
      %get3A_156 = arith.constant 128 : index
      %get3A_157 = tpu.vector_load %arg9[%get3A_155, %get3A_156] {strides = array<i32>} : memref<32x1024xf32, #tpu.memory_space<vmem>>, vector<1x16xf32>,
      %get3A_158 = vector.shape_cast %get3A_157 : vector<1x16xf32> to vector<16xf32>
      %add3A_159 = arith.addf %get3A_154, %get3A_158 : vector<16xf32>
      %swap3A_160 = arith.index_cast %scan3A_40 : i32 to index
      %swap3A_161 = arith.constant 128 : index
      %swap3A_162 = tpu.vector_load %arg8[%swap3A_160, %swap3A_161] {strides = array<i32>} : memref<32x1024xf32, #tpu.memory_space<vmem>>, vector<1x16xf32>,
      %swap3A_163 = vector.shape_cast %swap3A_162 : vector<1x16xf32> to vector<16xf32>
      %swap3A_164 = vector.shape_cast %add3A_159 : vector<16xf32> to vector<1x16xf32>
      tpu.vector_store %arg8[%swap3A_160, %swap3A_161], %swap3A_164 {strides = array<i32>} : memref<32x1024xf32, #tpu.memory_space<vmem>>, vector<1x16xf32>,
      %get3A_165 = arith.index_cast %scan3A_40 : i32 to index
      %get3A_166 = arith.constant 144 : index
      %get3A_167 = tpu.vector_load %arg8[%get3A_165, %get3A_166] {strides = array<i32>} : memref<32x1024xf32, #tpu.memory_space<vmem>>, vector<1x16xf32>,
      %get3A_168 = vector.shape_cast %get3A_167 : vector<1x16xf32> to vector<16xf32>
      %get3A_169 = arith.index_cast %scan3A_40 : i32 to index
      %get3A_170 = arith.constant 144 : index
      %get3A_171 = tpu.vector_load %arg9[%get3A_169, %get3A_170] {strides = array<i32>} : memref<32x1024xf32, #tpu.memory_space<vmem>>, vector<1x16xf32>,
      %get3A_172 = vector.shape_cast %get3A_171 : vector<1x16xf32> to vector<16xf32>
      %add3A_173 = arith.addf %get3A_168, %get3A_172 : vector<16xf32>
      %swap3A_174 = arith.index_cast %scan3A_40 : i32 to index
      %swap3A_175 = arith.constant 144 : index
      %swap3A_176 = tpu.vector_load %arg8[%swap3A_174, %swap3A_175] {strides = array<i32>} : memref<32x1024xf32, #tpu.memory_space<vmem>>, vector<1x16xf32>,
      %swap3A_177 = vector.shape_cast %swap3A_176 : vector<1x16xf32> to vector<16xf32>
      %swap3A_178 = vector.shape_cast %add3A_173 : vector<16xf32> to vector<1x16xf32>
      tpu.vector_store %arg8[%swap3A_174, %swap3A_175], %swap3A_178 {strides = array<i32>} : memref<32x1024xf32, #tpu.memory_space<vmem>>, vector<1x16xf32>,
      %get3A_179 = arith.index_cast %scan3A_40 : i32 to index
      %get3A_180 = arith.constant 160 : index
      %get3A_181 = tpu.vector_load %arg8[%get3A_179, %get3A_180] {strides = array<i32>} : memref<32x1024xf32, #tpu.memory_space<vmem>>, vector<1x16xf32>,
      %get3A_182 = vector.shape_cast %get3A_181 : vector<1x16xf32> to vector<16xf32>
      %get3A_183 = arith.index_cast %scan3A_40 : i32 to index
      %get3A_184 = arith.constant 160 : index
      %get3A_185 = tpu.vector_load %arg9[%get3A_183, %get3A_184] {strides = array<i32>} : memref<32x1024xf32, #tpu.memory_space<vmem>>, vector<1x16xf32>,
      %get3A_186 = vector.shape_cast %get3A_185 : vector<1x16xf32> to vector<16xf32>
      %add3A_187 = arith.addf %get3A_182, %get3A_186 : vector<16xf32>
      %swap3A_188 = arith.index_cast %scan3A_40 : i32 to index
      %swap3A_189 = arith.constant 160 : index
      %swap3A_190 = tpu.vector_load %arg8[%swap3A_188, %swap3A_189] {strides = array<i32>} : memref<32x1024xf32, #tpu.memory_space<vmem>>, vector<1x16xf32>,
      %swap3A_191 = vector.shape_cast %swap3A_190 : vector<1x16xf32> to vector<16xf32>
      %swap3A_192 = vector.shape_cast %add3A_187 : vector<16xf32> to vector<1x16xf32>
      tpu.vector_store %arg8[%swap3A_188, %swap3A_189], %swap3A_192 {strides = array<i32>} : memref<32x1024xf32, #tpu.memory_space<vmem>>, vector<1x16xf32>,
      %get3A_193 = arith.index_cast %scan3A_40 : i32 to index
      %get3A_194 = arith.constant 176 : index
      %get3A_195 = tpu.vector_load %arg8[%get3A_193, %get3A_194] {strides = array<i32>} : memref<32x1024xf32, #tpu.memory_space<vmem>>, vector<1x16xf32>,
      %get3A_196 = vector.shape_cast %get3A_195 : vector<1x16xf32> to vector<16xf32>
      %get3A_197 = arith.index_cast %scan3A_40 : i32 to index
      %get3A_198 = arith.constant 176 : index
      %get3A_199 = tpu.vector_load %arg9[%get3A_197, %get3A_198] {strides = array<i32>} : memref<32x1024xf32, #tpu.memory_space<vmem>>, vector<1x16xf32>,
      %get3A_200 = vector.shape_cast %get3A_199 : vector<1x16xf32> to vector<16xf32>
      %add3A_201 = arith.addf %get3A_196, %get3A_200 : vector<16xf32>
      %swap3A_202 = arith.index_cast %scan3A_40 : i32 to index
      %swap3A_203 = arith.constant 176 : index
      %swap3A_204 = tpu.vector_load %arg8[%swap3A_202, %swap3A_203] {strides = array<i32>} : memref<32x1024xf32, #tpu.memory_space<vmem>>, vector<1x16xf32>,
      %swap3A_205 = vector.shape_cast %swap3A_204 : vector<1x16xf32> to vector<16xf32>
      %swap3A_206 = vector.shape_cast %add3A_201 : vector<16xf32> to vector<1x16xf32>
      tpu.vector_store %arg8[%swap3A_202, %swap3A_203], %swap3A_206 {strides = array<i32>} : memref<32x1024xf32, #tpu.memory_space<vmem>>, vector<1x16xf32>,
      %get3A_207 = arith.index_cast %scan3A_40 : i32 to index
      %get3A_208 = arith.constant 192 : index
      %get3A_209 = tpu.vector_load %arg8[%get3A_207, %get3A_208] {strides = array<i32>} : memref<32x1024xf32, #tpu.memory_space<vmem>>, vector<1x16xf32>,
      %get3A_210 = vector.shape_cast %get3A_209 : vector<1x16xf32> to vector<16xf32>
      %get3A_211 = arith.index_cast %scan3A_40 : i32 to index
      %get3A_212 = arith.constant 192 : index
      %get3A_213 = tpu.vector_load %arg9[%get3A_211, %get3A_212] {strides = array<i32>} : memref<32x1024xf32, #tpu.memory_space<vmem>>, vector<1x16xf32>,
      %get3A_214 = vector.shape_cast %get3A_213 : vector<1x16xf32> to vector<16xf32>
      %add3A_215 = arith.addf %get3A_210, %get3A_214 : vector<16xf32>
      %swap3A_216 = arith.index_cast %scan3A_40 : i32 to index
      %swap3A_217 = arith.constant 192 : index
      %swap3A_218 = tpu.vector_load %arg8[%swap3A_216, %swap3A_217] {strides = array<i32>} : memref<32x1024xf32, #tpu.memory_space<vmem>>, vector<1x16xf32>,
      %swap3A_219 = vector.shape_cast %swap3A_218 : vector<1x16xf32> to vector<16xf32>
      %swap3A_220 = vector.shape_cast %add3A_215 : vector<16xf32> to vector<1x16xf32>
      tpu.vector_store %arg8[%swap3A_216, %swap3A_217], %swap3A_220 {strides = array<i32>} : memref<32x1024xf32, #tpu.memory_space<vmem>>, vector<1x16xf32>,
      %get3A_221 = arith.index_cast %scan3A_40 : i32 to index
      %get3A_222 = arith.constant 208 : index
      %get3A_223 = tpu.vector_load %arg8[%get3A_221, %get3A_222] {strides = array<i32>} : memref<32x1024xf32, #tpu.memory_space<vmem>>, vector<1x16xf32>,
      %get3A_224 = vector.shape_cast %get3A_223 : vector<1x16xf32> to vector<16xf32>
      %get3A_225 = arith.index_cast %scan3A_40 : i32 to index
      %get3A_226 = arith.constant 208 : index
      %get3A_227 = tpu.vector_load %arg9[%get3A_225, %get3A_226] {strides = array<i32>} : memref<32x1024xf32, #tpu.memory_space<vmem>>, vector<1x16xf32>,
      %get3A_228 = vector.shape_cast %get3A_227 : vector<1x16xf32> to vector<16xf32>
      %add3A_229 = arith.addf %get3A_224, %get3A_228 : vector<16xf32>
      %swap3A_230 = arith.index_cast %scan3A_40 : i32 to index
      %swap3A_231 = arith.constant 208 : index
      %swap3A_232 = tpu.vector_load %arg8[%swap3A_230, %swap3A_231] {strides = array<i32>} : memref<32x1024xf32, #tpu.memory_space<vmem>>, vector<1x16xf32>,
      %swap3A_233 = vector.shape_cast %swap3A_232 : vector<1x16xf32> to vector<16xf32>
      %swap3A_234 = vector.shape_cast %add3A_229 : vector<16xf32> to vector<1x16xf32>
      tpu.vector_store %arg8[%swap3A_230, %swap3A_231], %swap3A_234 {strides = array<i32>} : memref<32x1024xf32, #tpu.memory_space<vmem>>, vector<1x16xf32>,
      %get3A_235 = arith.index_cast %scan3A_40 : i32 to index
      %get3A_236 = arith.constant 224 : index
      %get3A_237 = tpu.vector_load %arg8[%get3A_235, %get3A_236] {strides = array<i32>} : memref<32x1024xf32, #tpu.memory_space<vmem>>, vector<1x16xf32>,
      %get3A_238 = vector.shape_cast %get3A_237 : vector<1x16xf32> to vector<16xf32>
      %get3A_239 = arith.index_cast %scan3A_40 : i32 to index
      %get3A_240 = arith.constant 224 : index
      %get3A_241 = tpu.vector_load %arg9[%get3A_239, %get3A_240] {strides = array<i32>} : memref<32x1024xf32, #tpu.memory_space<vmem>>, vector<1x16xf32>,
      %get3A_242 = vector.shape_cast %get3A_241 : vector<1x16xf32> to vector<16xf32>
      %add3A_243 = arith.addf %get3A_238, %get3A_242 : vector<16xf32>
      %swap3A_244 = arith.index_cast %scan3A_40 : i32 to index
      %swap3A_245 = arith.constant 224 : index
      %swap3A_246 = tpu.vector_load %arg8[%swap3A_244, %swap3A_245] {strides = array<i32>} : memref<32x1024xf32, #tpu.memory_space<vmem>>, vector<1x16xf32>,
      %swap3A_247 = vector.shape_cast %swap3A_246 : vector<1x16xf32> to vector<16xf32>
      %swap3A_248 = vector.shape_cast %add3A_243 : vector<16xf32> to vector<1x16xf32>
      tpu.vector_store %arg8[%swap3A_244, %swap3A_245], %swap3A_248 {strides = array<i32>} : memref<32x1024xf32, #tpu.memory_space<vmem>>, vector<1x16xf32>,
      %get3A_249 = arith.index_cast %scan3A_40 : i32 to index
      %get3A_250 = arith.constant 240 : index
      %get3A_251 = tpu.vector_load %arg8[%get3A_249, %get3A_250] {strides = array<i32>} : memref<32x1024xf32, #tpu.memory_space<vmem>>, vector<1x16xf32>,
      %get3A_252 = vector.shape_cast %get3A_251 : vector<1x16xf32> to vector<16xf32>
      %get3A_253 = arith.index_cast %scan3A_40 : i32 to index
      %get3A_254 = arith.constant 240 : index
      %get3A_255 = tpu.vector_load %arg9[%get3A_253, %get3A_254] {strides = array<i32>} : memref<32x1024xf32, #tpu.memory_space<vmem>>, vector<1x16xf32>,
      %get3A_256 = vector.shape_cast %get3A_255 : vector<1x16xf32> to vector<16xf32>
      %add3A_257 = arith.addf %get3A_252, %get3A_256 : vector<16xf32>
      %swap3A_258 = arith.index_cast %scan3A_40 : i32 to index
      %swap3A_259 = arith.constant 240 : index
      %swap3A_260 = tpu.vector_load %arg8[%swap3A_258, %swap3A_259] {strides = array<i32>} : memref<32x1024xf32, #tpu.memory_space<vmem>>, vector<1x16xf32>,
      %swap3A_261 = vector.shape_cast %swap3A_260 : vector<1x16xf32> to vector<16xf32>
      %swap3A_262 = vector.shape_cast %add3A_257 : vector<16xf32> to vector<1x16xf32>
      tpu.vector_store %arg8[%swap3A_258, %swap3A_259], %swap3A_262 {strides = array<i32>} : memref<32x1024xf32, #tpu.memory_space<vmem>>, vector<1x16xf32>,
      %get3A_263 = arith.index_cast %scan3A_40 : i32 to index
      %get3A_264 = arith.constant 256 : index
      %get3A_265 = tpu.vector_load %arg8[%get3A_263, %get3A_264] {strides = array<i32>} : memref<32x1024xf32, #tpu.memory_space<vmem>>, vector<1x16xf32>,
      %get3A_266 = vector.shape_cast %get3A_265 : vector<1x16xf32> to vector<16xf32>
      %get3A_267 = arith.index_cast %scan3A_40 : i32 to index
      %get3A_268 = arith.constant 256 : index
      %get3A_269 = tpu.vector_load %arg9[%get3A_267, %get3A_268] {strides = array<i32>} : memref<32x1024xf32, #tpu.memory_space<vmem>>, vector<1x16xf32>,
      %get3A_270 = vector.shape_cast %get3A_269 : vector<1x16xf32> to vector<16xf32>
      %add3A_271 = arith.addf %get3A_266, %get3A_270 : vector<16xf32>
      %swap3A_272 = arith.index_cast %scan3A_40 : i32 to index
      %swap3A_273 = arith.constant 256 : index
      %swap3A_274 = tpu.vector_load %arg8[%swap3A_272, %swap3A_273] {strides = array<i32>} : memref<32x1024xf32, #tpu.memory_space<vmem>>, vector<1x16xf32>,
      %swap3A_275 = vector.shape_cast %swap3A_274 : vector<1x16xf32> to vector<16xf32>
      %swap3A_276 = vector.shape_cast %add3A_271 : vector<16xf32> to vector<1x16xf32>
      tpu.vector_store %arg8[%swap3A_272, %swap3A_273], %swap3A_276 {strides = array<i32>} : memref<32x1024xf32, #tpu.memory_space<vmem>>, vector<1x16xf32>,
      %get3A_277 = arith.index_cast %scan3A_40 : i32 to index
      %get3A_278 = arith.constant 272 : index
      %get3A_279 = tpu.vector_load %arg8[%get3A_277, %get3A_278] {strides = array<i32>} : memref<32x1024xf32, #tpu.memory_space<vmem>>, vector<1x16xf32>,
      %get3A_280 = vector.shape_cast %get3A_279 : vector<1x16xf32> to vector<16xf32>
      %get3A_281 = arith.index_cast %scan3A_40 : i32 to index
      %get3A_282 = arith.constant 272 : index
      %get3A_283 = tpu.vector_load %arg9[%get3A_281, %get3A_282] {strides = array<i32>} : memref<32x1024xf32, #tpu.memory_space<vmem>>, vector<1x16xf32>,
      %get3A_284 = vector.shape_cast %get3A_283 : vector<1x16xf32> to vector<16xf32>
      %add3A_285 = arith.addf %get3A_280, %get3A_284 : vector<16xf32>
      %swap3A_286 = arith.index_cast %scan3A_40 : i32 to index
      %swap3A_287 = arith.constant 272 : index
      %swap3A_288 = tpu.vector_load %arg8[%swap3A_286, %swap3A_287] {strides = array<i32>} : memref<32x1024xf32, #tpu.memory_space<vmem>>, vector<1x16xf32>,
      %swap3A_289 = vector.shape_cast %swap3A_288 : vector<1x16xf32> to vector<16xf32>
      %swap3A_290 = vector.shape_cast %add3A_285 : vector<16xf32> to vector<1x16xf32>
      tpu.vector_store %arg8[%swap3A_286, %swap3A_287], %swap3A_290 {strides = array<i32>} : memref<32x1024xf32, #tpu.memory_space<vmem>>, vector<1x16xf32>,
      %get3A_291 = arith.index_cast %scan3A_40 : i32 to index
      %get3A_292 = arith.constant 288 : index
      %get3A_293 = tpu.vector_load %arg8[%get3A_291, %get3A_292] {strides = array<i32>} : memref<32x1024xf32, #tpu.memory_space<vmem>>, vector<1x16xf32>,
      %get3A_294 = vector.shape_cast %get3A_293 : vector<1x16xf32> to vector<16xf32>
      %get3A_295 = arith.index_cast %scan3A_40 : i32 to index
      %get3A_296 = arith.constant 288 : index
      %get3A_297 = tpu.vector_load %arg9[%get3A_295, %get3A_296] {strides = array<i32>} : memref<32x1024xf32, #tpu.memory_space<vmem>>, vector<1x16xf32>,
      %get3A_298 = vector.shape_cast %get3A_297 : vector<1x16xf32> to vector<16xf32>
      %add3A_299 = arith.addf %get3A_294, %get3A_298 : vector<16xf32>
      %swap3A_300 = arith.index_cast %scan3A_40 : i32 to index
      %swap3A_301 = arith.constant 288 : index
      %swap3A_302 = tpu.vector_load %arg8[%swap3A_300, %swap3A_301] {strides = array<i32>} : memref<32x1024xf32, #tpu.memory_space<vmem>>, vector<1x16xf32>,
      %swap3A_303 = vector.shape_cast %swap3A_302 : vector<1x16xf32> to vector<16xf32>
      %swap3A_304 = vector.shape_cast %add3A_299 : vector<16xf32> to vector<1x16xf32>
      tpu.vector_store %arg8[%swap3A_300, %swap3A_301], %swap3A_304 {strides = array<i32>} : memref<32x1024xf32, #tpu.memory_space<vmem>>, vector<1x16xf32>,
      %get3A_305 = arith.index_cast %scan3A_40 : i32 to index
      %get3A_306 = arith.constant 304 : index
      %get3A_307 = tpu.vector_load %arg8[%get3A_305, %get3A_306] {strides = array<i32>} : memref<32x1024xf32, #tpu.memory_space<vmem>>, vector<1x16xf32>,
      %get3A_308 = vector.shape_cast %get3A_307 : vector<1x16xf32> to vector<16xf32>
      %get3A_309 = arith.index_cast %scan3A_40 : i32 to index
      %get3A_310 = arith.constant 304 : index
      %get3A_311 = tpu.vector_load %arg9[%get3A_309, %get3A_310] {strides = array<i32>} : memref<32x1024xf32, #tpu.memory_space<vmem>>, vector<1x16xf32>,
      %get3A_312 = vector.shape_cast %get3A_311 : vector<1x16xf32> to vector<16xf32>
      %add3A_313 = arith.addf %get3A_308, %get3A_312 : vector<16xf32>
      %swap3A_314 = arith.index_cast %scan3A_40 : i32 to index
      %swap3A_315 = arith.constant 304 : index
      %swap3A_316 = tpu.vector_load %arg8[%swap3A_314, %swap3A_315] {strides = array<i32>} : memref<32x1024xf32, #tpu.memory_space<vmem>>, vector<1x16xf32>,
      %swap3A_317 = vector.shape_cast %swap3A_316 : vector<1x16xf32> to vector<16xf32>
      %swap3A_318 = vector.shape_cast %add3A_313 : vector<16xf32> to vector<1x16xf32>
      tpu.vector_store %arg8[%swap3A_314, %swap3A_315], %swap3A_318 {strides = array<i32>} : memref<32x1024xf32, #tpu.memory_space<vmem>>, vector<1x16xf32>,
      %get3A_319 = arith.index_cast %scan3A_40 : i32 to index
      %get3A_320 = arith.constant 320 : index
      %get3A_321 = tpu.vector_load %arg8[%get3A_319, %get3A_320] {strides = array<i32>} : memref<32x1024xf32, #tpu.memory_space<vmem>>, vector<1x16xf32>,
      %get3A_322 = vector.shape_cast %get3A_321 : vector<1x16xf32> to vector<16xf32>
      %get3A_323 = arith.index_cast %scan3A_40 : i32 to index
      %get3A_324 = arith.constant 320 : index
      %get3A_325 = tpu.vector_load %arg9[%get3A_323, %get3A_324] {strides = array<i32>} : memref<32x1024xf32, #tpu.memory_space<vmem>>, vector<1x16xf32>,
      %get3A_326 = vector.shape_cast %get3A_325 : vector<1x16xf32> to vector<16xf32>
      %add3A_327 = arith.addf %get3A_322, %get3A_326 : vector<16xf32>
      %swap3A_328 = arith.index_cast %scan3A_40 : i32 to index
      %swap3A_329 = arith.constant 320 : index
      %swap3A_330 = tpu.vector_load %arg8[%swap3A_328, %swap3A_329] {strides = array<i32>} : memref<32x1024xf32, #tpu.memory_space<vmem>>, vector<1x16xf32>,
      %swap3A_331 = vector.shape_cast %swap3A_330 : vector<1x16xf32> to vector<16xf32>
      %swap3A_332 = vector.shape_cast %add3A_327 : vector<16xf32> to vector<1x16xf32>
      tpu.vector_store %arg8[%swap3A_328, %swap3A_329], %swap3A_332 {strides = array<i32>} : memref<32x1024xf32, #tpu.memory_space<vmem>>, vector<1x16xf32>,
      %get3A_333 = arith.index_cast %scan3A_40 : i32 to index
      %get3A_334 = arith.constant 336 : index
      %get3A_335 = tpu.vector_load %arg8[%get3A_333, %get3A_334] {strides = array<i32>} : memref<32x1024xf32, #tpu.memory_space<vmem>>, vector<1x16xf32>,
      %get3A_336 = vector.shape_cast %get3A_335 : vector<1x16xf32> to vector<16xf32>
      %get3A_337 = arith.index_cast %scan3A_40 : i32 to index
      %get3A_338 = arith.constant 336 : index
      %get3A_339 = tpu.vector_load %arg9[%get3A_337, %get3A_338] {strides = array<i32>} : memref<32x1024xf32, #tpu.memory_space<vmem>>, vector<1x16xf32>,
      %get3A_340 = vector.shape_cast %get3A_339 : vector<1x16xf32> to vector<16xf32>
      %add3A_341 = arith.addf %get3A_336, %get3A_340 : vector<16xf32>
      %swap3A_342 = arith.index_cast %scan3A_40 : i32 to index
      %swap3A_343 = arith.constant 336 : index
      %swap3A_344 = tpu.vector_load %arg8[%swap3A_342, %swap3A_343] {strides = array<i32>} : memref<32x1024xf32, #tpu.memory_space<vmem>>, vector<1x16xf32>,
      %swap3A_345 = vector.shape_cast %swap3A_344 : vector<1x16xf32> to vector<16xf32>
      %swap3A_346 = vector.shape_cast %add3A_341 : vector<16xf32> to vector<1x16xf32>
      tpu.vector_store %arg8[%swap3A_342, %swap3A_343], %swap3A_346 {strides = array<i32>} : memref<32x1024xf32, #tpu.memory_space<vmem>>, vector<1x16xf32>,
      %get3A_347 = arith.index_cast %scan3A_40 : i32 to index
      %get3A_348 = arith.constant 352 : index
      %get3A_349 = tpu.vector_load %arg8[%get3A_347, %get3A_348] {strides = array<i32>} : memref<32x1024xf32, #tpu.memory_space<vmem>>, vector<1x16xf32>,
      %get3A_350 = vector.shape_cast %get3A_349 : vector<1x16xf32> to vector<16xf32>
      %get3A_351 = arith.index_cast %scan3A_40 : i32 to index
      %get3A_352 = arith.constant 352 : index
      %get3A_353 = tpu.vector_load %arg9[%get3A_351, %get3A_352] {strides = array<i32>} : memref<32x1024xf32, #tpu.memory_space<vmem>>, vector<1x16xf32>,
      %get3A_354 = vector.shape_cast %get3A_353 : vector<1x16xf32> to vector<16xf32>
      %add3A_355 = arith.addf %get3A_350, %get3A_354 : vector<16xf32>
      %swap3A_356 = arith.index_cast %scan3A_40 : i32 to index
      %swap3A_357 = arith.constant 352 : index
      %swap3A_358 = tpu.vector_load %arg8[%swap3A_356, %swap3A_357] {strides = array<i32>} : memref<32x1024xf32, #tpu.memory_space<vmem>>, vector<1x16xf32>,
      %swap3A_359 = vector.shape_cast %swap3A_358 : vector<1x16xf32> to vector<16xf32>
      %swap3A_360 = vector.shape_cast %add3A_355 : vector<16xf32> to vector<1x16xf32>
      tpu.vector_store %arg8[%swap3A_356, %swap3A_357], %swap3A_360 {strides = array<i32>} : memref<32x1024xf32, #tpu.memory_space<vmem>>, vector<1x16xf32>,
      %get3A_361 = arith.index_cast %scan3A_40 : i32 to index
      %get3A_362 = arith.constant 368 : index
      %get3A_363 = tpu.vector_load %arg8[%get3A_361, %get3A_362] {strides = array<i32>} : memref<32x1024xf32, #tpu.memory_space<vmem>>, vector<1x16xf32>,
      %get3A_364 = vector.shape_cast %get3A_363 : vector<1x16xf32> to vector<16xf32>
      %get3A_365 = arith.index_cast %scan3A_40 : i32 to index
      %get3A_366 = arith.constant 368 : index
      %get3A_367 = tpu.vector_load %arg9[%get3A_365, %get3A_366] {strides = array<i32>} : memref<32x1024xf32, #tpu.memory_space<vmem>>, vector<1x16xf32>,
      %get3A_368 = vector.shape_cast %get3A_367 : vector<1x16xf32> to vector<16xf32>
      %add3A_369 = arith.addf %get3A_364, %get3A_368 : vector<16xf32>
      %swap3A_370 = arith.index_cast %scan3A_40 : i32 to index
      %swap3A_371 = arith.constant 368 : index
      %swap3A_372 = tpu.vector_load %arg8[%swap3A_370, %swap3A_371] {strides = array<i32>} : memref<32x1024xf32, #tpu.memory_space<vmem>>, vector<1x16xf32>,
      %swap3A_373 = vector.shape_cast %swap3A_372 : vector<1x16xf32> to vector<16xf32>
      %swap3A_374 = vector.shape_cast %add3A_369 : vector<16xf32> to vector<1x16xf32>
      tpu.vector_store %arg8[%swap3A_370, %swap3A_371], %swap3A_374 {strides = array<i32>} : memref<32x1024xf32, #tpu.memory_space<vmem>>, vector<1x16xf32>,
      %get3A_375 = arith.index_cast %scan3A_40 : i32 to index
      %get3A_376 = arith.constant 384 : index
      %get3A_377 = tpu.vector_load %arg8[%get3A_375, %get3A_376] {strides = array<i32>} : memref<32x1024xf32, #tpu.memory_space<vmem>>, vector<1x16xf32>,
      %get3A_378 = vector.shape_cast %get3A_377 : vector<1x16xf32> to vector<16xf32>
      %get3A_379 = arith.index_cast %scan3A_40 : i32 to index
      %get3A_380 = arith.constant 384 : index
      %get3A_381 = tpu.vector_load %arg9[%get3A_379, %get3A_380] {strides = array<i32>} : memref<32x1024xf32, #tpu.memory_space<vmem>>, vector<1x16xf32>,
      %get3A_382 = vector.shape_cast %get3A_381 : vector<1x16xf32> to vector<16xf32>
      %add3A_383 = arith.addf %get3A_378, %get3A_382 : vector<16xf32>
      %swap3A_384 = arith.index_cast %scan3A_40 : i32 to index
      %swap3A_385 = arith.constant 384 : index
      %swap3A_386 = tpu.vector_load %arg8[%swap3A_384, %swap3A_385] {strides = array<i32>} : memref<32x1024xf32, #tpu.memory_space<vmem>>, vector<1x16xf32>,
      %swap3A_387 = vector.shape_cast %swap3A_386 : vector<1x16xf32> to vector<16xf32>
      %swap3A_388 = vector.shape_cast %add3A_383 : vector<16xf32> to vector<1x16xf32>
      tpu.vector_store %arg8[%swap3A_384, %swap3A_385], %swap3A_388 {strides = array<i32>} : memref<32x1024xf32, #tpu.memory_space<vmem>>, vector<1x16xf32>,
      %get3A_389 = arith.index_cast %scan3A_40 : i32 to index
      %get3A_390 = arith.constant 400 : index
      %get3A_391 = tpu.vector_load %arg8[%get3A_389, %get3A_390] {strides = array<i32>} : memref<32x1024xf32, #tpu.memory_space<vmem>>, vector<1x16xf32>,
      %get3A_392 = vector.shape_cast %get3A_391 : vector<1x16xf32> to vector<16xf32>
      %get3A_393 = arith.index_cast %scan3A_40 : i32 to index
      %get3A_394 = arith.constant 400 : index
      %get3A_395 = tpu.vector_load %arg9[%get3A_393, %get3A_394] {strides = array<i32>} : memref<32x1024xf32, #tpu.memory_space<vmem>>, vector<1x16xf32>,
      %get3A_396 = vector.shape_cast %get3A_395 : vector<1x16xf32> to vector<16xf32>
      %add3A_397 = arith.addf %get3A_392, %get3A_396 : vector<16xf32>
      %swap3A_398 = arith.index_cast %scan3A_40 : i32 to index
      %swap3A_399 = arith.constant 400 : index
      %swap3A_400 = tpu.vector_load %arg8[%swap3A_398, %swap3A_399] {strides = array<i32>} : memref<32x1024xf32, #tpu.memory_space<vmem>>, vector<1x16xf32>,
      %swap3A_401 = vector.shape_cast %swap3A_400 : vector<1x16xf32> to vector<16xf32>
      %swap3A_402 = vector.shape_cast %add3A_397 : vector<16xf32> to vector<1x16xf32>
      tpu.vector_store %arg8[%swap3A_398, %swap3A_399], %swap3A_402 {strides = array<i32>} : memref<32x1024xf32, #tpu.memory_space<vmem>>, vector<1x16xf32>,
      %get3A_403 = arith.index_cast %scan3A_40 : i32 to index
      %get3A_404 = arith.constant 416 : index
      %get3A_405 = tpu.vector_load %arg8[%get3A_403, %get3A_404] {strides = array<i32>} : memref<32x1024xf32, #tpu.memory_space<vmem>>, vector<1x16xf32>,
      %get3A_406 = vector.shape_cast %get3A_405 : vector<1x16xf32> to vector<16xf32>
      %get3A_407 = arith.index_cast %scan3A_40 : i32 to index
      %get3A_408 = arith.constant 416 : index
      %get3A_409 = tpu.vector_load %arg9[%get3A_407, %get3A_408] {strides = array<i32>} : memref<32x1024xf32, #tpu.memory_space<vmem>>, vector<1x16xf32>,
      %get3A_410 = vector.shape_cast %get3A_409 : vector<1x16xf32> to vector<16xf32>
      %add3A_411 = arith.addf %get3A_406, %get3A_410 : vector<16xf32>
      %swap3A_412 = arith.index_cast %scan3A_40 : i32 to index
      %swap3A_413 = arith.constant 416 : index
      %swap3A_414 = tpu.vector_load %arg8[%swap3A_412, %swap3A_413] {strides = array<i32>} : memref<32x1024xf32, #tpu.memory_space<vmem>>, vector<1x16xf32>,
      %swap3A_415 = vector.shape_cast %swap3A_414 : vector<1x16xf32> to vector<16xf32>
      %swap3A_416 = vector.shape_cast %add3A_411 : vector<16xf32> to vector<1x16xf32>
      tpu.vector_store %arg8[%swap3A_412, %swap3A_413], %swap3A_416 {strides = array<i32>} : memref<32x1024xf32, #tpu.memory_space<vmem>>, vector<1x16xf32>,
      %get3A_417 = arith.index_cast %scan3A_40 : i32 to index
      %get3A_418 = arith.constant 432 : index
      %get3A_419 = tpu.vector_load %arg8[%get3A_417, %get3A_418] {strides = array<i32>} : memref<32x1024xf32, #tpu.memory_space<vmem>>, vector<1x16xf32>,
      %get3A_420 = vector.shape_cast %get3A_419 : vector<1x16xf32> to vector<16xf32>
      %get3A_421 = arith.index_cast %scan3A_40 : i32 to index
      %get3A_422 = arith.constant 432 : index
      %get3A_423 = tpu.vector_load %arg9[%get3A_421, %get3A_422] {strides = array<i32>} : memref<32x1024xf32, #tpu.memory_space<vmem>>, vector<1x16xf32>,
      %get3A_424 = vector.shape_cast %get3A_423 : vector<1x16xf32> to vector<16xf32>
      %add3A_425 = arith.addf %get3A_420, %get3A_424 : vector<16xf32>
      %swap3A_426 = arith.index_cast %scan3A_40 : i32 to index
      %swap3A_427 = arith.constant 432 : index
      %swap3A_428 = tpu.vector_load %arg8[%swap3A_426, %swap3A_427] {strides = array<i32>} : memref<32x1024xf32, #tpu.memory_space<vmem>>, vector<1x16xf32>,
      %swap3A_429 = vector.shape_cast %swap3A_428 : vector<1x16xf32> to vector<16xf32>
      %swap3A_430 = vector.shape_cast %add3A_425 : vector<16xf32> to vector<1x16xf32>
      tpu.vector_store %arg8[%swap3A_426, %swap3A_427], %swap3A_430 {strides = array<i32>} : memref<32x1024xf32, #tpu.memory_space<vmem>>, vector<1x16xf32>,
      %get3A_431 = arith.index_cast %scan3A_40 : i32 to index
      %get3A_432 = arith.constant 448 : index
      %get3A_433 = tpu.vector_load %arg8[%get3A_431, %get3A_432] {strides = array<i32>} : memref<32x1024xf32, #tpu.memory_space<vmem>>, vector<1x16xf32>,
      %get3A_434 = vector.shape_cast %get3A_433 : vector<1x16xf32> to vector<16xf32>
      %get3A_435 = arith.index_cast %scan3A_40 : i32 to index
      %get3A_436 = arith.constant 448 : index
      %get3A_437 = tpu.vector_load %arg9[%get3A_435, %get3A_436] {strides = array<i32>} : memref<32x1024xf32, #tpu.memory_space<vmem>>, vector<1x16xf32>,
      %get3A_438 = vector.shape_cast %get3A_437 : vector<1x16xf32> to vector<16xf32>
      %add3A_439 = arith.addf %get3A_434, %get3A_438 : vector<16xf32>
      %swap3A_440 = arith.index_cast %scan3A_40 : i32 to index
      %swap3A_441 = arith.constant 448 : index
      %swap3A_442 = tpu.vector_load %arg8[%swap3A_440, %swap3A_441] {strides = array<i32>} : memref<32x1024xf32, #tpu.memory_space<vmem>>, vector<1x16xf32>,
      %swap3A_443 = vector.shape_cast %swap3A_442 : vector<1x16xf32> to vector<16xf32>
      %swap3A_444 = vector.shape_cast %add3A_439 : vector<16xf32> to vector<1x16xf32>
      tpu.vector_store %arg8[%swap3A_440, %swap3A_441], %swap3A_444 {strides = array<i32>} : memref<32x1024xf32, #tpu.memory_space<vmem>>, vector<1x16xf32>,
      %get3A_445 = arith.index_cast %scan3A_40 : i32 to index
      %get3A_446 = arith.constant 464 : index
      %get3A_447 = tpu.vector_load %arg8[%get3A_445, %get3A_446] {strides = array<i32>} : memref<32x1024xf32, #tpu.memory_space<vmem>>, vector<1x16xf32>,
      %get3A_448 = vector.shape_cast %get3A_447 : vector<1x16xf32> to vector<16xf32>
      %get3A_449 = arith.index_cast %scan3A_40 : i32 to index
      %get3A_450 = arith.constant 464 : index
      %get3A_451 = tpu.vector_load %arg9[%get3A_449, %get3A_450] {strides = array<i32>} : memref<32x1024xf32, #tpu.memory_space<vmem>>, vector<1x16xf32>,
      %get3A_452 = vector.shape_cast %get3A_451 : vector<1x16xf32> to vector<16xf32>
      %add3A_453 = arith.addf %get3A_448, %get3A_452 : vector<16xf32>
      %swap3A_454 = arith.index_cast %scan3A_40 : i32 to index
      %swap3A_455 = arith.constant 464 : index
      %swap3A_456 = tpu.vector_load %arg8[%swap3A_454, %swap3A_455] {strides = array<i32>} : memref<32x1024xf32, #tpu.memory_space<vmem>>, vector<1x16xf32>,
      %swap3A_457 = vector.shape_cast %swap3A_456 : vector<1x16xf32> to vector<16xf32>
      %swap3A_458 = vector.shape_cast %add3A_453 : vector<16xf32> to vector<1x16xf32>
      tpu.vector_store %arg8[%swap3A_454, %swap3A_455], %swap3A_458 {strides = array<i32>} : memref<32x1024xf32, #tpu.memory_space<vmem>>, vector<1x16xf32>,
      %get3A_459 = arith.index_cast %scan3A_40 : i32 to index
      %get3A_460 = arith.constant 480 : index
      %get3A_461 = tpu.vector_load %arg8[%get3A_459, %get3A_460] {strides = array<i32>} : memref<32x1024xf32, #tpu.memory_space<vmem>>, vector<1x16xf32>,
      %get3A_462 = vector.shape_cast %get3A_461 : vector<1x16xf32> to vector<16xf32>
      %get3A_463 = arith.index_cast %scan3A_40 : i32 to index
      %get3A_464 = arith.constant 480 : index
      %get3A_465 = tpu.vector_load %arg9[%get3A_463, %get3A_464] {strides = array<i32>} : memref<32x1024xf32, #tpu.memory_space<vmem>>, vector<1x16xf32>,
      %get3A_466 = vector.shape_cast %get3A_465 : vector<1x16xf32> to vector<16xf32>
      %add3A_467 = arith.addf %get3A_462, %get3A_466 : vector<16xf32>
      %swap3A_468 = arith.index_cast %scan3A_40 : i32 to index
      %swap3A_469 = arith.constant 480 : index
      %swap3A_470 = tpu.vector_load %arg8[%swap3A_468, %swap3A_469] {strides = array<i32>} : memref<32x1024xf32, #tpu.memory_space<vmem>>, vector<1x16xf32>,
      %swap3A_471 = vector.shape_cast %swap3A_470 : vector<1x16xf32> to vector<16xf32>
      %swap3A_472 = vector.shape_cast %add3A_467 : vector<16xf32> to vector<1x16xf32>
      tpu.vector_store %arg8[%swap3A_468, %swap3A_469], %swap3A_472 {strides = array<i32>} : memref<32x1024xf32, #tpu.memory_space<vmem>>, vector<1x16xf32>,
      %get3A_473 = arith.index_cast %scan3A_40 : i32 to index
      %get3A_474 = arith.constant 496 : index
      %get3A_475 = tpu.vector_load %arg8[%get3A_473, %get3A_474] {strides = array<i32>} : memref<32x1024xf32, #tpu.memory_space<vmem>>, vector<1x16xf32>,
      %get3A_476 = vector.shape_cast %get3A_475 : vector<1x16xf32> to vector<16xf32>
      %get3A_477 = arith.index_cast %scan3A_40 : i32 to index
      %get3A_478 = arith.constant 496 : index
      %get3A_479 = tpu.vector_load %arg9[%get3A_477, %get3A_478] {strides = array<i32>} : memref<32x1024xf32, #tpu.memory_space<vmem>>, vector<1x16xf32>,
      %get3A_480 = vector.shape_cast %get3A_479 : vector<1x16xf32> to vector<16xf32>
      %add3A_481 = arith.addf %get3A_476, %get3A_480 : vector<16xf32>
      %swap3A_482 = arith.index_cast %scan3A_40 : i32 to index
      %swap3A_483 = arith.constant 496 : index
      %swap3A_484 = tpu.vector_load %arg8[%swap3A_482, %swap3A_483] {strides = array<i32>} : memref<32x1024xf32, #tpu.memory_space<vmem>>, vector<1x16xf32>,
      %swap3A_485 = vector.shape_cast %swap3A_484 : vector<1x16xf32> to vector<16xf32>
      %swap3A_486 = vector.shape_cast %add3A_481 : vector<16xf32> to vector<1x16xf32>
      tpu.vector_store %arg8[%swap3A_482, %swap3A_483], %swap3A_486 {strides = array<i32>} : memref<32x1024xf32, #tpu.memory_space<vmem>>, vector<1x16xf32>,
      %get3A_487 = arith.index_cast %scan3A_40 : i32 to index
      %get3A_488 = arith.constant 512 : index
      %get3A_489 = tpu.vector_load %arg8[%get3A_487, %get3A_488] {strides = array<i32>} : memref<32x1024xf32, #tpu.memory_space<vmem>>, vector<1x16xf32>,
      %get3A_490 = vector.shape_cast %get3A_489 : vector<1x16xf32> to vector<16xf32>
      %get3A_491 = arith.index_cast %scan3A_40 : i32 to index
      %get3A_492 = arith.constant 512 : index
      %get3A_493 = tpu.vector_load %arg9[%get3A_491, %get3A_492] {strides = array<i32>} : memref<32x1024xf32, #tpu.memory_space<vmem>>, vector<1x16xf32>,
      %get3A_494 = vector.shape_cast %get3A_493 : vector<1x16xf32> to vector<16xf32>
      %add3A_495 = arith.addf %get3A_490, %get3A_494 : vector<16xf32>
      %swap3A_496 = arith.index_cast %scan3A_40 : i32 to index
      %swap3A_497 = arith.constant 512 : index
      %swap3A_498 = tpu.vector_load %arg8[%swap3A_496, %swap3A_497] {strides = array<i32>} : memref<32x1024xf32, #tpu.memory_space<vmem>>, vector<1x16xf32>,
      %swap3A_499 = vector.shape_cast %swap3A_498 : vector<1x16xf32> to vector<16xf32>
      %swap3A_500 = vector.shape_cast %add3A_495 : vector<16xf32> to vector<1x16xf32>
      tpu.vector_store %arg8[%swap3A_496, %swap3A_497], %swap3A_500 {strides = array<i32>} : memref<32x1024xf32, #tpu.memory_space<vmem>>, vector<1x16xf32>,
      %get3A_501 = arith.index_cast %scan3A_40 : i32 to index
      %get3A_502 = arith.constant 528 : index
      %get3A_503 = tpu.vector_load %arg8[%get3A_501, %get3A_502] {strides = array<i32>} : memref<32x1024xf32, #tpu.memory_space<vmem>>, vector<1x16xf32>,
      %get3A_504 = vector.shape_cast %get3A_503 : vector<1x16xf32> to vector<16xf32>
      %get3A_505 = arith.index_cast %scan3A_40 : i32 to index
      %get3A_506 = arith.constant 528 : index
      %get3A_507 = tpu.vector_load %arg9[%get3A_505, %get3A_506] {strides = array<i32>} : memref<32x1024xf32, #tpu.memory_space<vmem>>, vector<1x16xf32>,
      %get3A_508 = vector.shape_cast %get3A_507 : vector<1x16xf32> to vector<16xf32>
      %add3A_509 = arith.addf %get3A_504, %get3A_508 : vector<16xf32>
      %swap3A_510 = arith.index_cast %scan3A_40 : i32 to index
      %swap3A_511 = arith.constant 528 : index
      %swap3A_512 = tpu.vector_load %arg8[%swap3A_510, %swap3A_511] {strides = array<i32>} : memref<32x1024xf32, #tpu.memory_space<vmem>>, vector<1x16xf32>,
      %swap3A_513 = vector.shape_cast %swap3A_512 : vector<1x16xf32> to vector<16xf32>
      %swap3A_514 = vector.shape_cast %add3A_509 : vector<16xf32> to vector<1x16xf32>
      tpu.vector_store %arg8[%swap3A_510, %swap3A_511], %swap3A_514 {strides = array<i32>} : memref<32x1024xf32, #tpu.memory_space<vmem>>, vector<1x16xf32>,
      %get3A_515 = arith.index_cast %scan3A_40 : i32 to index
      %get3A_516 = arith.constant 544 : index
      %get3A_517 = tpu.vector_load %arg8[%get3A_515, %get3A_516] {strides = array<i32>} : memref<32x1024xf32, #tpu.memory_space<vmem>>, vector<1x16xf32>,
      %get3A_518 = vector.shape_cast %get3A_517 : vector<1x16xf32> to vector<16xf32>
      %get3A_519 = arith.index_cast %scan3A_40 : i32 to index
      %get3A_520 = arith.constant 544 : index
      %get3A_521 = tpu.vector_load %arg9[%get3A_519, %get3A_520] {strides = array<i32>} : memref<32x1024xf32, #tpu.memory_space<vmem>>, vector<1x16xf32>,
      %get3A_522 = vector.shape_cast %get3A_521 : vector<1x16xf32> to vector<16xf32>
      %add3A_523 = arith.addf %get3A_518, %get3A_522 : vector<16xf32>
      %swap3A_524 = arith.index_cast %scan3A_40 : i32 to index
      %swap3A_525 = arith.constant 544 : index
      %swap3A_526 = tpu.vector_load %arg8[%swap3A_524, %swap3A_525] {strides = array<i32>} : memref<32x1024xf32, #tpu.memory_space<vmem>>, vector<1x16xf32>,
      %swap3A_527 = vector.shape_cast %swap3A_526 : vector<1x16xf32> to vector<16xf32>
      %swap3A_528 = vector.shape_cast %add3A_523 : vector<16xf32> to vector<1x16xf32>
      tpu.vector_store %arg8[%swap3A_524, %swap3A_525], %swap3A_528 {strides = array<i32>} : memref<32x1024xf32, #tpu.memory_space<vmem>>, vector<1x16xf32>,
      %get3A_529 = arith.index_cast %scan3A_40 : i32 to index
      %get3A_530 = arith.constant 560 : index
      %get3A_531 = tpu.vector_load %arg8[%get3A_529, %get3A_530] {strides = array<i32>} : memref<32x1024xf32, #tpu.memory_space<vmem>>, vector<1x16xf32>,
      %get3A_532 = vector.shape_cast %get3A_531 : vector<1x16xf32> to vector<16xf32>
      %get3A_533 = arith.index_cast %scan3A_40 : i32 to index
      %get3A_534 = arith.constant 560 : index
      %get3A_535 = tpu.vector_load %arg9[%get3A_533, %get3A_534] {strides = array<i32>} : memref<32x1024xf32, #tpu.memory_space<vmem>>, vector<1x16xf32>,
      %get3A_536 = vector.shape_cast %get3A_535 : vector<1x16xf32> to vector<16xf32>
      %add3A_537 = arith.addf %get3A_532, %get3A_536 : vector<16xf32>
      %swap3A_538 = arith.index_cast %scan3A_40 : i32 to index
      %swap3A_539 = arith.constant 560 : index
      %swap3A_540 = tpu.vector_load %arg8[%swap3A_538, %swap3A_539] {strides = array<i32>} : memref<32x1024xf32, #tpu.memory_space<vmem>>, vector<1x16xf32>,
      %swap3A_541 = vector.shape_cast %swap3A_540 : vector<1x16xf32> to vector<16xf32>
      %swap3A_542 = vector.shape_cast %add3A_537 : vector<16xf32> to vector<1x16xf32>
      tpu.vector_store %arg8[%swap3A_538, %swap3A_539], %swap3A_542 {strides = array<i32>} : memref<32x1024xf32, #tpu.memory_space<vmem>>, vector<1x16xf32>,
      %get3A_543 = arith.index_cast %scan3A_40 : i32 to index
      %get3A_544 = arith.constant 576 : index
      %get3A_545 = tpu.vector_load %arg8[%get3A_543, %get3A_544] {strides = array<i32>} : memref<32x1024xf32, #tpu.memory_space<vmem>>, vector<1x16xf32>,
      %get3A_546 = vector.shape_cast %get3A_545 : vector<1x16xf32> to vector<16xf32>
      %get3A_547 = arith.index_cast %scan3A_40 : i32 to index
      %get3A_548 = arith.constant 576 : index
      %get3A_549 = tpu.vector_load %arg9[%get3A_547, %get3A_548] {strides = array<i32>} : memref<32x1024xf32, #tpu.memory_space<vmem>>, vector<1x16xf32>,
      %get3A_550 = vector.shape_cast %get3A_549 : vector<1x16xf32> to vector<16xf32>
      %add3A_551 = arith.addf %get3A_546, %get3A_550 : vector<16xf32>
      %swap3A_552 = arith.index_cast %scan3A_40 : i32 to index
      %swap3A_553 = arith.constant 576 : index
      %swap3A_554 = tpu.vector_load %arg8[%swap3A_552, %swap3A_553] {strides = array<i32>} : memref<32x1024xf32, #tpu.memory_space<vmem>>, vector<1x16xf32>,
      %swap3A_555 = vector.shape_cast %swap3A_554 : vector<1x16xf32> to vector<16xf32>
      %swap3A_556 = vector.shape_cast %add3A_551 : vector<16xf32> to vector<1x16xf32>
      tpu.vector_store %arg8[%swap3A_552, %swap3A_553], %swap3A_556 {strides = array<i32>} : memref<32x1024xf32, #tpu.memory_space<vmem>>, vector<1x16xf32>,
      %get3A_557 = arith.index_cast %scan3A_40 : i32 to index
      %get3A_558 = arith.constant 592 : index
      %get3A_559 = tpu.vector_load %arg8[%get3A_557, %get3A_558] {strides = array<i32>} : memref<32x1024xf32, #tpu.memory_space<vmem>>, vector<1x16xf32>,
      %get3A_560 = vector.shape_cast %get3A_559 : vector<1x16xf32> to vector<16xf32>
      %get3A_561 = arith.index_cast %scan3A_40 : i32 to index
      %get3A_562 = arith.constant 592 : index
      %get3A_563 = tpu.vector_load %arg9[%get3A_561, %get3A_562] {strides = array<i32>} : memref<32x1024xf32, #tpu.memory_space<vmem>>, vector<1x16xf32>,
      %get3A_564 = vector.shape_cast %get3A_563 : vector<1x16xf32> to vector<16xf32>
      %add3A_565 = arith.addf %get3A_560, %get3A_564 : vector<16xf32>
      %swap3A_566 = arith.index_cast %scan3A_40 : i32 to index
      %swap3A_567 = arith.constant 592 : index
      %swap3A_568 = tpu.vector_load %arg8[%swap3A_566, %swap3A_567] {strides = array<i32>} : memref<32x1024xf32, #tpu.memory_space<vmem>>, vector<1x16xf32>,
      %swap3A_569 = vector.shape_cast %swap3A_568 : vector<1x16xf32> to vector<16xf32>
      %swap3A_570 = vector.shape_cast %add3A_565 : vector<16xf32> to vector<1x16xf32>
      tpu.vector_store %arg8[%swap3A_566, %swap3A_567], %swap3A_570 {strides = array<i32>} : memref<32x1024xf32, #tpu.memory_space<vmem>>, vector<1x16xf32>,
      %get3A_571 = arith.index_cast %scan3A_40 : i32 to index
      %get3A_572 = arith.constant 608 : index
      %get3A_573 = tpu.vector_load %arg8[%get3A_571, %get3A_572] {strides = array<i32>} : memref<32x1024xf32, #tpu.memory_space<vmem>>, vector<1x16xf32>,
      %get3A_574 = vector.shape_cast %get3A_573 : vector<1x16xf32> to vector<16xf32>
      %get3A_575 = arith.index_cast %scan3A_40 : i32 to index
      %get3A_576 = arith.constant 608 : index
      %get3A_577 = tpu.vector_load %arg9[%get3A_575, %get3A_576] {strides = array<i32>} : memref<32x1024xf32, #tpu.memory_space<vmem>>, vector<1x16xf32>,
      %get3A_578 = vector.shape_cast %get3A_577 : vector<1x16xf32> to vector<16xf32>
      %add3A_579 = arith.addf %get3A_574, %get3A_578 : vector<16xf32>
      %swap3A_580 = arith.index_cast %scan3A_40 : i32 to index
      %swap3A_581 = arith.constant 608 : index
      %swap3A_582 = tpu.vector_load %arg8[%swap3A_580, %swap3A_581] {strides = array<i32>} : memref<32x1024xf32, #tpu.memory_space<vmem>>, vector<1x16xf32>,
      %swap3A_583 = vector.shape_cast %swap3A_582 : vector<1x16xf32> to vector<16xf32>
      %swap3A_584 = vector.shape_cast %add3A_579 : vector<16xf32> to vector<1x16xf32>
      tpu.vector_store %arg8[%swap3A_580, %swap3A_581], %swap3A_584 {strides = array<i32>} : memref<32x1024xf32, #tpu.memory_space<vmem>>, vector<1x16xf32>,
      %get3A_585 = arith.index_cast %scan3A_40 : i32 to index
      %get3A_586 = arith.constant 624 : index
      %get3A_587 = tpu.vector_load %arg8[%get3A_585, %get3A_586] {strides = array<i32>} : memref<32x1024xf32, #tpu.memory_space<vmem>>, vector<1x16xf32>,
      %get3A_588 = vector.shape_cast %get3A_587 : vector<1x16xf32> to vector<16xf32>
      %get3A_589 = arith.index_cast %scan3A_40 : i32 to index
      %get3A_590 = arith.constant 624 : index
      %get3A_591 = tpu.vector_load %arg9[%get3A_589, %get3A_590] {strides = array<i32>} : memref<32x1024xf32, #tpu.memory_space<vmem>>, vector<1x16xf32>,
      %get3A_592 = vector.shape_cast %get3A_591 : vector<1x16xf32> to vector<16xf32>
      %add3A_593 = arith.addf %get3A_588, %get3A_592 : vector<16xf32>
      %swap3A_594 = arith.index_cast %scan3A_40 : i32 to index
      %swap3A_595 = arith.constant 624 : index
      %swap3A_596 = tpu.vector_load %arg8[%swap3A_594, %swap3A_595] {strides = array<i32>} : memref<32x1024xf32, #tpu.memory_space<vmem>>, vector<1x16xf32>,
      %swap3A_597 = vector.shape_cast %swap3A_596 : vector<1x16xf32> to vector<16xf32>
      %swap3A_598 = vector.shape_cast %add3A_593 : vector<16xf32> to vector<1x16xf32>
      tpu.vector_store %arg8[%swap3A_594, %swap3A_595], %swap3A_598 {strides = array<i32>} : memref<32x1024xf32, #tpu.memory_space<vmem>>, vector<1x16xf32>,
      %get3A_599 = arith.index_cast %scan3A_40 : i32 to index
      %get3A_600 = arith.constant 640 : index
      %get3A_601 = tpu.vector_load %arg8[%get3A_599, %get3A_600] {strides = array<i32>} : memref<32x1024xf32, #tpu.memory_space<vmem>>, vector<1x16xf32>,
      %get3A_602 = vector.shape_cast %get3A_601 : vector<1x16xf32> to vector<16xf32>
      %get3A_603 = arith.index_cast %scan3A_40 : i32 to index
      %get3A_604 = arith.constant 640 : index
      %get3A_605 = tpu.vector_load %arg9[%get3A_603, %get3A_604] {strides = array<i32>} : memref<32x1024xf32, #tpu.memory_space<vmem>>, vector<1x16xf32>,
      %get3A_606 = vector.shape_cast %get3A_605 : vector<1x16xf32> to vector<16xf32>
      %add3A_607 = arith.addf %get3A_602, %get3A_606 : vector<16xf32>
      %swap3A_608 = arith.index_cast %scan3A_40 : i32 to index
      %swap3A_609 = arith.constant 640 : index
      %swap3A_610 = tpu.vector_load %arg8[%swap3A_608, %swap3A_609] {strides = array<i32>} : memref<32x1024xf32, #tpu.memory_space<vmem>>, vector<1x16xf32>,
      %swap3A_611 = vector.shape_cast %swap3A_610 : vector<1x16xf32> to vector<16xf32>
      %swap3A_612 = vector.shape_cast %add3A_607 : vector<16xf32> to vector<1x16xf32>
      tpu.vector_store %arg8[%swap3A_608, %swap3A_609], %swap3A_612 {strides = array<i32>} : memref<32x1024xf32, #tpu.memory_space<vmem>>, vector<1x16xf32>,
      %get3A_613 = arith.index_cast %scan3A_40 : i32 to index
      %get3A_614 = arith.constant 656 : index
      %get3A_615 = tpu.vector_load %arg8[%get3A_613, %get3A_614] {strides = array<i32>} : memref<32x1024xf32, #tpu.memory_space<vmem>>, vector<1x16xf32>,
      %get3A_616 = vector.shape_cast %get3A_615 : vector<1x16xf32> to vector<16xf32>
      %get3A_617 = arith.index_cast %scan3A_40 : i32 to index
      %get3A_618 = arith.constant 656 : index
      %get3A_619 = tpu.vector_load %arg9[%get3A_617, %get3A_618] {strides = array<i32>} : memref<32x1024xf32, #tpu.memory_space<vmem>>, vector<1x16xf32>,
      %get3A_620 = vector.shape_cast %get3A_619 : vector<1x16xf32> to vector<16xf32>
      %add3A_621 = arith.addf %get3A_616, %get3A_620 : vector<16xf32>
      %swap3A_622 = arith.index_cast %scan3A_40 : i32 to index
      %swap3A_623 = arith.constant 656 : index
      %swap3A_624 = tpu.vector_load %arg8[%swap3A_622, %swap3A_623] {strides = array<i32>} : memref<32x1024xf32, #tpu.memory_space<vmem>>, vector<1x16xf32>,
      %swap3A_625 = vector.shape_cast %swap3A_624 : vector<1x16xf32> to vector<16xf32>
      %swap3A_626 = vector.shape_cast %add3A_621 : vector<16xf32> to vector<1x16xf32>
      tpu.vector_store %arg8[%swap3A_622, %swap3A_623], %swap3A_626 {strides = array<i32>} : memref<32x1024xf32, #tpu.memory_space<vmem>>, vector<1x16xf32>,
      %get3A_627 = arith.index_cast %scan3A_40 : i32 to index
      %get3A_628 = arith.constant 672 : index
      %get3A_629 = tpu.vector_load %arg8[%get3A_627, %get3A_628] {strides = array<i32>} : memref<32x1024xf32, #tpu.memory_space<vmem>>, vector<1x16xf32>,
      %get3A_630 = vector.shape_cast %get3A_629 : vector<1x16xf32> to vector<16xf32>
      %get3A_631 = arith.index_cast %scan3A_40 : i32 to index
      %get3A_632 = arith.constant 672 : index
      %get3A_633 = tpu.vector_load %arg9[%get3A_631, %get3A_632] {strides = array<i32>} : memref<32x1024xf32, #tpu.memory_space<vmem>>, vector<1x16xf32>,
      %get3A_634 = vector.shape_cast %get3A_633 : vector<1x16xf32> to vector<16xf32>
      %add3A_635 = arith.addf %get3A_630, %get3A_634 : vector<16xf32>
      %swap3A_636 = arith.index_cast %scan3A_40 : i32 to index
      %swap3A_637 = arith.constant 672 : index
      %swap3A_638 = tpu.vector_load %arg8[%swap3A_636, %swap3A_637] {strides = array<i32>} : memref<32x1024xf32, #tpu.memory_space<vmem>>, vector<1x16xf32>,
      %swap3A_639 = vector.shape_cast %swap3A_638 : vector<1x16xf32> to vector<16xf32>
      %swap3A_640 = vector.shape_cast %add3A_635 : vector<16xf32> to vector<1x16xf32>
      tpu.vector_store %arg8[%swap3A_636, %swap3A_637], %swap3A_640 {strides = array<i32>} : memref<32x1024xf32, #tpu.memory_space<vmem>>, vector<1x16xf32>,
      %get3A_641 = arith.index_cast %scan3A_40 : i32 to index
      %get3A_642 = arith.constant 688 : index
      %get3A_643 = tpu.vector_load %arg8[%get3A_641, %get3A_642] {strides = array<i32>} : memref<32x1024xf32, #tpu.memory_space<vmem>>, vector<1x16xf32>,
      %get3A_644 = vector.shape_cast %get3A_643 : vector<1x16xf32> to vector<16xf32>
      %get3A_645 = arith.index_cast %scan3A_40 : i32 to index
      %get3A_646 = arith.constant 688 : index
      %get3A_647 = tpu.vector_load %arg9[%get3A_645, %get3A_646] {strides = array<i32>} : memref<32x1024xf32, #tpu.memory_space<vmem>>, vector<1x16xf32>,
      %get3A_648 = vector.shape_cast %get3A_647 : vector<1x16xf32> to vector<16xf32>
      %add3A_649 = arith.addf %get3A_644, %get3A_648 : vector<16xf32>
      %swap3A_650 = arith.index_cast %scan3A_40 : i32 to index
      %swap3A_651 = arith.constant 688 : index
      %swap3A_652 = tpu.vector_load %arg8[%swap3A_650, %swap3A_651] {strides = array<i32>} : memref<32x1024xf32, #tpu.memory_space<vmem>>, vector<1x16xf32>,
      %swap3A_653 = vector.shape_cast %swap3A_652 : vector<1x16xf32> to vector<16xf32>
      %swap3A_654 = vector.shape_cast %add3A_649 : vector<16xf32> to vector<1x16xf32>
      tpu.vector_store %arg8[%swap3A_650, %swap3A_651], %swap3A_654 {strides = array<i32>} : memref<32x1024xf32, #tpu.memory_space<vmem>>, vector<1x16xf32>,
      %get3A_655 = arith.index_cast %scan3A_40 : i32 to index
      %get3A_656 = arith.constant 704 : index
      %get3A_657 = tpu.vector_load %arg8[%get3A_655, %get3A_656] {strides = array<i32>} : memref<32x1024xf32, #tpu.memory_space<vmem>>, vector<1x16xf32>,
      %get3A_658 = vector.shape_cast %get3A_657 : vector<1x16xf32> to vector<16xf32>
      %get3A_659 = arith.index_cast %scan3A_40 : i32 to index
      %get3A_660 = arith.constant 704 : index
      %get3A_661 = tpu.vector_load %arg9[%get3A_659, %get3A_660] {strides = array<i32>} : memref<32x1024xf32, #tpu.memory_space<vmem>>, vector<1x16xf32>,
      %get3A_662 = vector.shape_cast %get3A_661 : vector<1x16xf32> to vector<16xf32>
      %add3A_663 = arith.addf %get3A_658, %get3A_662 : vector<16xf32>
      %swap3A_664 = arith.index_cast %scan3A_40 : i32 to index
      %swap3A_665 = arith.constant 704 : index
      %swap3A_666 = tpu.vector_load %arg8[%swap3A_664, %swap3A_665] {strides = array<i32>} : memref<32x1024xf32, #tpu.memory_space<vmem>>, vector<1x16xf32>,
      %swap3A_667 = vector.shape_cast %swap3A_666 : vector<1x16xf32> to vector<16xf32>
      %swap3A_668 = vector.shape_cast %add3A_663 : vector<16xf32> to vector<1x16xf32>
      tpu.vector_store %arg8[%swap3A_664, %swap3A_665], %swap3A_668 {strides = array<i32>} : memref<32x1024xf32, #tpu.memory_space<vmem>>, vector<1x16xf32>,
      %get3A_669 = arith.index_cast %scan3A_40 : i32 to index
      %get3A_670 = arith.constant 720 : index
      %get3A_671 = tpu.vector_load %arg8[%get3A_669, %get3A_670] {strides = array<i32>} : memref<32x1024xf32, #tpu.memory_space<vmem>>, vector<1x16xf32>,
      %get3A_672 = vector.shape_cast %get3A_671 : vector<1x16xf32> to vector<16xf32>
      %get3A_673 = arith.index_cast %scan3A_40 : i32 to index
      %get3A_674 = arith.constant 720 : index
      %get3A_675 = tpu.vector_load %arg9[%get3A_673, %get3A_674] {strides = array<i32>} : memref<32x1024xf32, #tpu.memory_space<vmem>>, vector<1x16xf32>,
      %get3A_676 = vector.shape_cast %get3A_675 : vector<1x16xf32> to vector<16xf32>
      %add3A_677 = arith.addf %get3A_672, %get3A_676 : vector<16xf32>
      %swap3A_678 = arith.index_cast %scan3A_40 : i32 to index
      %swap3A_679 = arith.constant 720 : index
      %swap3A_680 = tpu.vector_load %arg8[%swap3A_678, %swap3A_679] {strides = array<i32>} : memref<32x1024xf32, #tpu.memory_space<vmem>>, vector<1x16xf32>,
      %swap3A_681 = vector.shape_cast %swap3A_680 : vector<1x16xf32> to vector<16xf32>
      %swap3A_682 = vector.shape_cast %add3A_677 : vector<16xf32> to vector<1x16xf32>
      tpu.vector_store %arg8[%swap3A_678, %swap3A_679], %swap3A_682 {strides = array<i32>} : memref<32x1024xf32, #tpu.memory_space<vmem>>, vector<1x16xf32>,
      %get3A_683 = arith.index_cast %scan3A_40 : i32 to index
      %get3A_684 = arith.constant 736 : index
      %get3A_685 = tpu.vector_load %arg8[%get3A_683, %get3A_684] {strides = array<i32>} : memref<32x1024xf32, #tpu.memory_space<vmem>>, vector<1x16xf32>,
      %get3A_686 = vector.shape_cast %get3A_685 : vector<1x16xf32> to vector<16xf32>
      %get3A_687 = arith.index_cast %scan3A_40 : i32 to index
      %get3A_688 = arith.constant 736 : index
      %get3A_689 = tpu.vector_load %arg9[%get3A_687, %get3A_688] {strides = array<i32>} : memref<32x1024xf32, #tpu.memory_space<vmem>>, vector<1x16xf32>,
      %get3A_690 = vector.shape_cast %get3A_689 : vector<1x16xf32> to vector<16xf32>
      %add3A_691 = arith.addf %get3A_686, %get3A_690 : vector<16xf32>
      %swap3A_692 = arith.index_cast %scan3A_40 : i32 to index
      %swap3A_693 = arith.constant 736 : index
      %swap3A_694 = tpu.vector_load %arg8[%swap3A_692, %swap3A_693] {strides = array<i32>} : memref<32x1024xf32, #tpu.memory_space<vmem>>, vector<1x16xf32>,
      %swap3A_695 = vector.shape_cast %swap3A_694 : vector<1x16xf32> to vector<16xf32>
      %swap3A_696 = vector.shape_cast %add3A_691 : vector<16xf32> to vector<1x16xf32>
      tpu.vector_store %arg8[%swap3A_692, %swap3A_693], %swap3A_696 {strides = array<i32>} : memref<32x1024xf32, #tpu.memory_space<vmem>>, vector<1x16xf32>,
      %get3A_697 = arith.index_cast %scan3A_40 : i32 to index
      %get3A_698 = arith.constant 752 : index
      %get3A_699 = tpu.vector_load %arg8[%get3A_697, %get3A_698] {strides = array<i32>} : memref<32x1024xf32, #tpu.memory_space<vmem>>, vector<1x16xf32>,
      %get3A_700 = vector.shape_cast %get3A_699 : vector<1x16xf32> to vector<16xf32>
      %get3A_701 = arith.index_cast %scan3A_40 : i32 to index
      %get3A_702 = arith.constant 752 : index
      %get3A_703 = tpu.vector_load %arg9[%get3A_701, %get3A_702] {strides = array<i32>} : memref<32x1024xf32, #tpu.memory_space<vmem>>, vector<1x16xf32>,
      %get3A_704 = vector.shape_cast %get3A_703 : vector<1x16xf32> to vector<16xf32>
      %add3A_705 = arith.addf %get3A_700, %get3A_704 : vector<16xf32>
      %swap3A_706 = arith.index_cast %scan3A_40 : i32 to index
      %swap3A_707 = arith.constant 752 : index
      %swap3A_708 = tpu.vector_load %arg8[%swap3A_706, %swap3A_707] {strides = array<i32>} : memref<32x1024xf32, #tpu.memory_space<vmem>>, vector<1x16xf32>,
      %swap3A_709 = vector.shape_cast %swap3A_708 : vector<1x16xf32> to vector<16xf32>
      %swap3A_710 = vector.shape_cast %add3A_705 : vector<16xf32> to vector<1x16xf32>
      tpu.vector_store %arg8[%swap3A_706, %swap3A_707], %swap3A_710 {strides = array<i32>} : memref<32x1024xf32, #tpu.memory_space<vmem>>, vector<1x16xf32>,
      %get3A_711 = arith.index_cast %scan3A_40 : i32 to index
      %get3A_712 = arith.constant 768 : index
      %get3A_713 = tpu.vector_load %arg8[%get3A_711, %get3A_712] {strides = array<i32>} : memref<32x1024xf32, #tpu.memory_space<vmem>>, vector<1x16xf32>,
      %get3A_714 = vector.shape_cast %get3A_713 : vector<1x16xf32> to vector<16xf32>
      %get3A_715 = arith.index_cast %scan3A_40 : i32 to index
      %get3A_716 = arith.constant 768 : index
      %get3A_717 = tpu.vector_load %arg9[%get3A_715, %get3A_716] {strides = array<i32>} : memref<32x1024xf32, #tpu.memory_space<vmem>>, vector<1x16xf32>,
      %get3A_718 = vector.shape_cast %get3A_717 : vector<1x16xf32> to vector<16xf32>
      %add3A_719 = arith.addf %get3A_714, %get3A_718 : vector<16xf32>
      %swap3A_720 = arith.index_cast %scan3A_40 : i32 to index
      %swap3A_721 = arith.constant 768 : index
      %swap3A_722 = tpu.vector_load %arg8[%swap3A_720, %swap3A_721] {strides = array<i32>} : memref<32x1024xf32, #tpu.memory_space<vmem>>, vector<1x16xf32>,
      %swap3A_723 = vector.shape_cast %swap3A_722 : vector<1x16xf32> to vector<16xf32>
      %swap3A_724 = vector.shape_cast %add3A_719 : vector<16xf32> to vector<1x16xf32>
      tpu.vector_store %arg8[%swap3A_720, %swap3A_721], %swap3A_724 {strides = array<i32>} : memref<32x1024xf32, #tpu.memory_space<vmem>>, vector<1x16xf32>,
      %get3A_725 = arith.index_cast %scan3A_40 : i32 to index
      %get3A_726 = arith.constant 784 : index
      %get3A_727 = tpu.vector_load %arg8[%get3A_725, %get3A_726] {strides = array<i32>} : memref<32x1024xf32, #tpu.memory_space<vmem>>, vector<1x16xf32>,
      %get3A_728 = vector.shape_cast %get3A_727 : vector<1x16xf32> to vector<16xf32>
      %get3A_729 = arith.index_cast %scan3A_40 : i32 to index
      %get3A_730 = arith.constant 784 : index
      %get3A_731 = tpu.vector_load %arg9[%get3A_729, %get3A_730] {strides = array<i32>} : memref<32x1024xf32, #tpu.memory_space<vmem>>, vector<1x16xf32>,
      %get3A_732 = vector.shape_cast %get3A_731 : vector<1x16xf32> to vector<16xf32>
      %add3A_733 = arith.addf %get3A_728, %get3A_732 : vector<16xf32>
      %swap3A_734 = arith.index_cast %scan3A_40 : i32 to index
      %swap3A_735 = arith.constant 784 : index
      %swap3A_736 = tpu.vector_load %arg8[%swap3A_734, %swap3A_735] {strides = array<i32>} : memref<32x1024xf32, #tpu.memory_space<vmem>>, vector<1x16xf32>,
      %swap3A_737 = vector.shape_cast %swap3A_736 : vector<1x16xf32> to vector<16xf32>
      %swap3A_738 = vector.shape_cast %add3A_733 : vector<16xf32> to vector<1x16xf32>
      tpu.vector_store %arg8[%swap3A_734, %swap3A_735], %swap3A_738 {strides = array<i32>} : memref<32x1024xf32, #tpu.memory_space<vmem>>, vector<1x16xf32>,
      %get3A_739 = arith.index_cast %scan3A_40 : i32 to index
      %get3A_740 = arith.constant 800 : index
      %get3A_741 = tpu.vector_load %arg8[%get3A_739, %get3A_740] {strides = array<i32>} : memref<32x1024xf32, #tpu.memory_space<vmem>>, vector<1x16xf32>,
      %get3A_742 = vector.shape_cast %get3A_741 : vector<1x16xf32> to vector<16xf32>
      %get3A_743 = arith.index_cast %scan3A_40 : i32 to index
      %get3A_744 = arith.constant 800 : index
      %get3A_745 = tpu.vector_load %arg9[%get3A_743, %get3A_744] {strides = array<i32>} : memref<32x1024xf32, #tpu.memory_space<vmem>>, vector<1x16xf32>,
      %get3A_746 = vector.shape_cast %get3A_745 : vector<1x16xf32> to vector<16xf32>
      %add3A_747 = arith.addf %get3A_742, %get3A_746 : vector<16xf32>
      %swap3A_748 = arith.index_cast %scan3A_40 : i32 to index
      %swap3A_749 = arith.constant 800 : index
      %swap3A_750 = tpu.vector_load %arg8[%swap3A_748, %swap3A_749] {strides = array<i32>} : memref<32x1024xf32, #tpu.memory_space<vmem>>, vector<1x16xf32>,
      %swap3A_751 = vector.shape_cast %swap3A_750 : vector<1x16xf32> to vector<16xf32>
      %swap3A_752 = vector.shape_cast %add3A_747 : vector<16xf32> to vector<1x16xf32>
      tpu.vector_store %arg8[%swap3A_748, %swap3A_749], %swap3A_752 {strides = array<i32>} : memref<32x1024xf32, #tpu.memory_space<vmem>>, vector<1x16xf32>,
      %get3A_753 = arith.index_cast %scan3A_40 : i32 to index
      %get3A_754 = arith.constant 816 : index
      %get3A_755 = tpu.vector_load %arg8[%get3A_753, %get3A_754] {strides = array<i32>} : memref<32x1024xf32, #tpu.memory_space<vmem>>, vector<1x16xf32>,
      %get3A_756 = vector.shape_cast %get3A_755 : vector<1x16xf32> to vector<16xf32>
      %get3A_757 = arith.index_cast %scan3A_40 : i32 to index
      %get3A_758 = arith.constant 816 : index
      %get3A_759 = tpu.vector_load %arg9[%get3A_757, %get3A_758] {strides = array<i32>} : memref<32x1024xf32, #tpu.memory_space<vmem>>, vector<1x16xf32>,
      %get3A_760 = vector.shape_cast %get3A_759 : vector<1x16xf32> to vector<16xf32>
      %add3A_761 = arith.addf %get3A_756, %get3A_760 : vector<16xf32>
      %swap3A_762 = arith.index_cast %scan3A_40 : i32 to index
      %swap3A_763 = arith.constant 816 : index
      %swap3A_764 = tpu.vector_load %arg8[%swap3A_762, %swap3A_763] {strides = array<i32>} : memref<32x1024xf32, #tpu.memory_space<vmem>>, vector<1x16xf32>,
      %swap3A_765 = vector.shape_cast %swap3A_764 : vector<1x16xf32> to vector<16xf32>
      %swap3A_766 = vector.shape_cast %add3A_761 : vector<16xf32> to vector<1x16xf32>
      tpu.vector_store %arg8[%swap3A_762, %swap3A_763], %swap3A_766 {strides = array<i32>} : memref<32x1024xf32, #tpu.memory_space<vmem>>, vector<1x16xf32>,
      %get3A_767 = arith.index_cast %scan3A_40 : i32 to index
      %get3A_768 = arith.constant 832 : index
      %get3A_769 = tpu.vector_load %arg8[%get3A_767, %get3A_768] {strides = array<i32>} : memref<32x1024xf32, #tpu.memory_space<vmem>>, vector<1x16xf32>,
      %get3A_770 = vector.shape_cast %get3A_769 : vector<1x16xf32> to vector<16xf32>
      %get3A_771 = arith.index_cast %scan3A_40 : i32 to index
      %get3A_772 = arith.constant 832 : index
      %get3A_773 = tpu.vector_load %arg9[%get3A_771, %get3A_772] {strides = array<i32>} : memref<32x1024xf32, #tpu.memory_space<vmem>>, vector<1x16xf32>,
      %get3A_774 = vector.shape_cast %get3A_773 : vector<1x16xf32> to vector<16xf32>
      %add3A_775 = arith.addf %get3A_770, %get3A_774 : vector<16xf32>
      %swap3A_776 = arith.index_cast %scan3A_40 : i32 to index
      %swap3A_777 = arith.constant 832 : index
      %swap3A_778 = tpu.vector_load %arg8[%swap3A_776, %swap3A_777] {strides = array<i32>} : memref<32x1024xf32, #tpu.memory_space<vmem>>, vector<1x16xf32>,
      %swap3A_779 = vector.shape_cast %swap3A_778 : vector<1x16xf32> to vector<16xf32>
      %swap3A_780 = vector.shape_cast %add3A_775 : vector<16xf32> to vector<1x16xf32>
      tpu.vector_store %arg8[%swap3A_776, %swap3A_777], %swap3A_780 {strides = array<i32>} : memref<32x1024xf32, #tpu.memory_space<vmem>>, vector<1x16xf32>,
      %get3A_781 = arith.index_cast %scan3A_40 : i32 to index
      %get3A_782 = arith.constant 848 : index
      %get3A_783 = tpu.vector_load %arg8[%get3A_781, %get3A_782] {strides = array<i32>} : memref<32x1024xf32, #tpu.memory_space<vmem>>, vector<1x16xf32>,
      %get3A_784 = vector.shape_cast %get3A_783 : vector<1x16xf32> to vector<16xf32>
      %get3A_785 = arith.index_cast %scan3A_40 : i32 to index
      %get3A_786 = arith.constant 848 : index
      %get3A_787 = tpu.vector_load %arg9[%get3A_785, %get3A_786] {strides = array<i32>} : memref<32x1024xf32, #tpu.memory_space<vmem>>, vector<1x16xf32>,
      %get3A_788 = vector.shape_cast %get3A_787 : vector<1x16xf32> to vector<16xf32>
      %add3A_789 = arith.addf %get3A_784, %get3A_788 : vector<16xf32>
      %swap3A_790 = arith.index_cast %scan3A_40 : i32 to index
      %swap3A_791 = arith.constant 848 : index
      %swap3A_792 = tpu.vector_load %arg8[%swap3A_790, %swap3A_791] {strides = array<i32>} : memref<32x1024xf32, #tpu.memory_space<vmem>>, vector<1x16xf32>,
      %swap3A_793 = vector.shape_cast %swap3A_792 : vector<1x16xf32> to vector<16xf32>
      %swap3A_794 = vector.shape_cast %add3A_789 : vector<16xf32> to vector<1x16xf32>
      tpu.vector_store %arg8[%swap3A_790, %swap3A_791], %swap3A_794 {strides = array<i32>} : memref<32x1024xf32, #tpu.memory_space<vmem>>, vector<1x16xf32>,
      %get3A_795 = arith.index_cast %scan3A_40 : i32 to index
      %get3A_796 = arith.constant 864 : index
      %get3A_797 = tpu.vector_load %arg8[%get3A_795, %get3A_796] {strides = array<i32>} : memref<32x1024xf32, #tpu.memory_space<vmem>>, vector<1x16xf32>,
      %get3A_798 = vector.shape_cast %get3A_797 : vector<1x16xf32> to vector<16xf32>
      %get3A_799 = arith.index_cast %scan3A_40 : i32 to index
      %get3A_800 = arith.constant 864 : index
      %get3A_801 = tpu.vector_load %arg9[%get3A_799, %get3A_800] {strides = array<i32>} : memref<32x1024xf32, #tpu.memory_space<vmem>>, vector<1x16xf32>,
      %get3A_802 = vector.shape_cast %get3A_801 : vector<1x16xf32> to vector<16xf32>
      %add3A_803 = arith.addf %get3A_798, %get3A_802 : vector<16xf32>
      %swap3A_804 = arith.index_cast %scan3A_40 : i32 to index
      %swap3A_805 = arith.constant 864 : index
      %swap3A_806 = tpu.vector_load %arg8[%swap3A_804, %swap3A_805] {strides = array<i32>} : memref<32x1024xf32, #tpu.memory_space<vmem>>, vector<1x16xf32>,
      %swap3A_807 = vector.shape_cast %swap3A_806 : vector<1x16xf32> to vector<16xf32>
      %swap3A_808 = vector.shape_cast %add3A_803 : vector<16xf32> to vector<1x16xf32>
      tpu.vector_store %arg8[%swap3A_804, %swap3A_805], %swap3A_808 {strides = array<i32>} : memref<32x1024xf32, #tpu.memory_space<vmem>>, vector<1x16xf32>,
      %get3A_809 = arith.index_cast %scan3A_40 : i32 to index
      %get3A_810 = arith.constant 880 : index
      %get3A_811 = tpu.vector_load %arg8[%get3A_809, %get3A_810] {strides = array<i32>} : memref<32x1024xf32, #tpu.memory_space<vmem>>, vector<1x16xf32>,
      %get3A_812 = vector.shape_cast %get3A_811 : vector<1x16xf32> to vector<16xf32>
      %get3A_813 = arith.index_cast %scan3A_40 : i32 to index
      %get3A_814 = arith.constant 880 : index
      %get3A_815 = tpu.vector_load %arg9[%get3A_813, %get3A_814] {strides = array<i32>} : memref<32x1024xf32, #tpu.memory_space<vmem>>, vector<1x16xf32>,
      %get3A_816 = vector.shape_cast %get3A_815 : vector<1x16xf32> to vector<16xf32>
      %add3A_817 = arith.addf %get3A_812, %get3A_816 : vector<16xf32>
      %swap3A_818 = arith.index_cast %scan3A_40 : i32 to index
      %swap3A_819 = arith.constant 880 : index
      %swap3A_820 = tpu.vector_load %arg8[%swap3A_818, %swap3A_819] {strides = array<i32>} : memref<32x1024xf32, #tpu.memory_space<vmem>>, vector<1x16xf32>,
      %swap3A_821 = vector.shape_cast %swap3A_820 : vector<1x16xf32> to vector<16xf32>
      %swap3A_822 = vector.shape_cast %add3A_817 : vector<16xf32> to vector<1x16xf32>
      tpu.vector_store %arg8[%swap3A_818, %swap3A_819], %swap3A_822 {strides = array<i32>} : memref<32x1024xf32, #tpu.memory_space<vmem>>, vector<1x16xf32>,
      %get3A_823 = arith.index_cast %scan3A_40 : i32 to index
      %get3A_824 = arith.constant 896 : index
      %get3A_825 = tpu.vector_load %arg8[%get3A_823, %get3A_824] {strides = array<i32>} : memref<32x1024xf32, #tpu.memory_space<vmem>>, vector<1x16xf32>,
      %get3A_826 = vector.shape_cast %get3A_825 : vector<1x16xf32> to vector<16xf32>
      %get3A_827 = arith.index_cast %scan3A_40 : i32 to index
      %get3A_828 = arith.constant 896 : index
      %get3A_829 = tpu.vector_load %arg9[%get3A_827, %get3A_828] {strides = array<i32>} : memref<32x1024xf32, #tpu.memory_space<vmem>>, vector<1x16xf32>,
      %get3A_830 = vector.shape_cast %get3A_829 : vector<1x16xf32> to vector<16xf32>
      %add3A_831 = arith.addf %get3A_826, %get3A_830 : vector<16xf32>
      %swap3A_832 = arith.index_cast %scan3A_40 : i32 to index
      %swap3A_833 = arith.constant 896 : index
      %swap3A_834 = tpu.vector_load %arg8[%swap3A_832, %swap3A_833] {strides = array<i32>} : memref<32x1024xf32, #tpu.memory_space<vmem>>, vector<1x16xf32>,
      %swap3A_835 = vector.shape_cast %swap3A_834 : vector<1x16xf32> to vector<16xf32>
      %swap3A_836 = vector.shape_cast %add3A_831 : vector<16xf32> to vector<1x16xf32>
      tpu.vector_store %arg8[%swap3A_832, %swap3A_833], %swap3A_836 {strides = array<i32>} : memref<32x1024xf32, #tpu.memory_space<vmem>>, vector<1x16xf32>,
      %get3A_837 = arith.index_cast %scan3A_40 : i32 to index
      %get3A_838 = arith.constant 912 : index
      %get3A_839 = tpu.vector_load %arg8[%get3A_837, %get3A_838] {strides = array<i32>} : memref<32x1024xf32, #tpu.memory_space<vmem>>, vector<1x16xf32>,
      %get3A_840 = vector.shape_cast %get3A_839 : vector<1x16xf32> to vector<16xf32>
      %get3A_841 = arith.index_cast %scan3A_40 : i32 to index
      %get3A_842 = arith.constant 912 : index
      %get3A_843 = tpu.vector_load %arg9[%get3A_841, %get3A_842] {strides = array<i32>} : memref<32x1024xf32, #tpu.memory_space<vmem>>, vector<1x16xf32>,
      %get3A_844 = vector.shape_cast %get3A_843 : vector<1x16xf32> to vector<16xf32>
      %add3A_845 = arith.addf %get3A_840, %get3A_844 : vector<16xf32>
      %swap3A_846 = arith.index_cast %scan3A_40 : i32 to index
      %swap3A_847 = arith.constant 912 : index
      %swap3A_848 = tpu.vector_load %arg8[%swap3A_846, %swap3A_847] {strides = array<i32>} : memref<32x1024xf32, #tpu.memory_space<vmem>>, vector<1x16xf32>,
      %swap3A_849 = vector.shape_cast %swap3A_848 : vector<1x16xf32> to vector<16xf32>
      %swap3A_850 = vector.shape_cast %add3A_845 : vector<16xf32> to vector<1x16xf32>
      tpu.vector_store %arg8[%swap3A_846, %swap3A_847], %swap3A_850 {strides = array<i32>} : memref<32x1024xf32, #tpu.memory_space<vmem>>, vector<1x16xf32>,
      %get3A_851 = arith.index_cast %scan3A_40 : i32 to index
      %get3A_852 = arith.constant 928 : index
      %get3A_853 = tpu.vector_load %arg8[%get3A_851, %get3A_852] {strides = array<i32>} : memref<32x1024xf32, #tpu.memory_space<vmem>>, vector<1x16xf32>,
      %get3A_854 = vector.shape_cast %get3A_853 : vector<1x16xf32> to vector<16xf32>
      %get3A_855 = arith.index_cast %scan3A_40 : i32 to index
      %get3A_856 = arith.constant 928 : index
      %get3A_857 = tpu.vector_load %arg9[%get3A_855, %get3A_856] {strides = array<i32>} : memref<32x1024xf32, #tpu.memory_space<vmem>>, vector<1x16xf32>,
      %get3A_858 = vector.shape_cast %get3A_857 : vector<1x16xf32> to vector<16xf32>
      %add3A_859 = arith.addf %get3A_854, %get3A_858 : vector<16xf32>
      %swap3A_860 = arith.index_cast %scan3A_40 : i32 to index
      %swap3A_861 = arith.constant 928 : index
      %swap3A_862 = tpu.vector_load %arg8[%swap3A_860, %swap3A_861] {strides = array<i32>} : memref<32x1024xf32, #tpu.memory_space<vmem>>, vector<1x16xf32>,
      %swap3A_863 = vector.shape_cast %swap3A_862 : vector<1x16xf32> to vector<16xf32>
      %swap3A_864 = vector.shape_cast %add3A_859 : vector<16xf32> to vector<1x16xf32>
      tpu.vector_store %arg8[%swap3A_860, %swap3A_861], %swap3A_864 {strides = array<i32>} : memref<32x1024xf32, #tpu.memory_space<vmem>>, vector<1x16xf32>,
      %get3A_865 = arith.index_cast %scan3A_40 : i32 to index
      %get3A_866 = arith.constant 944 : index
      %get3A_867 = tpu.vector_load %arg8[%get3A_865, %get3A_866] {strides = array<i32>} : memref<32x1024xf32, #tpu.memory_space<vmem>>, vector<1x16xf32>,
      %get3A_868 = vector.shape_cast %get3A_867 : vector<1x16xf32> to vector<16xf32>
      %get3A_869 = arith.index_cast %scan3A_40 : i32 to index
      %get3A_870 = arith.constant 944 : index
      %get3A_871 = tpu.vector_load %arg9[%get3A_869, %get3A_870] {strides = array<i32>} : memref<32x1024xf32, #tpu.memory_space<vmem>>, vector<1x16xf32>,
      %get3A_872 = vector.shape_cast %get3A_871 : vector<1x16xf32> to vector<16xf32>
      %add3A_873 = arith.addf %get3A_868, %get3A_872 : vector<16xf32>
      %swap3A_874 = arith.index_cast %scan3A_40 : i32 to index
      %swap3A_875 = arith.constant 944 : index
      %swap3A_876 = tpu.vector_load %arg8[%swap3A_874, %swap3A_875] {strides = array<i32>} : memref<32x1024xf32, #tpu.memory_space<vmem>>, vector<1x16xf32>,
      %swap3A_877 = vector.shape_cast %swap3A_876 : vector<1x16xf32> to vector<16xf32>
      %swap3A_878 = vector.shape_cast %add3A_873 : vector<16xf32> to vector<1x16xf32>
      tpu.vector_store %arg8[%swap3A_874, %swap3A_875], %swap3A_878 {strides = array<i32>} : memref<32x1024xf32, #tpu.memory_space<vmem>>, vector<1x16xf32>,
      %get3A_879 = arith.index_cast %scan3A_40 : i32 to index
      %get3A_880 = arith.constant 960 : index
      %get3A_881 = tpu.vector_load %arg8[%get3A_879, %get3A_880] {strides = array<i32>} : memref<32x1024xf32, #tpu.memory_space<vmem>>, vector<1x16xf32>,
      %get3A_882 = vector.shape_cast %get3A_881 : vector<1x16xf32> to vector<16xf32>
      %get3A_883 = arith.index_cast %scan3A_40 : i32 to index
      %get3A_884 = arith.constant 960 : index
      %get3A_885 = tpu.vector_load %arg9[%get3A_883, %get3A_884] {strides = array<i32>} : memref<32x1024xf32, #tpu.memory_space<vmem>>, vector<1x16xf32>,
      %get3A_886 = vector.shape_cast %get3A_885 : vector<1x16xf32> to vector<16xf32>
      %add3A_887 = arith.addf %get3A_882, %get3A_886 : vector<16xf32>
      %swap3A_888 = arith.index_cast %scan3A_40 : i32 to index
      %swap3A_889 = arith.constant 960 : index
      %swap3A_890 = tpu.vector_load %arg8[%swap3A_888, %swap3A_889] {strides = array<i32>} : memref<32x1024xf32, #tpu.memory_space<vmem>>, vector<1x16xf32>,
      %swap3A_891 = vector.shape_cast %swap3A_890 : vector<1x16xf32> to vector<16xf32>
      %swap3A_892 = vector.shape_cast %add3A_887 : vector<16xf32> to vector<1x16xf32>
      tpu.vector_store %arg8[%swap3A_888, %swap3A_889], %swap3A_892 {strides = array<i32>} : memref<32x1024xf32, #tpu.memory_space<vmem>>, vector<1x16xf32>,
      %get3A_893 = arith.index_cast %scan3A_40 : i32 to index
      %get3A_894 = arith.constant 976 : index
      %get3A_895 = tpu.vector_load %arg8[%get3A_893, %get3A_894] {strides = array<i32>} : memref<32x1024xf32, #tpu.memory_space<vmem>>, vector<1x16xf32>,
      %get3A_896 = vector.shape_cast %get3A_895 : vector<1x16xf32> to vector<16xf32>
      %get3A_897 = arith.index_cast %scan3A_40 : i32 to index
      %get3A_898 = arith.constant 976 : index
      %get3A_899 = tpu.vector_load %arg9[%get3A_897, %get3A_898] {strides = array<i32>} : memref<32x1024xf32, #tpu.memory_space<vmem>>, vector<1x16xf32>,
      %get3A_900 = vector.shape_cast %get3A_899 : vector<1x16xf32> to vector<16xf32>
      %add3A_901 = arith.addf %get3A_896, %get3A_900 : vector<16xf32>
      %swap3A_902 = arith.index_cast %scan3A_40 : i32 to index
      %swap3A_903 = arith.constant 976 : index
      %swap3A_904 = tpu.vector_load %arg8[%swap3A_902, %swap3A_903] {strides = array<i32>} : memref<32x1024xf32, #tpu.memory_space<vmem>>, vector<1x16xf32>,
      %swap3A_905 = vector.shape_cast %swap3A_904 : vector<1x16xf32> to vector<16xf32>
      %swap3A_906 = vector.shape_cast %add3A_901 : vector<16xf32> to vector<1x16xf32>
      tpu.vector_store %arg8[%swap3A_902, %swap3A_903], %swap3A_906 {strides = array<i32>} : memref<32x1024xf32, #tpu.memory_space<vmem>>, vector<1x16xf32>,
      %get3A_907 = arith.index_cast %scan3A_40 : i32 to index
      %get3A_908 = arith.constant 992 : index
      %get3A_909 = tpu.vector_load %arg8[%get3A_907, %get3A_908] {strides = array<i32>} : memref<32x1024xf32, #tpu.memory_space<vmem>>, vector<1x16xf32>,
      %get3A_910 = vector.shape_cast %get3A_909 : vector<1x16xf32> to vector<16xf32>
      %get3A_911 = arith.index_cast %scan3A_40 : i32 to index
      %get3A_912 = arith.constant 992 : index
      %get3A_913 = tpu.vector_load %arg9[%get3A_911, %get3A_912] {strides = array<i32>} : memref<32x1024xf32, #tpu.memory_space<vmem>>, vector<1x16xf32>,
      %get3A_914 = vector.shape_cast %get3A_913 : vector<1x16xf32> to vector<16xf32>
      %add3A_915 = arith.addf %get3A_910, %get3A_914 : vector<16xf32>
      %swap3A_916 = arith.index_cast %scan3A_40 : i32 to index
      %swap3A_917 = arith.constant 992 : index
      %swap3A_918 = tpu.vector_load %arg8[%swap3A_916, %swap3A_917] {strides = array<i32>} : memref<32x1024xf32, #tpu.memory_space<vmem>>, vector<1x16xf32>,
      %swap3A_919 = vector.shape_cast %swap3A_918 : vector<1x16xf32> to vector<16xf32>
      %swap3A_920 = vector.shape_cast %add3A_915 : vector<16xf32> to vector<1x16xf32>
      tpu.vector_store %arg8[%swap3A_916, %swap3A_917], %swap3A_920 {strides = array<i32>} : memref<32x1024xf32, #tpu.memory_space<vmem>>, vector<1x16xf32>,
      %get3A_921 = arith.index_cast %scan3A_40 : i32 to index
      %get3A_922 = arith.constant 1008 : index
      %get3A_923 = tpu.vector_load %arg8[%get3A_921, %get3A_922] {strides = array<i32>} : memref<32x1024xf32, #tpu.memory_space<vmem>>, vector<1x16xf32>,
      %get3A_924 = vector.shape_cast %get3A_923 : vector<1x16xf32> to vector<16xf32>
      %get3A_925 = arith.index_cast %scan3A_40 : i32 to index
      %get3A_926 = arith.constant 1008 : index
      %get3A_927 = tpu.vector_load %arg9[%get3A_925, %get3A_926] {strides = array<i32>} : memref<32x1024xf32, #tpu.memory_space<vmem>>, vector<1x16xf32>,
      %get3A_928 = vector.shape_cast %get3A_927 : vector<1x16xf32> to vector<16xf32>
      %add3A_929 = arith.addf %get3A_924, %get3A_928 : vector<16xf32>
      %swap3A_930 = arith.index_cast %scan3A_40 : i32 to index
      %swap3A_931 = arith.constant 1008 : index
      %swap3A_932 = tpu.vector_load %arg8[%swap3A_930, %swap3A_931] {strides = array<i32>} : memref<32x1024xf32, #tpu.memory_space<vmem>>, vector<1x16xf32>,
      %swap3A_933 = vector.shape_cast %swap3A_932 : vector<1x16xf32> to vector<16xf32>
      %swap3A_934 = vector.shape_cast %add3A_929 : vector<16xf32> to vector<1x16xf32>
      tpu.vector_store %arg8[%swap3A_930, %swap3A_931], %swap3A_934 {strides = array<i32>} : memref<32x1024xf32, #tpu.memory_space<vmem>>, vector<1x16xf32>,
    }
    %scan3A_39 = arith.constant 32 : i32
    "tpu.region"() ({
      %run_scoped3A = tpu.sem_alloc : memref<!tpu.dma_semaphore, #tpu.memory_space<semaphore_mem>>
      %dma_start3A_40 = arith.constant 0 : i32
      %dma_start3A_41 = tpu.memref_slice %arg5[%add3A_21, %dma_start3A_40] : memref<2048x1024xf32, #tpu.memory_space<hbm>> -> memref<32x1024xf32, #tpu.memory_space<hbm>>
      %dma_start3A_42 = arith.constant 0 : i32
      %dma_start3A_43 = tpu.memref_slice %arg5[%add3A_21, %dma_start3A_42] : memref<2048x1024xf32, #tpu.memory_space<hbm>> -> memref<32x1024xf32, #tpu.memory_space<hbm>>
      tpu.enqueue_dma source(%arg8 : memref<32x1024xf32, #tpu.memory_space<vmem>>) target(%dma_start3A_43 : memref<32x1024xf32, #tpu.memory_space<hbm>>) target_semaphore(%run_scoped3A : memref<!tpu.dma_semaphore, #tpu.memory_space<semaphore_mem>>)
      %dma_wait3A_44 = arith.constant 0 : i32
      %dma_wait3A_45 = tpu.memref_slice %arg5[%add3A_21, %dma_wait3A_44] : memref<2048x1024xf32, #tpu.memory_space<hbm>> -> memref<32x1024xf32, #tpu.memory_space<hbm>>
      %dma_wait3A_46 = arith.constant 0 : i32
      %dma_wait3A_47 = tpu.memref_slice %arg5[%add3A_21, %dma_wait3A_46] : memref<2048x1024xf32, #tpu.memory_space<hbm>> -> memref<32x1024xf32, #tpu.memory_space<hbm>>
      tpu.wait_dma2 semaphore(%run_scoped3A : memref<!tpu.dma_semaphore, #tpu.memory_space<semaphore_mem>>) src(%arg8 : memref<32x1024xf32, #tpu.memory_space<vmem>>) dst(%dma_wait3A_47 : memref<32x1024xf32, #tpu.memory_space<hbm>>)
      tpu.yield
    }) : () -> ()
    return
  }
}

module attributes {stable_mosaic.version = 14 : i64} {
  func.func @_routing_kernel(%arg0: memref<2048x1024xf32, #tpu.memory_space<vmem>>, %arg1: memref<1024x128xf32, #tpu.memory_space<vmem>>, %arg2: memref<2048x128xf32, #tpu.memory_space<vmem>>, %arg3: memref<2048x128xf32, #tpu.memory_space<vmem>>, %arg4: memref<32x128xf32, #tpu.memory_space<vmem>>, %arg5: memref<2048x128xf32, #tpu.memory_space<vmem>>, %arg6: memref<2048x128xf32, #tpu.memory_space<vmem>>, %arg7: memref<2048x1xf32, #tpu.memory_space<vmem>>, %arg8: memref<2048x1xf32, #tpu.memory_space<vmem>>) attributes {dimension_semantics = [], scalar_prefetch = 0 : i64, scratch_operands = 4 : i64, tpu.core_type = #tpu.core_type<tc>} {
    %get3A = arith.constant 0 : index
    %get3A_0 = arith.constant 0 : index
    %get3A_1 = vector.load %arg0[%get3A, %get3A_0] : memref<2048x1024xf32, #tpu.memory_space<vmem>>, vector<2048x1024xf32>
    %get3A_2 = arith.constant 0 : index
    %get3A_3 = arith.constant 0 : index
    %get3A_4 = vector.load %arg1[%get3A_2, %get3A_3] : memref<1024x128xf32, #tpu.memory_space<vmem>>, vector<1024x128xf32>
    %dot_general3A = arith.constant dense<0.000000e+00> : vector<2048x128xf32>
    %dot_general3A_5 = tpu.matmul %get3A_1, %get3A_4, %dot_general3A {dimension_numbers = #tpu.dot_dimension_numbers<[1], [0], [0], [1], [0, 0, 1, 1], [], []>, transpose_lhs_hint = false} : vector<2048x1024xf32>, vector<1024x128xf32>, vector<2048x128xf32> -> vector<2048x128xf32>
    %swap3A = arith.constant 0 : index
    %swap3A_6 = arith.constant 0 : index
    %swap3A_7 = vector.load %arg2[%swap3A, %swap3A_6] : memref<2048x128xf32, #tpu.memory_space<vmem>>, vector<2048x128xf32>
    tpu.vector_store %arg2[%swap3A, %swap3A_6], %dot_general3A_5 {strides = array<i32>} : memref<2048x128xf32, #tpu.memory_space<vmem>>, vector<2048x128xf32>,
    %iota3A = tpu.iota {dimensions = array<i32: 1>} : vector<2048x128xi32>
    %lt3A = arith.constant 8 : i32
    %lt3A_8 = vector.broadcast %lt3A : i32 to vector<2048x128xi32>
    %lt3A_9 = arith.cmpi slt, %iota3A, %lt3A_8 : vector<2048x128xi32>
    %jit3A = arith.constant -1.000000e+30 : f32
    %broadcast_in_dim3A = vector.broadcast %jit3A : f32 to vector<2048x128xf32>
    %select_n3A = arith.select %lt3A_9, %dot_general3A_5, %broadcast_in_dim3A : vector<2048x128xi1>, vector<2048x128xf32>
    %reduce_max3A = arith.constant dense<0xFF800000> : vector<2048xf32>
    %reduce_max3A_10 = vector.multi_reduction <maximumf>, %select_n3A, %reduce_max3A [1] : vector<2048x128xf32> to vector<2048xf32>
    %broadcast_in_dim3A_11 = vector.shape_cast %reduce_max3A_10 : vector<2048xf32> to vector<2048x1xf32>
    %eq3A = vector.broadcast %broadcast_in_dim3A_11 : vector<2048x1xf32> to vector<2048x128xf32>
    %eq3A_12 = arith.cmpf oeq, %select_n3A, %eq3A : vector<2048x128xf32>
    %jit3A_13 = arith.constant 128 : i32
    %broadcast_in_dim3A_14 = vector.broadcast %jit3A_13 : i32 to vector<2048x128xi32>
    %select_n3A_15 = arith.select %eq3A_12, %iota3A, %broadcast_in_dim3A_14 : vector<2048x128xi1>, vector<2048x128xi32>
    %reduce_min3A = arith.constant dense<2147483647> : vector<2048xi32>
    %reduce_min3A_16 = vector.multi_reduction <minsi>, %select_n3A_15, %reduce_min3A [1] : vector<2048x128xi32> to vector<2048xi32>
    %broadcast_in_dim3A_17 = vector.shape_cast %reduce_min3A_16 : vector<2048xi32> to vector<2048x1xi32>
    %eq3A_18 = vector.broadcast %broadcast_in_dim3A_17 : vector<2048x1xi32> to vector<2048x128xi32>
    %eq3A_19 = arith.cmpi eq, %iota3A, %eq3A_18 : vector<2048x128xi32>
    %jit3A_20 = arith.constant -1.000000e+30 : f32
    %broadcast_in_dim3A_21 = vector.broadcast %jit3A_20 : f32 to vector<2048x128xf32>
    %select_n3A_22 = arith.select %eq3A_19, %broadcast_in_dim3A_21, %select_n3A : vector<2048x128xi1>, vector<2048x128xf32>
    %reduce_max3A_23 = arith.constant dense<0xFF800000> : vector<2048xf32>
    %reduce_max3A_24 = vector.multi_reduction <maximumf>, %select_n3A_22, %reduce_max3A_23 [1] : vector<2048x128xf32> to vector<2048xf32>
    %broadcast_in_dim3A_25 = vector.shape_cast %reduce_max3A_24 : vector<2048xf32> to vector<2048x1xf32>
    %eq3A_26 = vector.broadcast %broadcast_in_dim3A_25 : vector<2048x1xf32> to vector<2048x128xf32>
    %eq3A_27 = arith.cmpf oeq, %select_n3A_22, %eq3A_26 : vector<2048x128xf32>
    %jit3A_28 = arith.constant 128 : i32
    %broadcast_in_dim3A_29 = vector.broadcast %jit3A_28 : i32 to vector<2048x128xi32>
    %select_n3A_30 = arith.select %eq3A_27, %iota3A, %broadcast_in_dim3A_29 : vector<2048x128xi1>, vector<2048x128xi32>
    %reduce_min3A_31 = arith.constant dense<2147483647> : vector<2048xi32>
    %reduce_min3A_32 = vector.multi_reduction <minsi>, %select_n3A_30, %reduce_min3A_31 [1] : vector<2048x128xi32> to vector<2048xi32>
    %broadcast_in_dim3A_33 = vector.shape_cast %reduce_min3A_32 : vector<2048xi32> to vector<2048x1xi32>
    %sub3A = arith.subf %broadcast_in_dim3A_25, %broadcast_in_dim3A_11 : vector<2048x1xf32>
    %exp3A = math.exp %sub3A : vector<2048x1xf32>
    %add3A = arith.constant 1.000000e+00 : f32
    %add3A_34 = vector.broadcast %add3A : f32 to vector<2048x1xf32>
    %add3A_35 = arith.addf %add3A_34, %exp3A : vector<2048x1xf32>
    %div3A = arith.constant 1.000000e+00 : f32
    %div3A_36 = vector.broadcast %div3A : f32 to vector<2048x1xf32>
    %div3A_37 = arith.divf %div3A_36, %add3A_35 : vector<2048x1xf32>
    %sub3A_38 = arith.constant 1.000000e+00 : f32
    %sub3A_39 = vector.broadcast %sub3A_38 : f32 to vector<2048x1xf32>
    %sub3A_40 = arith.subf %sub3A_39, %div3A_37 : vector<2048x1xf32>
    %eq3A_41 = vector.broadcast %broadcast_in_dim3A_17 : vector<2048x1xi32> to vector<2048x128xi32>
    %eq3A_42 = arith.cmpi eq, %iota3A, %eq3A_41 : vector<2048x128xi32>
    %convert_element_type3A = arith.extui %eq3A_42 : vector<2048x128xi1> to vector<2048x128xi32>
    %convert_element_type3A_43 = arith.sitofp %convert_element_type3A : vector<2048x128xi32> to vector<2048x128xf32>
    %eq3A_44 = vector.broadcast %broadcast_in_dim3A_33 : vector<2048x1xi32> to vector<2048x128xi32>
    %eq3A_45 = arith.cmpi eq, %iota3A, %eq3A_44 : vector<2048x128xi32>
    %convert_element_type3A_46 = arith.extui %eq3A_45 : vector<2048x128xi1> to vector<2048x128xi32>
    %convert_element_type3A_47 = arith.sitofp %convert_element_type3A_46 : vector<2048x128xi32> to vector<2048x128xf32>
    %swap3A_48 = arith.constant 0 : index
    %swap3A_49 = arith.constant 0 : index
    %swap3A_50 = vector.load %arg5[%swap3A_48, %swap3A_49] : memref<2048x128xf32, #tpu.memory_space<vmem>>, vector<2048x128xf32>
    tpu.vector_store %arg5[%swap3A_48, %swap3A_49], %convert_element_type3A_43 {strides = array<i32>} : memref<2048x128xf32, #tpu.memory_space<vmem>>, vector<2048x128xf32>,
    %swap3A_51 = arith.constant 0 : index
    %swap3A_52 = arith.constant 0 : index
    %swap3A_53 = vector.load %arg6[%swap3A_51, %swap3A_52] : memref<2048x128xf32, #tpu.memory_space<vmem>>, vector<2048x128xf32>
    tpu.vector_store %arg6[%swap3A_51, %swap3A_52], %convert_element_type3A_47 {strides = array<i32>} : memref<2048x128xf32, #tpu.memory_space<vmem>>, vector<2048x128xf32>,
    %iota3A_54 = tpu.iota {dimensions = array<i32: 0>} : vector<128x128xi32>
    %iota3A_55 = tpu.iota {dimensions = array<i32: 1>} : vector<128x128xi32>
    %gt3A = arith.cmpi sgt, %iota3A_54, %iota3A_55 : vector<128x128xi32>
    %convert_element_type3A_56 = arith.extui %gt3A : vector<128x128xi1> to vector<128x128xi32>
    %convert_element_type3A_57 = arith.sitofp %convert_element_type3A_56 : vector<128x128xi32> to vector<128x128xf32>
    %broadcast_in_dim3A_58 = arith.constant 0.000000e+00 : f32
    %broadcast_in_dim3A_59 = vector.broadcast %broadcast_in_dim3A_58 : f32 to vector<1x128xf32>
    %scan3A = arith.constant 0 : i32
    %scan3A_60 = arith.constant 16 : i32
    %scan3A_61 = arith.addi %scan3A, %scan3A_60 : i32
    %scan3A_62 = arith.constant 1 : i32
    %scan3A_63 = scf.for %scan3A_214 = %scan3A to %scan3A_61 step %scan3A_62 iter_args(%scan3A_215 = %broadcast_in_dim3A_59) -> (vector<1x128xf32>)  : i32 {
      %mul3A_216 = arith.constant 128 : i32
      %mul3A_217 = arith.muli %scan3A_214, %mul3A_216 : i32
      %get3A_218 = arith.index_cast %mul3A_217 : i32 to index
      %get3A_219 = arith.constant 0 : index
      %get3A_220 = vector.load %arg5[%get3A_218, %get3A_219] : memref<2048x128xf32, #tpu.memory_space<vmem>>, vector<128x128xf32>
      %dot_general3A_221 = arith.constant dense<0.000000e+00> : vector<128x128xf32>
      %dot_general3A_222 = tpu.matmul %convert_element_type3A_57, %get3A_220, %dot_general3A_221 {dimension_numbers = #tpu.dot_dimension_numbers<[1], [0], [0], [1], [0, 0, 1, 1], [], []>, transpose_lhs_hint = false} : vector<128x128xf32>, vector<128x128xf32>, vector<128x128xf32> -> vector<128x128xf32>
      %add3A_223 = vector.broadcast %scan3A_215 : vector<1x128xf32> to vector<128x128xf32>
      %add3A_224 = arith.addf %add3A_223, %dot_general3A_222 : vector<128x128xf32>
      %mul3A_225 = arith.mulf %add3A_224, %get3A_220 : vector<128x128xf32>
      %reduce_sum3A_226 = arith.constant dense<0.000000e+00> : vector<128xf32>
      %reduce_sum3A_227 = vector.multi_reduction <add>, %mul3A_225, %reduce_sum3A_226 [1] : vector<128x128xf32> to vector<128xf32>
      %broadcast_in_dim3A_228 = vector.shape_cast %reduce_sum3A_227 : vector<128xf32> to vector<128x1xf32>
      %mul3A_229 = arith.constant 128 : i32
      %mul3A_230 = arith.muli %scan3A_214, %mul3A_229 : i32
      %swap3A_231 = arith.index_cast %mul3A_230 : i32 to index
      %swap3A_232 = arith.constant 0 : index
      %swap3A_233 = vector.load %arg7[%swap3A_231, %swap3A_232] : memref<2048x1xf32, #tpu.memory_space<vmem>>, vector<128x1xf32>
      tpu.vector_store %arg7[%swap3A_231, %swap3A_232], %broadcast_in_dim3A_228 {strides = array<i32>} : memref<2048x1xf32, #tpu.memory_space<vmem>>, vector<128x1xf32>,
      %reduce_sum3A_234 = arith.constant dense<0.000000e+00> : vector<128xf32>
      %reduce_sum3A_235 = vector.multi_reduction <add>, %get3A_220, %reduce_sum3A_234 [0] : vector<128x128xf32> to vector<128xf32>
      %broadcast_in_dim3A_236 = vector.shape_cast %reduce_sum3A_235 : vector<128xf32> to vector<1x128xf32>
      %add3A_237 = arith.addf %scan3A_215, %broadcast_in_dim3A_236 : vector<1x128xf32>
      scf.yield %add3A_237 : vector<1x128xf32>
    }
    %scan3A_64 = arith.constant 16 : i32
    %scan3A_65 = arith.constant 0 : i32
    %scan3A_66 = arith.constant 16 : i32
    %scan3A_67 = arith.addi %scan3A_65, %scan3A_66 : i32
    %scan3A_68 = arith.constant 1 : i32
    %scan3A_69 = scf.for %scan3A_214 = %scan3A_65 to %scan3A_67 step %scan3A_68 iter_args(%scan3A_215 = %scan3A_63) -> (vector<1x128xf32>)  : i32 {
      %mul3A_216 = arith.constant 128 : i32
      %mul3A_217 = arith.muli %scan3A_214, %mul3A_216 : i32
      %get3A_218 = arith.index_cast %mul3A_217 : i32 to index
      %get3A_219 = arith.constant 0 : index
      %get3A_220 = vector.load %arg6[%get3A_218, %get3A_219] : memref<2048x128xf32, #tpu.memory_space<vmem>>, vector<128x128xf32>
      %dot_general3A_221 = arith.constant dense<0.000000e+00> : vector<128x128xf32>
      %dot_general3A_222 = tpu.matmul %convert_element_type3A_57, %get3A_220, %dot_general3A_221 {dimension_numbers = #tpu.dot_dimension_numbers<[1], [0], [0], [1], [0, 0, 1, 1], [], []>, transpose_lhs_hint = false} : vector<128x128xf32>, vector<128x128xf32>, vector<128x128xf32> -> vector<128x128xf32>
      %add3A_223 = vector.broadcast %scan3A_215 : vector<1x128xf32> to vector<128x128xf32>
      %add3A_224 = arith.addf %add3A_223, %dot_general3A_222 : vector<128x128xf32>
      %mul3A_225 = arith.mulf %add3A_224, %get3A_220 : vector<128x128xf32>
      %reduce_sum3A_226 = arith.constant dense<0.000000e+00> : vector<128xf32>
      %reduce_sum3A_227 = vector.multi_reduction <add>, %mul3A_225, %reduce_sum3A_226 [1] : vector<128x128xf32> to vector<128xf32>
      %broadcast_in_dim3A_228 = vector.shape_cast %reduce_sum3A_227 : vector<128xf32> to vector<128x1xf32>
      %mul3A_229 = arith.constant 128 : i32
      %mul3A_230 = arith.muli %scan3A_214, %mul3A_229 : i32
      %swap3A_231 = arith.index_cast %mul3A_230 : i32 to index
      %swap3A_232 = arith.constant 0 : index
      %swap3A_233 = vector.load %arg8[%swap3A_231, %swap3A_232] : memref<2048x1xf32, #tpu.memory_space<vmem>>, vector<128x1xf32>
      tpu.vector_store %arg8[%swap3A_231, %swap3A_232], %broadcast_in_dim3A_228 {strides = array<i32>} : memref<2048x1xf32, #tpu.memory_space<vmem>>, vector<128x1xf32>,
      %reduce_sum3A_234 = arith.constant dense<0.000000e+00> : vector<128xf32>
      %reduce_sum3A_235 = vector.multi_reduction <add>, %get3A_220, %reduce_sum3A_234 [0] : vector<128x128xf32> to vector<128xf32>
      %broadcast_in_dim3A_236 = vector.shape_cast %reduce_sum3A_235 : vector<128xf32> to vector<1x128xf32>
      %add3A_237 = arith.addf %scan3A_215, %broadcast_in_dim3A_236 : vector<1x128xf32>
      scf.yield %add3A_237 : vector<1x128xf32>
    }
    %scan3A_70 = arith.constant 16 : i32
    %add3A_71 = arith.constant 2.550000e+02 : f32
    %add3A_72 = vector.broadcast %add3A_71 : f32 to vector<1x128xf32>
    %add3A_73 = arith.addf %scan3A_69, %add3A_72 : vector<1x128xf32>
    %div3A_74 = arith.constant 2.560000e+02 : f32
    %div3A_75 = vector.broadcast %div3A_74 : f32 to vector<1x128xf32>
    %div3A_76 = arith.divf %add3A_73, %div3A_75 : vector<1x128xf32>
    %floor3A = math.floor %div3A_76 : vector<1x128xf32>
    %lt3A_77 = arith.cmpi slt, %iota3A_54, %iota3A_55 : vector<128x128xi32>
    %convert_element_type3A_78 = arith.extui %lt3A_77 : vector<128x128xi1> to vector<128x128xi32>
    %convert_element_type3A_79 = arith.sitofp %convert_element_type3A_78 : vector<128x128xi32> to vector<128x128xf32>
    %dot_general3A_80 = arith.constant dense<0.000000e+00> : vector<1x128xf32>
    %dot_general3A_81 = tpu.matmul %floor3A, %convert_element_type3A_79, %dot_general3A_80 {dimension_numbers = #tpu.dot_dimension_numbers<[1], [0], [0], [1], [0, 0, 1, 1], [], []>, transpose_lhs_hint = false} : vector<1x128xf32>, vector<128x128xf32>, vector<1x128xf32> -> vector<1x128xf32>
    %mul3A = arith.constant 2.560000e+02 : f32
    %mul3A_82 = vector.broadcast %mul3A : f32 to vector<1x128xf32>
    %mul3A_83 = arith.mulf %dot_general3A_81, %mul3A_82 : vector<1x128xf32>
    %get3A_84 = arith.constant 0 : index
    %get3A_85 = arith.constant 0 : index
    %get3A_86 = vector.load %arg7[%get3A_84, %get3A_85] : memref<2048x1xf32, #tpu.memory_space<vmem>>, vector<2048x1xf32>
    %mul3A_87 = vector.broadcast %mul3A_83 : vector<1x128xf32> to vector<2048x128xf32>
    %mul3A_88 = arith.mulf %convert_element_type3A_43, %mul3A_87 : vector<2048x128xf32>
    %reduce_sum3A = arith.constant dense<0.000000e+00> : vector<2048xf32>
    %reduce_sum3A_89 = vector.multi_reduction <add>, %mul3A_88, %reduce_sum3A [1] : vector<2048x128xf32> to vector<2048xf32>
    %broadcast_in_dim3A_90 = vector.shape_cast %reduce_sum3A_89 : vector<2048xf32> to vector<2048x1xf32>
    %add3A_91 = arith.addf %get3A_86, %broadcast_in_dim3A_90 : vector<2048x1xf32>
    %get3A_92 = arith.constant 0 : index
    %get3A_93 = arith.constant 0 : index
    %get3A_94 = vector.load %arg8[%get3A_92, %get3A_93] : memref<2048x1xf32, #tpu.memory_space<vmem>>, vector<2048x1xf32>
    %mul3A_95 = vector.broadcast %mul3A_83 : vector<1x128xf32> to vector<2048x128xf32>
    %mul3A_96 = arith.mulf %convert_element_type3A_47, %mul3A_95 : vector<2048x128xf32>
    %reduce_sum3A_97 = arith.constant dense<0.000000e+00> : vector<2048xf32>
    %reduce_sum3A_98 = vector.multi_reduction <add>, %mul3A_96, %reduce_sum3A_97 [1] : vector<2048x128xf32> to vector<2048xf32>
    %broadcast_in_dim3A_99 = vector.shape_cast %reduce_sum3A_98 : vector<2048xf32> to vector<2048x1xf32>
    %add3A_100 = arith.addf %get3A_94, %broadcast_in_dim3A_99 : vector<2048x1xf32>
    %eq3A_101 = arith.constant 0 : i32
    %eq3A_102 = vector.broadcast %eq3A_101 : i32 to vector<2048x128xi32>
    %eq3A_103 = arith.cmpi eq, %iota3A, %eq3A_102 : vector<2048x128xi32>
    %jit3A_104 = arith.constant 0.000000e+00 : f32
    %broadcast_in_dim3A_105 = vector.shape_cast %add3A_91 : vector<2048x1xf32> to vector<2048x1xf32>
    %broadcast_in_dim3A_106 = vector.broadcast %broadcast_in_dim3A_105 : vector<2048x1xf32> to vector<2048x128xf32>
    %broadcast_in_dim3A_107 = vector.broadcast %jit3A_104 : f32 to vector<2048x128xf32>
    %select_n3A_108 = arith.select %eq3A_103, %broadcast_in_dim3A_106, %broadcast_in_dim3A_107 : vector<2048x128xi1>, vector<2048x128xf32>
    %eq3A_109 = arith.constant 1 : i32
    %eq3A_110 = vector.broadcast %eq3A_109 : i32 to vector<2048x128xi32>
    %eq3A_111 = arith.cmpi eq, %iota3A, %eq3A_110 : vector<2048x128xi32>
    %jit3A_112 = arith.constant 0.000000e+00 : f32
    %broadcast_in_dim3A_113 = vector.shape_cast %add3A_100 : vector<2048x1xf32> to vector<2048x1xf32>
    %broadcast_in_dim3A_114 = vector.broadcast %broadcast_in_dim3A_113 : vector<2048x1xf32> to vector<2048x128xf32>
    %broadcast_in_dim3A_115 = vector.broadcast %jit3A_112 : f32 to vector<2048x128xf32>
    %select_n3A_116 = arith.select %eq3A_111, %broadcast_in_dim3A_114, %broadcast_in_dim3A_115 : vector<2048x128xi1>, vector<2048x128xf32>
    %add3A_117 = arith.addf %select_n3A_108, %select_n3A_116 : vector<2048x128xf32>
    %eq3A_118 = arith.constant 2 : i32
    %eq3A_119 = vector.broadcast %eq3A_118 : i32 to vector<2048x128xi32>
    %eq3A_120 = arith.cmpi eq, %iota3A, %eq3A_119 : vector<2048x128xi32>
    %jit3A_121 = arith.constant 0.000000e+00 : f32
    %broadcast_in_dim3A_122 = vector.shape_cast %div3A_37 : vector<2048x1xf32> to vector<2048x1xf32>
    %broadcast_in_dim3A_123 = vector.broadcast %broadcast_in_dim3A_122 : vector<2048x1xf32> to vector<2048x128xf32>
    %broadcast_in_dim3A_124 = vector.broadcast %jit3A_121 : f32 to vector<2048x128xf32>
    %select_n3A_125 = arith.select %eq3A_120, %broadcast_in_dim3A_123, %broadcast_in_dim3A_124 : vector<2048x128xi1>, vector<2048x128xf32>
    %add3A_126 = arith.addf %add3A_117, %select_n3A_125 : vector<2048x128xf32>
    %eq3A_127 = arith.constant 3 : i32
    %eq3A_128 = vector.broadcast %eq3A_127 : i32 to vector<2048x128xi32>
    %eq3A_129 = arith.cmpi eq, %iota3A, %eq3A_128 : vector<2048x128xi32>
    %jit3A_130 = arith.constant 0.000000e+00 : f32
    %broadcast_in_dim3A_131 = vector.shape_cast %sub3A_40 : vector<2048x1xf32> to vector<2048x1xf32>
    %broadcast_in_dim3A_132 = vector.broadcast %broadcast_in_dim3A_131 : vector<2048x1xf32> to vector<2048x128xf32>
    %broadcast_in_dim3A_133 = vector.broadcast %jit3A_130 : f32 to vector<2048x128xf32>
    %select_n3A_134 = arith.select %eq3A_129, %broadcast_in_dim3A_132, %broadcast_in_dim3A_133 : vector<2048x128xi1>, vector<2048x128xf32>
    %add3A_135 = arith.addf %add3A_126, %select_n3A_134 : vector<2048x128xf32>
    %swap3A_136 = arith.constant 0 : index
    %swap3A_137 = arith.constant 0 : index
    %swap3A_138 = vector.load %arg3[%swap3A_136, %swap3A_137] : memref<2048x128xf32, #tpu.memory_space<vmem>>, vector<2048x128xf32>
    tpu.vector_store %arg3[%swap3A_136, %swap3A_137], %add3A_135 {strides = array<i32>} : memref<2048x128xf32, #tpu.memory_space<vmem>>, vector<2048x128xf32>,
    %gt3A_139 = arith.constant 0.000000e+00 : f32
    %gt3A_140 = vector.broadcast %gt3A_139 : f32 to vector<1x128xf32>
    %gt3A_141 = arith.cmpf ogt, %scan3A_69, %gt3A_140 : vector<1x128xf32>
    %convert_element_type3A_142 = arith.extui %gt3A_141 : vector<1x128xi1> to vector<1x128xi32>
    %convert_element_type3A_143 = arith.sitofp %convert_element_type3A_142 : vector<1x128xi32> to vector<1x128xf32>
    %dot_general3A_144 = arith.constant dense<0.000000e+00> : vector<1x128xf32>
    %dot_general3A_145 = tpu.matmul %convert_element_type3A_143, %convert_element_type3A_79, %dot_general3A_144 {dimension_numbers = #tpu.dot_dimension_numbers<[1], [0], [0], [1], [0, 0, 1, 1], [], []>, transpose_lhs_hint = false} : vector<1x128xf32>, vector<128x128xf32>, vector<1x128xf32> -> vector<1x128xf32>
    %reduce_sum3A_146 = vector.shape_cast %convert_element_type3A_143 : vector<1x128xf32> to vector<1x1x128xf32>
    %reduce_sum3A_147 = arith.constant dense<0.000000e+00> : vector<1xf32>
    %reduce_sum3A_148 = vector.multi_reduction <add>, %reduce_sum3A_146, %reduce_sum3A_147 [1, 2] : vector<1x1x128xf32> to vector<1xf32>
    %reduce_sum3A_149 = vector.shape_cast %reduce_sum3A_148 : vector<1xf32> to vector<1x1x1xf32>
    %reduce_sum3A_150 = vector.extract %reduce_sum3A_149[0, 0, 0] : f32 from vector<1x1x1xf32>
    %iota3A_151 = tpu.iota {dimensions = array<i32: 0>} : vector<32x128xi32>
    %convert_element_type3A_152 = arith.sitofp %iota3A_151 : vector<32x128xi32> to vector<32x128xf32>
    %sub3A_153 = arith.constant 1.000000e+00 : f32
    %sub3A_154 = arith.subf %reduce_sum3A_150, %sub3A_153 : f32
    %min3A = vector.broadcast %sub3A_154 : f32 to vector<32x128xf32>
    %min3A_155 = arith.minimumf %convert_element_type3A_152, %min3A : vector<32x128xf32>
    %eq3A_156 = vector.broadcast %dot_general3A_145 : vector<1x128xf32> to vector<32x128xf32>
    %eq3A_157 = arith.cmpf oeq, %eq3A_156, %min3A_155 : vector<32x128xf32>
    %convert_element_type3A_158 = arith.extui %eq3A_157 : vector<32x128xi1> to vector<32x128xi32>
    %convert_element_type3A_159 = arith.sitofp %convert_element_type3A_158 : vector<32x128xi32> to vector<32x128xf32>
    %mul3A_160 = vector.broadcast %convert_element_type3A_143 : vector<1x128xf32> to vector<32x128xf32>
    %mul3A_161 = arith.mulf %mul3A_160, %convert_element_type3A_159 : vector<32x128xf32>
    %eq3A_162 = vector.broadcast %dot_general3A_145 : vector<1x128xf32> to vector<32x128xf32>
    %eq3A_163 = arith.cmpf oeq, %eq3A_162, %convert_element_type3A_152 : vector<32x128xf32>
    %convert_element_type3A_164 = arith.extui %eq3A_163 : vector<32x128xi1> to vector<32x128xi32>
    %convert_element_type3A_165 = arith.sitofp %convert_element_type3A_164 : vector<32x128xi32> to vector<32x128xf32>
    %mul3A_166 = vector.broadcast %convert_element_type3A_143 : vector<1x128xf32> to vector<32x128xf32>
    %mul3A_167 = arith.mulf %mul3A_166, %convert_element_type3A_165 : vector<32x128xf32>
    %iota3A_168 = tpu.iota {dimensions = array<i32: 1>} : vector<32x128xi32>
    %convert_element_type3A_169 = arith.sitofp %iota3A_168 : vector<32x128xi32> to vector<32x128xf32>
    %mul3A_170 = arith.mulf %mul3A_161, %convert_element_type3A_169 : vector<32x128xf32>
    %reduce_sum3A_171 = arith.constant dense<0.000000e+00> : vector<32xf32>
    %reduce_sum3A_172 = vector.multi_reduction <add>, %mul3A_170, %reduce_sum3A_171 [1] : vector<32x128xf32> to vector<32xf32>
    %broadcast_in_dim3A_173 = vector.shape_cast %reduce_sum3A_172 : vector<32xf32> to vector<32x1xf32>
    %mul3A_174 = vector.broadcast %floor3A : vector<1x128xf32> to vector<32x128xf32>
    %mul3A_175 = arith.mulf %mul3A_167, %mul3A_174 : vector<32x128xf32>
    %reduce_sum3A_176 = arith.constant dense<0.000000e+00> : vector<32xf32>
    %reduce_sum3A_177 = vector.multi_reduction <add>, %mul3A_175, %reduce_sum3A_176 [1] : vector<32x128xf32> to vector<32xf32>
    %broadcast_in_dim3A_178 = vector.shape_cast %reduce_sum3A_177 : vector<32xf32> to vector<32x1xf32>
    %mul3A_179 = vector.broadcast %dot_general3A_81 : vector<1x128xf32> to vector<32x128xf32>
    %mul3A_180 = arith.mulf %mul3A_161, %mul3A_179 : vector<32x128xf32>
    %reduce_sum3A_181 = arith.constant dense<0.000000e+00> : vector<32xf32>
    %reduce_sum3A_182 = vector.multi_reduction <add>, %mul3A_180, %reduce_sum3A_181 [1] : vector<32x128xf32> to vector<32xf32>
    %broadcast_in_dim3A_183 = vector.shape_cast %reduce_sum3A_182 : vector<32xf32> to vector<32x1xf32>
    %iota3A_184 = tpu.iota {dimensions = array<i32: 1>} : vector<32x128xi32>
    %eq3A_185 = arith.constant 0 : i32
    %eq3A_186 = vector.broadcast %eq3A_185 : i32 to vector<32x128xi32>
    %eq3A_187 = arith.cmpi eq, %iota3A_184, %eq3A_186 : vector<32x128xi32>
    %jit3A_188 = arith.constant 0.000000e+00 : f32
    %broadcast_in_dim3A_189 = vector.shape_cast %broadcast_in_dim3A_173 : vector<32x1xf32> to vector<32x1xf32>
    %broadcast_in_dim3A_190 = vector.broadcast %broadcast_in_dim3A_189 : vector<32x1xf32> to vector<32x128xf32>
    %broadcast_in_dim3A_191 = vector.broadcast %jit3A_188 : f32 to vector<32x128xf32>
    %select_n3A_192 = arith.select %eq3A_187, %broadcast_in_dim3A_190, %broadcast_in_dim3A_191 : vector<32x128xi1>, vector<32x128xf32>
    %eq3A_193 = arith.constant 1 : i32
    %eq3A_194 = vector.broadcast %eq3A_193 : i32 to vector<32x128xi32>
    %eq3A_195 = arith.cmpi eq, %iota3A_184, %eq3A_194 : vector<32x128xi32>
    %jit3A_196 = arith.constant 0.000000e+00 : f32
    %broadcast_in_dim3A_197 = vector.shape_cast %broadcast_in_dim3A_178 : vector<32x1xf32> to vector<32x1xf32>
    %broadcast_in_dim3A_198 = vector.broadcast %broadcast_in_dim3A_197 : vector<32x1xf32> to vector<32x128xf32>
    %broadcast_in_dim3A_199 = vector.broadcast %jit3A_196 : f32 to vector<32x128xf32>
    %select_n3A_200 = arith.select %eq3A_195, %broadcast_in_dim3A_198, %broadcast_in_dim3A_199 : vector<32x128xi1>, vector<32x128xf32>
    %add3A_201 = arith.addf %select_n3A_192, %select_n3A_200 : vector<32x128xf32>
    %eq3A_202 = arith.constant 2 : i32
    %eq3A_203 = vector.broadcast %eq3A_202 : i32 to vector<32x128xi32>
    %eq3A_204 = arith.cmpi eq, %iota3A_184, %eq3A_203 : vector<32x128xi32>
    %jit3A_205 = arith.constant 0.000000e+00 : f32
    %broadcast_in_dim3A_206 = vector.shape_cast %broadcast_in_dim3A_183 : vector<32x1xf32> to vector<32x1xf32>
    %broadcast_in_dim3A_207 = vector.broadcast %broadcast_in_dim3A_206 : vector<32x1xf32> to vector<32x128xf32>
    %broadcast_in_dim3A_208 = vector.broadcast %jit3A_205 : f32 to vector<32x128xf32>
    %select_n3A_209 = arith.select %eq3A_204, %broadcast_in_dim3A_207, %broadcast_in_dim3A_208 : vector<32x128xi1>, vector<32x128xf32>
    %add3A_210 = arith.addf %add3A_201, %select_n3A_209 : vector<32x128xf32>
    %swap3A_211 = arith.constant 0 : index
    %swap3A_212 = arith.constant 0 : index
    %swap3A_213 = vector.load %arg4[%swap3A_211, %swap3A_212] : memref<32x128xf32, #tpu.memory_space<vmem>>, vector<32x128xf32>
    tpu.vector_store %arg4[%swap3A_211, %swap3A_212], %add3A_210 {strides = array<i32>} : memref<32x128xf32, #tpu.memory_space<vmem>>, vector<32x128xf32>,
    return
  }
}

module attributes {stable_mosaic.version = 14 : i64} {
  func.func @_moe_kernel(%arg0: i32, %arg1: i32, %arg2: memref<8xi32, #tpu.memory_space<smem>>, %arg3: memref<8xi32, #tpu.memory_space<smem>>, %arg4: memref<8xi32, #tpu.memory_space<smem>>, %arg5: memref<5888x1024xf32, #tpu.memory_space<vmem>>, %arg6: memref<5888x128xf32, #tpu.memory_space<vmem>>, %arg7: memref<1x1024x256xf32, #tpu.memory_space<vmem>>, %arg8: memref<1x1024x256xf32, #tpu.memory_space<vmem>>, %arg9: memref<1x256x1024xf32, #tpu.memory_space<vmem>>, %arg10: memref<5888x1024xf32, #tpu.memory_space<vmem>>) attributes {dimension_semantics = [#tpu.dimension_semantics<arbitrary>, #tpu.dimension_semantics<arbitrary>], iteration_bounds = array<i64: 16, 8>, scalar_prefetch = 3 : i64, scratch_operands = 0 : i64, tpu.core_type = #tpu.core_type<tc>, window_params = [{pipeline_mode = #tpu.pipeline_mode<synchronous>, transform_indices = @transform_0, window_bounds = array<i64: 5888, 1024>}, {pipeline_mode = #tpu.pipeline_mode<synchronous>, transform_indices = @transform_1, window_bounds = array<i64: 5888, 128>}, {transform_indices = @transform_2, window_bounds = array<i64: 1, 1024, 256>}, {transform_indices = @transform_3, window_bounds = array<i64: 1, 1024, 256>}, {transform_indices = @transform_4, window_bounds = array<i64: 1, 256, 1024>}, {pipeline_mode = #tpu.pipeline_mode<synchronous>, transform_indices = @transform_5, window_bounds = array<i64: 5888, 1024>}]} {
    %get3A = arith.constant 0 : index
    %get3A_0 = arith.constant 0 : index
    %get3A_1 = arith.constant 0 : index
    %get3A_2 = vector.load %arg7[%get3A, %get3A_0, %get3A_1] : memref<1x1024x256xf32, #tpu.memory_space<vmem>>, vector<1x1024x256xf32>
    %get3A_3 = vector.shape_cast %get3A_2 : vector<1x1024x256xf32> to vector<1024x256xf32>
    %convert_element_type3A = arith.truncf %get3A_3 : vector<1024x256xf32> to vector<1024x256xbf16>
    %get3A_4 = arith.constant 0 : index
    %get3A_5 = arith.constant 0 : index
    %get3A_6 = arith.constant 0 : index
    %get3A_7 = vector.load %arg8[%get3A_4, %get3A_5, %get3A_6] : memref<1x1024x256xf32, #tpu.memory_space<vmem>>, vector<1x1024x256xf32>
    %get3A_8 = vector.shape_cast %get3A_7 : vector<1x1024x256xf32> to vector<1024x256xf32>
    %convert_element_type3A_9 = arith.truncf %get3A_8 : vector<1024x256xf32> to vector<1024x256xbf16>
    %get3A_10 = arith.constant 0 : index
    %get3A_11 = arith.constant 0 : index
    %get3A_12 = arith.constant 0 : index
    %get3A_13 = vector.load %arg9[%get3A_10, %get3A_11, %get3A_12] : memref<1x256x1024xf32, #tpu.memory_space<vmem>>, vector<1x256x1024xf32>
    %get3A_14 = vector.shape_cast %get3A_13 : vector<1x256x1024xf32> to vector<256x1024xf32>
    %convert_element_type3A_15 = arith.truncf %get3A_14 : vector<256x1024xf32> to vector<256x1024xbf16>
    %get3A_16 = arith.index_cast %arg1 : i32 to index
    %get3A_17 = memref.load %arg3[%get3A_16] : memref<8xi32, #tpu.memory_space<smem>>
    %while3A = arith.constant 0 : i32
    %while3A_18 = arith.constant 0 : i32
    %while3A_19 = arith.subi %get3A_17, %while3A_18 : i32
    %while3A_20 = arith.addi %while3A_18, %while3A_19 : i32
    %while3A_21 = arith.constant 1 : i32
    %while3A_22 = arith.divsi %while3A_19, %while3A_21 : i32
    %while3A_23 = arith.muli %while3A_22, %while3A_21 : i32
    %while3A_24 = arith.addi %while3A_18, %while3A_23 : i32
    %while3A_25 = arith.constant 1 : i32
    scf.for %while3A_27 = %while3A_18 to %while3A_24 step %while3A_25  : i32 {
      %get3A_28 = arith.index_cast %arg1 : i32 to index
      %get3A_29 = memref.load %arg4[%get3A_28] : memref<8xi32, #tpu.memory_space<smem>>
      %add3A = arith.addi %get3A_29, %while3A_27 : i32
      %mul3A = arith.constant 256 : i32
      %mul3A_30 = arith.muli %add3A, %mul3A : i32
      %get3A_31 = arith.index_cast %mul3A_30 : i32 to index
      %get3A_32 = arith.constant 0 : index
      %get3A_33 = vector.load %arg5[%get3A_31, %get3A_32] : memref<5888x1024xf32, #tpu.memory_space<vmem>>, vector<256x1024xf32>
      %convert_element_type3A_34 = arith.truncf %get3A_33 : vector<256x1024xf32> to vector<256x1024xbf16>
      %dot_general3A = arith.constant dense<0.000000e+00> : vector<256x256xf32>
      %dot_general3A_35 = tpu.matmul %convert_element_type3A_34, %convert_element_type3A, %dot_general3A {dimension_numbers = #tpu.dot_dimension_numbers<[1], [0], [0], [1], [0, 0, 1, 1], [], []>, transpose_lhs_hint = false} : vector<256x1024xbf16>, vector<1024x256xbf16>, vector<256x256xf32> -> vector<256x256xf32>
      %dot_general3A_36 = arith.constant dense<0.000000e+00> : vector<256x256xf32>
      %dot_general3A_37 = tpu.matmul %convert_element_type3A_34, %convert_element_type3A_9, %dot_general3A_36 {dimension_numbers = #tpu.dot_dimension_numbers<[1], [0], [0], [1], [0, 0, 1, 1], [], []>, transpose_lhs_hint = false} : vector<256x1024xbf16>, vector<1024x256xbf16>, vector<256x256xf32> -> vector<256x256xf32>
      %integer_pow3A = arith.mulf %dot_general3A_35, %dot_general3A_35 : vector<256x256xf32>
      %integer_pow3A_38 = arith.mulf %dot_general3A_35, %integer_pow3A : vector<256x256xf32>
      %mul3A_39 = arith.constant 4.471500e-02 : f32
      %mul3A_40 = vector.broadcast %mul3A_39 : f32 to vector<256x256xf32>
      %mul3A_41 = arith.mulf %mul3A_40, %integer_pow3A_38 : vector<256x256xf32>
      %add3A_42 = arith.addf %dot_general3A_35, %mul3A_41 : vector<256x256xf32>
      %mul3A_43 = arith.constant 0.797884583 : f32
      %mul3A_44 = vector.broadcast %mul3A_43 : f32 to vector<256x256xf32>
      %mul3A_45 = arith.mulf %mul3A_44, %add3A_42 : vector<256x256xf32>
      %tanh3A = math.tanh %mul3A_45 : vector<256x256xf32>
      %add3A_46 = arith.constant 1.000000e+00 : f32
      %add3A_47 = vector.broadcast %add3A_46 : f32 to vector<256x256xf32>
      %add3A_48 = arith.addf %add3A_47, %tanh3A : vector<256x256xf32>
      %mul3A_49 = arith.constant 5.000000e-01 : f32
      %mul3A_50 = vector.broadcast %mul3A_49 : f32 to vector<256x256xf32>
      %mul3A_51 = arith.mulf %mul3A_50, %add3A_48 : vector<256x256xf32>
      %mul3A_52 = arith.mulf %dot_general3A_35, %mul3A_51 : vector<256x256xf32>
      %mul3A_53 = arith.mulf %mul3A_52, %dot_general3A_37 : vector<256x256xf32>
      %get3A_54 = arith.index_cast %mul3A_30 : i32 to index
      %get3A_55 = arith.constant 0 : index
      %get3A_56 = vector.load %arg6[%get3A_54, %get3A_55] : memref<5888x128xf32, #tpu.memory_space<vmem>>, vector<256x1xf32>
      %mul3A_57 = vector.broadcast %get3A_56 : vector<256x1xf32> to vector<256x256xf32>
      %mul3A_58 = arith.mulf %mul3A_53, %mul3A_57 : vector<256x256xf32>
      %convert_element_type3A_59 = arith.truncf %mul3A_58 : vector<256x256xf32> to vector<256x256xbf16>
      %dot_general3A_60 = arith.constant dense<0.000000e+00> : vector<256x1024xf32>
      %dot_general3A_61 = tpu.matmul %convert_element_type3A_59, %convert_element_type3A_15, %dot_general3A_60 {dimension_numbers = #tpu.dot_dimension_numbers<[1], [0], [0], [1], [0, 0, 1, 1], [], []>, transpose_lhs_hint = false} : vector<256x256xbf16>, vector<256x1024xbf16>, vector<256x1024xf32> -> vector<256x1024xf32>
      %eq3A = arith.constant 0 : i32
      %eq3A_62 = arith.cmpi eq, %arg0, %eq3A : i32
      %convert_element_type3A_63 = arith.extui %eq3A_62 : i1 to i32
      %cond3A = arith.constant 0 : i32
      %cond3A_64 = arith.cmpi ne, %convert_element_type3A_63, %cond3A : i32
      scf.if %cond3A_64 {
        %swap3A = arith.index_cast %mul3A_30 : i32 to index
        %swap3A_69 = arith.constant 0 : index
        %swap3A_70 = vector.load %arg10[%swap3A, %swap3A_69] : memref<5888x1024xf32, #tpu.memory_space<vmem>>, vector<256x1024xf32>
        tpu.vector_store %arg10[%swap3A, %swap3A_69], %dot_general3A_61 {strides = array<i32>} : memref<5888x1024xf32, #tpu.memory_space<vmem>>, vector<256x1024xf32>,
      } else {
      }
      %gt3A = arith.constant 0 : i32
      %gt3A_65 = arith.cmpi sgt, %arg0, %gt3A : i32
      %convert_element_type3A_66 = arith.extui %gt3A_65 : i1 to i32
      %cond3A_67 = arith.constant 0 : i32
      %cond3A_68 = arith.cmpi ne, %convert_element_type3A_66, %cond3A_67 : i32
      scf.if %cond3A_68 {
        %get3A_69 = arith.index_cast %mul3A_30 : i32 to index
        %get3A_70 = arith.constant 0 : index
        %get3A_71 = vector.load %arg10[%get3A_69, %get3A_70] : memref<5888x1024xf32, #tpu.memory_space<vmem>>, vector<256x1024xf32>
        %add3A_72 = arith.addf %get3A_71, %dot_general3A_61 : vector<256x1024xf32>
        %swap3A = arith.index_cast %mul3A_30 : i32 to index
        %swap3A_73 = arith.constant 0 : index
        %swap3A_74 = vector.load %arg10[%swap3A, %swap3A_73] : memref<5888x1024xf32, #tpu.memory_space<vmem>>, vector<256x1024xf32>
        tpu.vector_store %arg10[%swap3A, %swap3A_73], %add3A_72 {strides = array<i32>} : memref<5888x1024xf32, #tpu.memory_space<vmem>>, vector<256x1024xf32>,
      } else {
      }
    }
    %while3A_26 = arith.constant 1 : i32
    scf.for %while3A_27 = %while3A_24 to %while3A_20 step %while3A_26  : i32 {
      %get3A_28 = arith.index_cast %arg1 : i32 to index
      %get3A_29 = memref.load %arg4[%get3A_28] : memref<8xi32, #tpu.memory_space<smem>>
      %add3A = arith.addi %get3A_29, %while3A_27 : i32
      %mul3A = arith.constant 256 : i32
      %mul3A_30 = arith.muli %add3A, %mul3A : i32
      %get3A_31 = arith.index_cast %mul3A_30 : i32 to index
      %get3A_32 = arith.constant 0 : index
      %get3A_33 = vector.load %arg5[%get3A_31, %get3A_32] : memref<5888x1024xf32, #tpu.memory_space<vmem>>, vector<256x1024xf32>
      %convert_element_type3A_34 = arith.truncf %get3A_33 : vector<256x1024xf32> to vector<256x1024xbf16>
      %dot_general3A = arith.constant dense<0.000000e+00> : vector<256x256xf32>
      %dot_general3A_35 = tpu.matmul %convert_element_type3A_34, %convert_element_type3A, %dot_general3A {dimension_numbers = #tpu.dot_dimension_numbers<[1], [0], [0], [1], [0, 0, 1, 1], [], []>, transpose_lhs_hint = false} : vector<256x1024xbf16>, vector<1024x256xbf16>, vector<256x256xf32> -> vector<256x256xf32>
      %dot_general3A_36 = arith.constant dense<0.000000e+00> : vector<256x256xf32>
      %dot_general3A_37 = tpu.matmul %convert_element_type3A_34, %convert_element_type3A_9, %dot_general3A_36 {dimension_numbers = #tpu.dot_dimension_numbers<[1], [0], [0], [1], [0, 0, 1, 1], [], []>, transpose_lhs_hint = false} : vector<256x1024xbf16>, vector<1024x256xbf16>, vector<256x256xf32> -> vector<256x256xf32>
      %integer_pow3A = arith.mulf %dot_general3A_35, %dot_general3A_35 : vector<256x256xf32>
      %integer_pow3A_38 = arith.mulf %dot_general3A_35, %integer_pow3A : vector<256x256xf32>
      %mul3A_39 = arith.constant 4.471500e-02 : f32
      %mul3A_40 = vector.broadcast %mul3A_39 : f32 to vector<256x256xf32>
      %mul3A_41 = arith.mulf %mul3A_40, %integer_pow3A_38 : vector<256x256xf32>
      %add3A_42 = arith.addf %dot_general3A_35, %mul3A_41 : vector<256x256xf32>
      %mul3A_43 = arith.constant 0.797884583 : f32
      %mul3A_44 = vector.broadcast %mul3A_43 : f32 to vector<256x256xf32>
      %mul3A_45 = arith.mulf %mul3A_44, %add3A_42 : vector<256x256xf32>
      %tanh3A = math.tanh %mul3A_45 : vector<256x256xf32>
      %add3A_46 = arith.constant 1.000000e+00 : f32
      %add3A_47 = vector.broadcast %add3A_46 : f32 to vector<256x256xf32>
      %add3A_48 = arith.addf %add3A_47, %tanh3A : vector<256x256xf32>
      %mul3A_49 = arith.constant 5.000000e-01 : f32
      %mul3A_50 = vector.broadcast %mul3A_49 : f32 to vector<256x256xf32>
      %mul3A_51 = arith.mulf %mul3A_50, %add3A_48 : vector<256x256xf32>
      %mul3A_52 = arith.mulf %dot_general3A_35, %mul3A_51 : vector<256x256xf32>
      %mul3A_53 = arith.mulf %mul3A_52, %dot_general3A_37 : vector<256x256xf32>
      %get3A_54 = arith.index_cast %mul3A_30 : i32 to index
      %get3A_55 = arith.constant 0 : index
      %get3A_56 = vector.load %arg6[%get3A_54, %get3A_55] : memref<5888x128xf32, #tpu.memory_space<vmem>>, vector<256x1xf32>
      %mul3A_57 = vector.broadcast %get3A_56 : vector<256x1xf32> to vector<256x256xf32>
      %mul3A_58 = arith.mulf %mul3A_53, %mul3A_57 : vector<256x256xf32>
      %convert_element_type3A_59 = arith.truncf %mul3A_58 : vector<256x256xf32> to vector<256x256xbf16>
      %dot_general3A_60 = arith.constant dense<0.000000e+00> : vector<256x1024xf32>
      %dot_general3A_61 = tpu.matmul %convert_element_type3A_59, %convert_element_type3A_15, %dot_general3A_60 {dimension_numbers = #tpu.dot_dimension_numbers<[1], [0], [0], [1], [0, 0, 1, 1], [], []>, transpose_lhs_hint = false} : vector<256x256xbf16>, vector<256x1024xbf16>, vector<256x1024xf32> -> vector<256x1024xf32>
      %eq3A = arith.constant 0 : i32
      %eq3A_62 = arith.cmpi eq, %arg0, %eq3A : i32
      %convert_element_type3A_63 = arith.extui %eq3A_62 : i1 to i32
      %cond3A = arith.constant 0 : i32
      %cond3A_64 = arith.cmpi ne, %convert_element_type3A_63, %cond3A : i32
      scf.if %cond3A_64 {
        %swap3A = arith.index_cast %mul3A_30 : i32 to index
        %swap3A_69 = arith.constant 0 : index
        %swap3A_70 = vector.load %arg10[%swap3A, %swap3A_69] : memref<5888x1024xf32, #tpu.memory_space<vmem>>, vector<256x1024xf32>
        tpu.vector_store %arg10[%swap3A, %swap3A_69], %dot_general3A_61 {strides = array<i32>} : memref<5888x1024xf32, #tpu.memory_space<vmem>>, vector<256x1024xf32>,
      } else {
      }
      %gt3A = arith.constant 0 : i32
      %gt3A_65 = arith.cmpi sgt, %arg0, %gt3A : i32
      %convert_element_type3A_66 = arith.extui %gt3A_65 : i1 to i32
      %cond3A_67 = arith.constant 0 : i32
      %cond3A_68 = arith.cmpi ne, %convert_element_type3A_66, %cond3A_67 : i32
      scf.if %cond3A_68 {
        %get3A_69 = arith.index_cast %mul3A_30 : i32 to index
        %get3A_70 = arith.constant 0 : index
        %get3A_71 = vector.load %arg10[%get3A_69, %get3A_70] : memref<5888x1024xf32, #tpu.memory_space<vmem>>, vector<256x1024xf32>
        %add3A_72 = arith.addf %get3A_71, %dot_general3A_61 : vector<256x1024xf32>
        %swap3A = arith.index_cast %mul3A_30 : i32 to index
        %swap3A_73 = arith.constant 0 : index
        %swap3A_74 = vector.load %arg10[%swap3A, %swap3A_73] : memref<5888x1024xf32, #tpu.memory_space<vmem>>, vector<256x1024xf32>
        tpu.vector_store %arg10[%swap3A, %swap3A_73], %add3A_72 {strides = array<i32>} : memref<5888x1024xf32, #tpu.memory_space<vmem>>, vector<256x1024xf32>,
      } else {
      }
    }
    return
  }
  func.func @transform_0(%arg0: i32, %arg1: i32, %arg2: memref<8xi32, #tpu.memory_space<smem>>, %arg3: memref<8xi32, #tpu.memory_space<smem>>, %arg4: memref<8xi32, #tpu.memory_space<smem>>) -> (i32, i32) {
    %c0_i32 = arith.constant 0 : i32
    %c0_i32_0 = arith.constant 0 : i32
    %c0_i32_1 = arith.constant 0 : i32
    return %c0_i32, %c0_i32_0 : i32, i32
  }
  func.func @transform_1(%arg0: i32, %arg1: i32, %arg2: memref<8xi32, #tpu.memory_space<smem>>, %arg3: memref<8xi32, #tpu.memory_space<smem>>, %arg4: memref<8xi32, #tpu.memory_space<smem>>) -> (i32, i32) {
    %c0_i32 = arith.constant 0 : i32
    %c0_i32_0 = arith.constant 0 : i32
    %c0_i32_1 = arith.constant 0 : i32
    return %c0_i32, %c0_i32_0 : i32, i32
  }
  func.func @transform_2(%arg0: i32, %arg1: i32, %arg2: memref<8xi32, #tpu.memory_space<smem>>, %arg3: memref<8xi32, #tpu.memory_space<smem>>, %arg4: memref<8xi32, #tpu.memory_space<smem>>) -> (i32, i32, i32) {
    %get3A = arith.index_cast %arg1 : i32 to index
    %get3A_0 = memref.load %arg2[%get3A] : memref<8xi32, #tpu.memory_space<smem>>
    %c0_i32 = arith.constant 0 : i32
    %c0_i32_1 = arith.constant 0 : i32
    return %get3A_0, %c0_i32, %arg0 : i32, i32, i32
  }
  func.func @transform_3(%arg0: i32, %arg1: i32, %arg2: memref<8xi32, #tpu.memory_space<smem>>, %arg3: memref<8xi32, #tpu.memory_space<smem>>, %arg4: memref<8xi32, #tpu.memory_space<smem>>) -> (i32, i32, i32) {
    %get3A = arith.index_cast %arg1 : i32 to index
    %get3A_0 = memref.load %arg2[%get3A] : memref<8xi32, #tpu.memory_space<smem>>
    %c0_i32 = arith.constant 0 : i32
    %c0_i32_1 = arith.constant 0 : i32
    return %get3A_0, %c0_i32, %arg0 : i32, i32, i32
  }
  func.func @transform_4(%arg0: i32, %arg1: i32, %arg2: memref<8xi32, #tpu.memory_space<smem>>, %arg3: memref<8xi32, #tpu.memory_space<smem>>, %arg4: memref<8xi32, #tpu.memory_space<smem>>) -> (i32, i32, i32) {
    %get3A = arith.index_cast %arg1 : i32 to index
    %get3A_0 = memref.load %arg2[%get3A] : memref<8xi32, #tpu.memory_space<smem>>
    %c0_i32 = arith.constant 0 : i32
    %c0_i32_1 = arith.constant 0 : i32
    return %get3A_0, %arg0, %c0_i32 : i32, i32, i32
  }
  func.func @transform_5(%arg0: i32, %arg1: i32, %arg2: memref<8xi32, #tpu.memory_space<smem>>, %arg3: memref<8xi32, #tpu.memory_space<smem>>, %arg4: memref<8xi32, #tpu.memory_space<smem>>) -> (i32, i32) {
    %c0_i32 = arith.constant 0 : i32
    %c0_i32_0 = arith.constant 0 : i32
    %c0_i32_1 = arith.constant 0 : i32
    return %c0_i32, %c0_i32_0 : i32, i32
  }
}

</mosaic_0001>

<sc_bundles>
// kernel: kernel.6.cloned.1.call-start
scs
__scs_entry_jumppad:
0x0: {  	(pc) =	sbr.rel $0x88, $3  }
0x1: {  	(tag) =	ssettag $0x0;
	lr =	simm.s32 $0x1  }
0x2: {  	[smem:$0x3F9C] =	sst lr;
	_ =	strace $0xD0000000  }
0x3: {  	_ = 	snop  }
0x4: {  	_ = 	snop  }
0x5: {  	_ = 	snop  }
0x6: {  	_ = 	snop  }
0x7: {  	_ = 	snop  }
__scs_overlays_trampoline_lowered:
0x8: {  	[smem:$0x3FAB] =	sst s0  }
0x9: {  	[smem:$0x3FAC] =	sst s1  }
0xa: {  	[smem:$0x3FAD] =	sst s2  }
0xb: {  	[smem:$0x3FAE] =	sst s3  }
0xc: {  	[smem:$0x3FAF] =	sst s4  }
0xd: {  	[smem:$0x3FB0] =	sst s5  }
0xe: {  	[smem:$0x3FB1] =	sst s6  }
0xf: {  	[smem:$0x3FB2] =	sst s7  }
0x10: {  	[smem:$0x3FB3] =	sst s8  }
0x11: {  	[smem:$0x3FB4] =	sst s9;
	s0 =	simm.s32 @!p0 $0x0  }
0x12: {  	s1 =	sld [smem:$0x3F9A];
	s0 =	simm.s32 @p0 $0x1  }
0x13: {  	[smem:$0x3FB5] =	sst s0;
	s0 =	simm.s32 @!p1 $0x0  }
0x14: {  	s2 =	sld [smem:$0x3F99];
	s0 =	simm.s32 @p1 $0x1  }
0x15: {  	[smem:$0x3FB6] =	sst s0;
	s0 =	simm.s32 @!p2 $0x0  }
0x16: {  	s3 =	sld [smem:$0x3FDB];
	s0 =	simm.s32 @p2 $0x1  }
0x17: {  	s4 =	simm.s32 $0x1BF5;
	[smem:$0x3FB8] =	sst s0  }
0x18: {  	s0 =	sld [smem:$0x3F9B];
	_ =	swait.ge [sflag:s4], $0x0  }
0x19: {  	s7 =	sld [smem:$0x3F9C]  }
0x1a: {  	s8 =	sadd.s32 $0xFFFFE003, lr  }
0x1b: {  	s9 =	sadd.s32 $0xFFFFFEF7, lr;
	s5 =	simm.s32 $0xFFFFFFFF;
	p2 =	slt.u32 s8, $0xFFFFF086  }
0x1c: {  	p1 =	slt.u32 s9, $0xF7A;
	s5 =	simm.s32 @!p2 $0x0  }
0x1d: {  	s5 =	simm.s32 @p1 $0x1;
	p0 =	seq.s32 s7, s2  }
0x1e: {  	s7 =	smul.u32 @!p0 $0xF7A, s2;
	p2 =	seq.s32 @!p0 s5, $0x0  }
0x1f: {  	s9 =	smul.u32 $0xF7A, s1;
	s8 =	simm.s32 @!p0 $0x1BF5;
	p2 =	por !p2, p0  }
0x20: {  	[sflag:s8] =	ssyncset.s32 @!p0 $0xFFFFF086;
	s6 =	sadd.s32 @!p0 s3, s7;
	s7 =	simm.s32 @!p0 $0x108  }
0x21: {  	s3 =	sadd.s32 s3, s9;
	s6 =	sadd.s32 @!p0 $0x88, s6;
	s7 =	simm.s32 @p2 $0x1082  }
0x22: {  	[simem:s7], [sflag:s8] =	dma.local @!p0 [hbm:s6], $0xF7A  }
0x23: {  	s9 =	sor.u32 $0xD0000000, s2;
	s6 =	simm.s32 $0x108;
	_ =	swait.ge @!p0 [sflag:s8], $0x0  }
0x24: {  	s3 =	sadd.s32 $0x88, s3;
	s6 =	simm.s32 @!p1 $0x1082;
	[sflag:s4] =	ssyncset.s32 $0xFFFFF086  }
0x25: {  	[simem:s6], [sflag:s4] =	dma.local [hbm:s3], $0xF7A  }
0x26: {  	[smem:$0x3F9C] =	sst s1;
	(tag) =	ssettag s2;
	_ =	strace s9  }
0x27: {  	s1 =	sld [smem:$0x3FAC]  }
0x28: {  	s2 =	sld [smem:$0x3FAD]  }
0x29: {  	s4 =	sld [smem:$0x3FAF]  }
0x2a: {  	p0 =	seq.s32 s5, $0x0;
	s5 =	sld [smem:$0x3FB0]  }
0x2b: {  	s6 =	sld [smem:$0x3FB1]  }
0x2c: {  	s7 =	sld [smem:$0x3FB2]  }
0x2d: {  	s3 =	simm.s32 $0x108;
	s8 =	sld [smem:$0x3FB3]  }
0x2e: {  	s3 =	simm.s32 @!p0 $0x1082;
	s9 =	sld [smem:$0x3FB4]  }
0x2f: {  	lr =	sadd.s32 s0, s3;
	s0 =	sld [smem:$0x3FAB]  }
0x30: {  	s3 =	sld [smem:$0x3FAE]  }
0x31: {  	[smem:$0x3FB7] =	sst s10  }
0x32: {  	s10 =	sld [smem:$0x3FB5];
	_ =	sdelay $0x3  }
0x33: {  	p0 =	seq.s32 s10, $0x1;
	s10 =	sld [smem:$0x3FB7];
	_ =	sdelay $0x3  }
0x34: {  	[smem:$0x3FB7] =	sst s10  }
0x35: {  	s10 =	sld [smem:$0x3FB6];
	_ =	sdelay $0x3  }
0x36: {  	p1 =	seq.s32 s10, $0x1;
	s10 =	sld [smem:$0x3FB7];
	_ =	sdelay $0x3  }
0x37: {  	[smem:$0x3FB7] =	sst s10  }
0x38: {  	s10 =	sld [smem:$0x3FB8]  }
0x39: {  	_ = 	snop;
	(pc) =	sbr.ind lr, $3  }
0x3a: {  	_ = 	snop  }
0x3b: {  	_ = 	snop  }
0x3c: {  	p2 =	seq.s32 s10, $0x1;
	s10 =	sld [smem:$0x3FB7]  }
0x3d: {  	_ =	shalt  }
0x3e: {  	_ =	shalt  }
0x3f: {  	_ =	shalt  }
0x40: {  	_ =	shalt  }
0x41: {  	_ =	shalt  }
0x42: {  	_ =	shalt  }
0x43: {  	_ =	shalt  }
0x44: {  	_ =	shalt  }
0x45: {  	_ =	shalt  }
0x46: {  	_ =	shalt  }
0x47: {  	_ =	shalt  }
0x48: {  	_ =	shalt  }
0x49: {  	_ =	shalt  }
0x4a: {  	_ =	shalt  }
0x4b: {  	_ =	shalt  }
0x4c: {  	_ =	shalt  }
0x4d: {  	_ =	shalt  }
0x4e: {  	_ =	shalt  }
0x4f: {  	_ =	shalt  }
0x50: {  	_ =	shalt  }
0x51: {  	_ =	shalt  }
0x52: {  	_ =	shalt  }
0x53: {  	_ =	shalt  }
0x54: {  	_ =	shalt  }
0x55: {  	_ =	shalt  }
0x56: {  	_ =	shalt  }
0x57: {  	_ =	shalt  }
0x58: {  	_ =	shalt  }
0x59: {  	_ =	shalt  }
0x5a: {  	_ =	shalt  }
0x5b: {  	_ =	shalt  }
0x5c: {  	_ =	shalt  }
0x5d: {  	_ =	shalt  }
0x5e: {  	_ =	shalt  }
0x5f: {  	_ =	shalt  }
0x60: {  	_ =	shalt  }
0x61: {  	_ =	shalt  }
0x62: {  	_ =	shalt  }
0x63: {  	_ =	shalt  }
0x64: {  	_ =	shalt  }
0x65: {  	_ =	shalt  }
0x66: {  	_ =	shalt  }
0x67: {  	_ =	shalt  }
0x68: {  	_ =	shalt  }
0x69: {  	_ =	shalt  }
0x6a: {  	_ =	shalt  }
0x6b: {  	_ =	shalt  }
0x6c: {  	_ =	shalt  }
0x6d: {  	_ =	shalt  }
0x6e: {  	_ =	shalt  }
0x6f: {  	_ =	shalt  }
0x70: {  	_ =	shalt  }
0x71: {  	_ =	shalt  }
0x72: {  	_ =	shalt  }
0x73: {  	_ =	shalt  }
0x74: {  	_ =	shalt  }
0x75: {  	_ =	shalt  }
0x76: {  	_ =	shalt  }
0x77: {  	_ =	shalt  }
0x78: {  	_ =	shalt  }
0x79: {  	_ =	shalt  }
0x7a: {  	_ =	shalt  }
0x7b: {  	_ =	shalt  }
0x7c: {  	_ =	shalt  }
0x7d: {  	_ =	shalt  }
0x7e: {  	_ =	shalt  }
0x7f: {  	_ =	shalt  }
0x80: {  	_ =	shalt  }
0x81: {  	_ =	shalt  }
0x82: {  	_ =	shalt  }
0x83: {  	_ =	shalt  }
0x84: {  	_ =	shalt  }
0x85: {  	_ =	shalt  }
0x86: {  	_ =	shalt  }
0x87: {  	_ =	shalt  }
.Lfunc_end0:
.L_simem_size_0:
called_computation_lowered:
.L_overlay_start_0:
0x88: {  	s2 =	sld [smem:$0x3FD9]  }
0x89: {  	s3 =	sld [smem:$0x3FFE];
	_ =	sdelay $0x1  }
0x8a: {  	s1 =	srdreg.scid  }
0x8b: {  	s0 =	sand.u32 $0x1, s1  }
0x8c: {  	s14 =	sshll.u32 s0, $0xA;
	s2 =	sadd.s32 s3, s2  }
0x8d: {  	s2 =	sadd.s32 s2, s14  }
0x8e: {  	[smem:$0x3FC3] =	sst s2  }
0x8f: {  	_ = 	snop  }
0x90: {  	s2 =	sld [smem:$0x3FD0];
	_ =	sdelay $0x2  }
0x91: {  	s4 =	simm.s32 $0xA;
	s5 =	simm.s32 $0x10;
	s15 =	sld [smem:$0x3FC9]  }
0x92: {  	[smem:s5], [sflag:s4] =	dma.local [hbm:s2], $0x1  }
0x93: {  	_ =	swait.eq [sflag:s4], $0x1  }
0x94: {  	[sflag:s4] =	ssyncset.done $0x0  }
0x95: {  	[sflag:s4] =	ssyncadd.s32 $0xFFFFFFFF  }
0x96: {  	s16 =	sld [smem:$0x10];
	(tm) =	ssettm $0x1  }
0x97: {  	s17 =	sld [smem:$0x3FFB];
	_ =	sdelay $0x3  }
0x98: {  	_ =	strace s17  }
0x99: {  	s4 =	sld [smem:$0x3FFC];
	_ =	sdelay $0x3  }
0x9a: {  	_ =	strace s4  }
0x9b: {  	s4 =	sld [smem:$0x3FFD];
	_ =	sdelay $0x3  }
0x9c: {  	_ =	strace s4  }
0x9d: {  	_ =	strace $0x8FFFFFFF  }
0x9e: {  	s18 =	sld [smem:$0x3FDB];
	_ =	sdelay $0x1  }
0x9f: {  	s19 =	simm.s32 $_scs_section_size  }
0xa0: {  	s6 =	simm.s32 $_size__tile_overlayer_lowered;
	s7 =	simm.s32 $_tile_overlayer_lowered  }
0xa1: {  	s22 =	simm.s32 $0x1BFF;
	s21 =	sshll.u32 s7, $0x1;
	s4 =	sadd.s32 s19, s18  }
0xa2: {  	s8 =	simm.s32 $0x0;
	s20 =	sshll.u32 s6, $0x1;
	s6 =	sadd.s32 s21, s4  }
0xa3: {  	[timem:s8], [sflag:s22] =	dma.local [hbm:s6], s20  }
0xa4: {  	_ =	swait.ge [sflag:s22], s20  }
0xa5: {  	s5 =	ssub.s32 $0x0, s20;
	[sflag:s22] =	ssyncset.done $0x0  }
0xa6: {  	[sflag:s22] =	ssyncadd.s32 s5;
	_ =	sdelay $0x1  }
0xa7: {  	s23 =	simm.s32 $0x1B8B  }
0xa8: {  	_ =	swait.ge [sflag:s23], $0x1  }
0xa9: {  	[sflag:s23] =	ssyncset.done $0x0  }
0xaa: {  	s25 =	simm.s32 $0x1B8E;
	s24 =	sld [smem:$0x3FFE];
	[sflag:s23] =	ssyncadd.s32 $0xFFFFFFFF  }
0xab: {  	s26 =	simm.s32 $execute0_lowered;
	[smem:$0x3FD2] =	sst s25  }
0xac: {  	s6 =	sshll.u32 s26, $0x1;
	_ =	strace $0x80000046;
	[dreg:$0x1] =	wrdreg $0xFFFFFFFF  }
0xad: {  	s28 =	simm.s32 $_size_execute0_lowered;
	s4 =	sadd.s32 s4, s6;
	[dreg:$0x0] =	wrdreg $0x0  }
0xae: {  	s6 =	sshll.u32 s28, $0x1;
	[dreg:$0x2] =	wrdreg s4  }
0xaf: {  	[dreg:$0x3] =	wrdreg s6  }
0xb0: {  	[dreg:$0x4] =	wrdreg $0xC0  }
0xb1: {  	_ =	task [dreg:s8], $0x5FFFF  }
0xb2: {  	[dreg:$0x1] =	wrdreg $0xFFFFFFFF  }
0xb3: {  	[dreg:$0x0] =	wrdreg $0x60  }
0xb4: {  	[dreg:$0x2] =	wrdreg s15  }
0xb5: {  	[dreg:$0x3] =	wrdreg s24  }
0xb6: {  	[dreg:$0x4] =	wrdreg s16  }
0xb7: {  	[dreg:$0x5] =	wrdreg $0x9  }
0xb8: {  	_ =	task.clear_ibuf [dreg:s8], $0x6FFFF;
	_ =	strace $0x90000046  }
0xb9: {  	s29 =	simm.s32 $0x9;
	_ =	strace $0x80000048  }
0xba: {  	_ =	swait.ge [sflag:s29], $0x1  }
0xbb: {  	[sflag:s29] =	ssyncadd.s32 $0xFFFFFFFF  }
0xbc: {  	_ =	strace $0x90000048  }
0xbd: {  	_ =	sfence  }
0xbe: {  	s30 =	sld [smem:$0x0];
	_ =	sdelay $0x2  }
0xbf: {  	s31 =	sshll.u32 s1, $0xD;
	s1 =	sshrl.u32 s1, $0x2  }
0xc0: {  	s3 =	sand.u32 $0x4000, s31;
	s1 =	sadd.s32 s1, s30  }
0xc1: {  	s0 =	sor.u32 s3, s0;
	s1 =	sshll.u32 s1, $0x11  }
0xc2: {  	s0 =	sor.u32 s1, s0  }
0xc3: {  	s0 =	sadd.s32 $0x8F2B, s0  }
0xc4: {  	[sflag:s0] =	ssyncadd.remote.s32 $0x1  }
0xc5: {  	_ =	sfence.sel $0xFFFF  }
0xc6: {  	[dreg:$0x0] =	wrdreg $0xFFFFFFFF;
	(pc) =	sbr.abs _section_cstart, $3  }
0xc7: {  	[dreg:$0x1] =	wrdreg $0xFFFFFFFF  }
0xc8: {  	_ =	task.clear_ibuf [dreg:s8], $0x2FFFF;
	_ =	strace $0x9FFFFFFF  }
0xc9: {  	(tm) =	ssettm $0x7FFFFFFF  }
tec
execute0_lowered:
.L_overlay_start_1:
0x0: {  	(tag) =	ssettag $0x1  }
0x1: {  	s0 =	srdreg.scid;
	s1 =	rddreg [dreg:$0x0]  }
0x2: {  	s3 =	stileid.u32;
	s2 =	rddreg [dreg:$0x1]  }
0x3: {  	s9 =	simm.s32 $0x2;
	s22 =	simm.s32 $0x1;
	s29 =	simm.s32 $0x1100  }
0x4: {  	s30 =	simm.s32 $0x1900;
	s31 =	simm.s32 $0x2100;
	s10 =	simm.s32 $0x4100  }
0x5: {  	s12 =	simm.s32 $0x4900;
	s13 =	simm.s32 $0x5100;
	s14 =	simm.s32 $0x5900  }
0x6: {  	s15 =	simm.s32 $0x6100;
	s16 =	simm.s32 $0x6900;
	s17 =	simm.s32 $0x7100  }
0x7: {  	s18 =	simm.s32 $0x7900;
	s19 =	simm.s32 $0x8100;
	s20 =	simm.s32 $0x8900  }
0x8: {  	s21 =	simm.s32 $0x9100;
	s23 =	simm.s32 $0x9900;
	s0 =	sand.u32 $0x1, s0  }
0x9: {  	s11 =	simm.s32 $0xA100;
	s3 =	sshll.u32 s3, $0x7;
	s4 =	sshll.u32 s0, $0x6  }
0xa: {  	s28 =	simm.s32 $0xB100;
	s0 =	ssub.s32 $0x2, s0;
	s4 =	sor.u32 s4, s3  }
0xb: {  	s3 =	simm.s32 $0x0;
	s25 =	sshrl.u32 s0, $0x1;
	s5 =	sshrl.u32 s4, $0x3  }
0xc: {  	[smem:$0x7FF] =	sst s3;
	s6 =	sshll.u32 s4, $0x4;
	s4 =	sshll.u32 s4, $0x7  }
0xd: {  	s0 =	ssub.s32 s0, s25;
	s5 =	sadd.s32 s5, s2;
	s1 =	sadd.s32 s1, s4  }
0xe: {  	_ =	strace $0x80000047;
	s7 =	sadd.s32 $0x8200, s5;
	[dreg:$0x6] =	wrdreg s1  }
0xf: {  	s6 =	sadd.s32 s6, s2;
	s5 =	sadd.s32 $0x8000, s5;
	[dreg:$0x4] =	wrdreg s7  }
0x10: {  	s25 =	simm.s32 $0x3100;
	s24 =	sadd.s32 $0x10400, s6;
	[dreg:$0x5] =	wrdreg s5  }
0x11: {  	v2 =	vlaneseq.u32;
	s4 =	sadd.s32 $0x18400, s2;
	s26 =	sadd.s32 $0x8400, s6;
	[dreg:$0x7] =	wrdreg s24  }
0x12: {  	vm0 =	vmmov $0xffff;
	v1 =	vshrl.u32 v2, $0x3;
	s8 =	smax.u32 s0, $0x1;
	s6 =	sadd.s32 $0x18600, s2;
	[dreg:$0x8] =	wrdreg s26  }
0x13: {  	v0 =	vand.u32 $0x7, v2;
	v2 =	vor.u32 $0x8, v2;
	v1 =	vmul.u32 $0x8, v1;
	s5 =	sadd.s32 $0x18500, s2;
	s7 =	sadd.s32 $0x18700, s2;
	s26 =	simm.s32 $0xA900  }
.LBB2_1:
0x14: {  	s24 =	rddreg [dreg:$0x4]  }
0x15: {  	[tilespmem:s3], [sflag:$0x2] =	stream.linear.gather [hbm4b:s24+s3], $0x40, $0x38;
	[tilespmem:$0x14100] =	vst v63  }
0x16: {  	_ =	swait.ge [sflag:s9], $0x40  }
0x17: {  	[sflag:s9] =	ssyncset.done $0x0  }
0x18: {  	s0 =	simm.s32 $0x80;
	s2 =	rddreg [dreg:$0x5];
	[sflag:s9] =	ssyncadd.s32 $0xFFFFFFC0  }
0x19: {  	[tilespmem:s0], [sflag:$0x2] =	stream.linear.gather [hbm4b:s2+s3], $0x40, $0x38;
	[tilespmem:$0x14100] =	vst v63  }
0x1a: {  	_ =	swait.ge [sflag:s9], $0x40  }
0x1b: {  	[sflag:s9] =	ssyncset.done $0x0  }
0x1c: {  	s0 =	simm.s32 $0x100;
	s1 =	rddreg [dreg:$0x6];
	[sflag:s9] =	ssyncadd.s32 $0xFFFFFFC0  }
0x1d: {  	[tilespmem:s0], [sflag:$0x2] =	stream.linear.gather [hbm4b:s1+s3], $0x10000, $0x38;
	[tilespmem:$0x14100] =	vst v63  }
0x1e: {  	_ =	swait.ge [sflag:s9], $0x10000  }
0x1f: {  	[sflag:s9] =	ssyncset.done $0x0  }
0x20: {  	s1 =	simm.s32 $0x10100;
	s2 =	rddreg [dreg:$0x7];
	[sflag:s9] =	ssyncadd.s32 $0xFFFF0000  }
0x21: {  	[tilespmem:s1], [sflag:$0x2] =	stream.linear.gather [hbm4b:s2+s3], $0x2000, $0x38;
	[tilespmem:$0x14100] =	vst v63  }
0x22: {  	_ =	swait.ge [sflag:s9], $0x2000  }
0x23: {  	[sflag:s9] =	ssyncset.done $0x0  }
0x24: {  	s2 =	simm.s32 $0x12100;
	s1 =	rddreg [dreg:$0x8];
	[sflag:s9] =	ssyncadd.s32 $0xFFFFE000  }
0x25: {  	[tilespmem:s2], [sflag:$0x2] =	stream.linear.gather [hbm4b:s1+s3], $0x2000, $0x38;
	[tilespmem:$0x14100] =	vst v63  }
0x26: {  	_ =	swait.ge [sflag:s9], $0x2000  }
0x27: {  	[sflag:s9] =	ssyncset.done $0x0  }
0x28: {  	[sflag:s9] =	ssyncadd.s32 $0xFFFFE000  }
0x29: {  	v3 =	vld [tilespmem:$0x0];
	_ =	sdelay $0x4  }
0x2a: {  	v4 =	vshll.u32 v3, $0x3  }
0x2b: {  	v3 =	vand.u32 $0x7, v3;
	v4 =	vand.u32 $0xFFFFFFC0, v4  }
0x2c: {  	v3 =	vor.u32 v3, v4  }
0x2d: {  	v4 =	vperm.xlane v3, v0;
	_ =	sdelay $0x1  }
0x2e: {  	v4 =	vadd.s32 v1, v4;
	_ =	sdelay $0x4  }
0x2f: {  	[hbm4b:s4+s3] =	stream.indirect_vreg.scatter [tilespmem:s0], [sflag:$0x1], $0x80, v4, vm0, $0xb8;
	[tilespmem:$0x14100] =	vst v63  }
0x30: {  	s24 =	simm.s32 $0x900;
	v3 =	vperm.xlane v3, v2  }
0x31: {  	[hbm4b:s5+s3] =	stream.indirect_vreg.scatter [tilespmem:s24], [sflag:$0x1], $0x80, v4, vm0, $0xb8;
	[tilespmem:$0x14100] =	vst v63  }
0x32: {  	v3 =	vadd.s32 v1, v3  }
0x33: {  	[hbm4b:s6+s3] =	stream.indirect_vreg.scatter [tilespmem:s29], [sflag:$0x1], $0x80, v4, vm0, $0xb8;
	[tilespmem:$0x14100] =	vst v63  }
0x34: {  	_ = 	snop  }
0x35: {  	[hbm4b:s7+s3] =	stream.indirect_vreg.scatter [tilespmem:s30], [sflag:$0x1], $0x80, v4, vm0, $0xb8;
	[tilespmem:$0x14100] =	vst v63  }
0x36: {  	_ = 	snop  }
0x37: {  	[hbm4b:s4+s3] =	stream.indirect_vreg.scatter [tilespmem:s31], [sflag:$0x1], $0x80, v3, vm0, $0xb8;
	[tilespmem:$0x14100] =	vst v63  }
0x38: {  	s2 =	simm.s32 $0x2900  }
0x39: {  	[hbm4b:s5+s3] =	stream.indirect_vreg.scatter [tilespmem:s2], [sflag:$0x1], $0x80, v3, vm0, $0xb8;
	[tilespmem:$0x14100] =	vst v63  }
0x3a: {  	_ = 	snop  }
0x3b: {  	[hbm4b:s6+s3] =	stream.indirect_vreg.scatter [tilespmem:s25], [sflag:$0x1], $0x80, v3, vm0, $0xb8;
	[tilespmem:$0x14100] =	vst v63  }
0x3c: {  	s2 =	simm.s32 $0x3900  }
0x3d: {  	[hbm4b:s7+s3] =	stream.indirect_vreg.scatter [tilespmem:s2], [sflag:$0x1], $0x80, v3, vm0, $0xb8;
	[tilespmem:$0x14100] =	vst v63  }
0x3e: {  	v3 =	vld [tilespmem:$0x10];
	_ =	sdelay $0x4  }
0x3f: {  	v57 =	vshll.u32 v3, $0x3  }
0x40: {  	v3 =	vand.u32 $0x7, v3;
	v4 =	vand.u32 $0xFFFFFFC0, v57  }
0x41: {  	v3 =	vor.u32 v3, v4  }
0x42: {  	v4 =	vperm.xlane v3, v0;
	_ =	sdelay $0x1  }
0x43: {  	v4 =	vadd.s32 v1, v4;
	_ =	sdelay $0x4  }
0x44: {  	[hbm4b:s4+s3] =	stream.indirect_vreg.scatter [tilespmem:s10], [sflag:$0x1], $0x80, v4, vm0, $0xb8;
	[tilespmem:$0x14100] =	vst v63  }
0x45: {  	v3 =	vperm.xlane v3, v2  }
0x46: {  	[hbm4b:s5+s3] =	stream.indirect_vreg.scatter [tilespmem:s12], [sflag:$0x1], $0x80, v4, vm0, $0xb8;
	[tilespmem:$0x14100] =	vst v63  }
0x47: {  	v3 =	vadd.s32 v1, v3  }
0x48: {  	[hbm4b:s6+s3] =	stream.indirect_vreg.scatter [tilespmem:s13], [sflag:$0x1], $0x80, v4, vm0, $0xb8;
	[tilespmem:$0x14100] =	vst v63  }
0x49: {  	_ = 	snop  }
0x4a: {  	[hbm4b:s7+s3] =	stream.indirect_vreg.scatter [tilespmem:s14], [sflag:$0x1], $0x80, v4, vm0, $0xb8;
	[tilespmem:$0x14100] =	vst v63  }
0x4b: {  	_ = 	snop  }
0x4c: {  	[hbm4b:s4+s3] =	stream.indirect_vreg.scatter [tilespmem:s15], [sflag:$0x1], $0x80, v3, vm0, $0xb8;
	[tilespmem:$0x14100] =	vst v63  }
0x4d: {  	_ = 	snop  }
0x4e: {  	[hbm4b:s5+s3] =	stream.indirect_vreg.scatter [tilespmem:s16], [sflag:$0x1], $0x80, v3, vm0, $0xb8;
	[tilespmem:$0x14100] =	vst v63  }
0x4f: {  	_ = 	snop  }
0x50: {  	[hbm4b:s6+s3] =	stream.indirect_vreg.scatter [tilespmem:s17], [sflag:$0x1], $0x80, v3, vm0, $0xb8;
	[tilespmem:$0x14100] =	vst v63  }
0x51: {  	_ = 	snop  }
0x52: {  	[hbm4b:s7+s3] =	stream.indirect_vreg.scatter [tilespmem:s18], [sflag:$0x1], $0x80, v3, vm0, $0xb8;
	[tilespmem:$0x14100] =	vst v63  }
0x53: {  	v3 =	vld [tilespmem:$0x20];
	_ =	sdelay $0x4  }
0x54: {  	v58 =	vshll.u32 v3, $0x3  }
0x55: {  	v3 =	vand.u32 $0x7, v3;
	v4 =	vand.u32 $0xFFFFFFC0, v58  }
0x56: {  	v3 =	vor.u32 v3, v4  }
0x57: {  	v4 =	vperm.xlane v3, v0;
	_ =	sdelay $0x1  }
0x58: {  	v4 =	vadd.s32 v1, v4;
	_ =	sdelay $0x4  }
0x59: {  	[hbm4b:s4+s3] =	stream.indirect_vreg.scatter [tilespmem:s19], [sflag:$0x1], $0x80, v4, vm0, $0xb8;
	[tilespmem:$0x14100] =	vst v63  }
0x5a: {  	v3 =	vperm.xlane v3, v2  }
0x5b: {  	[hbm4b:s5+s3] =	stream.indirect_vreg.scatter [tilespmem:s20], [sflag:$0x1], $0x80, v4, vm0, $0xb8;
	[tilespmem:$0x14100] =	vst v63  }
0x5c: {  	v3 =	vadd.s32 v1, v3  }
0x5d: {  	[hbm4b:s6+s3] =	stream.indirect_vreg.scatter [tilespmem:s21], [sflag:$0x1], $0x80, v4, vm0, $0xb8;
	[tilespmem:$0x14100] =	vst v63  }
0x5e: {  	_ = 	snop  }
0x5f: {  	[hbm4b:s7+s3] =	stream.indirect_vreg.scatter [tilespmem:s23], [sflag:$0x1], $0x80, v4, vm0, $0xb8;
	[tilespmem:$0x14100] =	vst v63  }
0x60: {  	_ = 	snop  }
0x61: {  	[hbm4b:s4+s3] =	stream.indirect_vreg.scatter [tilespmem:s11], [sflag:$0x1], $0x80, v3, vm0, $0xb8;
	[tilespmem:$0x14100] =	vst v63  }
0x62: {  	_ = 	snop  }
0x63: {  	[hbm4b:s5+s3] =	stream.indirect_vreg.scatter [tilespmem:s26], [sflag:$0x1], $0x80, v3, vm0, $0xb8;
	[tilespmem:$0x14100] =	vst v63  }
0x64: {  	_ = 	snop  }
0x65: {  	[hbm4b:s6+s3] =	stream.indirect_vreg.scatter [tilespmem:s28], [sflag:$0x1], $0x80, v3, vm0, $0xb8;
	[tilespmem:$0x14100] =	vst v63  }
0x66: {  	s1 =	simm.s32 $0xB900  }
0x67: {  	[hbm4b:s7+s3] =	stream.indirect_vreg.scatter [tilespmem:s1], [sflag:$0x1], $0x80, v3, vm0, $0xb8;
	[tilespmem:$0x14100] =	vst v63  }
0x68: {  	v3 =	vld [tilespmem:$0x30];
	_ =	sdelay $0x4  }
0x69: {  	v59 =	vshll.u32 v3, $0x3  }
0x6a: {  	v3 =	vand.u32 $0x7, v3;
	v4 =	vand.u32 $0xFFFFFFC0, v59  }
0x6b: {  	v3 =	vor.u32 v3, v4  }
0x6c: {  	v4 =	vperm.xlane v3, v0;
	_ =	sdelay $0x1  }
0x6d: {  	v4 =	vadd.s32 v1, v4;
	_ =	sdelay $0x3  }
0x6e: {  	s1 =	simm.s32 $0xC100  }
0x6f: {  	[hbm4b:s4+s3] =	stream.indirect_vreg.scatter [tilespmem:s1], [sflag:$0x1], $0x80, v4, vm0, $0xb8;
	[tilespmem:$0x14100] =	vst v63  }
0x70: {  	v3 =	vperm.xlane v3, v2;
	s1 =	simm.s32 $0xC900  }
0x71: {  	[hbm4b:s5+s3] =	stream.indirect_vreg.scatter [tilespmem:s1], [sflag:$0x1], $0x80, v4, vm0, $0xb8;
	[tilespmem:$0x14100] =	vst v63  }
0x72: {  	v3 =	vadd.s32 v1, v3;
	s1 =	simm.s32 $0xD100  }
0x73: {  	[hbm4b:s6+s3] =	stream.indirect_vreg.scatter [tilespmem:s1], [sflag:$0x1], $0x80, v4, vm0, $0xb8;
	[tilespmem:$0x14100] =	vst v63  }
0x74: {  	s1 =	simm.s32 $0xD900  }
0x75: {  	[hbm4b:s7+s3] =	stream.indirect_vreg.scatter [tilespmem:s1], [sflag:$0x1], $0x80, v4, vm0, $0xb8;
	[tilespmem:$0x14100] =	vst v63  }
0x76: {  	s1 =	simm.s32 $0xE100  }
0x77: {  	[hbm4b:s4+s3] =	stream.indirect_vreg.scatter [tilespmem:s1], [sflag:$0x1], $0x80, v3, vm0, $0xb8;
	[tilespmem:$0x14100] =	vst v63  }
0x78: {  	s1 =	simm.s32 $0xE900  }
0x79: {  	[hbm4b:s5+s3] =	stream.indirect_vreg.scatter [tilespmem:s1], [sflag:$0x1], $0x80, v3, vm0, $0xb8;
	[tilespmem:$0x14100] =	vst v63  }
0x7a: {  	s1 =	simm.s32 $0xF100  }
0x7b: {  	[hbm4b:s6+s3] =	stream.indirect_vreg.scatter [tilespmem:s1], [sflag:$0x1], $0x80, v3, vm0, $0xb8;
	[tilespmem:$0x14100] =	vst v63  }
0x7c: {  	s1 =	simm.s32 $0xF900  }
0x7d: {  	[hbm4b:s7+s3] =	stream.indirect_vreg.scatter [tilespmem:s1], [sflag:$0x1], $0x80, v3, vm0, $0xb8;
	[tilespmem:$0x14100] =	vst v63  }
0x7e: {  	_ =	swait.ge [sflag:s22], $0x10000  }
0x7f: {  	[sflag:s22] =	ssyncset.done $0x0  }
0x80: {  	[sflag:s22] =	ssyncadd.s32 $0xFFFF0000  }
0x81: {  	v3 =	vld [tilespmem:$0x80];
	_ =	sdelay $0x4  }
0x82: {  	v60 =	vshll.u32 v3, $0x3  }
0x83: {  	v3 =	vand.u32 $0x7, v3;
	v4 =	vand.u32 $0xFFFFFFC0, v60  }
0x84: {  	v3 =	vor.u32 v3, v4  }
0x85: {  	v4 =	vperm.xlane v3, v0;
	_ =	sdelay $0x1  }
0x86: {  	v4 =	vadd.s32 v1, v4;
	_ =	sdelay $0x4  }
0x87: {  	[hbm4b:s4+s3] =	stream.indirect_vreg.scatter [tilespmem:s0], [sflag:$0x1], $0x80, v4, vm0, $0xb8;
	[tilespmem:$0x14100] =	vst v63  }
0x88: {  	v3 =	vperm.xlane v3, v2  }
0x89: {  	[hbm4b:s5+s3] =	stream.indirect_vreg.scatter [tilespmem:s24], [sflag:$0x1], $0x80, v4, vm0, $0xb8;
	[tilespmem:$0x14100] =	vst v63  }
0x8a: {  	v3 =	vadd.s32 v1, v3  }
0x8b: {  	[hbm4b:s6+s3] =	stream.indirect_vreg.scatter [tilespmem:s29], [sflag:$0x1], $0x80, v4, vm0, $0xb8;
	[tilespmem:$0x14100] =	vst v63  }
0x8c: {  	_ = 	snop  }
0x8d: {  	[hbm4b:s7+s3] =	stream.indirect_vreg.scatter [tilespmem:s30], [sflag:$0x1], $0x80, v4, vm0, $0xb8;
	[tilespmem:$0x14100] =	vst v63  }
0x8e: {  	_ = 	snop  }
0x8f: {  	[hbm4b:s4+s3] =	stream.indirect_vreg.scatter [tilespmem:s31], [sflag:$0x1], $0x80, v3, vm0, $0xb8;
	[tilespmem:$0x14100] =	vst v63  }
0x90: {  	s24 =	simm.s32 $0x2900  }
0x91: {  	[hbm4b:s5+s3] =	stream.indirect_vreg.scatter [tilespmem:s24], [sflag:$0x1], $0x80, v3, vm0, $0xb8;
	[tilespmem:$0x14100] =	vst v63  }
0x92: {  	_ = 	snop  }
0x93: {  	[hbm4b:s6+s3] =	stream.indirect_vreg.scatter [tilespmem:s25], [sflag:$0x1], $0x80, v3, vm0, $0xb8;
	[tilespmem:$0x14100] =	vst v63  }
0x94: {  	_ = 	snop  }
0x95: {  	[hbm4b:s7+s3] =	stream.indirect_vreg.scatter [tilespmem:s2], [sflag:$0x1], $0x80, v3, vm0, $0xb8;
	[tilespmem:$0x14100] =	vst v63  }
0x96: {  	v3 =	vld [tilespmem:$0x90];
	_ =	sdelay $0x4  }
0x97: {  	v61 =	vshll.u32 v3, $0x3  }
0x98: {  	v3 =	vand.u32 $0x7, v3;
	v4 =	vand.u32 $0xFFFFFFC0, v61  }
0x99: {  	v3 =	vor.u32 v3, v4  }
0x9a: {  	v4 =	vperm.xlane v3, v0;
	_ =	sdelay $0x1  }
0x9b: {  	v4 =	vadd.s32 v1, v4;
	_ =	sdelay $0x4  }
0x9c: {  	[hbm4b:s4+s3] =	stream.indirect_vreg.scatter [tilespmem:s10], [sflag:$0x1], $0x80, v4, vm0, $0xb8;
	[tilespmem:$0x14100] =	vst v63  }
0x9d: {  	v3 =	vperm.xlane v3, v2  }
0x9e: {  	[hbm4b:s5+s3] =	stream.indirect_vreg.scatter [tilespmem:s12], [sflag:$0x1], $0x80, v4, vm0, $0xb8;
	[tilespmem:$0x14100] =	vst v63  }
0x9f: {  	v3 =	vadd.s32 v1, v3  }
0xa0: {  	[hbm4b:s6+s3] =	stream.indirect_vreg.scatter [tilespmem:s13], [sflag:$0x1], $0x80, v4, vm0, $0xb8;
	[tilespmem:$0x14100] =	vst v63  }
0xa1: {  	_ = 	snop  }
0xa2: {  	[hbm4b:s7+s3] =	stream.indirect_vreg.scatter [tilespmem:s14], [sflag:$0x1], $0x80, v4, vm0, $0xb8;
	[tilespmem:$0x14100] =	vst v63  }
0xa3: {  	_ = 	snop  }
0xa4: {  	[hbm4b:s4+s3] =	stream.indirect_vreg.scatter [tilespmem:s15], [sflag:$0x1], $0x80, v3, vm0, $0xb8;
	[tilespmem:$0x14100] =	vst v63  }
0xa5: {  	_ = 	snop  }
0xa6: {  	[hbm4b:s5+s3] =	stream.indirect_vreg.scatter [tilespmem:s16], [sflag:$0x1], $0x80, v3, vm0, $0xb8;
	[tilespmem:$0x14100] =	vst v63  }
0xa7: {  	_ = 	snop  }
0xa8: {  	[hbm4b:s6+s3] =	stream.indirect_vreg.scatter [tilespmem:s17], [sflag:$0x1], $0x80, v3, vm0, $0xb8;
	[tilespmem:$0x14100] =	vst v63  }
0xa9: {  	_ = 	snop  }
0xaa: {  	[hbm4b:s7+s3] =	stream.indirect_vreg.scatter [tilespmem:s18], [sflag:$0x1], $0x80, v3, vm0, $0xb8;
	[tilespmem:$0x14100] =	vst v63  }
0xab: {  	v3 =	vld [tilespmem:$0xA0];
	_ =	sdelay $0x4  }
0xac: {  	v62 =	vshll.u32 v3, $0x3  }
0xad: {  	v3 =	vand.u32 $0x7, v3;
	v4 =	vand.u32 $0xFFFFFFC0, v62  }
0xae: {  	v3 =	vor.u32 v3, v4  }
0xaf: {  	v4 =	vperm.xlane v3, v0;
	_ =	sdelay $0x1  }
0xb0: {  	v4 =	vadd.s32 v1, v4;
	_ =	sdelay $0x4  }
0xb1: {  	[hbm4b:s4+s3] =	stream.indirect_vreg.scatter [tilespmem:s19], [sflag:$0x1], $0x80, v4, vm0, $0xb8;
	[tilespmem:$0x14100] =	vst v63  }
0xb2: {  	v3 =	vperm.xlane v3, v2  }
0xb3: {  	[hbm4b:s5+s3] =	stream.indirect_vreg.scatter [tilespmem:s20], [sflag:$0x1], $0x80, v4, vm0, $0xb8;
	[tilespmem:$0x14100] =	vst v63  }
0xb4: {  	v3 =	vadd.s32 v1, v3  }
0xb5: {  	[hbm4b:s6+s3] =	stream.indirect_vreg.scatter [tilespmem:s21], [sflag:$0x1], $0x80, v4, vm0, $0xb8;
	[tilespmem:$0x14100] =	vst v63  }
0xb6: {  	_ = 	snop  }
0xb7: {  	[hbm4b:s7+s3] =	stream.indirect_vreg.scatter [tilespmem:s23], [sflag:$0x1], $0x80, v4, vm0, $0xb8;
	[tilespmem:$0x14100] =	vst v63  }
0xb8: {  	_ = 	snop  }
0xb9: {  	[hbm4b:s4+s3] =	stream.indirect_vreg.scatter [tilespmem:s11], [sflag:$0x1], $0x80, v3, vm0, $0xb8;
	[tilespmem:$0x14100] =	vst v63  }
0xba: {  	_ = 	snop  }
0xbb: {  	[hbm4b:s5+s3] =	stream.indirect_vreg.scatter [tilespmem:s26], [sflag:$0x1], $0x80, v3, vm0, $0xb8;
	[tilespmem:$0x14100] =	vst v63  }
0xbc: {  	_ = 	snop  }
0xbd: {  	[hbm4b:s6+s3] =	stream.indirect_vreg.scatter [tilespmem:s28], [sflag:$0x1], $0x80, v3, vm0, $0xb8;
	[tilespmem:$0x14100] =	vst v63  }
0xbe: {  	s2 =	simm.s32 $0xB900  }
0xbf: {  	[hbm4b:s7+s3] =	stream.indirect_vreg.scatter [tilespmem:s2], [sflag:$0x1], $0x80, v3, vm0, $0xb8;
	[tilespmem:$0x14100] =	vst v63  }
0xc0: {  	v3 =	vld [tilespmem:$0xB0];
	_ =	sdelay $0x4  }
0xc1: {  	v63 =	vshll.u32 v3, $0x3  }
0xc2: {  	v3 =	vand.u32 $0x7, v3;
	v4 =	vand.u32 $0xFFFFFFC0, v63  }
0xc3: {  	v3 =	vor.u32 v3, v4  }
0xc4: {  	v4 =	vperm.xlane v3, v0;
	_ =	sdelay $0x1  }
0xc5: {  	v4 =	vadd.s32 v1, v4;
	_ =	sdelay $0x3  }
0xc6: {  	s24 =	simm.s32 $0xC100  }
0xc7: {  	[hbm4b:s4+s3] =	stream.indirect_vreg.scatter [tilespmem:s24], [sflag:$0x1], $0x80, v4, vm0, $0xb8;
	[tilespmem:$0x14100] =	vst v63  }
0xc8: {  	s2 =	simm.s32 $0xC900;
	v3 =	vperm.xlane v3, v2  }
0xc9: {  	[hbm4b:s5+s3] =	stream.indirect_vreg.scatter [tilespmem:s2], [sflag:$0x1], $0x80, v4, vm0, $0xb8;
	[tilespmem:$0x14100] =	vst v63  }
0xca: {  	v3 =	vadd.s32 v1, v3;
	s24 =	simm.s32 $0xD100  }
0xcb: {  	[hbm4b:s6+s3] =	stream.indirect_vreg.scatter [tilespmem:s24], [sflag:$0x1], $0x80, v4, vm0, $0xb8;
	[tilespmem:$0x14100] =	vst v63  }
0xcc: {  	s2 =	simm.s32 $0xD900  }
0xcd: {  	[hbm4b:s7+s3] =	stream.indirect_vreg.scatter [tilespmem:s2], [sflag:$0x1], $0x80, v4, vm0, $0xb8;
	[tilespmem:$0x14100] =	vst v63  }
0xce: {  	s24 =	simm.s32 $0xE100  }
0xcf: {  	[hbm4b:s4+s3] =	stream.indirect_vreg.scatter [tilespmem:s24], [sflag:$0x1], $0x80, v3, vm0, $0xb8;
	[tilespmem:$0x14100] =	vst v63  }
0xd0: {  	s2 =	simm.s32 $0xE900  }
0xd1: {  	[hbm4b:s5+s3] =	stream.indirect_vreg.scatter [tilespmem:s2], [sflag:$0x1], $0x80, v3, vm0, $0xb8;
	[tilespmem:$0x14100] =	vst v63  }
0xd2: {  	s24 =	simm.s32 $0xF100  }
0xd3: {  	[hbm4b:s6+s3] =	stream.indirect_vreg.scatter [tilespmem:s24], [sflag:$0x1], $0x80, v3, vm0, $0xb8;
	[tilespmem:$0x14100] =	vst v63  }
0xd4: {  	s1 =	simm.s32 $0xF900  }
0xd5: {  	[hbm4b:s7+s3] =	stream.indirect_vreg.scatter [tilespmem:s1], [sflag:$0x1], $0x80, v3, vm0, $0xb8;
	[tilespmem:$0x14100] =	vst v63  }
0xd6: {  	_ =	swait.ge [sflag:s22], $0x10000  }
0xd7: {  	[sflag:s22] =	ssyncset.done $0x0  }
0xd8: {  	[sflag:s22] =	ssyncadd.s32 $0xFFFF0000  }
0xd9: {  	s0 =	simm.s32 $0x40;
	s2 =	simm.s32 $0x10100;
	s24 =	rddreg [dreg:$0x2]  }
0xda: {  	[hbm4b:s24+s0] =	stream.indirect.scatter [tilespmem:s2], [sflag:$0x1], $0x80, s3, s0, $0xb8;
	[tilespmem:$0x14100] =	vst v63  }
0xdb: {  	_ =	swait.ge [sflag:s22], $0x2000  }
0xdc: {  	p0 =	sne.s32 s8, $0x1;
	s1 =	simm.s32 $0x80;
	[sflag:s22] =	ssyncset.done $0x0  }
.Ltmp0:
0xdd: {  	s2 =	simm.s32 $0x12100;
	[sflag:s22] =	ssyncadd.s32 $0xFFFFE000;
	(pc) =	sbr.rel @p0 .LBB2_1-.Ltmp0, $4  }
0xde: {  	[hbm4b:s24+s0] =	stream.indirect.scatter [tilespmem:s2], [sflag:$0x1], $0x80, s1, s0, $0xb8;
	[tilespmem:$0x14100] =	vst v63  }
0xdf: {  	_ =	swait.ge [sflag:s22], $0x2000  }
0xe0: {  	[sflag:s22] =	ssyncset.done $0x0  }
0xe1: {  	s8 =	sadd.s32 $0xFFFFFFFF, s8;
	[sflag:s22] =	ssyncadd.s32 $0xFFFFE000  }
0xe2: {  	_ =	sfence.sel $0x180000  }
0xe3: {  	[bflag:$0x0] =	sbarrier.arrive $0xFFFF  }
0xe4: {  	_ =	strace $0x90000047  }
0xe5: {  	s0 =	stileid.u32;
	[bflag:$0x2] =	sbarrier.arrive $0xFFFF  }
0xe6: {  	p0 =	sne.s32 s0, $0x0;
	s0 =	rddreg [dreg:$0x3]  }
0xe7: {  	s0 =	sadd.s32 @!p0 $0x100000, s0  }
0xe8: {  	[sflag:s0] =	ssyncadd.tile.s32 @!p0 $0x1;
	_ =	shalt  }
.Lfunc_end2:
_tile_overlayer_lowered:
.L_overlay_start_2:
0xe9: {  	(tag) =	ssettag $0x2  }
0xea: {  	s0 =	rddreg [dreg:$0x0];
	s2 =	stileid.u32  }
0xeb: {  	s1 =	rddreg [dreg:$0x1];
	p0 =	sne.s32 s2, $0x0  }
0xec: {  	s3 =	rddreg [dreg:$0x2];
	[bflag:$0x3] =	sbarrier.arrive $0xFFFF;
	s2 =	simm.s32 @!p0 $0x1C02  }
0xed: {  	[timem:s3], [sflag:s2] =	dma.local @!p0 [hbm:s0], s1  }
0xee: {  	s0 =	simm.s32 @!p0 $0x2  }
0xef: {  	_ =	swait.ge @!p0 [sflag:s0], s1  }
0xf0: {  	s1 =	ssub.s32 @!p0 $0x0, s1;
	[sflag:s0] =	ssyncset.done @!p0 $0x0  }
0xf1: {  	[sflag:s0] =	ssyncadd.s32 @!p0 s1  }
0xf2: {  	[bflag:$0x3] =	sbarrier.arrive $0xFFFF  }
0xf3: {  	_ =	shalt  }

// kernel: kernel.9.cloned.1.call-start
scs
__scs_entry_jumppad:
0x0: {  	(pc) =	sbr.rel $0x88, $3  }
0x1: {  	(tag) =	ssettag $0x0;
	lr =	simm.s32 $0x1  }
0x2: {  	[smem:$0x3F9C] =	sst lr;
	_ =	strace $0xD0000000  }
0x3: {  	_ = 	snop  }
0x4: {  	_ = 	snop  }
0x5: {  	_ = 	snop  }
0x6: {  	_ = 	snop  }
0x7: {  	_ = 	snop  }
__scs_overlays_trampoline_lowered:
0x8: {  	[smem:$0x3FAB] =	sst s0  }
0x9: {  	[smem:$0x3FAC] =	sst s1  }
0xa: {  	[smem:$0x3FAD] =	sst s2  }
0xb: {  	[smem:$0x3FAE] =	sst s3  }
0xc: {  	[smem:$0x3FAF] =	sst s4  }
0xd: {  	[smem:$0x3FB0] =	sst s5  }
0xe: {  	[smem:$0x3FB1] =	sst s6  }
0xf: {  	[smem:$0x3FB2] =	sst s7  }
0x10: {  	[smem:$0x3FB3] =	sst s8  }
0x11: {  	[smem:$0x3FB4] =	sst s9;
	s0 =	simm.s32 @!p0 $0x0  }
0x12: {  	s1 =	sld [smem:$0x3F9A];
	s0 =	simm.s32 @p0 $0x1  }
0x13: {  	[smem:$0x3FB5] =	sst s0;
	s0 =	simm.s32 @!p1 $0x0  }
0x14: {  	s2 =	sld [smem:$0x3F99];
	s0 =	simm.s32 @p1 $0x1  }
0x15: {  	[smem:$0x3FB6] =	sst s0;
	s0 =	simm.s32 @!p2 $0x0  }
0x16: {  	s3 =	sld [smem:$0x3FDB];
	s0 =	simm.s32 @p2 $0x1  }
0x17: {  	s4 =	simm.s32 $0x1BF5;
	[smem:$0x3FB8] =	sst s0  }
0x18: {  	s0 =	sld [smem:$0x3F9B];
	_ =	swait.ge [sflag:s4], $0x0  }
0x19: {  	s7 =	sld [smem:$0x3F9C]  }
0x1a: {  	s8 =	sadd.s32 $0xFFFFE003, lr  }
0x1b: {  	s9 =	sadd.s32 $0xFFFFFEF7, lr;
	s5 =	simm.s32 $0xFFFFFFFF;
	p2 =	slt.u32 s8, $0xFFFFF086  }
0x1c: {  	p1 =	slt.u32 s9, $0xF7A;
	s5 =	simm.s32 @!p2 $0x0  }
0x1d: {  	s5 =	simm.s32 @p1 $0x1;
	p0 =	seq.s32 s7, s2  }
0x1e: {  	s7 =	smul.u32 @!p0 $0xF7A, s2;
	p2 =	seq.s32 @!p0 s5, $0x0  }
0x1f: {  	s9 =	smul.u32 $0xF7A, s1;
	s8 =	simm.s32 @!p0 $0x1BF5;
	p2 =	por !p2, p0  }
0x20: {  	[sflag:s8] =	ssyncset.s32 @!p0 $0xFFFFF086;
	s6 =	sadd.s32 @!p0 s3, s7;
	s7 =	simm.s32 @!p0 $0x108  }
0x21: {  	s3 =	sadd.s32 s3, s9;
	s6 =	sadd.s32 @!p0 $0x88, s6;
	s7 =	simm.s32 @p2 $0x1082  }
0x22: {  	[simem:s7], [sflag:s8] =	dma.local @!p0 [hbm:s6], $0xF7A  }
0x23: {  	s9 =	sor.u32 $0xD0000000, s2;
	s6 =	simm.s32 $0x108;
	_ =	swait.ge @!p0 [sflag:s8], $0x0  }
0x24: {  	s3 =	sadd.s32 $0x88, s3;
	s6 =	simm.s32 @!p1 $0x1082;
	[sflag:s4] =	ssyncset.s32 $0xFFFFF086  }
0x25: {  	[simem:s6], [sflag:s4] =	dma.local [hbm:s3], $0xF7A  }
0x26: {  	[smem:$0x3F9C] =	sst s1;
	(tag) =	ssettag s2;
	_ =	strace s9  }
0x27: {  	s1 =	sld [smem:$0x3FAC]  }
0x28: {  	s2 =	sld [smem:$0x3FAD]  }
0x29: {  	s4 =	sld [smem:$0x3FAF]  }
0x2a: {  	p0 =	seq.s32 s5, $0x0;
	s5 =	sld [smem:$0x3FB0]  }
0x2b: {  	s6 =	sld [smem:$0x3FB1]  }
0x2c: {  	s7 =	sld [smem:$0x3FB2]  }
0x2d: {  	s3 =	simm.s32 $0x108;
	s8 =	sld [smem:$0x3FB3]  }
0x2e: {  	s3 =	simm.s32 @!p0 $0x1082;
	s9 =	sld [smem:$0x3FB4]  }
0x2f: {  	lr =	sadd.s32 s0, s3;
	s0 =	sld [smem:$0x3FAB]  }
0x30: {  	s3 =	sld [smem:$0x3FAE]  }
0x31: {  	[smem:$0x3FB7] =	sst s10  }
0x32: {  	s10 =	sld [smem:$0x3FB5];
	_ =	sdelay $0x3  }
0x33: {  	p0 =	seq.s32 s10, $0x1;
	s10 =	sld [smem:$0x3FB7];
	_ =	sdelay $0x3  }
0x34: {  	[smem:$0x3FB7] =	sst s10  }
0x35: {  	s10 =	sld [smem:$0x3FB6];
	_ =	sdelay $0x3  }
0x36: {  	p1 =	seq.s32 s10, $0x1;
	s10 =	sld [smem:$0x3FB7];
	_ =	sdelay $0x3  }
0x37: {  	[smem:$0x3FB7] =	sst s10  }
0x38: {  	s10 =	sld [smem:$0x3FB8]  }
0x39: {  	_ = 	snop;
	(pc) =	sbr.ind lr, $3  }
0x3a: {  	_ = 	snop  }
0x3b: {  	_ = 	snop  }
0x3c: {  	p2 =	seq.s32 s10, $0x1;
	s10 =	sld [smem:$0x3FB7]  }
0x3d: {  	_ =	shalt  }
0x3e: {  	_ =	shalt  }
0x3f: {  	_ =	shalt  }
0x40: {  	_ =	shalt  }
0x41: {  	_ =	shalt  }
0x42: {  	_ =	shalt  }
0x43: {  	_ =	shalt  }
0x44: {  	_ =	shalt  }
0x45: {  	_ =	shalt  }
0x46: {  	_ =	shalt  }
0x47: {  	_ =	shalt  }
0x48: {  	_ =	shalt  }
0x49: {  	_ =	shalt  }
0x4a: {  	_ =	shalt  }
0x4b: {  	_ =	shalt  }
0x4c: {  	_ =	shalt  }
0x4d: {  	_ =	shalt  }
0x4e: {  	_ =	shalt  }
0x4f: {  	_ =	shalt  }
0x50: {  	_ =	shalt  }
0x51: {  	_ =	shalt  }
0x52: {  	_ =	shalt  }
0x53: {  	_ =	shalt  }
0x54: {  	_ =	shalt  }
0x55: {  	_ =	shalt  }
0x56: {  	_ =	shalt  }
0x57: {  	_ =	shalt  }
0x58: {  	_ =	shalt  }
0x59: {  	_ =	shalt  }
0x5a: {  	_ =	shalt  }
0x5b: {  	_ =	shalt  }
0x5c: {  	_ =	shalt  }
0x5d: {  	_ =	shalt  }
0x5e: {  	_ =	shalt  }
0x5f: {  	_ =	shalt  }
0x60: {  	_ =	shalt  }
0x61: {  	_ =	shalt  }
0x62: {  	_ =	shalt  }
0x63: {  	_ =	shalt  }
0x64: {  	_ =	shalt  }
0x65: {  	_ =	shalt  }
0x66: {  	_ =	shalt  }
0x67: {  	_ =	shalt  }
0x68: {  	_ =	shalt  }
0x69: {  	_ =	shalt  }
0x6a: {  	_ =	shalt  }
0x6b: {  	_ =	shalt  }
0x6c: {  	_ =	shalt  }
0x6d: {  	_ =	shalt  }
0x6e: {  	_ =	shalt  }
0x6f: {  	_ =	shalt  }
0x70: {  	_ =	shalt  }
0x71: {  	_ =	shalt  }
0x72: {  	_ =	shalt  }
0x73: {  	_ =	shalt  }
0x74: {  	_ =	shalt  }
0x75: {  	_ =	shalt  }
0x76: {  	_ =	shalt  }
0x77: {  	_ =	shalt  }
0x78: {  	_ =	shalt  }
0x79: {  	_ =	shalt  }
0x7a: {  	_ =	shalt  }
0x7b: {  	_ =	shalt  }
0x7c: {  	_ =	shalt  }
0x7d: {  	_ =	shalt  }
0x7e: {  	_ =	shalt  }
0x7f: {  	_ =	shalt  }
0x80: {  	_ =	shalt  }
0x81: {  	_ =	shalt  }
0x82: {  	_ =	shalt  }
0x83: {  	_ =	shalt  }
0x84: {  	_ =	shalt  }
0x85: {  	_ =	shalt  }
0x86: {  	_ =	shalt  }
0x87: {  	_ =	shalt  }
.Lfunc_end0:
.L_simem_size_0:
called_computation.1_lowered:
.L_overlay_start_0:
0x88: {  	s2 =	sld [smem:$0x3FD9]  }
0x89: {  	s3 =	sld [smem:$0x3FFE];
	_ =	sdelay $0x1  }
0x8a: {  	s1 =	srdreg.scid  }
0x8b: {  	s0 =	sand.u32 $0x1, s1  }
0x8c: {  	s14 =	sshll.u32 s0, $0xA;
	s2 =	sadd.s32 s3, s2  }
0x8d: {  	s2 =	sadd.s32 s2, s14  }
0x8e: {  	[smem:$0x3FC3] =	sst s2  }
0x8f: {  	_ = 	snop  }
0x90: {  	s2 =	sld [smem:$0x3FD0];
	_ =	sdelay $0x2  }
0x91: {  	s15 =	simm.s32 $0xA;
	s4 =	simm.s32 $0x10  }
0x92: {  	[smem:s4], [sflag:s15] =	dma.local [hbm:s2], $0x1  }
0x93: {  	_ =	swait.eq [sflag:s15], $0x1  }
0x94: {  	[sflag:s15] =	ssyncset.done $0x0  }
0x95: {  	[sflag:s15] =	ssyncadd.s32 $0xFFFFFFFF  }
0x96: {  	s16 =	sld [smem:$0x10];
	(tm) =	ssettm $0x1  }
0x97: {  	s17 =	sld [smem:$0x3FFB];
	_ =	sdelay $0x3  }
0x98: {  	_ =	strace s17  }
0x99: {  	s3 =	sld [smem:$0x3FFC];
	_ =	sdelay $0x3  }
0x9a: {  	_ =	strace s3  }
0x9b: {  	s3 =	sld [smem:$0x3FFD];
	_ =	sdelay $0x3  }
0x9c: {  	_ =	strace s3  }
0x9d: {  	_ =	strace $0x8FFFFFFF  }
0x9e: {  	s18 =	sld [smem:$0x3FDB];
	_ =	sdelay $0x1  }
0x9f: {  	s19 =	simm.s32 $_scs_section_size  }
0xa0: {  	s5 =	simm.s32 $_size__tile_overlayer_lowered;
	s6 =	simm.s32 $_tile_overlayer_lowered  }
0xa1: {  	s22 =	simm.s32 $0x1BFF;
	s21 =	sshll.u32 s6, $0x1;
	s3 =	sadd.s32 s19, s18  }
0xa2: {  	s7 =	simm.s32 $0x0;
	s20 =	sshll.u32 s5, $0x1;
	s5 =	sadd.s32 s21, s3  }
0xa3: {  	[timem:s7], [sflag:s22] =	dma.local [hbm:s5], s20  }
0xa4: {  	_ =	swait.ge [sflag:s22], s20  }
0xa5: {  	s4 =	ssub.s32 $0x0, s20;
	[sflag:s22] =	ssyncset.done $0x0  }
0xa6: {  	[sflag:s22] =	ssyncadd.s32 s4;
	_ =	sdelay $0x1  }
0xa7: {  	s23 =	simm.s32 $0x1B8B  }
0xa8: {  	_ =	swait.ge [sflag:s23], $0x1  }
0xa9: {  	[sflag:s23] =	ssyncset.done $0x0  }
0xaa: {  	s25 =	simm.s32 $0x1B8E;
	s24 =	sld [smem:$0x3FFE];
	[sflag:s23] =	ssyncadd.s32 $0xFFFFFFFF  }
0xab: {  	s26 =	simm.s32 $execute0_lowered;
	[smem:$0x3FD2] =	sst s25  }
0xac: {  	s5 =	sshll.u32 s26, $0x1;
	_ =	strace $0x80000049;
	[dreg:$0x1] =	wrdreg $0xFFFFFFFF  }
0xad: {  	s28 =	simm.s32 $_size_execute0_lowered;
	s3 =	sadd.s32 s3, s5;
	[dreg:$0x0] =	wrdreg $0x0  }
0xae: {  	s5 =	sshll.u32 s28, $0x1;
	[dreg:$0x2] =	wrdreg s3  }
0xaf: {  	[dreg:$0x3] =	wrdreg s5  }
0xb0: {  	[dreg:$0x4] =	wrdreg $0xC0  }
0xb1: {  	_ =	task [dreg:s7], $0x5FFFF  }
0xb2: {  	[dreg:$0x1] =	wrdreg $0xFFFFFFFF  }
0xb3: {  	[dreg:$0x0] =	wrdreg $0x60  }
0xb4: {  	[dreg:$0x2] =	wrdreg s24  }
0xb5: {  	[dreg:$0x3] =	wrdreg s16  }
0xb6: {  	[dreg:$0x4] =	wrdreg $0x9  }
0xb7: {  	_ =	task.clear_ibuf [dreg:s7], $0x5FFFF;
	_ =	strace $0x90000049  }
0xb8: {  	s29 =	simm.s32 $0x9;
	_ =	strace $0x8000004B  }
0xb9: {  	_ =	swait.ge [sflag:s29], $0x1  }
0xba: {  	[sflag:s29] =	ssyncadd.s32 $0xFFFFFFFF  }
0xbb: {  	_ =	strace $0x9000004B  }
0xbc: {  	_ =	sfence  }
0xbd: {  	s30 =	sld [smem:$0x0];
	_ =	sdelay $0x2  }
0xbe: {  	s31 =	sshll.u32 s1, $0xD;
	s1 =	sshrl.u32 s1, $0x2  }
0xbf: {  	s3 =	sand.u32 $0x4000, s31;
	s1 =	sadd.s32 s1, s30  }
0xc0: {  	s0 =	sor.u32 s3, s0;
	s1 =	sshll.u32 s1, $0x11  }
0xc1: {  	s0 =	sor.u32 s1, s0  }
0xc2: {  	s0 =	sadd.s32 $0x8F2B, s0  }
0xc3: {  	[sflag:s0] =	ssyncadd.remote.s32 $0x1  }
0xc4: {  	_ =	sfence.sel $0xFFFF  }
0xc5: {  	[dreg:$0x0] =	wrdreg $0xFFFFFFFF;
	(pc) =	sbr.abs _section_cstart, $3  }
0xc6: {  	[dreg:$0x1] =	wrdreg $0xFFFFFFFF  }
0xc7: {  	_ =	task.clear_ibuf [dreg:s7], $0x2FFFF;
	_ =	strace $0x9FFFFFFF  }
0xc8: {  	(tm) =	ssettm $0x7FFFFFFF  }
0xc9: {  	_ =	shalt  }
tec
execute0_lowered:
.L_overlay_start_1:
0x0: {  	(tag) =	ssettag $0x1  }
0x1: {  	s0 =	rddreg [dreg:$0x0]  }
0x2: {  	s1 =	rddreg [dreg:$0x1];
	s2 =	simm.s32 $0x0;
	s3 =	srdreg.scid  }
0x3: {  	s5 =	stileid.u32;
	s14 =	simm.s32 $0x2;
	s16 =	simm.s32 $0x100  }
0x4: {  	s15 =	simm.s32 $0x9100;
	s17 =	simm.s32 $0x9900;
	s18 =	simm.s32 $0xA100  }
0x5: {  	s19 =	simm.s32 $0xA900;
	s20 =	simm.s32 $0xB100;
	s21 =	simm.s32 $0xC100  }
0x6: {  	s22 =	simm.s32 $0xD100;
	s12 =	simm.s32 $0xF100;
	s13 =	simm.s32 $0x0  }
0x7: {  	[smem:$0x7FF] =	sst s2;
	s4 =	sand.u32 $0x1, s3;
	s3 =	sadd.s32 $0xD0800, s0  }
0x8: {  	s5 =	sshll.u32 s5, $0x7;
	s9 =	sadd.s32 $0x8200, s0;
	s10 =	sadd.s32 $0x8000, s0  }
0x9: {  	s8 =	sadd.s32 $0xD0B00, s0;
	s6 =	sshll.u32 s4, $0x6;
	s4 =	ssub.s32 $0x2, s4  }
0xa: {  	_ =	strace $0x8000004A;
	s5 =	sor.u32 s6, s5;
	s23 =	sshrl.u32 s4, $0x1  }
0xb: {  	s6 =	sadd.s32 $0xD0900, s0;
	s7 =	sshrl.u32 s5, $0x3;
	s4 =	ssub.s32 s4, s23  }
0xc: {  	s11 =	sor.u32 $0x20, s5;
	s26 =	sshll.u32 s5, $0x7;
	s23 =	simm.s32 $0xD900  }
0xd: {  	s24 =	sadd.s32 s9, s7;
	s25 =	sadd.s32 s10, s7;
	s7 =	sadd.s32 $0xD0A00, s0  }
0xe: {  	s28 =	sshrl.u32 s11, $0x3;
	s0 =	sadd.s32 s1, s26;
	[dreg:$0x3] =	wrdreg s24  }
0xf: {  	s30 =	sshll.u32 s11, $0x7;
	s31 =	smax.u32 s4, $0x1;
	[dreg:$0x4] =	wrdreg s25  }
0x10: {  	s11 =	simm.s32 $0xE100;
	[dreg:$0x5] =	wrdreg s0;
	s29 =	sadd.s32 s9, s28  }
0x11: {  	s5 =	sadd.s32 s10, s28;
	s0 =	sadd.s32 s1, s30;
	[dreg:$0x9] =	wrdreg s31  }
0x12: {  	v2 =	vlaneseq.u32;
	s1 =	simm.s32 $0x1;
	s9 =	simm.s32 $0xB900;
	[dreg:$0x6] =	wrdreg s29  }
0x13: {  	vm0 =	vmmov $0xffff;
	v1 =	vshrl.u32 v2, $0x3;
	s10 =	simm.s32 $0xC900;
	s24 =	simm.s32 $0xE900;
	[dreg:$0x7] =	wrdreg s5  }
0x14: {  	v0 =	vand.u32 $0x7, v2;
	v2 =	vor.u32 $0x8, v2;
	v1 =	vmul.u32 $0x8, v1;
	s25 =	simm.s32 $0xF900;
	[dreg:$0x8] =	wrdreg s0;
	s5 =	simm.s32 $0x8900  }
.LBB2_1:
0x15: {  	s0 =	rddreg [dreg:$0x3]  }
0x16: {  	[tilespmem:s2], [sflag:$0x2] =	stream.linear.gather [hbm4b:s0+s2], $0x20, $0x38;
	[tilespmem:$0x10100] =	vst v63  }
0x17: {  	_ =	swait.ge [sflag:s14], $0x20  }
0x18: {  	[sflag:s14] =	ssyncset.done $0x0  }
0x19: {  	s4 =	simm.s32 $0x80;
	s26 =	rddreg [dreg:$0x4];
	[sflag:s14] =	ssyncadd.s32 $0xFFFFFFE0  }
0x1a: {  	[tilespmem:s4], [sflag:$0x2] =	stream.linear.gather [hbm4b:s26+s2], $0x20, $0x38;
	[tilespmem:$0x10100] =	vst v63  }
0x1b: {  	_ =	swait.ge [sflag:s14], $0x20  }
0x1c: {  	[sflag:s14] =	ssyncset.done $0x0  }
0x1d: {  	[sflag:s14] =	ssyncadd.s32 $0xFFFFFFE0  }
0x1e: {  	v3 =	vld [tilespmem:$0x0];
	_ =	sdelay $0x4  }
0x1f: {  	v4 =	vshll.u32 v3, $0x3  }
0x20: {  	v3 =	vand.u32 $0x7, v3;
	v4 =	vand.u32 $0xFFFFFFC0, v4  }
0x21: {  	v3 =	vor.u32 v3, v4  }
0x22: {  	v4 =	vperm.xlane v3, v0;
	_ =	sdelay $0x1  }
0x23: {  	v4 =	vadd.s32 v1, v4;
	_ =	sdelay $0x4  }
0x24: {  	[tilespmem:s16], [sflag:$0x1] =	stream.indirect_vreg.gather [hbm4b:s3+s2], $0x80, v4, vm0, $0xb8;
	[tilespmem:$0x10100] =	vst v63  }
0x25: {  	s31 =	simm.s32 $0x900;
	v3 =	vperm.xlane v3, v2  }
0x26: {  	[tilespmem:s31], [sflag:$0x1] =	stream.indirect_vreg.gather [hbm4b:s6+s2], $0x80, v4, vm0, $0xb8;
	[tilespmem:$0x10100] =	vst v63  }
0x27: {  	s4 =	simm.s32 $0x1100;
	v3 =	vadd.s32 v1, v3  }
0x28: {  	[tilespmem:s4], [sflag:$0x1] =	stream.indirect_vreg.gather [hbm4b:s7+s2], $0x80, v4, vm0, $0xb8;
	[tilespmem:$0x10100] =	vst v63  }
0x29: {  	s26 =	simm.s32 $0x1900  }
0x2a: {  	[tilespmem:s26], [sflag:$0x1] =	stream.indirect_vreg.gather [hbm4b:s8+s2], $0x80, v4, vm0, $0xb8;
	[tilespmem:$0x10100] =	vst v63  }
0x2b: {  	s31 =	simm.s32 $0x2100  }
0x2c: {  	[tilespmem:s31], [sflag:$0x1] =	stream.indirect_vreg.gather [hbm4b:s3+s2], $0x80, v3, vm0, $0xb8;
	[tilespmem:$0x10100] =	vst v63  }
0x2d: {  	s4 =	simm.s32 $0x2900  }
0x2e: {  	[tilespmem:s4], [sflag:$0x1] =	stream.indirect_vreg.gather [hbm4b:s6+s2], $0x80, v3, vm0, $0xb8;
	[tilespmem:$0x10100] =	vst v63  }
0x2f: {  	s26 =	simm.s32 $0x3100  }
0x30: {  	[tilespmem:s26], [sflag:$0x1] =	stream.indirect_vreg.gather [hbm4b:s7+s2], $0x80, v3, vm0, $0xb8;
	[tilespmem:$0x10100] =	vst v63  }
0x31: {  	s31 =	simm.s32 $0x3900  }
0x32: {  	[tilespmem:s31], [sflag:$0x1] =	stream.indirect_vreg.gather [hbm4b:s8+s2], $0x80, v3, vm0, $0xb8;
	[tilespmem:$0x10100] =	vst v63  }
0x33: {  	v3 =	vld [tilespmem:$0x10];
	_ =	sdelay $0x4  }
0x34: {  	v61 =	vshll.u32 v3, $0x3  }
0x35: {  	v3 =	vand.u32 $0x7, v3;
	v4 =	vand.u32 $0xFFFFFFC0, v61  }
0x36: {  	v3 =	vor.u32 v3, v4  }
0x37: {  	v4 =	vperm.xlane v3, v0;
	_ =	sdelay $0x1  }
0x38: {  	v4 =	vadd.s32 v1, v4;
	_ =	sdelay $0x3  }
0x39: {  	s4 =	simm.s32 $0x4100  }
0x3a: {  	[tilespmem:s4], [sflag:$0x1] =	stream.indirect_vreg.gather [hbm4b:s3+s2], $0x80, v4, vm0, $0xb8;
	[tilespmem:$0x10100] =	vst v63  }
0x3b: {  	s26 =	simm.s32 $0x4900;
	v3 =	vperm.xlane v3, v2  }
0x3c: {  	[tilespmem:s26], [sflag:$0x1] =	stream.indirect_vreg.gather [hbm4b:s6+s2], $0x80, v4, vm0, $0xb8;
	[tilespmem:$0x10100] =	vst v63  }
0x3d: {  	s31 =	simm.s32 $0x5100;
	v3 =	vadd.s32 v1, v3  }
0x3e: {  	[tilespmem:s31], [sflag:$0x1] =	stream.indirect_vreg.gather [hbm4b:s7+s2], $0x80, v4, vm0, $0xb8;
	[tilespmem:$0x10100] =	vst v63  }
0x3f: {  	s4 =	simm.s32 $0x5900  }
0x40: {  	[tilespmem:s4], [sflag:$0x1] =	stream.indirect_vreg.gather [hbm4b:s8+s2], $0x80, v4, vm0, $0xb8;
	[tilespmem:$0x10100] =	vst v63  }
0x41: {  	s26 =	simm.s32 $0x6100  }
0x42: {  	[tilespmem:s26], [sflag:$0x1] =	stream.indirect_vreg.gather [hbm4b:s3+s2], $0x80, v3, vm0, $0xb8;
	[tilespmem:$0x10100] =	vst v63  }
0x43: {  	s31 =	simm.s32 $0x6900  }
0x44: {  	[tilespmem:s31], [sflag:$0x1] =	stream.indirect_vreg.gather [hbm4b:s6+s2], $0x80, v3, vm0, $0xb8;
	[tilespmem:$0x10100] =	vst v63  }
0x45: {  	s4 =	simm.s32 $0x7100  }
0x46: {  	[tilespmem:s4], [sflag:$0x1] =	stream.indirect_vreg.gather [hbm4b:s7+s2], $0x80, v3, vm0, $0xb8;
	[tilespmem:$0x10100] =	vst v63  }
0x47: {  	s26 =	simm.s32 $0x7900  }
0x48: {  	[tilespmem:s26], [sflag:$0x1] =	stream.indirect_vreg.gather [hbm4b:s8+s2], $0x80, v3, vm0, $0xb8;
	[tilespmem:$0x10100] =	vst v63  }
0x49: {  	_ =	swait.ge [sflag:s1], $0x8000  }
0x4a: {  	[sflag:s1] =	ssyncset.done $0x0  }
0x4b: {  	[sflag:s1] =	ssyncadd.s32 $0xFFFF8000  }
0x4c: {  	v3 =	vld [tilespmem:$0x80];
	_ =	sdelay $0x4  }
0x4d: {  	v62 =	vshll.u32 v3, $0x3  }
0x4e: {  	v3 =	vand.u32 $0x7, v3;
	v4 =	vand.u32 $0xFFFFFFC0, v62  }
0x4f: {  	v3 =	vor.u32 v3, v4  }
0x50: {  	v4 =	vperm.xlane v3, v0;
	_ =	sdelay $0x1  }
0x51: {  	v4 =	vadd.s32 v1, v4;
	_ =	sdelay $0x3  }
0x52: {  	s31 =	simm.s32 $0x8100  }
0x53: {  	[tilespmem:s31], [sflag:$0x1] =	stream.indirect_vreg.gather [hbm4b:s3+s2], $0x80, v4, vm0, $0xb8;
	[tilespmem:$0x10100] =	vst v63  }
0x54: {  	v3 =	vperm.xlane v3, v2  }
0x55: {  	[tilespmem:s5], [sflag:$0x1] =	stream.indirect_vreg.gather [hbm4b:s6+s2], $0x80, v4, vm0, $0xb8;
	[tilespmem:$0x10100] =	vst v63  }
0x56: {  	v3 =	vadd.s32 v1, v3  }
0x57: {  	[tilespmem:s15], [sflag:$0x1] =	stream.indirect_vreg.gather [hbm4b:s7+s2], $0x80, v4, vm0, $0xb8;
	[tilespmem:$0x10100] =	vst v63  }
0x58: {  	_ = 	snop  }
0x59: {  	[tilespmem:s17], [sflag:$0x1] =	stream.indirect_vreg.gather [hbm4b:s8+s2], $0x80, v4, vm0, $0xb8;
	[tilespmem:$0x10100] =	vst v63  }
0x5a: {  	_ = 	snop  }
0x5b: {  	[tilespmem:s18], [sflag:$0x1] =	stream.indirect_vreg.gather [hbm4b:s3+s2], $0x80, v3, vm0, $0xb8;
	[tilespmem:$0x10100] =	vst v63  }
0x5c: {  	_ = 	snop  }
0x5d: {  	[tilespmem:s19], [sflag:$0x1] =	stream.indirect_vreg.gather [hbm4b:s6+s2], $0x80, v3, vm0, $0xb8;
	[tilespmem:$0x10100] =	vst v63  }
0x5e: {  	_ = 	snop  }
0x5f: {  	[tilespmem:s20], [sflag:$0x1] =	stream.indirect_vreg.gather [hbm4b:s7+s2], $0x80, v3, vm0, $0xb8;
	[tilespmem:$0x10100] =	vst v63  }
0x60: {  	_ = 	snop  }
0x61: {  	[tilespmem:s9], [sflag:$0x1] =	stream.indirect_vreg.gather [hbm4b:s8+s2], $0x80, v3, vm0, $0xb8;
	[tilespmem:$0x10100] =	vst v63  }
0x62: {  	v3 =	vld [tilespmem:$0x90];
	_ =	sdelay $0x4  }
0x63: {  	v63 =	vshll.u32 v3, $0x3  }
0x64: {  	v3 =	vand.u32 $0x7, v3;
	v4 =	vand.u32 $0xFFFFFFC0, v63  }
0x65: {  	v3 =	vor.u32 v3, v4  }
0x66: {  	v4 =	vperm.xlane v3, v0;
	_ =	sdelay $0x1  }
0x67: {  	v4 =	vadd.s32 v1, v4;
	_ =	sdelay $0x4  }
0x68: {  	[tilespmem:s21], [sflag:$0x1] =	stream.indirect_vreg.gather [hbm4b:s3+s2], $0x80, v4, vm0, $0xb8;
	[tilespmem:$0x10100] =	vst v63  }
0x69: {  	v3 =	vperm.xlane v3, v2  }
0x6a: {  	[tilespmem:s10], [sflag:$0x1] =	stream.indirect_vreg.gather [hbm4b:s6+s2], $0x80, v4, vm0, $0xb8;
	[tilespmem:$0x10100] =	vst v63  }
0x6b: {  	v3 =	vadd.s32 v1, v3  }
0x6c: {  	[tilespmem:s22], [sflag:$0x1] =	stream.indirect_vreg.gather [hbm4b:s7+s2], $0x80, v4, vm0, $0xb8;
	[tilespmem:$0x10100] =	vst v63  }
0x6d: {  	_ = 	snop  }
0x6e: {  	[tilespmem:s23], [sflag:$0x1] =	stream.indirect_vreg.gather [hbm4b:s8+s2], $0x80, v4, vm0, $0xb8;
	[tilespmem:$0x10100] =	vst v63  }
0x6f: {  	_ = 	snop  }
0x70: {  	[tilespmem:s11], [sflag:$0x1] =	stream.indirect_vreg.gather [hbm4b:s3+s2], $0x80, v3, vm0, $0xb8;
	[tilespmem:$0x10100] =	vst v63  }
0x71: {  	_ = 	snop  }
0x72: {  	[tilespmem:s24], [sflag:$0x1] =	stream.indirect_vreg.gather [hbm4b:s6+s2], $0x80, v3, vm0, $0xb8;
	[tilespmem:$0x10100] =	vst v63  }
0x73: {  	_ = 	snop  }
0x74: {  	[tilespmem:s12], [sflag:$0x1] =	stream.indirect_vreg.gather [hbm4b:s7+s2], $0x80, v3, vm0, $0xb8;
	[tilespmem:$0x10100] =	vst v63  }
0x75: {  	_ = 	snop  }
0x76: {  	[tilespmem:s25], [sflag:$0x1] =	stream.indirect_vreg.gather [hbm4b:s8+s2], $0x80, v3, vm0, $0xb8;
	[tilespmem:$0x10100] =	vst v63  }
0x77: {  	_ =	swait.ge [sflag:s1], $0x8000  }
0x78: {  	s28 =	simm.s32 $0x0;
	s29 =	simm.s32 $0x0;
	[sflag:s1] =	ssyncset.done $0x0  }
0x79: {  	s30 =	simm.s32 $0x0;
	s26 =	simm.s32 $0xFFFF8000;
	[sflag:s1] =	ssyncadd.s32 $0xFFFF8000  }
.LBB2_2:
0x7a: {  	s31 =	sadd.s32 $0x8000, s26  }
0x7b: {  	s0 =	sand.u32 $0x380, s30;
	s31 =	sand.u32 $0x6000, s31  }
0x7c: {  	s31 =	sor.u32 s0, s31  }
0x7d: {  	v3 =	vld [tilespmem:s31+$0x100]  }
0x7e: {  	v4 =	vld [tilespmem:s31+$0x8100]  }
0x7f: {  	v5 =	vld [tilespmem:s31+$0x110]  }
0x80: {  	v6 =	vld [tilespmem:s31+$0x8110]  }
0x81: {  	v7 =	vld [tilespmem:s31+$0x120]  }
0x82: {  	v8 =	vld [tilespmem:s31+$0x8120]  }
0x83: {  	v9 =	vld [tilespmem:s31+$0x130]  }
0x84: {  	v10 =	vld [tilespmem:s31+$0x8130]  }
0x85: {  	v11 =	vld [tilespmem:s31+$0x140]  }
0x86: {  	v12 =	vld [tilespmem:s31+$0x8140]  }
0x87: {  	v13 =	vld [tilespmem:s31+$0x150]  }
0x88: {  	v14 =	vld [tilespmem:s31+$0x8150]  }
0x89: {  	v15 =	vld [tilespmem:s31+$0x160]  }
0x8a: {  	v16 =	vld [tilespmem:s31+$0x8160]  }
0x8b: {  	v17 =	vld [tilespmem:s31+$0x170]  }
0x8c: {  	v18 =	vld [tilespmem:s31+$0x8170]  }
0x8d: {  	v19 =	vld [tilespmem:s31+$0x500]  }
0x8e: {  	v20 =	vld [tilespmem:s31+$0x8500]  }
0x8f: {  	v21 =	vld [tilespmem:s31+$0x510]  }
0x90: {  	v22 =	vld [tilespmem:s31+$0x8510]  }
0x91: {  	v23 =	vld [tilespmem:s31+$0x520]  }
0x92: {  	v24 =	vld [tilespmem:s31+$0x8520]  }
0x93: {  	v25 =	vld [tilespmem:s31+$0x530]  }
0x94: {  	v26 =	vld [tilespmem:s31+$0x8530]  }
0x95: {  	v27 =	vld [tilespmem:s31+$0x540]  }
0x96: {  	v28 =	vld [tilespmem:s31+$0x8540]  }
0x97: {  	v29 =	vld [tilespmem:s31+$0x550]  }
0x98: {  	v30 =	vld [tilespmem:s31+$0x8550]  }
0x99: {  	v31 =	vld [tilespmem:s31+$0x560]  }
0x9a: {  	v32 =	vld [tilespmem:s31+$0x8560]  }
0x9b: {  	v33 =	vld [tilespmem:s31+$0x570]  }
0x9c: {  	v34 =	vld [tilespmem:s31+$0x8570]  }
0x9d: {  	v35 =	vld [tilespmem:s31+$0x900]  }
0x9e: {  	v36 =	vld [tilespmem:s31+$0x8900]  }
0x9f: {  	v37 =	vld [tilespmem:s31+$0x910]  }
0xa0: {  	v38 =	vld [tilespmem:s31+$0x8910]  }
0xa1: {  	v39 =	vld [tilespmem:s31+$0x920]  }
0xa2: {  	v40 =	vld [tilespmem:s31+$0x8920]  }
0xa3: {  	v41 =	vld [tilespmem:s31+$0x930]  }
0xa4: {  	v42 =	vld [tilespmem:s31+$0x8930]  }
0xa5: {  	v43 =	vld [tilespmem:s31+$0x940]  }
0xa6: {  	v44 =	vld [tilespmem:s31+$0x8940]  }
0xa7: {  	v45 =	vld [tilespmem:s31+$0x950]  }
0xa8: {  	v46 =	vld [tilespmem:s31+$0x8950]  }
0xa9: {  	v47 =	vld [tilespmem:s31+$0x960]  }
0xaa: {  	v48 =	vld [tilespmem:s31+$0x8960]  }
0xab: {  	v49 =	vld [tilespmem:s31+$0x970]  }
0xac: {  	v50 =	vld [tilespmem:s31+$0x8970]  }
0xad: {  	v51 =	vld [tilespmem:s31+$0xD00]  }
0xae: {  	v52 =	vld [tilespmem:s31+$0x8D00]  }
0xaf: {  	v53 =	vld [tilespmem:s31+$0xD10]  }
0xb0: {  	v54 =	vld [tilespmem:s31+$0x8D10]  }
0xb1: {  	v55 =	vld [tilespmem:s31+$0xD20]  }
0xb2: {  	v56 =	vld [tilespmem:s31+$0x8D20]  }
0xb3: {  	v57 =	vld [tilespmem:s31+$0xD30]  }
0xb4: {  	v58 =	vld [tilespmem:s31+$0x8D30]  }
0xb5: {  	v59 =	vld [tilespmem:s31+$0xD40]  }
0xb6: {  	v60 =	vld [tilespmem:s31+$0x8D40]  }
0xb7: {  	v61 =	vld [tilespmem:s31+$0xD50]  }
0xb8: {  	v62 =	vld [tilespmem:s31+$0x8D50]  }
0xb9: {  	v63 =	vld [tilespmem:s31+$0xD60]  }
0xba: {  	v3 =	vadd.f32 v4, v3;
	v4 =	vld [tilespmem:s31+$0x8D60]  }
0xbb: {  	v5 =	vadd.f32 v6, v5;
	v6 =	vld [tilespmem:s31+$0xD70]  }
0xbc: {  	v14 =	vadd.f32 v14, v13;
	v13 =	vld [tilespmem:s31+$0x9120];
	[tilespmem:s31+$0x100] =	vst v3;
	v3 =	vadd.f32 v8, v7  }
0xbd: {  	v18 =	vadd.f32 v18, v17;
	v17 =	vld [tilespmem:s31+$0x9140];
	[tilespmem:s31+$0x110] =	vst v5  }
0xbe: {  	v22 =	vadd.f32 v22, v21;
	v21 =	vld [tilespmem:s31+$0x9160];
	[tilespmem:s31+$0x120] =	vst v3;
	v3 =	vadd.f32 v12, v11  }
0xbf: {  	v7 =	vld [tilespmem:s31+$0x8D70];
	[tilespmem:s31+$0x150] =	vst v14  }
0xc0: {  	v8 =	vld [tilespmem:s31+$0x1100];
	[tilespmem:s31+$0x140] =	vst v3;
	v3 =	vadd.f32 v16, v15  }
0xc1: {  	v5 =	vadd.f32 v10, v9;
	v9 =	vld [tilespmem:s31+$0x9100];
	[tilespmem:s31+$0x170] =	vst v18  }
0xc2: {  	v10 =	vld [tilespmem:s31+$0x1110];
	[tilespmem:s31+$0x160] =	vst v3;
	v3 =	vadd.f32 v20, v19  }
0xc3: {  	v26 =	vadd.f32 v26, v25;
	v14 =	vld [tilespmem:s31+$0x1130];
	[tilespmem:s31+$0x510] =	vst v22  }
0xc4: {  	v18 =	vld [tilespmem:s31+$0x1150];
	[tilespmem:s31+$0x500] =	vst v3;
	v3 =	vadd.f32 v24, v23  }
0xc5: {  	v30 =	vadd.f32 v30, v29;
	[tilespmem:s31+$0x530] =	vst v26;
	v22 =	vld [tilespmem:s31+$0x1170]  }
0xc6: {  	v19 =	vld [tilespmem:s31+$0x9150];
	[tilespmem:s31+$0x520] =	vst v3;
	v3 =	vadd.f32 v28, v27  }
0xc7: {  	v34 =	vadd.f32 v34, v33;
	[tilespmem:s31+$0x550] =	vst v30;
	v11 =	vld [tilespmem:s31+$0x9110]  }
0xc8: {  	v12 =	vld [tilespmem:s31+$0x1120];
	[tilespmem:s31+$0x540] =	vst v3;
	v3 =	vadd.f32 v32, v31  }
0xc9: {  	[tilespmem:s31+$0x570] =	vst v34;
	v15 =	vld [tilespmem:s31+$0x9130]  }
0xca: {  	v16 =	vld [tilespmem:s31+$0x1140];
	[tilespmem:s31+$0x560] =	vst v3;
	v3 =	vadd.f32 v36, v35  }
0xcb: {  	[tilespmem:s31+$0x130] =	vst v5;
	v20 =	vld [tilespmem:s31+$0x1160];
	v19 =	vadd.f32 v19, v18  }
0xcc: {  	v24 =	vld [tilespmem:s31+$0x1500];
	[tilespmem:s31+$0x900] =	vst v3;
	v3 =	vadd.f32 v40, v39  }
0xcd: {  	[tilespmem:s31+$0x1150] =	vst v19;
	v36 =	vadd.f32 v38, v37;
	v37 =	vld [tilespmem:s31+$0x9170]  }
0xce: {  	v38 =	vadd.f32 v42, v41;
	v41 =	vld [tilespmem:s31+$0x1510];
	[tilespmem:s31+$0x920] =	vst v3;
	v3 =	vadd.f32 v44, v43  }
0xcf: {  	v42 =	vld [tilespmem:s31+$0x9510];
	[tilespmem:s31+$0x910] =	vst v36  }
0xd0: {  	v35 =	vld [tilespmem:s31+$0x1910];
	[tilespmem:s31+$0x940] =	vst v3;
	v3 =	vadd.f32 v48, v47  }
0xd1: {  	v39 =	vld [tilespmem:s31+$0x9500];
	[tilespmem:s31+$0x930] =	vst v38;
	v40 =	vadd.f32 v46, v45  }
0xd2: {  	v45 =	vld [tilespmem:s31+$0x9520];
	[tilespmem:s31+$0x960] =	vst v3;
	v3 =	vadd.f32 v52, v51  }
0xd3: {  	v46 =	vadd.f32 v54, v53;
	v53 =	vld [tilespmem:s31+$0x1550];
	[tilespmem:s31+$0x950] =	vst v40  }
0xd4: {  	v54 =	vld [tilespmem:s31+$0x9550];
	[tilespmem:s31+$0xD00] =	vst v3;
	v3 =	vadd.f32 v56, v55  }
0xd5: {  	v36 =	vld [tilespmem:s31+$0x9910];
	v43 =	vadd.f32 v50, v49;
	[tilespmem:s31+$0xD10] =	vst v46  }
0xd6: {  	v38 =	vld [tilespmem:s31+$0x1920];
	[tilespmem:s31+$0xD20] =	vst v3;
	v3 =	vadd.f32 v60, v59  }
0xd7: {  	v44 =	vld [tilespmem:s31+$0x1520];
	v49 =	vadd.f32 v58, v57;
	[tilespmem:s31+$0x970] =	vst v43  }
0xd8: {  	v50 =	vld [tilespmem:s31+$0x1540];
	[tilespmem:s31+$0xD40] =	vst v3;
	v3 =	vadd.f32 v4, v63  }
0xd9: {  	v57 =	vld [tilespmem:s31+$0x9560];
	v58 =	vadd.f32 v11, v10;
	[tilespmem:s31+$0xD30] =	vst v49  }
0xda: {  	v46 =	vld [tilespmem:s31+$0x9950];
	[tilespmem:s31+$0xD60] =	vst v3;
	v3 =	vadd.f32 v9, v8  }
0xdb: {  	v37 =	vadd.f32 v37, v22;
	v40 =	vadd.f32 v42, v41;
	v41 =	vld [tilespmem:s31+$0x1930];
	[tilespmem:s31+$0x1110] =	vst v58  }
0xdc: {  	v42 =	vld [tilespmem:s31+$0x9930];
	[tilespmem:s31+$0x1100] =	vst v3;
	v3 =	vadd.f32 v13, v12  }
0xdd: {  	v47 =	vld [tilespmem:s31+$0x1530];
	[tilespmem:s31+$0x1170] =	vst v37  }
0xde: {  	v48 =	vld [tilespmem:s31+$0x9530];
	[tilespmem:s31+$0x1120] =	vst v3;
	v3 =	vadd.f32 v17, v16  }
0xdf: {  	v49 =	vld [tilespmem:s31+$0x9960];
	[tilespmem:s31+$0x1510] =	vst v40;
	v52 =	vadd.f32 v62, v61  }
0xe0: {  	v51 =	vld [tilespmem:s31+$0x9540];
	[tilespmem:s31+$0x1140] =	vst v3;
	v3 =	vadd.f32 v21, v20  }
0xe1: {  	v61 =	vadd.f32 v15, v14;
	v62 =	vld [tilespmem:s31+$0x1900];
	[tilespmem:s31+$0xD50] =	vst v52  }
0xe2: {  	v56 =	vld [tilespmem:s31+$0x1560];
	[tilespmem:s31+$0x1160] =	vst v3;
	v3 =	vadd.f32 v39, v24  }
0xe3: {  	v55 =	vadd.f32 v7, v6;
	[tilespmem:s31+$0x1130] =	vst v61;
	v52 =	vld [tilespmem:s31+$0x9970]  }
0xe4: {  	v43 =	vadd.f32 v48, v47;
	v47 =	vld [tilespmem:s31+$0x1960];
	[tilespmem:s31+$0x1500] =	vst v3;
	v3 =	vadd.f32 v45, v44  }
0xe5: {  	[tilespmem:s31+$0xD70] =	vst v55;
	v63 =	vld [tilespmem:s31+$0x9900]  }
0xe6: {  	v59 =	vld [tilespmem:s31+$0x1570];
	[tilespmem:s31+$0x1520] =	vst v3;
	v3 =	vadd.f32 v51, v50  }
0xe7: {  	[tilespmem:s31+$0x1530] =	vst v43;
	v4 =	vadd.f32 v54, v53;
	v39 =	vld [tilespmem:s31+$0x9920]  }
0xe8: {  	v60 =	vld [tilespmem:s31+$0x9570];
	[tilespmem:s31+$0x1540] =	vst v3;
	v3 =	vadd.f32 v57, v56  }
0xe9: {  	v54 =	vadd.f32 v42, v41;
	[tilespmem:s31+$0x1550] =	vst v4;
	v45 =	vld [tilespmem:s31+$0x1950]  }
0xea: {  	v53 =	vld [tilespmem:s31+$0x9940];
	[tilespmem:s31+$0x1560] =	vst v3;
	v3 =	vadd.f32 v63, v62  }
0xeb: {  	[tilespmem:s31+$0x1930] =	vst v54;
	v55 =	vadd.f32 v49, v47;
	v50 =	vld [tilespmem:s31+$0x1970]  }
0xec: {  	v44 =	vld [tilespmem:s31+$0x1940];
	[tilespmem:s31+$0x1900] =	vst v3;
	v3 =	vadd.f32 v39, v38  }
0xed: {  	v48 =	vadd.f32 v60, v59;
	[tilespmem:s31+$0x1960] =	vst v55  }
0xee: {  	[tilespmem:s31+$0x1920] =	vst v3;
	v3 =	vadd.f32 v46, v45  }
0xef: {  	s4 =	sand.u32 $0x7, s28;
	[tilespmem:s31+$0x1570] =	vst v48;
	v51 =	vadd.f32 v36, v35  }
0xf0: {  	s0 =	sshll.u32 s4, $0x7;
	[tilespmem:s31+$0x1950] =	vst v3;
	v3 =	vadd.f32 v52, v50  }
0xf1: {  	s0 =	sadd.s32 s0, s29;
	[tilespmem:s31+$0x1910] =	vst v51;
	v56 =	vadd.f32 v53, v44  }
0xf2: {  	s4 =	sor.u32 $0x1C00, s0;
	[tilespmem:s31+$0x1970] =	vst v3  }
0xf3: {  	[tilespmem:s31+$0x1940] =	vst v56;
	v3 =	vld [tilespmem:s4+$0x100]  }
0xf4: {  	v4 =	vld [tilespmem:s4+$0x8100];
	_ =	sdelay $0x4  }
0xf5: {  	v3 =	vadd.f32 v4, v3;
	_ =	sdelay $0x1  }
0xf6: {  	s31 =	sor.u32 $0x1C10, s0;
	[tilespmem:s4+$0x100] =	vst v3  }
0xf7: {  	v3 =	vld [tilespmem:s31+$0x100]  }
0xf8: {  	v57 =	vld [tilespmem:s31+$0x8100];
	_ =	sdelay $0x4  }
0xf9: {  	v3 =	vadd.f32 v57, v3;
	_ =	sdelay $0x1  }
0xfa: {  	[tilespmem:s31+$0x100] =	vst v3;
	s31 =	sor.u32 $0x1C20, s0  }
0xfb: {  	v3 =	vld [tilespmem:s31+$0x100]  }
0xfc: {  	v58 =	vld [tilespmem:s31+$0x8100];
	_ =	sdelay $0x4  }
0xfd: {  	v3 =	vadd.f32 v58, v3;
	_ =	sdelay $0x1  }
0xfe: {  	[tilespmem:s31+$0x100] =	vst v3;
	s31 =	sor.u32 $0x1C30, s0  }
0xff: {  	v3 =	vld [tilespmem:s31+$0x100]  }
0x100: {  	v59 =	vld [tilespmem:s31+$0x8100];
	_ =	sdelay $0x4  }
0x101: {  	v3 =	vadd.f32 v59, v3;
	_ =	sdelay $0x1  }
0x102: {  	[tilespmem:s31+$0x100] =	vst v3;
	s31 =	sor.u32 $0x1C40, s0  }
0x103: {  	v3 =	vld [tilespmem:s31+$0x100]  }
0x104: {  	v60 =	vld [tilespmem:s31+$0x8100];
	_ =	sdelay $0x4  }
0x105: {  	v3 =	vadd.f32 v60, v3;
	_ =	sdelay $0x1  }
0x106: {  	[tilespmem:s31+$0x100] =	vst v3;
	s31 =	sor.u32 $0x1C50, s0  }
0x107: {  	v3 =	vld [tilespmem:s31+$0x100]  }
0x108: {  	v61 =	vld [tilespmem:s31+$0x8100];
	_ =	sdelay $0x4  }
0x109: {  	v3 =	vadd.f32 v61, v3;
	_ =	sdelay $0x1  }
0x10a: {  	[tilespmem:s31+$0x100] =	vst v3;
	s31 =	sor.u32 $0x1C60, s0  }
0x10b: {  	v3 =	vld [tilespmem:s31+$0x100]  }
0x10c: {  	v62 =	vld [tilespmem:s31+$0x8100];
	_ =	sdelay $0x4  }
0x10d: {  	v3 =	vadd.f32 v62, v3;
	_ =	sdelay $0x1  }
0x10e: {  	s0 =	sor.u32 $0x1C70, s0;
	[tilespmem:s31+$0x100] =	vst v3  }
0x10f: {  	v3 =	vld [tilespmem:s0+$0x100]  }
0x110: {  	v63 =	vld [tilespmem:s0+$0x8100];
	_ =	sdelay $0x1  }
0x111: {  	p0 =	sne.s32 s30, $0xF80  }
.Ltmp0:
0x112: {  	_ = 	snop;
	(pc) =	sbr.rel @p0 .LBB2_2-.Ltmp0, $4  }
0x113: {  	_ = 	snop  }
0x114: {  	v3 =	vadd.f32 v63, v3  }
0x115: {  	s28 =	sadd.s32 $0x1, s28  }
0x116: {  	s26 =	sadd.s32 $0x400, s26;
	s30 =	sadd.s32 $0x80, s30;
	s29 =	sadd.s32 $0x400, s29;
	[tilespmem:s0+$0x100] =	vst v3  }
0x117: {  	s26 =	simm.s32 $0x0;
	s0 =	rddreg [dreg:$0x5]  }
0x118: {  	[hbm4b:s0+s26] =	stream.linear.scatter [tilespmem:s16], [sflag:$0x2], $0x8000, $0x38;
	[tilespmem:$0x10100] =	vst v63  }
0x119: {  	_ =	swait.ge [sflag:s14], $0x8000  }
0x11a: {  	[sflag:s14] =	ssyncset.done $0x0  }
0x11b: {  	s4 =	rddreg [dreg:$0x6];
	[sflag:s14] =	ssyncadd.s32 $0xFFFF8000  }
0x11c: {  	[tilespmem:s26], [sflag:$0x2] =	stream.linear.gather [hbm4b:s4+s26], $0x20, $0x38;
	[tilespmem:$0x10100] =	vst v63  }
0x11d: {  	_ =	swait.ge [sflag:s14], $0x20  }
0x11e: {  	[sflag:s14] =	ssyncset.done $0x0  }
0x11f: {  	s4 =	simm.s32 $0x80;
	s31 =	rddreg [dreg:$0x7];
	[sflag:s14] =	ssyncadd.s32 $0xFFFFFFE0  }
0x120: {  	[tilespmem:s4], [sflag:$0x2] =	stream.linear.gather [hbm4b:s31+s26], $0x20, $0x38;
	[tilespmem:$0x10100] =	vst v63  }
0x121: {  	_ =	swait.ge [sflag:s14], $0x20  }
0x122: {  	[sflag:s14] =	ssyncset.done $0x0  }
0x123: {  	[sflag:s14] =	ssyncadd.s32 $0xFFFFFFE0  }
0x124: {  	v3 =	vld [tilespmem:$0x0];
	_ =	sdelay $0x4  }
0x125: {  	v4 =	vshll.u32 v3, $0x3  }
0x126: {  	v3 =	vand.u32 $0x7, v3;
	v4 =	vand.u32 $0xFFFFFFC0, v4  }
0x127: {  	v3 =	vor.u32 v3, v4  }
0x128: {  	v4 =	vperm.xlane v3, v0;
	_ =	sdelay $0x1  }
0x129: {  	v4 =	vadd.s32 v1, v4;
	_ =	sdelay $0x4  }
0x12a: {  	[tilespmem:s16], [sflag:$0x1] =	stream.indirect_vreg.gather [hbm4b:s3+s26], $0x80, v4, vm0, $0xb8;
	[tilespmem:$0x10100] =	vst v63  }
0x12b: {  	s4 =	simm.s32 $0x900;
	v3 =	vperm.xlane v3, v2  }
0x12c: {  	[tilespmem:s4], [sflag:$0x1] =	stream.indirect_vreg.gather [hbm4b:s6+s26], $0x80, v4, vm0, $0xb8;
	[tilespmem:$0x10100] =	vst v63  }
0x12d: {  	s31 =	simm.s32 $0x1100;
	v3 =	vadd.s32 v1, v3  }
0x12e: {  	[tilespmem:s31], [sflag:$0x1] =	stream.indirect_vreg.gather [hbm4b:s7+s26], $0x80, v4, vm0, $0xb8;
	[tilespmem:$0x10100] =	vst v63  }
0x12f: {  	s4 =	simm.s32 $0x1900  }
0x130: {  	[tilespmem:s4], [sflag:$0x1] =	stream.indirect_vreg.gather [hbm4b:s8+s26], $0x80, v4, vm0, $0xb8;
	[tilespmem:$0x10100] =	vst v63  }
0x131: {  	s31 =	simm.s32 $0x2100  }
0x132: {  	[tilespmem:s31], [sflag:$0x1] =	stream.indirect_vreg.gather [hbm4b:s3+s26], $0x80, v3, vm0, $0xb8;
	[tilespmem:$0x10100] =	vst v63  }
0x133: {  	s4 =	simm.s32 $0x2900  }
0x134: {  	[tilespmem:s4], [sflag:$0x1] =	stream.indirect_vreg.gather [hbm4b:s6+s26], $0x80, v3, vm0, $0xb8;
	[tilespmem:$0x10100] =	vst v63  }
0x135: {  	s31 =	simm.s32 $0x3100  }
0x136: {  	[tilespmem:s31], [sflag:$0x1] =	stream.indirect_vreg.gather [hbm4b:s7+s26], $0x80, v3, vm0, $0xb8;
	[tilespmem:$0x10100] =	vst v63  }
0x137: {  	s4 =	simm.s32 $0x3900  }
0x138: {  	[tilespmem:s4], [sflag:$0x1] =	stream.indirect_vreg.gather [hbm4b:s8+s26], $0x80, v3, vm0, $0xb8;
	[tilespmem:$0x10100] =	vst v63  }
0x139: {  	v3 =	vld [tilespmem:$0x10];
	_ =	sdelay $0x4  }
0x13a: {  	v61 =	vshll.u32 v3, $0x3  }
0x13b: {  	v3 =	vand.u32 $0x7, v3;
	v4 =	vand.u32 $0xFFFFFFC0, v61  }
0x13c: {  	v3 =	vor.u32 v3, v4  }
0x13d: {  	v4 =	vperm.xlane v3, v0;
	_ =	sdelay $0x1  }
0x13e: {  	v4 =	vadd.s32 v1, v4;
	_ =	sdelay $0x3  }
0x13f: {  	s31 =	simm.s32 $0x4100  }
0x140: {  	[tilespmem:s31], [sflag:$0x1] =	stream.indirect_vreg.gather [hbm4b:s3+s26], $0x80, v4, vm0, $0xb8;
	[tilespmem:$0x10100] =	vst v63  }
0x141: {  	s4 =	simm.s32 $0x4900;
	v3 =	vperm.xlane v3, v2  }
0x142: {  	[tilespmem:s4], [sflag:$0x1] =	stream.indirect_vreg.gather [hbm4b:s6+s26], $0x80, v4, vm0, $0xb8;
	[tilespmem:$0x10100] =	vst v63  }
0x143: {  	v3 =	vadd.s32 v1, v3;
	s31 =	simm.s32 $0x5100  }
0x144: {  	[tilespmem:s31], [sflag:$0x1] =	stream.indirect_vreg.gather [hbm4b:s7+s26], $0x80, v4, vm0, $0xb8;
	[tilespmem:$0x10100] =	vst v63  }
0x145: {  	s4 =	simm.s32 $0x5900  }
0x146: {  	[tilespmem:s4], [sflag:$0x1] =	stream.indirect_vreg.gather [hbm4b:s8+s26], $0x80, v4, vm0, $0xb8;
	[tilespmem:$0x10100] =	vst v63  }
0x147: {  	s31 =	simm.s32 $0x6100  }
0x148: {  	[tilespmem:s31], [sflag:$0x1] =	stream.indirect_vreg.gather [hbm4b:s3+s26], $0x80, v3, vm0, $0xb8;
	[tilespmem:$0x10100] =	vst v63  }
0x149: {  	s4 =	simm.s32 $0x6900  }
0x14a: {  	[tilespmem:s4], [sflag:$0x1] =	stream.indirect_vreg.gather [hbm4b:s6+s26], $0x80, v3, vm0, $0xb8;
	[tilespmem:$0x10100] =	vst v63  }
0x14b: {  	s31 =	simm.s32 $0x7100  }
0x14c: {  	[tilespmem:s31], [sflag:$0x1] =	stream.indirect_vreg.gather [hbm4b:s7+s26], $0x80, v3, vm0, $0xb8;
	[tilespmem:$0x10100] =	vst v63  }
0x14d: {  	s4 =	simm.s32 $0x7900  }
0x14e: {  	[tilespmem:s4], [sflag:$0x1] =	stream.indirect_vreg.gather [hbm4b:s8+s26], $0x80, v3, vm0, $0xb8;
	[tilespmem:$0x10100] =	vst v63  }
0x14f: {  	_ =	swait.ge [sflag:s1], $0x8000  }
0x150: {  	[sflag:s1] =	ssyncset.done $0x0  }
0x151: {  	[sflag:s1] =	ssyncadd.s32 $0xFFFF8000  }
0x152: {  	v3 =	vld [tilespmem:$0x80];
	_ =	sdelay $0x4  }
0x153: {  	v62 =	vshll.u32 v3, $0x3  }
0x154: {  	v3 =	vand.u32 $0x7, v3;
	v4 =	vand.u32 $0xFFFFFFC0, v62  }
0x155: {  	v3 =	vor.u32 v3, v4  }
0x156: {  	v4 =	vperm.xlane v3, v0;
	_ =	sdelay $0x1  }
0x157: {  	v4 =	vadd.s32 v1, v4;
	_ =	sdelay $0x3  }
0x158: {  	s31 =	simm.s32 $0x8100  }
0x159: {  	[tilespmem:s31], [sflag:$0x1] =	stream.indirect_vreg.gather [hbm4b:s3+s26], $0x80, v4, vm0, $0xb8;
	[tilespmem:$0x10100] =	vst v63  }
0x15a: {  	v3 =	vperm.xlane v3, v2  }
0x15b: {  	[tilespmem:s5], [sflag:$0x1] =	stream.indirect_vreg.gather [hbm4b:s6+s26], $0x80, v4, vm0, $0xb8;
	[tilespmem:$0x10100] =	vst v63  }
0x15c: {  	v3 =	vadd.s32 v1, v3  }
0x15d: {  	[tilespmem:s15], [sflag:$0x1] =	stream.indirect_vreg.gather [hbm4b:s7+s26], $0x80, v4, vm0, $0xb8;
	[tilespmem:$0x10100] =	vst v63  }
0x15e: {  	_ = 	snop  }
0x15f: {  	[tilespmem:s17], [sflag:$0x1] =	stream.indirect_vreg.gather [hbm4b:s8+s26], $0x80, v4, vm0, $0xb8;
	[tilespmem:$0x10100] =	vst v63  }
0x160: {  	_ = 	snop  }
0x161: {  	[tilespmem:s18], [sflag:$0x1] =	stream.indirect_vreg.gather [hbm4b:s3+s26], $0x80, v3, vm0, $0xb8;
	[tilespmem:$0x10100] =	vst v63  }
0x162: {  	_ = 	snop  }
0x163: {  	[tilespmem:s19], [sflag:$0x1] =	stream.indirect_vreg.gather [hbm4b:s6+s26], $0x80, v3, vm0, $0xb8;
	[tilespmem:$0x10100] =	vst v63  }
0x164: {  	_ = 	snop  }
0x165: {  	[tilespmem:s20], [sflag:$0x1] =	stream.indirect_vreg.gather [hbm4b:s7+s26], $0x80, v3, vm0, $0xb8;
	[tilespmem:$0x10100] =	vst v63  }
0x166: {  	_ = 	snop  }
0x167: {  	[tilespmem:s9], [sflag:$0x1] =	stream.indirect_vreg.gather [hbm4b:s8+s26], $0x80, v3, vm0, $0xb8;
	[tilespmem:$0x10100] =	vst v63  }
0x168: {  	v3 =	vld [tilespmem:$0x90];
	_ =	sdelay $0x4  }
0x169: {  	v63 =	vshll.u32 v3, $0x3  }
0x16a: {  	v3 =	vand.u32 $0x7, v3;
	v4 =	vand.u32 $0xFFFFFFC0, v63  }
0x16b: {  	v3 =	vor.u32 v3, v4  }
0x16c: {  	v4 =	vperm.xlane v3, v0;
	_ =	sdelay $0x1  }
0x16d: {  	v4 =	vadd.s32 v1, v4;
	_ =	sdelay $0x4  }
0x16e: {  	[tilespmem:s21], [sflag:$0x1] =	stream.indirect_vreg.gather [hbm4b:s3+s26], $0x80, v4, vm0, $0xb8;
	[tilespmem:$0x10100] =	vst v63  }
0x16f: {  	v3 =	vperm.xlane v3, v2  }
0x170: {  	[tilespmem:s10], [sflag:$0x1] =	stream.indirect_vreg.gather [hbm4b:s6+s26], $0x80, v4, vm0, $0xb8;
	[tilespmem:$0x10100] =	vst v63  }
0x171: {  	v3 =	vadd.s32 v1, v3  }
0x172: {  	[tilespmem:s22], [sflag:$0x1] =	stream.indirect_vreg.gather [hbm4b:s7+s26], $0x80, v4, vm0, $0xb8;
	[tilespmem:$0x10100] =	vst v63  }
0x173: {  	_ = 	snop  }
0x174: {  	[tilespmem:s23], [sflag:$0x1] =	stream.indirect_vreg.gather [hbm4b:s8+s26], $0x80, v4, vm0, $0xb8;
	[tilespmem:$0x10100] =	vst v63  }
0x175: {  	_ = 	snop  }
0x176: {  	[tilespmem:s11], [sflag:$0x1] =	stream.indirect_vreg.gather [hbm4b:s3+s26], $0x80, v3, vm0, $0xb8;
	[tilespmem:$0x10100] =	vst v63  }
0x177: {  	_ = 	snop  }
0x178: {  	[tilespmem:s24], [sflag:$0x1] =	stream.indirect_vreg.gather [hbm4b:s6+s26], $0x80, v3, vm0, $0xb8;
	[tilespmem:$0x10100] =	vst v63  }
0x179: {  	_ = 	snop  }
0x17a: {  	[tilespmem:s12], [sflag:$0x1] =	stream.indirect_vreg.gather [hbm4b:s7+s26], $0x80, v3, vm0, $0xb8;
	[tilespmem:$0x10100] =	vst v63  }
0x17b: {  	_ = 	snop  }
0x17c: {  	[tilespmem:s25], [sflag:$0x1] =	stream.indirect_vreg.gather [hbm4b:s8+s26], $0x80, v3, vm0, $0xb8;
	[tilespmem:$0x10100] =	vst v63  }
0x17d: {  	_ =	swait.ge [sflag:s1], $0x8000  }
0x17e: {  	s28 =	simm.s32 $0xFFFF8000;
	[sflag:s1] =	ssyncset.done $0x0  }
0x17f: {  	s29 =	simm.s32 $0x0;
	s30 =	simm.s32 $0x0;
	[sflag:s1] =	ssyncadd.s32 $0xFFFF8000  }
.LBB2_4:
0x180: {  	s0 =	sadd.s32 $0x8000, s28  }
0x181: {  	s4 =	sand.u32 $0x380, s30;
	s0 =	sand.u32 $0x6000, s0  }
0x182: {  	s31 =	sor.u32 s4, s0  }
0x183: {  	v3 =	vld [tilespmem:s31+$0x100]  }
0x184: {  	v4 =	vld [tilespmem:s31+$0x8100]  }
0x185: {  	v5 =	vld [tilespmem:s31+$0x110]  }
0x186: {  	v6 =	vld [tilespmem:s31+$0x8110]  }
0x187: {  	v7 =	vld [tilespmem:s31+$0x120]  }
0x188: {  	v8 =	vld [tilespmem:s31+$0x8120]  }
0x189: {  	v9 =	vld [tilespmem:s31+$0x130]  }
0x18a: {  	v10 =	vld [tilespmem:s31+$0x8130]  }
0x18b: {  	v11 =	vld [tilespmem:s31+$0x140]  }
0x18c: {  	v12 =	vld [tilespmem:s31+$0x8140]  }
0x18d: {  	v13 =	vld [tilespmem:s31+$0x150]  }
0x18e: {  	v14 =	vld [tilespmem:s31+$0x8150]  }
0x18f: {  	v15 =	vld [tilespmem:s31+$0x160]  }
0x190: {  	v16 =	vld [tilespmem:s31+$0x8160]  }
0x191: {  	v17 =	vld [tilespmem:s31+$0x170]  }
0x192: {  	v18 =	vld [tilespmem:s31+$0x8170]  }
0x193: {  	v19 =	vld [tilespmem:s31+$0x500]  }
0x194: {  	v20 =	vld [tilespmem:s31+$0x8500]  }
0x195: {  	v21 =	vld [tilespmem:s31+$0x510]  }
0x196: {  	v22 =	vld [tilespmem:s31+$0x8510]  }
0x197: {  	v23 =	vld [tilespmem:s31+$0x520]  }
0x198: {  	v24 =	vld [tilespmem:s31+$0x8520]  }
0x199: {  	v25 =	vld [tilespmem:s31+$0x530]  }
0x19a: {  	v26 =	vld [tilespmem:s31+$0x8530]  }
0x19b: {  	v27 =	vld [tilespmem:s31+$0x540]  }
0x19c: {  	v28 =	vld [tilespmem:s31+$0x8540]  }
0x19d: {  	v29 =	vld [tilespmem:s31+$0x550]  }
0x19e: {  	v30 =	vld [tilespmem:s31+$0x8550]  }
0x19f: {  	v31 =	vld [tilespmem:s31+$0x560]  }
0x1a0: {  	v32 =	vld [tilespmem:s31+$0x8560]  }
0x1a1: {  	v33 =	vld [tilespmem:s31+$0x570]  }
0x1a2: {  	v34 =	vld [tilespmem:s31+$0x8570]  }
0x1a3: {  	v35 =	vld [tilespmem:s31+$0x900]  }
0x1a4: {  	v36 =	vld [tilespmem:s31+$0x8900]  }
0x1a5: {  	v37 =	vld [tilespmem:s31+$0x910]  }
0x1a6: {  	v38 =	vld [tilespmem:s31+$0x8910]  }
0x1a7: {  	v39 =	vld [tilespmem:s31+$0x920]  }
0x1a8: {  	v40 =	vld [tilespmem:s31+$0x8920]  }
0x1a9: {  	v41 =	vld [tilespmem:s31+$0x930]  }
0x1aa: {  	v42 =	vld [tilespmem:s31+$0x8930]  }
0x1ab: {  	v43 =	vld [tilespmem:s31+$0x940]  }
0x1ac: {  	v44 =	vld [tilespmem:s31+$0x8940]  }
0x1ad: {  	v45 =	vld [tilespmem:s31+$0x950]  }
0x1ae: {  	v46 =	vld [tilespmem:s31+$0x8950]  }
0x1af: {  	v47 =	vld [tilespmem:s31+$0x960]  }
0x1b0: {  	v48 =	vld [tilespmem:s31+$0x8960]  }
0x1b1: {  	v49 =	vld [tilespmem:s31+$0x970]  }
0x1b2: {  	v50 =	vld [tilespmem:s31+$0x8970]  }
0x1b3: {  	v51 =	vld [tilespmem:s31+$0xD00]  }
0x1b4: {  	v52 =	vld [tilespmem:s31+$0x8D00]  }
0x1b5: {  	v53 =	vld [tilespmem:s31+$0xD10]  }
0x1b6: {  	v54 =	vld [tilespmem:s31+$0x8D10]  }
0x1b7: {  	v55 =	vld [tilespmem:s31+$0xD20]  }
0x1b8: {  	v56 =	vld [tilespmem:s31+$0x8D20]  }
0x1b9: {  	v57 =	vld [tilespmem:s31+$0xD30]  }
0x1ba: {  	v58 =	vld [tilespmem:s31+$0x8D30]  }
0x1bb: {  	v59 =	vld [tilespmem:s31+$0xD40]  }
0x1bc: {  	v60 =	vld [tilespmem:s31+$0x8D40]  }
0x1bd: {  	v61 =	vld [tilespmem:s31+$0xD50]  }
0x1be: {  	v62 =	vld [tilespmem:s31+$0x8D50]  }
0x1bf: {  	v63 =	vld [tilespmem:s31+$0xD60]  }
0x1c0: {  	v3 =	vadd.f32 v4, v3;
	v4 =	vld [tilespmem:s31+$0x8D60]  }
0x1c1: {  	v5 =	vadd.f32 v6, v5;
	v6 =	vld [tilespmem:s31+$0xD70]  }
0x1c2: {  	v14 =	vadd.f32 v14, v13;
	v13 =	vld [tilespmem:s31+$0x9120];
	[tilespmem:s31+$0x100] =	vst v3;
	v3 =	vadd.f32 v8, v7  }
0x1c3: {  	v18 =	vadd.f32 v18, v17;
	v17 =	vld [tilespmem:s31+$0x9140];
	[tilespmem:s31+$0x110] =	vst v5  }
0x1c4: {  	v22 =	vadd.f32 v22, v21;
	v21 =	vld [tilespmem:s31+$0x9160];
	[tilespmem:s31+$0x120] =	vst v3;
	v3 =	vadd.f32 v12, v11  }
0x1c5: {  	v7 =	vld [tilespmem:s31+$0x8D70];
	[tilespmem:s31+$0x150] =	vst v14  }
0x1c6: {  	v8 =	vld [tilespmem:s31+$0x1100];
	[tilespmem:s31+$0x140] =	vst v3;
	v3 =	vadd.f32 v16, v15  }
0x1c7: {  	v5 =	vadd.f32 v10, v9;
	v9 =	vld [tilespmem:s31+$0x9100];
	[tilespmem:s31+$0x170] =	vst v18  }
0x1c8: {  	v10 =	vld [tilespmem:s31+$0x1110];
	[tilespmem:s31+$0x160] =	vst v3;
	v3 =	vadd.f32 v20, v19  }
0x1c9: {  	v26 =	vadd.f32 v26, v25;
	v14 =	vld [tilespmem:s31+$0x1130];
	[tilespmem:s31+$0x510] =	vst v22  }
0x1ca: {  	v18 =	vld [tilespmem:s31+$0x1150];
	[tilespmem:s31+$0x500] =	vst v3;
	v3 =	vadd.f32 v24, v23  }
0x1cb: {  	v30 =	vadd.f32 v30, v29;
	[tilespmem:s31+$0x530] =	vst v26;
	v22 =	vld [tilespmem:s31+$0x1170]  }
0x1cc: {  	v19 =	vld [tilespmem:s31+$0x9150];
	[tilespmem:s31+$0x520] =	vst v3;
	v3 =	vadd.f32 v28, v27  }
0x1cd: {  	v34 =	vadd.f32 v34, v33;
	[tilespmem:s31+$0x550] =	vst v30;
	v11 =	vld [tilespmem:s31+$0x9110]  }
0x1ce: {  	v12 =	vld [tilespmem:s31+$0x1120];
	[tilespmem:s31+$0x540] =	vst v3;
	v3 =	vadd.f32 v32, v31  }
0x1cf: {  	[tilespmem:s31+$0x570] =	vst v34;
	v15 =	vld [tilespmem:s31+$0x9130]  }
0x1d0: {  	v16 =	vld [tilespmem:s31+$0x1140];
	[tilespmem:s31+$0x560] =	vst v3;
	v3 =	vadd.f32 v36, v35  }
0x1d1: {  	[tilespmem:s31+$0x130] =	vst v5;
	v20 =	vld [tilespmem:s31+$0x1160];
	v19 =	vadd.f32 v19, v18  }
0x1d2: {  	v24 =	vld [tilespmem:s31+$0x1500];
	[tilespmem:s31+$0x900] =	vst v3;
	v3 =	vadd.f32 v40, v39  }
0x1d3: {  	[tilespmem:s31+$0x1150] =	vst v19;
	v36 =	vadd.f32 v38, v37;
	v37 =	vld [tilespmem:s31+$0x9170]  }
0x1d4: {  	v38 =	vadd.f32 v42, v41;
	v41 =	vld [tilespmem:s31+$0x1510];
	[tilespmem:s31+$0x920] =	vst v3;
	v3 =	vadd.f32 v44, v43  }
0x1d5: {  	v42 =	vld [tilespmem:s31+$0x9510];
	[tilespmem:s31+$0x910] =	vst v36  }
0x1d6: {  	v35 =	vld [tilespmem:s31+$0x1910];
	[tilespmem:s31+$0x940] =	vst v3;
	v3 =	vadd.f32 v48, v47  }
0x1d7: {  	v39 =	vld [tilespmem:s31+$0x9500];
	[tilespmem:s31+$0x930] =	vst v38;
	v40 =	vadd.f32 v46, v45  }
0x1d8: {  	v45 =	vld [tilespmem:s31+$0x9520];
	[tilespmem:s31+$0x960] =	vst v3;
	v3 =	vadd.f32 v52, v51  }
0x1d9: {  	v46 =	vadd.f32 v54, v53;
	v53 =	vld [tilespmem:s31+$0x1550];
	[tilespmem:s31+$0x950] =	vst v40  }
0x1da: {  	v54 =	vld [tilespmem:s31+$0x9550];
	[tilespmem:s31+$0xD00] =	vst v3;
	v3 =	vadd.f32 v56, v55  }
0x1db: {  	v36 =	vld [tilespmem:s31+$0x9910];
	v43 =	vadd.f32 v50, v49;
	[tilespmem:s31+$0xD10] =	vst v46  }
0x1dc: {  	v38 =	vld [tilespmem:s31+$0x1920];
	[tilespmem:s31+$0xD20] =	vst v3;
	v3 =	vadd.f32 v60, v59  }
0x1dd: {  	v44 =	vld [tilespmem:s31+$0x1520];
	v49 =	vadd.f32 v58, v57;
	[tilespmem:s31+$0x970] =	vst v43  }
0x1de: {  	v50 =	vld [tilespmem:s31+$0x1540];
	[tilespmem:s31+$0xD40] =	vst v3;
	v3 =	vadd.f32 v4, v63  }
0x1df: {  	v57 =	vld [tilespmem:s31+$0x9560];
	v58 =	vadd.f32 v11, v10;
	[tilespmem:s31+$0xD30] =	vst v49  }
0x1e0: {  	v46 =	vld [tilespmem:s31+$0x9950];
	[tilespmem:s31+$0xD60] =	vst v3;
	v3 =	vadd.f32 v9, v8  }
0x1e1: {  	v37 =	vadd.f32 v37, v22;
	v40 =	vadd.f32 v42, v41;
	v41 =	vld [tilespmem:s31+$0x1930];
	[tilespmem:s31+$0x1110] =	vst v58  }
0x1e2: {  	v42 =	vld [tilespmem:s31+$0x9930];
	[tilespmem:s31+$0x1100] =	vst v3;
	v3 =	vadd.f32 v13, v12  }
0x1e3: {  	v47 =	vld [tilespmem:s31+$0x1530];
	[tilespmem:s31+$0x1170] =	vst v37  }
0x1e4: {  	v48 =	vld [tilespmem:s31+$0x9530];
	[tilespmem:s31+$0x1120] =	vst v3;
	v3 =	vadd.f32 v17, v16  }
0x1e5: {  	v49 =	vld [tilespmem:s31+$0x9960];
	[tilespmem:s31+$0x1510] =	vst v40;
	v52 =	vadd.f32 v62, v61  }
0x1e6: {  	v51 =	vld [tilespmem:s31+$0x9540];
	[tilespmem:s31+$0x1140] =	vst v3;
	v3 =	vadd.f32 v21, v20  }
0x1e7: {  	v61 =	vadd.f32 v15, v14;
	v62 =	vld [tilespmem:s31+$0x1900];
	[tilespmem:s31+$0xD50] =	vst v52  }
0x1e8: {  	v56 =	vld [tilespmem:s31+$0x1560];
	[tilespmem:s31+$0x1160] =	vst v3;
	v3 =	vadd.f32 v39, v24  }
0x1e9: {  	v55 =	vadd.f32 v7, v6;
	[tilespmem:s31+$0x1130] =	vst v61;
	v52 =	vld [tilespmem:s31+$0x9970]  }
0x1ea: {  	v43 =	vadd.f32 v48, v47;
	v47 =	vld [tilespmem:s31+$0x1960];
	[tilespmem:s31+$0x1500] =	vst v3;
	v3 =	vadd.f32 v45, v44  }
0x1eb: {  	[tilespmem:s31+$0xD70] =	vst v55;
	v63 =	vld [tilespmem:s31+$0x9900]  }
0x1ec: {  	v59 =	vld [tilespmem:s31+$0x1570];
	[tilespmem:s31+$0x1520] =	vst v3;
	v3 =	vadd.f32 v51, v50  }
0x1ed: {  	[tilespmem:s31+$0x1530] =	vst v43;
	v4 =	vadd.f32 v54, v53;
	v39 =	vld [tilespmem:s31+$0x9920]  }
0x1ee: {  	v60 =	vld [tilespmem:s31+$0x9570];
	[tilespmem:s31+$0x1540] =	vst v3;
	v3 =	vadd.f32 v57, v56  }
0x1ef: {  	v54 =	vadd.f32 v42, v41;
	[tilespmem:s31+$0x1550] =	vst v4;
	v45 =	vld [tilespmem:s31+$0x1950]  }
0x1f0: {  	v53 =	vld [tilespmem:s31+$0x9940];
	[tilespmem:s31+$0x1560] =	vst v3;
	v3 =	vadd.f32 v63, v62  }
0x1f1: {  	[tilespmem:s31+$0x1930] =	vst v54;
	v55 =	vadd.f32 v49, v47;
	v50 =	vld [tilespmem:s31+$0x1970]  }
0x1f2: {  	v44 =	vld [tilespmem:s31+$0x1940];
	[tilespmem:s31+$0x1900] =	vst v3;
	v3 =	vadd.f32 v39, v38  }
0x1f3: {  	v48 =	vadd.f32 v60, v59;
	[tilespmem:s31+$0x1960] =	vst v55  }
0x1f4: {  	[tilespmem:s31+$0x1920] =	vst v3;
	v3 =	vadd.f32 v46, v45  }
0x1f5: {  	s4 =	sand.u32 $0x7, s26;
	[tilespmem:s31+$0x1570] =	vst v48;
	v51 =	vadd.f32 v36, v35  }
0x1f6: {  	s0 =	sshll.u32 s4, $0x7;
	[tilespmem:s31+$0x1950] =	vst v3;
	v3 =	vadd.f32 v52, v50  }
0x1f7: {  	s0 =	sadd.s32 s0, s29;
	[tilespmem:s31+$0x1910] =	vst v51;
	v56 =	vadd.f32 v53, v44  }
0x1f8: {  	s4 =	sor.u32 $0x1C00, s0;
	[tilespmem:s31+$0x1970] =	vst v3  }
0x1f9: {  	[tilespmem:s31+$0x1940] =	vst v56;
	v3 =	vld [tilespmem:s4+$0x100]  }
0x1fa: {  	v4 =	vld [tilespmem:s4+$0x8100];
	_ =	sdelay $0x4  }
0x1fb: {  	v3 =	vadd.f32 v4, v3;
	_ =	sdelay $0x1  }
0x1fc: {  	s31 =	sor.u32 $0x1C10, s0;
	[tilespmem:s4+$0x100] =	vst v3  }
0x1fd: {  	v3 =	vld [tilespmem:s31+$0x100]  }
0x1fe: {  	v57 =	vld [tilespmem:s31+$0x8100];
	_ =	sdelay $0x4  }
0x1ff: {  	v3 =	vadd.f32 v57, v3;
	_ =	sdelay $0x1  }
0x200: {  	[tilespmem:s31+$0x100] =	vst v3;
	s31 =	sor.u32 $0x1C20, s0  }
0x201: {  	v3 =	vld [tilespmem:s31+$0x100]  }
0x202: {  	v58 =	vld [tilespmem:s31+$0x8100];
	_ =	sdelay $0x4  }
0x203: {  	v3 =	vadd.f32 v58, v3;
	_ =	sdelay $0x1  }
0x204: {  	[tilespmem:s31+$0x100] =	vst v3;
	s31 =	sor.u32 $0x1C30, s0  }
0x205: {  	v3 =	vld [tilespmem:s31+$0x100]  }
0x206: {  	v59 =	vld [tilespmem:s31+$0x8100];
	_ =	sdelay $0x4  }
0x207: {  	v3 =	vadd.f32 v59, v3;
	_ =	sdelay $0x1  }
0x208: {  	[tilespmem:s31+$0x100] =	vst v3;
	s31 =	sor.u32 $0x1C40, s0  }
0x209: {  	v3 =	vld [tilespmem:s31+$0x100]  }
0x20a: {  	v60 =	vld [tilespmem:s31+$0x8100];
	_ =	sdelay $0x4  }
0x20b: {  	v3 =	vadd.f32 v60, v3;
	_ =	sdelay $0x1  }
0x20c: {  	[tilespmem:s31+$0x100] =	vst v3;
	s31 =	sor.u32 $0x1C50, s0  }
0x20d: {  	v3 =	vld [tilespmem:s31+$0x100]  }
0x20e: {  	v61 =	vld [tilespmem:s31+$0x8100];
	_ =	sdelay $0x4  }
0x20f: {  	v3 =	vadd.f32 v61, v3;
	_ =	sdelay $0x1  }
0x210: {  	[tilespmem:s31+$0x100] =	vst v3;
	s31 =	sor.u32 $0x1C60, s0  }
0x211: {  	v3 =	vld [tilespmem:s31+$0x100]  }
0x212: {  	v62 =	vld [tilespmem:s31+$0x8100];
	_ =	sdelay $0x4  }
0x213: {  	v3 =	vadd.f32 v62, v3;
	_ =	sdelay $0x1  }
0x214: {  	s0 =	sor.u32 $0x1C70, s0;
	[tilespmem:s31+$0x100] =	vst v3  }
0x215: {  	v3 =	vld [tilespmem:s0+$0x100]  }
0x216: {  	v63 =	vld [tilespmem:s0+$0x8100];
	_ =	sdelay $0x1  }
0x217: {  	p0 =	sne.s32 s30, $0xF80  }
.Ltmp1:
0x218: {  	_ = 	snop;
	(pc) =	sbr.rel @p0 .LBB2_4-.Ltmp1, $4  }
0x219: {  	_ = 	snop  }
0x21a: {  	v3 =	vadd.f32 v63, v3  }
0x21b: {  	s28 =	sadd.s32 $0x400, s28  }
0x21c: {  	s30 =	sadd.s32 $0x80, s30;
	s26 =	sadd.s32 $0x1, s26;
	s29 =	sadd.s32 $0x400, s29;
	[tilespmem:s0+$0x100] =	vst v3  }
0x21d: {  	s0 =	rddreg [dreg:$0x8]  }
0x21e: {  	[hbm4b:s0+s2] =	stream.linear.scatter [tilespmem:s16], [sflag:$0x2], $0x8000, $0x38;
	[tilespmem:$0x10100] =	vst v63  }
0x21f: {  	_ =	swait.ge [sflag:s14], $0x8000  }
0x220: {  	s13 =	sadd.s32 $0x1, s13;
	s31 =	rddreg [dreg:$0x9]  }
0x221: {  	p0 =	sne.s32 s13, s31  }
.Ltmp2:
0x222: {  	_ = 	snop;
	(pc) =	sbr.rel @p0 .LBB2_1-.Ltmp2, $3  }
0x223: {  	_ =	sdelay $0x1  }
0x224: {  	[sflag:s14] =	ssyncset.done $0x0  }
0x225: {  	[sflag:s14] =	ssyncadd.s32 $0xFFFF8000  }
0x226: {  	_ =	sfence.sel $0x180000  }
0x227: {  	[bflag:$0x0] =	sbarrier.arrive $0xFFFF  }
0x228: {  	_ =	strace $0x9000004A  }
0x229: {  	s0 =	stileid.u32;
	[bflag:$0x2] =	sbarrier.arrive $0xFFFF  }
0x22a: {  	p0 =	sne.s32 s0, $0x0;
	s0 =	rddreg [dreg:$0x2]  }
0x22b: {  	s0 =	sadd.s32 @!p0 $0x100000, s0  }
0x22c: {  	[sflag:s0] =	ssyncadd.tile.s32 @!p0 $0x1;
	_ =	shalt  }
.Lfunc_end2:
_tile_overlayer_lowered:
.L_overlay_start_2:
0x22d: {  	(tag) =	ssettag $0x2  }
0x22e: {  	s0 =	rddreg [dreg:$0x0];
	s2 =	stileid.u32  }
0x22f: {  	s1 =	rddreg [dreg:$0x1];
	p0 =	sne.s32 s2, $0x0  }
0x230: {  	s3 =	rddreg [dreg:$0x2];
	[bflag:$0x3] =	sbarrier.arrive $0xFFFF;
	s2 =	simm.s32 @!p0 $0x1C02  }
0x231: {  	[timem:s3], [sflag:s2] =	dma.local @!p0 [hbm:s0], s1  }
0x232: {  	s0 =	simm.s32 @!p0 $0x2  }
0x233: {  	_ =	swait.ge @!p0 [sflag:s0], s1  }
0x234: {  	s1 =	ssub.s32 @!p0 $0x0, s1;
	[sflag:s0] =	ssyncset.done @!p0 $0x0  }
0x235: {  	[sflag:s0] =	ssyncadd.s32 @!p0 s1  }
0x236: {  	[bflag:$0x3] =	sbarrier.arrive $0xFFFF  }
0x237: {  	_ =	shalt  }

</sc_bundles>
